<compile_context>
chip_gen: v7x
topology: tpu7x:2x2x1
jax: 0.10.2.dev20260603
libtpu: 0.0.44.dev20260713+nightly
codegen_flags: <defaults>
</compile_context>

<pallas_src>
import functools

import jax
import jax.numpy as jnp
from jax import lax
from jax.experimental import pallas as pl
from jax.experimental.pallas import tpu as pltpu
from jax.experimental.pallas import tpu_sc as plsc

N = 10000
D = 128
T = 64
G = 64

ACCROWS = 10112
C = 128
NCHUNK = 80
NBUF = 2
NSTAGE = 2
NW = 32
EP = NW * NCHUNK * C
TROWS = ACCROWS // 16

_mesh = plsc.VectorSubcoreMesh(core_axis_name="c", subcore_axis_name="s")


def _make_agg(d):

    @functools.partial(
        pl.kernel,
        out_type=jax.ShapeDtypeStruct((2 * ACCROWS, d), jnp.float32),
        mesh=_mesh,
        scratch_types=[
            pltpu.VMEM((NCHUNK // NSTAGE, C), jnp.int32),
            pltpu.VMEM((NCHUNK // NSTAGE, C), jnp.int32),
            pltpu.VMEM_SHARED((ACCROWS, d), jnp.float32),
        ] + [pltpu.VMEM((C, d), jnp.float32) for _ in range(2)]
          + [pltpu.SemaphoreType.DMA] * 2,
    )
    def agg(table_hbm, ei_hbm, out_hbm, src_v, dst_v, acc, *rest):
        bufa, bufb, sga, sgb = rest
        cid = lax.axis_index("c")
        sid = lax.axis_index("s")
        wid = cid * 16 + sid
        stg = NCHUNK // NSTAGE

        @pl.loop(0, C)
        def _(r):
            @pl.loop(0, d, step=16)
            def _(cc):
                bufa[r, pl.ds(cc, 16)] = jnp.zeros((16,), jnp.float32)

        r0 = sid * TROWS
        nfull = TROWS // C
        for k in range(nfull):
            pltpu.sync_copy(bufa, acc.at[pl.ds(r0 + k * C, C)])
        rem = TROWS - nfull * C
        if rem:
            pltpu.sync_copy(bufa.at[pl.ds(0, rem)],
                            acc.at[pl.ds(r0 + nfull * C, rem)])

        plsc.subcore_barrier()

        def start_gather(j, buf, sem):
            pltpu.make_async_copy(table_hbm.at[src_v.at[j]], buf, sem).start()

        def wait_gather(j, buf, sem):
            pltpu.make_async_copy(table_hbm.at[src_v.at[j]], buf, sem).wait()

        def scatter_add(j, buf):
            pltpu.sync_copy(buf, acc.at[dst_v.at[j]], add=True)

        for p in range(NSTAGE):
            cb = wid * NCHUNK + p * stg
            pltpu.sync_copy(ei_hbm.at[0, pl.ds(cb, stg)], src_v)
            pltpu.sync_copy(ei_hbm.at[1, pl.ds(cb, stg)], dst_v)
            start_gather(0, bufa, sga)

            @pl.loop(0, stg, step=2)
            def _(j):
                wait_gather(j, bufa, sga)
                start_gather(j + 1, bufb, sgb)
                scatter_add(j, bufa)
                wait_gather(j + 1, bufb, sgb)

                @pl.when(j + 2 < stg)
                def _():
                    start_gather(j + 2, bufa, sga)

                scatter_add(j + 1, bufb)

        plsc.subcore_barrier()

        oo = pl.multiple_of(cid * ACCROWS + r0, 8)
        pltpu.sync_copy(acc.at[pl.ds(r0, TROWS)],
                        out_hbm.at[pl.ds(oo, TROWS)])

    return agg


@functools.partial(
    pl.kernel,
    out_type=jax.ShapeDtypeStruct((2 * ACCROWS, D), jnp.float32),
    mesh=_mesh,
    scratch_types=[
        pltpu.VMEM((NCHUNK, C), jnp.int32),
        pltpu.VMEM((C, D), jnp.float32),
        pltpu.VMEM_SHARED((ACCROWS, D), jnp.float32),
    ],
)
def _cnt_kernel(ei_hbm, out_hbm, dst_v, ones_v, acc):
    cid = lax.axis_index("c")
    sid = lax.axis_index("s")
    wid = cid * 16 + sid
    pltpu.sync_copy(ei_hbm.at[1, pl.ds(wid * NCHUNK, NCHUNK)], dst_v)

    @pl.loop(0, C)
    def _(r):
        @pl.loop(0, D, step=16)
        def _(cc):
            ones_v[r, pl.ds(cc, 16)] = jnp.zeros((16,), jnp.float32)

    r0 = sid * TROWS
    nfull = TROWS // C
    for k in range(nfull):
        pltpu.sync_copy(ones_v, acc.at[pl.ds(r0 + k * C, C)])
    rem = TROWS - nfull * C
    if rem:
        pltpu.sync_copy(ones_v.at[pl.ds(0, rem)],
                        acc.at[pl.ds(r0 + nfull * C, rem)])

    @pl.loop(0, C)
    def _(r):
        @pl.loop(0, D, step=16)
        def _(cc):
            ones_v[r, pl.ds(cc, 16)] = jnp.ones((16,), jnp.float32)

    plsc.subcore_barrier()

    @pl.loop(0, NCHUNK)
    def _(j):
        pltpu.sync_copy(ones_v, acc.at[dst_v.at[j]], add=True)

    plsc.subcore_barrier()
    oo = pl.multiple_of(cid * ACCROWS + r0, 8)
    pltpu.sync_copy(acc.at[pl.ds(r0, TROWS)], out_hbm.at[pl.ds(oo, TROWS)])


_agg128 = _make_agg(D)


def _psum(p_ref):
    return p_ref[0:N, :] + p_ref[ACCROWS:ACCROWS + N, :]


def _bn_relu(z, g, be):
    mu = jnp.mean(z, axis=0, keepdims=True)
    var = jnp.mean((z - mu) * (z - mu), axis=0, keepdims=True)
    return jnp.maximum((z - mu) / jnp.sqrt(var + 1e-5) * g + be, 0.0)


def _poolw(batch_ref):
    gi = lax.broadcasted_iota(jnp.int32, (G, N), 0)
    bm = (batch_ref[0:1, :] == gi).astype(jnp.float32)
    cg = jnp.sum(bm, axis=1, keepdims=True)
    pw = bm * jnp.where(cg > 0, 1.0 / jnp.maximum(cg, 1.0), 0.0)
    return pw, cg


def _pre_body(h_ref, w_ref, b_ref, o_ref):
    o_ref[...] = (jnp.dot(h_ref[...], w_ref[...],
                          preferred_element_type=jnp.float32) + b_ref[...])


def _post0_body(p_ref, cnt_ref, pre_ref, wl_ref, g_ref, be_ref, o_ref,
                inv_ref):
    cnt = cnt_ref[0:N, 0:1] + cnt_ref[ACCROWS:ACCROWS + N, 0:1]
    inv = 1.0 / jnp.maximum(cnt, 1.0)
    inv_ref[...] = inv
    z = (jnp.dot(_psum(p_ref) * inv, wl_ref[...],
                 preferred_element_type=jnp.float32) + pre_ref[...])
    o_ref[...] = _bn_relu(z, g_ref[...], be_ref[...])


def _post_body(p_ref, inv_ref, pre_ref, wl_ref, g_ref, be_ref, o_ref):
    z = (jnp.dot(_psum(p_ref) * inv_ref[...], wl_ref[...],
                 preferred_element_type=jnp.float32) + pre_ref[...])
    o_ref[...] = _bn_relu(z, g_ref[...], be_ref[...])


def _prefinal_body(h_ref, batch_ref, wro_ref, bo_ref, o_ref):
    pw, _ = _poolw(batch_ref)
    ph = jnp.dot(pw, h_ref[...], preferred_element_type=jnp.float32)
    o_ref[...] = (jnp.dot(ph, wro_ref[...],
                          preferred_element_type=jnp.float32) + bo_ref[...])


def _final_body(p_ref, inv_ref, batch_ref, wlo_ref, pf_ref, o_ref):
    s = _psum(p_ref) * inv_ref[...]
    pw, cg = _poolw(batch_ref)
    ps = jnp.dot(pw, s, preferred_element_type=jnp.float32)
    o = (jnp.dot(ps, wlo_ref[...], preferred_element_type=jnp.float32)
         + pf_ref[...])
    o_ref[...] = jnp.where(cg > 0, o, 0.0)


def _pre(h, w, b):
    return pl.pallas_call(
        _pre_body,
        out_shape=jax.ShapeDtypeStruct((N, D), jnp.float32),
    )(h, w, b.reshape(1, -1))


def _post0(p, cntp, pre, wl, g, be):
    return pl.pallas_call(
        _post0_body,
        out_shape=[jax.ShapeDtypeStruct((N, D), jnp.float32),
                   jax.ShapeDtypeStruct((N, 1), jnp.float32)],
    )(p, cntp, pre, wl, g.reshape(1, -1), be.reshape(1, -1))


def _post(p, invc, pre, wl, g, be):
    return pl.pallas_call(
        _post_body,
        out_shape=jax.ShapeDtypeStruct((N, D), jnp.float32),
    )(p, invc, pre, wl, g.reshape(1, -1), be.reshape(1, -1))


def _prefinal(h, batch2d, wro, bo):
    return pl.pallas_call(
        _prefinal_body,
        out_shape=jax.ShapeDtypeStruct((G, T), jnp.float32),
    )(h, batch2d, wro, bo.reshape(1, -1))


def _final(p, invc, batch2d, wlo, pf):
    return pl.pallas_call(
        _final_body,
        out_shape=jax.ShapeDtypeStruct((G, T), jnp.float32),
    )(p, invc, batch2d, wlo, pf)


def kernel(x, edge_index, batch, Wl0, Wr0, b0, g1, be1, Wl1, Wr1, b1, g2, be2,
           Wl2, Wr2, b2, g3, be3, Wlo, Wro, bo):
    e = edge_index.shape[1]
    nreal = e // C
    npadc = NW * NCHUNK - nreal
    pidx = jnp.arange(npadc * C, dtype=jnp.int32).reshape(npadc, C)
    padc = jnp.stack([pidx % N, N + pidx % (ACCROWS - N)])
    ei = jnp.concatenate([edge_index.reshape(2, nreal, C), padc], axis=1)
    batch2d = batch.reshape(1, N)

    cntp = _cnt_kernel(ei)
    pre0 = _pre(x, Wr0, b0)
    p0 = _agg128(x, ei)
    h1, invc = _post0(p0, cntp, pre0, Wl0, g1, be1)
    pre1 = _pre(h1, Wr1, b1)
    p1 = _agg128(h1, ei)
    h2 = _post(p1, invc, pre1, Wl1, g2, be2)
    pre2 = _pre(h2, Wr2, b2)
    p2 = _agg128(h2, ei)
    h3 = _post(p2, invc, pre2, Wl2, g3, be3)
    pf = _prefinal(h3, batch2d, Wro, bo)
    p3 = _agg128(h3, ei)
    return _final(p3, invc, batch2d, Wlo, pf)

# --- scband reference (transcript-rebuilt; emitter-appended) ---
"""Pipeline reference for scband-gcn-33346126086690 (READ-ONLY COPY).

The authoritative reference and input builder live on the scoring server;
editing this copy changes nothing except your own understanding.
"""

import jax, jax.numpy as jnp
import numpy as np

N = 10000
E = 320000
D = 128
EMB = 128
T = 64
G = 64


def setup_inputs(seed: int = 0):
    key = jax.random.key(seed)
    ks = jax.random.split(key, 24)
    s = 0.05
    inp = {}
    inp["x"] = jax.random.normal(ks[0], (N, D), dtype=jnp.float32)
    inp["edge_index"] = jax.random.randint(ks[1], (2, E), 0, N, dtype=jnp.int32)
    inp["batch"] = jnp.sort(jax.random.randint(ks[2], (N,), 0, G, dtype=jnp.int32))
    # SAGEConv ingc: dim_features -> embedding_dim
    inp["Wl0"] = jax.random.normal(ks[3], (D, EMB), dtype=jnp.float32) * s
    inp["Wr0"] = jax.random.normal(ks[4], (D, EMB), dtype=jnp.float32) * s
    inp["b0"] = jnp.zeros((EMB,), dtype=jnp.float32)
    inp["g1"] = jnp.ones((EMB,), dtype=jnp.float32)
    inp["be1"] = jnp.zeros((EMB,), dtype=jnp.float32)
    # mid layer 1
    inp["Wl1"] = jax.random.normal(ks[5], (EMB, EMB), dtype=jnp.float32) * s
    inp["Wr1"] = jax.random.normal(ks[6], (EMB, EMB), dtype=jnp.float32) * s
    inp["b1"] = jnp.zeros((EMB,), dtype=jnp.float32)
    inp["g2"] = jnp.ones((EMB,), dtype=jnp.float32)
    inp["be2"] = jnp.zeros((EMB,), dtype=jnp.float32)
    # mid layer 2
    inp["Wl2"] = jax.random.normal(ks[7], (EMB, EMB), dtype=jnp.float32) * s
    inp["Wr2"] = jax.random.normal(ks[8], (EMB, EMB), dtype=jnp.float32) * s
    inp["b2"] = jnp.zeros((EMB,), dtype=jnp.float32)
    inp["g3"] = jnp.ones((EMB,), dtype=jnp.float32)
    inp["be3"] = jnp.zeros((EMB,), dtype=jnp.float32)
    # outgc: embedding_dim -> dim_target
    inp["Wlo"] = jax.random.normal(ks[9], (EMB, T), dtype=jnp.float32) * s
    inp["Wro"] = jax.random.normal(ks[10], (EMB, T), dtype=jnp.float32) * s
    inp["bo"] = jnp.zeros((T,), dtype=jnp.float32)
    return inp


def _sage(x, src, dst, Wl, Wr, b):
    # PyG SAGEConv (aggr='mean', root_weight=True):
    # out_i = Wl @ mean_{j->i} x_j + Wr @ x_i + b
    msum = jax.ops.segment_sum(x[src], dst, num_segments=N)
    cnt = jax.ops.segment_sum(jnp.ones((src.shape[0],), jnp.float32), dst, num_segments=N)
    mean = jnp.where(cnt[:, None] > 0, msum / jnp.maximum(cnt, 1.0)[:, None], 0.0)
    return mean @ Wl + x @ Wr + b


def _bn(x, g, b):
    # BatchNorm1d in training mode: batch statistics over node axis
    mu = jnp.mean(x, axis=0)
    var = jnp.var(x, axis=0)
    return (x - mu) / jnp.sqrt(var + 1e-5) * g + b


def reference(x, edge_index, batch, Wl0, Wr0, b0, g1, be1, Wl1, Wr1, b1, g2, be2, Wl2, Wr2, b2, g3, be3, Wlo, Wro, bo):
    src = edge_index[0]
    dst = edge_index[1]
    h = jax.nn.relu(_bn(_sage(x, src, dst, Wl0, Wr0, b0), g1, be1))
    # dropout p=0.0 -> identity
    h = jax.nn.relu(_bn(_sage(h, src, dst, Wl1, Wr1, b1), g2, be2))
    h = jax.nn.relu(_bn(_sage(h, src, dst, Wl2, Wr2, b2), g3, be3))
    h = _sage(h, src, dst, Wlo, Wro, bo)
    # global_mean_pool over graph ids
    ssum = jax.ops.segment_sum(h, batch, num_segments=G)
    cnt = jax.ops.segment_sum(jnp.ones((N,), jnp.float32), batch, num_segments=G)
    return jnp.where(cnt[:, None] > 0, ssum / jnp.maximum(cnt, 1.0)[:, None], 0.0)

if __name__ == "__main__":
    import jax
    _d = setup_inputs()
    print(jax.jit(kernel)(*tuple(_d.values())))

</pallas_src>

<mosaic_0001>
#map = affine_map<(d0, d1) -> (0, 0, 0)>
#map1 = affine_map<(d0, d1) -> (0, 0)>
module attributes {stable_mosaic.version = 14 : i64} {
  func.func @_cnt_kernel(%arg0: i32, %arg1: i32, %arg2: memref<2x2560x128xi32, #tpu.memory_space<hbm>>, %arg3: memref<20224x128xf32, #tpu.memory_space<hbm>>, %arg4: memref<80x128xi32, #tpu.memory_space<vmem>>, %arg5: memref<128x128xf32, #tpu.memory_space<vmem>>, %arg6: memref<10112x128xf32, #tpu.memory_space<vmem_shared>>) attributes {dimension_semantics = [#tpu.dimension_semantics<core_parallel>, #tpu.dimension_semantics<subcore_parallel>], iteration_bounds = array<i64: 2, 16>, scalar_prefetch = 0 : i64, scratch_operands = 3 : i64, tpu.core_type = #tpu.core_type<sc_vector_subcore>, window_params = [{transform_indices = #map}, {transform_indices = #map1}]} {
    %mul3A = arith.constant 16 : i32
    %mul3A_0 = arith.muli %arg0, %mul3A : i32
    %add3A = arith.addi %mul3A_0, %arg1 : i32
    %mul3A_1 = arith.constant 80 : i32
    %mul3A_2 = arith.muli %add3A, %mul3A_1 : i32
    %run_scoped3A = arith.constant 1 : i32
    "tpu.region"() ({
      %run_scoped3A_33 = tpu.sem_alloc : memref<!tpu.dma_semaphore, #tpu.memory_space<semaphore_mem>>
      %dma_start3A = arith.constant 0 : i32
      %dma_start3A_34 = tpu.memref_slice %arg2[%run_scoped3A, %mul3A_2, %dma_start3A] : memref<2x2560x128xi32, #tpu.memory_space<hbm>> -> memref<1x80x128xi32, #tpu.memory_space<hbm>>
      %dma_start3A_35 = tpu.memref_squeeze %dma_start3A_34 : memref<1x80x128xi32, #tpu.memory_space<hbm>> -> memref<80x128xi32, #tpu.memory_space<hbm>>
      %dma_start3A_36 = arith.constant 0 : i32
      %dma_start3A_37 = tpu.memref_slice %arg2[%run_scoped3A, %mul3A_2, %dma_start3A_36] : memref<2x2560x128xi32, #tpu.memory_space<hbm>> -> memref<1x80x128xi32, #tpu.memory_space<hbm>>
      %dma_start3A_38 = tpu.memref_squeeze %dma_start3A_37 : memref<1x80x128xi32, #tpu.memory_space<hbm>> -> memref<80x128xi32, #tpu.memory_space<hbm>>
      tpu.enqueue_dma source(%dma_start3A_38 : memref<80x128xi32, #tpu.memory_space<hbm>>) target(%arg4 : memref<80x128xi32, #tpu.memory_space<vmem>>) target_semaphore(%run_scoped3A_33 : memref<!tpu.dma_semaphore, #tpu.memory_space<semaphore_mem>>)
      %dma_wait3A = arith.constant 0 : i32
      %dma_wait3A_39 = tpu.memref_slice %arg2[%run_scoped3A, %mul3A_2, %dma_wait3A] : memref<2x2560x128xi32, #tpu.memory_space<hbm>> -> memref<1x80x128xi32, #tpu.memory_space<hbm>>
      %dma_wait3A_40 = tpu.memref_squeeze %dma_wait3A_39 : memref<1x80x128xi32, #tpu.memory_space<hbm>> -> memref<80x128xi32, #tpu.memory_space<hbm>>
      %dma_wait3A_41 = arith.constant 0 : i32
      %dma_wait3A_42 = tpu.memref_slice %arg2[%run_scoped3A, %mul3A_2, %dma_wait3A_41] : memref<2x2560x128xi32, #tpu.memory_space<hbm>> -> memref<1x80x128xi32, #tpu.memory_space<hbm>>
      %dma_wait3A_43 = tpu.memref_squeeze %dma_wait3A_42 : memref<1x80x128xi32, #tpu.memory_space<hbm>> -> memref<80x128xi32, #tpu.memory_space<hbm>>
      tpu.wait_dma2 semaphore(%run_scoped3A_33 : memref<!tpu.dma_semaphore, #tpu.memory_space<semaphore_mem>>) src(%dma_wait3A_43 : memref<80x128xi32, #tpu.memory_space<hbm>>) dst(%arg4 : memref<80x128xi32, #tpu.memory_space<vmem>>)
      tpu.yield
    }) : () -> ()
    %scan3A = arith.constant 0 : i32
    %scan3A_3 = arith.constant 128 : i32
    %scan3A_4 = arith.addi %scan3A, %scan3A_3 : i32
    %scan3A_5 = arith.constant 1 : i32
    scf.for %scan3A_33 = %scan3A to %scan3A_4 step %scan3A_5  : i32 {
      %mul3A_34 = arith.constant 1 : i32
      %mul3A_35 = arith.muli %scan3A_33, %mul3A_34 : i32
      %add3A_36 = arith.constant 0 : i32
      %add3A_37 = arith.addi %add3A_36, %mul3A_35 : i32
      %scan3A_38 = arith.constant 0 : i32
      %scan3A_39 = arith.constant 8 : i32
      %scan3A_40 = arith.addi %scan3A_38, %scan3A_39 : i32
      %scan3A_41 = arith.constant 1 : i32
      scf.for %scan3A_43 = %scan3A_38 to %scan3A_40 step %scan3A_41  : i32 {
        %mul3A_44 = arith.constant 16 : i32
        %mul3A_45 = arith.muli %scan3A_43, %mul3A_44 : i32
        %add3A_46 = arith.constant 0 : i32
        %add3A_47 = arith.addi %add3A_46, %mul3A_45 : i32
        %broadcast_in_dim3A = arith.constant 0.000000e+00 : f32
        %broadcast_in_dim3A_48 = vector.broadcast %broadcast_in_dim3A : f32 to vector<16xf32>
        %swap3A = arith.index_cast %add3A_37 : i32 to index
        %swap3A_49 = arith.index_cast %add3A_47 : i32 to index
        %swap3A_50 = tpu.vector_load %arg5[%swap3A, %swap3A_49] {strides = array<i32>} : memref<128x128xf32, #tpu.memory_space<vmem>>, vector<1x16xf32>,
        %swap3A_51 = vector.shape_cast %swap3A_50 : vector<1x16xf32> to vector<16xf32>
        %swap3A_52 = vector.shape_cast %broadcast_in_dim3A_48 : vector<16xf32> to vector<1x16xf32>
        tpu.vector_store %arg5[%swap3A, %swap3A_49], %swap3A_52 {strides = array<i32>} : memref<128x128xf32, #tpu.memory_space<vmem>>, vector<1x16xf32>,
      }
      %scan3A_42 = arith.constant 8 : i32
    }
    %scan3A_6 = arith.constant 128 : i32
    %mul3A_7 = arith.constant 632 : i32
    %mul3A_8 = arith.muli %arg1, %mul3A_7 : i32
    %add3A_9 = arith.constant 0 : i32
    %add3A_10 = arith.addi %mul3A_8, %add3A_9 : i32
    "tpu.region"() ({
      %run_scoped3A_33 = tpu.sem_alloc : memref<!tpu.dma_semaphore, #tpu.memory_space<semaphore_mem>>
      %dma_start3A = arith.constant 0 : i32
      %dma_start3A_34 = tpu.memref_slice %arg6[%add3A_10, %dma_start3A] : memref<10112x128xf32, #tpu.memory_space<vmem_shared>> -> memref<128x128xf32, #tpu.memory_space<vmem_shared>>
      %dma_start3A_35 = arith.constant 0 : i32
      %dma_start3A_36 = tpu.memref_slice %arg6[%add3A_10, %dma_start3A_35] : memref<10112x128xf32, #tpu.memory_space<vmem_shared>> -> memref<128x128xf32, #tpu.memory_space<vmem_shared>>
      tpu.enqueue_dma source(%arg5 : memref<128x128xf32, #tpu.memory_space<vmem>>) target(%dma_start3A_36 : memref<128x128xf32, #tpu.memory_space<vmem_shared>>) target_semaphore(%run_scoped3A_33 : memref<!tpu.dma_semaphore, #tpu.memory_space<semaphore_mem>>)
      %dma_wait3A = arith.constant 0 : i32
      %dma_wait3A_37 = tpu.memref_slice %arg6[%add3A_10, %dma_wait3A] : memref<10112x128xf32, #tpu.memory_space<vmem_shared>> -> memref<128x128xf32, #tpu.memory_space<vmem_shared>>
      %dma_wait3A_38 = arith.constant 0 : i32
      %dma_wait3A_39 = tpu.memref_slice %arg6[%add3A_10, %dma_wait3A_38] : memref<10112x128xf32, #tpu.memory_space<vmem_shared>> -> memref<128x128xf32, #tpu.memory_space<vmem_shared>>
      tpu.wait_dma2 semaphore(%run_scoped3A_33 : memref<!tpu.dma_semaphore, #tpu.memory_space<semaphore_mem>>) src(%arg5 : memref<128x128xf32, #tpu.memory_space<vmem>>) dst(%dma_wait3A_39 : memref<128x128xf32, #tpu.memory_space<vmem_shared>>)
      tpu.yield
    }) : () -> ()
    %add3A_11 = arith.constant 128 : i32
    %add3A_12 = arith.addi %mul3A_8, %add3A_11 : i32
    "tpu.region"() ({
      %run_scoped3A_33 = tpu.sem_alloc : memref<!tpu.dma_semaphore, #tpu.memory_space<semaphore_mem>>
      %dma_start3A = arith.constant 0 : i32
      %dma_start3A_34 = tpu.memref_slice %arg6[%add3A_12, %dma_start3A] : memref<10112x128xf32, #tpu.memory_space<vmem_shared>> -> memref<128x128xf32, #tpu.memory_space<vmem_shared>>
      %dma_start3A_35 = arith.constant 0 : i32
      %dma_start3A_36 = tpu.memref_slice %arg6[%add3A_12, %dma_start3A_35] : memref<10112x128xf32, #tpu.memory_space<vmem_shared>> -> memref<128x128xf32, #tpu.memory_space<vmem_shared>>
      tpu.enqueue_dma source(%arg5 : memref<128x128xf32, #tpu.memory_space<vmem>>) target(%dma_start3A_36 : memref<128x128xf32, #tpu.memory_space<vmem_shared>>) target_semaphore(%run_scoped3A_33 : memref<!tpu.dma_semaphore, #tpu.memory_space<semaphore_mem>>)
      %dma_wait3A = arith.constant 0 : i32
      %dma_wait3A_37 = tpu.memref_slice %arg6[%add3A_12, %dma_wait3A] : memref<10112x128xf32, #tpu.memory_space<vmem_shared>> -> memref<128x128xf32, #tpu.memory_space<vmem_shared>>
      %dma_wait3A_38 = arith.constant 0 : i32
      %dma_wait3A_39 = tpu.memref_slice %arg6[%add3A_12, %dma_wait3A_38] : memref<10112x128xf32, #tpu.memory_space<vmem_shared>> -> memref<128x128xf32, #tpu.memory_space<vmem_shared>>
      tpu.wait_dma2 semaphore(%run_scoped3A_33 : memref<!tpu.dma_semaphore, #tpu.memory_space<semaphore_mem>>) src(%arg5 : memref<128x128xf32, #tpu.memory_space<vmem>>) dst(%dma_wait3A_39 : memref<128x128xf32, #tpu.memory_space<vmem_shared>>)
      tpu.yield
    }) : () -> ()
    %add3A_13 = arith.constant 256 : i32
    %add3A_14 = arith.addi %mul3A_8, %add3A_13 : i32
    "tpu.region"() ({
      %run_scoped3A_33 = tpu.sem_alloc : memref<!tpu.dma_semaphore, #tpu.memory_space<semaphore_mem>>
      %dma_start3A = arith.constant 0 : i32
      %dma_start3A_34 = tpu.memref_slice %arg6[%add3A_14, %dma_start3A] : memref<10112x128xf32, #tpu.memory_space<vmem_shared>> -> memref<128x128xf32, #tpu.memory_space<vmem_shared>>
      %dma_start3A_35 = arith.constant 0 : i32
      %dma_start3A_36 = tpu.memref_slice %arg6[%add3A_14, %dma_start3A_35] : memref<10112x128xf32, #tpu.memory_space<vmem_shared>> -> memref<128x128xf32, #tpu.memory_space<vmem_shared>>
      tpu.enqueue_dma source(%arg5 : memref<128x128xf32, #tpu.memory_space<vmem>>) target(%dma_start3A_36 : memref<128x128xf32, #tpu.memory_space<vmem_shared>>) target_semaphore(%run_scoped3A_33 : memref<!tpu.dma_semaphore, #tpu.memory_space<semaphore_mem>>)
      %dma_wait3A = arith.constant 0 : i32
      %dma_wait3A_37 = tpu.memref_slice %arg6[%add3A_14, %dma_wait3A] : memref<10112x128xf32, #tpu.memory_space<vmem_shared>> -> memref<128x128xf32, #tpu.memory_space<vmem_shared>>
      %dma_wait3A_38 = arith.constant 0 : i32
      %dma_wait3A_39 = tpu.memref_slice %arg6[%add3A_14, %dma_wait3A_38] : memref<10112x128xf32, #tpu.memory_space<vmem_shared>> -> memref<128x128xf32, #tpu.memory_space<vmem_shared>>
      tpu.wait_dma2 semaphore(%run_scoped3A_33 : memref<!tpu.dma_semaphore, #tpu.memory_space<semaphore_mem>>) src(%arg5 : memref<128x128xf32, #tpu.memory_space<vmem>>) dst(%dma_wait3A_39 : memref<128x128xf32, #tpu.memory_space<vmem_shared>>)
      tpu.yield
    }) : () -> ()
    %add3A_15 = arith.constant 384 : i32
    %add3A_16 = arith.addi %mul3A_8, %add3A_15 : i32
    "tpu.region"() ({
      %run_scoped3A_33 = tpu.sem_alloc : memref<!tpu.dma_semaphore, #tpu.memory_space<semaphore_mem>>
      %dma_start3A = arith.constant 0 : i32
      %dma_start3A_34 = tpu.memref_slice %arg6[%add3A_16, %dma_start3A] : memref<10112x128xf32, #tpu.memory_space<vmem_shared>> -> memref<128x128xf32, #tpu.memory_space<vmem_shared>>
      %dma_start3A_35 = arith.constant 0 : i32
      %dma_start3A_36 = tpu.memref_slice %arg6[%add3A_16, %dma_start3A_35] : memref<10112x128xf32, #tpu.memory_space<vmem_shared>> -> memref<128x128xf32, #tpu.memory_space<vmem_shared>>
      tpu.enqueue_dma source(%arg5 : memref<128x128xf32, #tpu.memory_space<vmem>>) target(%dma_start3A_36 : memref<128x128xf32, #tpu.memory_space<vmem_shared>>) target_semaphore(%run_scoped3A_33 : memref<!tpu.dma_semaphore, #tpu.memory_space<semaphore_mem>>)
      %dma_wait3A = arith.constant 0 : i32
      %dma_wait3A_37 = tpu.memref_slice %arg6[%add3A_16, %dma_wait3A] : memref<10112x128xf32, #tpu.memory_space<vmem_shared>> -> memref<128x128xf32, #tpu.memory_space<vmem_shared>>
      %dma_wait3A_38 = arith.constant 0 : i32
      %dma_wait3A_39 = tpu.memref_slice %arg6[%add3A_16, %dma_wait3A_38] : memref<10112x128xf32, #tpu.memory_space<vmem_shared>> -> memref<128x128xf32, #tpu.memory_space<vmem_shared>>
      tpu.wait_dma2 semaphore(%run_scoped3A_33 : memref<!tpu.dma_semaphore, #tpu.memory_space<semaphore_mem>>) src(%arg5 : memref<128x128xf32, #tpu.memory_space<vmem>>) dst(%dma_wait3A_39 : memref<128x128xf32, #tpu.memory_space<vmem_shared>>)
      tpu.yield
    }) : () -> ()
    %add3A_17 = arith.constant 512 : i32
    %add3A_18 = arith.addi %mul3A_8, %add3A_17 : i32
    "tpu.region"() ({
      %run_scoped3A_33 = tpu.sem_alloc : memref<!tpu.dma_semaphore, #tpu.memory_space<semaphore_mem>>
      %dma_start3A = arith.constant 0 : i32
      %dma_start3A_34 = arith.constant 0 : i32
      %dma_start3A_35 = tpu.memref_slice %arg5[%dma_start3A, %dma_start3A_34] : memref<128x128xf32, #tpu.memory_space<vmem>> -> memref<120x128xf32, #tpu.memory_space<vmem>>
      %dma_start3A_36 = arith.constant 0 : i32
      %dma_start3A_37 = tpu.memref_slice %arg6[%add3A_18, %dma_start3A_36] : memref<10112x128xf32, #tpu.memory_space<vmem_shared>> -> memref<120x128xf32, #tpu.memory_space<vmem_shared>>
      %dma_start3A_38 = arith.constant 0 : i32
      %dma_start3A_39 = tpu.memref_slice %arg6[%add3A_18, %dma_start3A_38] : memref<10112x128xf32, #tpu.memory_space<vmem_shared>> -> memref<120x128xf32, #tpu.memory_space<vmem_shared>>
      %dma_start3A_40 = arith.constant 0 : i32
      %dma_start3A_41 = arith.constant 0 : i32
      %dma_start3A_42 = tpu.memref_slice %arg5[%dma_start3A_40, %dma_start3A_41] : memref<128x128xf32, #tpu.memory_space<vmem>> -> memref<120x128xf32, #tpu.memory_space<vmem>>
      tpu.enqueue_dma source(%dma_start3A_42 : memref<120x128xf32, #tpu.memory_space<vmem>>) target(%dma_start3A_39 : memref<120x128xf32, #tpu.memory_space<vmem_shared>>) target_semaphore(%run_scoped3A_33 : memref<!tpu.dma_semaphore, #tpu.memory_space<semaphore_mem>>)
      %dma_wait3A = arith.constant 0 : i32
      %dma_wait3A_43 = arith.constant 0 : i32
      %dma_wait3A_44 = tpu.memref_slice %arg5[%dma_wait3A, %dma_wait3A_43] : memref<128x128xf32, #tpu.memory_space<vmem>> -> memref<120x128xf32, #tpu.memory_space<vmem>>
      %dma_wait3A_45 = arith.constant 0 : i32
      %dma_wait3A_46 = tpu.memref_slice %arg6[%add3A_18, %dma_wait3A_45] : memref<10112x128xf32, #tpu.memory_space<vmem_shared>> -> memref<120x128xf32, #tpu.memory_space<vmem_shared>>
      %dma_wait3A_47 = arith.constant 0 : i32
      %dma_wait3A_48 = tpu.memref_slice %arg6[%add3A_18, %dma_wait3A_47] : memref<10112x128xf32, #tpu.memory_space<vmem_shared>> -> memref<120x128xf32, #tpu.memory_space<vmem_shared>>
      %dma_wait3A_49 = arith.constant 0 : i32
      %dma_wait3A_50 = arith.constant 0 : i32
      %dma_wait3A_51 = tpu.memref_slice %arg5[%dma_wait3A_49, %dma_wait3A_50] : memref<128x128xf32, #tpu.memory_space<vmem>> -> memref<120x128xf32, #tpu.memory_space<vmem>>
      tpu.wait_dma2 semaphore(%run_scoped3A_33 : memref<!tpu.dma_semaphore, #tpu.memory_space<semaphore_mem>>) src(%dma_wait3A_51 : memref<120x128xf32, #tpu.memory_space<vmem>>) dst(%dma_wait3A_48 : memref<120x128xf32, #tpu.memory_space<vmem_shared>>)
      tpu.yield
    }) : () -> ()
    %scan3A_19 = arith.constant 0 : i32
    %scan3A_20 = arith.constant 128 : i32
    %scan3A_21 = arith.addi %scan3A_19, %scan3A_20 : i32
    %scan3A_22 = arith.constant 1 : i32
    scf.for %scan3A_33 = %scan3A_19 to %scan3A_21 step %scan3A_22  : i32 {
      %mul3A_34 = arith.constant 1 : i32
      %mul3A_35 = arith.muli %scan3A_33, %mul3A_34 : i32
      %add3A_36 = arith.constant 0 : i32
      %add3A_37 = arith.addi %add3A_36, %mul3A_35 : i32
      %scan3A_38 = arith.constant 0 : i32
      %scan3A_39 = arith.constant 8 : i32
      %scan3A_40 = arith.addi %scan3A_38, %scan3A_39 : i32
      %scan3A_41 = arith.constant 1 : i32
      scf.for %scan3A_43 = %scan3A_38 to %scan3A_40 step %scan3A_41  : i32 {
        %mul3A_44 = arith.constant 16 : i32
        %mul3A_45 = arith.muli %scan3A_43, %mul3A_44 : i32
        %add3A_46 = arith.constant 0 : i32
        %add3A_47 = arith.addi %add3A_46, %mul3A_45 : i32
        %broadcast_in_dim3A = arith.constant 1.000000e+00 : f32
        %broadcast_in_dim3A_48 = vector.broadcast %broadcast_in_dim3A : f32 to vector<16xf32>
        %swap3A = arith.index_cast %add3A_37 : i32 to index
        %swap3A_49 = arith.index_cast %add3A_47 : i32 to index
        %swap3A_50 = tpu.vector_load %arg5[%swap3A, %swap3A_49] {strides = array<i32>} : memref<128x128xf32, #tpu.memory_space<vmem>>, vector<1x16xf32>,
        %swap3A_51 = vector.shape_cast %swap3A_50 : vector<1x16xf32> to vector<16xf32>
        %swap3A_52 = vector.shape_cast %broadcast_in_dim3A_48 : vector<16xf32> to vector<1x16xf32>
        tpu.vector_store %arg5[%swap3A, %swap3A_49], %swap3A_52 {strides = array<i32>} : memref<128x128xf32, #tpu.memory_space<vmem>>, vector<1x16xf32>,
      }
      %scan3A_42 = arith.constant 8 : i32
    }
    %scan3A_23 = arith.constant 128 : i32
    %barrier3A = arith.constant 0 : index
    tpu.barrier barrier_id(%barrier3A)
    %scan3A_24 = arith.constant 0 : i32
    %scan3A_25 = arith.constant 80 : i32
    %scan3A_26 = arith.addi %scan3A_24, %scan3A_25 : i32
    %scan3A_27 = arith.constant 1 : i32
    scf.for %scan3A_33 = %scan3A_24 to %scan3A_26 step %scan3A_27  : i32 {
      %mul3A_34 = arith.constant 1 : i32
      %mul3A_35 = arith.muli %scan3A_33, %mul3A_34 : i32
      %add3A_36 = arith.constant 0 : i32
      %add3A_37 = arith.addi %add3A_36, %mul3A_35 : i32
      "tpu.region"() ({
        %run_scoped3A_38 = tpu.sem_alloc : memref<!tpu.dma_semaphore, #tpu.memory_space<semaphore_mem>>
        %dma_start3A = arith.constant 0 : i32
        %dma_start3A_39 = tpu.memref_slice %arg4[%add3A_37, %dma_start3A] : memref<80x128xi32, #tpu.memory_space<vmem>> -> memref<1x128xi32, #tpu.memory_space<vmem>>
        %dma_start3A_40 = tpu.memref_squeeze %dma_start3A_39 : memref<1x128xi32, #tpu.memory_space<vmem>> -> memref<128xi32, #tpu.memory_space<vmem>>
        %dma_start3A_41 = arith.constant 0 : i32
        %dma_start3A_42 = arith.constant 0 : i32
        %dma_start3A_43 = tpu.memref_slice %arg6[%dma_start3A_41, %dma_start3A_42] : memref<10112x128xf32, #tpu.memory_space<vmem_shared>> -> memref<10112x128xf32, #tpu.memory_space<vmem_shared>>
        tpu.enqueue_indirect_dma source(%arg5 : memref<128x128xf32, #tpu.memory_space<vmem>>) target(%dma_start3A_43 : memref<10112x128xf32, #tpu.memory_space<vmem_shared>>) offsets(%dma_start3A_40 : memref<128xi32, #tpu.memory_space<vmem>>) semaphore(%run_scoped3A_38 : memref<!tpu.dma_semaphore, #tpu.memory_space<semaphore_mem>>) {add = true}
        %dma_wait3A = arith.constant 0 : i32
        %dma_wait3A_44 = tpu.memref_slice %arg4[%add3A_37, %dma_wait3A] : memref<80x128xi32, #tpu.memory_space<vmem>> -> memref<1x128xi32, #tpu.memory_space<vmem>>
        %dma_wait3A_45 = tpu.memref_squeeze %dma_wait3A_44 : memref<1x128xi32, #tpu.memory_space<vmem>> -> memref<128xi32, #tpu.memory_space<vmem>>
        %dma_wait3A_46 = arith.constant 0 : i32
        %dma_wait3A_47 = arith.constant 0 : i32
        %dma_wait3A_48 = tpu.memref_slice %arg6[%dma_wait3A_46, %dma_wait3A_47] : memref<10112x128xf32, #tpu.memory_space<vmem_shared>> -> memref<10112x128xf32, #tpu.memory_space<vmem_shared>>
        tpu.wait_indirect_dma semaphore(%run_scoped3A_38 : memref<!tpu.dma_semaphore, #tpu.memory_space<semaphore_mem>>) src(%arg5 : memref<128x128xf32, #tpu.memory_space<vmem>>) dst(%dma_wait3A_48 : memref<10112x128xf32, #tpu.memory_space<vmem_shared>>)
        tpu.yield
      }) : () -> ()
    }
    %scan3A_28 = arith.constant 80 : i32
    %barrier3A_29 = arith.constant 0 : index
    tpu.barrier barrier_id(%barrier3A_29)
    %mul3A_30 = arith.constant 10112 : i32
    %mul3A_31 = arith.muli %arg0, %mul3A_30 : i32
    %add3A_32 = arith.addi %mul3A_31, %mul3A_8 : i32
    %multiple_of3A = tpu.assume_multiple %add3A_32, 8 : i32
    "tpu.region"() ({
      %run_scoped3A_33 = tpu.sem_alloc : memref<!tpu.dma_semaphore, #tpu.memory_space<semaphore_mem>>
      %dma_start3A = arith.constant 0 : i32
      %dma_start3A_34 = tpu.memref_slice %arg3[%multiple_of3A, %dma_start3A] : memref<20224x128xf32, #tpu.memory_space<hbm>> -> memref<632x128xf32, #tpu.memory_space<hbm>>
      %dma_start3A_35 = arith.constant 0 : i32
      %dma_start3A_36 = tpu.memref_slice %arg6[%mul3A_8, %dma_start3A_35] : memref<10112x128xf32, #tpu.memory_space<vmem_shared>> -> memref<632x128xf32, #tpu.memory_space<vmem_shared>>
      tpu.enqueue_dma source(%dma_start3A_36 : memref<632x128xf32, #tpu.memory_space<vmem_shared>>) target(%dma_start3A_34 : memref<632x128xf32, #tpu.memory_space<hbm>>) target_semaphore(%run_scoped3A_33 : memref<!tpu.dma_semaphore, #tpu.memory_space<semaphore_mem>>)
      %dma_wait3A = arith.constant 0 : i32
      %dma_wait3A_37 = tpu.memref_slice %arg3[%multiple_of3A, %dma_wait3A] : memref<20224x128xf32, #tpu.memory_space<hbm>> -> memref<632x128xf32, #tpu.memory_space<hbm>>
      %dma_wait3A_38 = arith.constant 0 : i32
      %dma_wait3A_39 = tpu.memref_slice %arg6[%mul3A_8, %dma_wait3A_38] : memref<10112x128xf32, #tpu.memory_space<vmem_shared>> -> memref<632x128xf32, #tpu.memory_space<vmem_shared>>
      tpu.wait_dma2 semaphore(%run_scoped3A_33 : memref<!tpu.dma_semaphore, #tpu.memory_space<semaphore_mem>>) src(%dma_wait3A_39 : memref<632x128xf32, #tpu.memory_space<vmem_shared>>) dst(%dma_wait3A_37 : memref<632x128xf32, #tpu.memory_space<hbm>>)
      tpu.yield
    }) : () -> ()
    return
  }
}

#map = affine_map<(d0, d1) -> (0, 0)>
#map1 = affine_map<(d0, d1) -> (0, 0, 0)>
module attributes {stable_mosaic.version = 14 : i64} {
  func.func @agg(%arg0: i32, %arg1: i32, %arg2: memref<10000x128xf32, #tpu.memory_space<hbm>>, %arg3: memref<2x2560x128xi32, #tpu.memory_space<hbm>>, %arg4: memref<20224x128xf32, #tpu.memory_space<hbm>>, %arg5: memref<40x128xi32, #tpu.memory_space<vmem>>, %arg6: memref<40x128xi32, #tpu.memory_space<vmem>>, %arg7: memref<10112x128xf32, #tpu.memory_space<vmem_shared>>, %arg8: memref<128x128xf32, #tpu.memory_space<vmem>>, %arg9: memref<128x128xf32, #tpu.memory_space<vmem>>, %arg10: memref<!tpu.dma_semaphore, #tpu.memory_space<semaphore_mem>>, %arg11: memref<!tpu.dma_semaphore, #tpu.memory_space<semaphore_mem>>) attributes {dimension_semantics = [#tpu.dimension_semantics<core_parallel>, #tpu.dimension_semantics<subcore_parallel>], iteration_bounds = array<i64: 2, 16>, scalar_prefetch = 0 : i64, scratch_operands = 7 : i64, tpu.core_type = #tpu.core_type<sc_vector_subcore>, window_params = [{transform_indices = #map}, {transform_indices = #map1}, {transform_indices = #map}]} {
    %mul3A = arith.constant 16 : i32
    %mul3A_0 = arith.muli %arg0, %mul3A : i32
    %add3A = arith.addi %mul3A_0, %arg1 : i32
    %scan3A = arith.constant 0 : i32
    %scan3A_1 = arith.constant 128 : i32
    %scan3A_2 = arith.addi %scan3A, %scan3A_1 : i32
    %scan3A_3 = arith.constant 1 : i32
    scf.for %scan3A_55 = %scan3A to %scan3A_2 step %scan3A_3  : i32 {
      %mul3A_56 = arith.constant 1 : i32
      %mul3A_57 = arith.muli %scan3A_55, %mul3A_56 : i32
      %add3A_58 = arith.constant 0 : i32
      %add3A_59 = arith.addi %add3A_58, %mul3A_57 : i32
      %scan3A_60 = arith.constant 0 : i32
      %scan3A_61 = arith.constant 8 : i32
      %scan3A_62 = arith.addi %scan3A_60, %scan3A_61 : i32
      %scan3A_63 = arith.constant 1 : i32
      scf.for %scan3A_65 = %scan3A_60 to %scan3A_62 step %scan3A_63  : i32 {
        %mul3A_66 = arith.constant 16 : i32
        %mul3A_67 = arith.muli %scan3A_65, %mul3A_66 : i32
        %add3A_68 = arith.constant 0 : i32
        %add3A_69 = arith.addi %add3A_68, %mul3A_67 : i32
        %broadcast_in_dim3A = arith.constant 0.000000e+00 : f32
        %broadcast_in_dim3A_70 = vector.broadcast %broadcast_in_dim3A : f32 to vector<16xf32>
        %swap3A = arith.index_cast %add3A_59 : i32 to index
        %swap3A_71 = arith.index_cast %add3A_69 : i32 to index
        %swap3A_72 = tpu.vector_load %arg8[%swap3A, %swap3A_71] {strides = array<i32>} : memref<128x128xf32, #tpu.memory_space<vmem>>, vector<1x16xf32>,
        %swap3A_73 = vector.shape_cast %swap3A_72 : vector<1x16xf32> to vector<16xf32>
        %swap3A_74 = vector.shape_cast %broadcast_in_dim3A_70 : vector<16xf32> to vector<1x16xf32>
        tpu.vector_store %arg8[%swap3A, %swap3A_71], %swap3A_74 {strides = array<i32>} : memref<128x128xf32, #tpu.memory_space<vmem>>, vector<1x16xf32>,
      }
      %scan3A_64 = arith.constant 8 : i32
    }
    %scan3A_4 = arith.constant 128 : i32
    %mul3A_5 = arith.constant 632 : i32
    %mul3A_6 = arith.muli %arg1, %mul3A_5 : i32
    %add3A_7 = arith.constant 0 : i32
    %add3A_8 = arith.addi %mul3A_6, %add3A_7 : i32
    "tpu.region"() ({
      %run_scoped3A_55 = tpu.sem_alloc : memref<!tpu.dma_semaphore, #tpu.memory_space<semaphore_mem>>
      %dma_start3A_56 = arith.constant 0 : i32
      %dma_start3A_57 = tpu.memref_slice %arg7[%add3A_8, %dma_start3A_56] : memref<10112x128xf32, #tpu.memory_space<vmem_shared>> -> memref<128x128xf32, #tpu.memory_space<vmem_shared>>
      %dma_start3A_58 = arith.constant 0 : i32
      %dma_start3A_59 = tpu.memref_slice %arg7[%add3A_8, %dma_start3A_58] : memref<10112x128xf32, #tpu.memory_space<vmem_shared>> -> memref<128x128xf32, #tpu.memory_space<vmem_shared>>
      tpu.enqueue_dma source(%arg8 : memref<128x128xf32, #tpu.memory_space<vmem>>) target(%dma_start3A_59 : memref<128x128xf32, #tpu.memory_space<vmem_shared>>) target_semaphore(%run_scoped3A_55 : memref<!tpu.dma_semaphore, #tpu.memory_space<semaphore_mem>>)
      %dma_wait3A = arith.constant 0 : i32
      %dma_wait3A_60 = tpu.memref_slice %arg7[%add3A_8, %dma_wait3A] : memref<10112x128xf32, #tpu.memory_space<vmem_shared>> -> memref<128x128xf32, #tpu.memory_space<vmem_shared>>
      %dma_wait3A_61 = arith.constant 0 : i32
      %dma_wait3A_62 = tpu.memref_slice %arg7[%add3A_8, %dma_wait3A_61] : memref<10112x128xf32, #tpu.memory_space<vmem_shared>> -> memref<128x128xf32, #tpu.memory_space<vmem_shared>>
      tpu.wait_dma2 semaphore(%run_scoped3A_55 : memref<!tpu.dma_semaphore, #tpu.memory_space<semaphore_mem>>) src(%arg8 : memref<128x128xf32, #tpu.memory_space<vmem>>) dst(%dma_wait3A_62 : memref<128x128xf32, #tpu.memory_space<vmem_shared>>)
      tpu.yield
    }) : () -> ()
    %add3A_9 = arith.constant 128 : i32
    %add3A_10 = arith.addi %mul3A_6, %add3A_9 : i32
    "tpu.region"() ({
      %run_scoped3A_55 = tpu.sem_alloc : memref<!tpu.dma_semaphore, #tpu.memory_space<semaphore_mem>>
      %dma_start3A_56 = arith.constant 0 : i32
      %dma_start3A_57 = tpu.memref_slice %arg7[%add3A_10, %dma_start3A_56] : memref<10112x128xf32, #tpu.memory_space<vmem_shared>> -> memref<128x128xf32, #tpu.memory_space<vmem_shared>>
      %dma_start3A_58 = arith.constant 0 : i32
      %dma_start3A_59 = tpu.memref_slice %arg7[%add3A_10, %dma_start3A_58] : memref<10112x128xf32, #tpu.memory_space<vmem_shared>> -> memref<128x128xf32, #tpu.memory_space<vmem_shared>>
      tpu.enqueue_dma source(%arg8 : memref<128x128xf32, #tpu.memory_space<vmem>>) target(%dma_start3A_59 : memref<128x128xf32, #tpu.memory_space<vmem_shared>>) target_semaphore(%run_scoped3A_55 : memref<!tpu.dma_semaphore, #tpu.memory_space<semaphore_mem>>)
      %dma_wait3A = arith.constant 0 : i32
      %dma_wait3A_60 = tpu.memref_slice %arg7[%add3A_10, %dma_wait3A] : memref<10112x128xf32, #tpu.memory_space<vmem_shared>> -> memref<128x128xf32, #tpu.memory_space<vmem_shared>>
      %dma_wait3A_61 = arith.constant 0 : i32
      %dma_wait3A_62 = tpu.memref_slice %arg7[%add3A_10, %dma_wait3A_61] : memref<10112x128xf32, #tpu.memory_space<vmem_shared>> -> memref<128x128xf32, #tpu.memory_space<vmem_shared>>
      tpu.wait_dma2 semaphore(%run_scoped3A_55 : memref<!tpu.dma_semaphore, #tpu.memory_space<semaphore_mem>>) src(%arg8 : memref<128x128xf32, #tpu.memory_space<vmem>>) dst(%dma_wait3A_62 : memref<128x128xf32, #tpu.memory_space<vmem_shared>>)
      tpu.yield
    }) : () -> ()
    %add3A_11 = arith.constant 256 : i32
    %add3A_12 = arith.addi %mul3A_6, %add3A_11 : i32
    "tpu.region"() ({
      %run_scoped3A_55 = tpu.sem_alloc : memref<!tpu.dma_semaphore, #tpu.memory_space<semaphore_mem>>
      %dma_start3A_56 = arith.constant 0 : i32
      %dma_start3A_57 = tpu.memref_slice %arg7[%add3A_12, %dma_start3A_56] : memref<10112x128xf32, #tpu.memory_space<vmem_shared>> -> memref<128x128xf32, #tpu.memory_space<vmem_shared>>
      %dma_start3A_58 = arith.constant 0 : i32
      %dma_start3A_59 = tpu.memref_slice %arg7[%add3A_12, %dma_start3A_58] : memref<10112x128xf32, #tpu.memory_space<vmem_shared>> -> memref<128x128xf32, #tpu.memory_space<vmem_shared>>
      tpu.enqueue_dma source(%arg8 : memref<128x128xf32, #tpu.memory_space<vmem>>) target(%dma_start3A_59 : memref<128x128xf32, #tpu.memory_space<vmem_shared>>) target_semaphore(%run_scoped3A_55 : memref<!tpu.dma_semaphore, #tpu.memory_space<semaphore_mem>>)
      %dma_wait3A = arith.constant 0 : i32
      %dma_wait3A_60 = tpu.memref_slice %arg7[%add3A_12, %dma_wait3A] : memref<10112x128xf32, #tpu.memory_space<vmem_shared>> -> memref<128x128xf32, #tpu.memory_space<vmem_shared>>
      %dma_wait3A_61 = arith.constant 0 : i32
      %dma_wait3A_62 = tpu.memref_slice %arg7[%add3A_12, %dma_wait3A_61] : memref<10112x128xf32, #tpu.memory_space<vmem_shared>> -> memref<128x128xf32, #tpu.memory_space<vmem_shared>>
      tpu.wait_dma2 semaphore(%run_scoped3A_55 : memref<!tpu.dma_semaphore, #tpu.memory_space<semaphore_mem>>) src(%arg8 : memref<128x128xf32, #tpu.memory_space<vmem>>) dst(%dma_wait3A_62 : memref<128x128xf32, #tpu.memory_space<vmem_shared>>)
      tpu.yield
    }) : () -> ()
    %add3A_13 = arith.constant 384 : i32
    %add3A_14 = arith.addi %mul3A_6, %add3A_13 : i32
    "tpu.region"() ({
      %run_scoped3A_55 = tpu.sem_alloc : memref<!tpu.dma_semaphore, #tpu.memory_space<semaphore_mem>>
      %dma_start3A_56 = arith.constant 0 : i32
      %dma_start3A_57 = tpu.memref_slice %arg7[%add3A_14, %dma_start3A_56] : memref<10112x128xf32, #tpu.memory_space<vmem_shared>> -> memref<128x128xf32, #tpu.memory_space<vmem_shared>>
      %dma_start3A_58 = arith.constant 0 : i32
      %dma_start3A_59 = tpu.memref_slice %arg7[%add3A_14, %dma_start3A_58] : memref<10112x128xf32, #tpu.memory_space<vmem_shared>> -> memref<128x128xf32, #tpu.memory_space<vmem_shared>>
      tpu.enqueue_dma source(%arg8 : memref<128x128xf32, #tpu.memory_space<vmem>>) target(%dma_start3A_59 : memref<128x128xf32, #tpu.memory_space<vmem_shared>>) target_semaphore(%run_scoped3A_55 : memref<!tpu.dma_semaphore, #tpu.memory_space<semaphore_mem>>)
      %dma_wait3A = arith.constant 0 : i32
      %dma_wait3A_60 = tpu.memref_slice %arg7[%add3A_14, %dma_wait3A] : memref<10112x128xf32, #tpu.memory_space<vmem_shared>> -> memref<128x128xf32, #tpu.memory_space<vmem_shared>>
      %dma_wait3A_61 = arith.constant 0 : i32
      %dma_wait3A_62 = tpu.memref_slice %arg7[%add3A_14, %dma_wait3A_61] : memref<10112x128xf32, #tpu.memory_space<vmem_shared>> -> memref<128x128xf32, #tpu.memory_space<vmem_shared>>
      tpu.wait_dma2 semaphore(%run_scoped3A_55 : memref<!tpu.dma_semaphore, #tpu.memory_space<semaphore_mem>>) src(%arg8 : memref<128x128xf32, #tpu.memory_space<vmem>>) dst(%dma_wait3A_62 : memref<128x128xf32, #tpu.memory_space<vmem_shared>>)
      tpu.yield
    }) : () -> ()
    %add3A_15 = arith.constant 512 : i32
    %add3A_16 = arith.addi %mul3A_6, %add3A_15 : i32
    "tpu.region"() ({
      %run_scoped3A_55 = tpu.sem_alloc : memref<!tpu.dma_semaphore, #tpu.memory_space<semaphore_mem>>
      %dma_start3A_56 = arith.constant 0 : i32
      %dma_start3A_57 = arith.constant 0 : i32
      %dma_start3A_58 = tpu.memref_slice %arg8[%dma_start3A_56, %dma_start3A_57] : memref<128x128xf32, #tpu.memory_space<vmem>> -> memref<120x128xf32, #tpu.memory_space<vmem>>
      %dma_start3A_59 = arith.constant 0 : i32
      %dma_start3A_60 = tpu.memref_slice %arg7[%add3A_16, %dma_start3A_59] : memref<10112x128xf32, #tpu.memory_space<vmem_shared>> -> memref<120x128xf32, #tpu.memory_space<vmem_shared>>
      %dma_start3A_61 = arith.constant 0 : i32
      %dma_start3A_62 = tpu.memref_slice %arg7[%add3A_16, %dma_start3A_61] : memref<10112x128xf32, #tpu.memory_space<vmem_shared>> -> memref<120x128xf32, #tpu.memory_space<vmem_shared>>
      %dma_start3A_63 = arith.constant 0 : i32
      %dma_start3A_64 = arith.constant 0 : i32
      %dma_start3A_65 = tpu.memref_slice %arg8[%dma_start3A_63, %dma_start3A_64] : memref<128x128xf32, #tpu.memory_space<vmem>> -> memref<120x128xf32, #tpu.memory_space<vmem>>
      tpu.enqueue_dma source(%dma_start3A_65 : memref<120x128xf32, #tpu.memory_space<vmem>>) target(%dma_start3A_62 : memref<120x128xf32, #tpu.memory_space<vmem_shared>>) target_semaphore(%run_scoped3A_55 : memref<!tpu.dma_semaphore, #tpu.memory_space<semaphore_mem>>)
      %dma_wait3A = arith.constant 0 : i32
      %dma_wait3A_66 = arith.constant 0 : i32
      %dma_wait3A_67 = tpu.memref_slice %arg8[%dma_wait3A, %dma_wait3A_66] : memref<128x128xf32, #tpu.memory_space<vmem>> -> memref<120x128xf32, #tpu.memory_space<vmem>>
      %dma_wait3A_68 = arith.constant 0 : i32
      %dma_wait3A_69 = tpu.memref_slice %arg7[%add3A_16, %dma_wait3A_68] : memref<10112x128xf32, #tpu.memory_space<vmem_shared>> -> memref<120x128xf32, #tpu.memory_space<vmem_shared>>
      %dma_wait3A_70 = arith.constant 0 : i32
      %dma_wait3A_71 = tpu.memref_slice %arg7[%add3A_16, %dma_wait3A_70] : memref<10112x128xf32, #tpu.memory_space<vmem_shared>> -> memref<120x128xf32, #tpu.memory_space<vmem_shared>>
      %dma_wait3A_72 = arith.constant 0 : i32
      %dma_wait3A_73 = arith.constant 0 : i32
      %dma_wait3A_74 = tpu.memref_slice %arg8[%dma_wait3A_72, %dma_wait3A_73] : memref<128x128xf32, #tpu.memory_space<vmem>> -> memref<120x128xf32, #tpu.memory_space<vmem>>
      tpu.wait_dma2 semaphore(%run_scoped3A_55 : memref<!tpu.dma_semaphore, #tpu.memory_space<semaphore_mem>>) src(%dma_wait3A_74 : memref<120x128xf32, #tpu.memory_space<vmem>>) dst(%dma_wait3A_71 : memref<120x128xf32, #tpu.memory_space<vmem_shared>>)
      tpu.yield
    }) : () -> ()
    %barrier3A = arith.constant 0 : index
    tpu.barrier barrier_id(%barrier3A)
    %mul3A_17 = arith.constant 80 : i32
    %mul3A_18 = arith.muli %add3A, %mul3A_17 : i32
    %add3A_19 = arith.constant 0 : i32
    %add3A_20 = arith.addi %mul3A_18, %add3A_19 : i32
    %run_scoped3A = arith.constant 0 : i32
    "tpu.region"() ({
      %run_scoped3A_55 = tpu.sem_alloc : memref<!tpu.dma_semaphore, #tpu.memory_space<semaphore_mem>>
      %dma_start3A_56 = arith.constant 0 : i32
      %dma_start3A_57 = tpu.memref_slice %arg3[%run_scoped3A, %add3A_20, %dma_start3A_56] : memref<2x2560x128xi32, #tpu.memory_space<hbm>> -> memref<1x40x128xi32, #tpu.memory_space<hbm>>
      %dma_start3A_58 = tpu.memref_squeeze %dma_start3A_57 : memref<1x40x128xi32, #tpu.memory_space<hbm>> -> memref<40x128xi32, #tpu.memory_space<hbm>>
      %dma_start3A_59 = arith.constant 0 : i32
      %dma_start3A_60 = tpu.memref_slice %arg3[%run_scoped3A, %add3A_20, %dma_start3A_59] : memref<2x2560x128xi32, #tpu.memory_space<hbm>> -> memref<1x40x128xi32, #tpu.memory_space<hbm>>
      %dma_start3A_61 = tpu.memref_squeeze %dma_start3A_60 : memref<1x40x128xi32, #tpu.memory_space<hbm>> -> memref<40x128xi32, #tpu.memory_space<hbm>>
      tpu.enqueue_dma source(%dma_start3A_61 : memref<40x128xi32, #tpu.memory_space<hbm>>) target(%arg5 : memref<40x128xi32, #tpu.memory_space<vmem>>) target_semaphore(%run_scoped3A_55 : memref<!tpu.dma_semaphore, #tpu.memory_space<semaphore_mem>>)
      %dma_wait3A = arith.constant 0 : i32
      %dma_wait3A_62 = tpu.memref_slice %arg3[%run_scoped3A, %add3A_20, %dma_wait3A] : memref<2x2560x128xi32, #tpu.memory_space<hbm>> -> memref<1x40x128xi32, #tpu.memory_space<hbm>>
      %dma_wait3A_63 = tpu.memref_squeeze %dma_wait3A_62 : memref<1x40x128xi32, #tpu.memory_space<hbm>> -> memref<40x128xi32, #tpu.memory_space<hbm>>
      %dma_wait3A_64 = arith.constant 0 : i32
      %dma_wait3A_65 = tpu.memref_slice %arg3[%run_scoped3A, %add3A_20, %dma_wait3A_64] : memref<2x2560x128xi32, #tpu.memory_space<hbm>> -> memref<1x40x128xi32, #tpu.memory_space<hbm>>
      %dma_wait3A_66 = tpu.memref_squeeze %dma_wait3A_65 : memref<1x40x128xi32, #tpu.memory_space<hbm>> -> memref<40x128xi32, #tpu.memory_space<hbm>>
      tpu.wait_dma2 semaphore(%run_scoped3A_55 : memref<!tpu.dma_semaphore, #tpu.memory_space<semaphore_mem>>) src(%dma_wait3A_66 : memref<40x128xi32, #tpu.memory_space<hbm>>) dst(%arg5 : memref<40x128xi32, #tpu.memory_space<vmem>>)
      tpu.yield
    }) : () -> ()
    %run_scoped3A_21 = arith.constant 1 : i32
    "tpu.region"() ({
      %run_scoped3A_55 = tpu.sem_alloc : memref<!tpu.dma_semaphore, #tpu.memory_space<semaphore_mem>>
      %dma_start3A_56 = arith.constant 0 : i32
      %dma_start3A_57 = tpu.memref_slice %arg3[%run_scoped3A_21, %add3A_20, %dma_start3A_56] : memref<2x2560x128xi32, #tpu.memory_space<hbm>> -> memref<1x40x128xi32, #tpu.memory_space<hbm>>
      %dma_start3A_58 = tpu.memref_squeeze %dma_start3A_57 : memref<1x40x128xi32, #tpu.memory_space<hbm>> -> memref<40x128xi32, #tpu.memory_space<hbm>>
      %dma_start3A_59 = arith.constant 0 : i32
      %dma_start3A_60 = tpu.memref_slice %arg3[%run_scoped3A_21, %add3A_20, %dma_start3A_59] : memref<2x2560x128xi32, #tpu.memory_space<hbm>> -> memref<1x40x128xi32, #tpu.memory_space<hbm>>
      %dma_start3A_61 = tpu.memref_squeeze %dma_start3A_60 : memref<1x40x128xi32, #tpu.memory_space<hbm>> -> memref<40x128xi32, #tpu.memory_space<hbm>>
      tpu.enqueue_dma source(%dma_start3A_61 : memref<40x128xi32, #tpu.memory_space<hbm>>) target(%arg6 : memref<40x128xi32, #tpu.memory_space<vmem>>) target_semaphore(%run_scoped3A_55 : memref<!tpu.dma_semaphore, #tpu.memory_space<semaphore_mem>>)
      %dma_wait3A = arith.constant 0 : i32
      %dma_wait3A_62 = tpu.memref_slice %arg3[%run_scoped3A_21, %add3A_20, %dma_wait3A] : memref<2x2560x128xi32, #tpu.memory_space<hbm>> -> memref<1x40x128xi32, #tpu.memory_space<hbm>>
      %dma_wait3A_63 = tpu.memref_squeeze %dma_wait3A_62 : memref<1x40x128xi32, #tpu.memory_space<hbm>> -> memref<40x128xi32, #tpu.memory_space<hbm>>
      %dma_wait3A_64 = arith.constant 0 : i32
      %dma_wait3A_65 = tpu.memref_slice %arg3[%run_scoped3A_21, %add3A_20, %dma_wait3A_64] : memref<2x2560x128xi32, #tpu.memory_space<hbm>> -> memref<1x40x128xi32, #tpu.memory_space<hbm>>
      %dma_wait3A_66 = tpu.memref_squeeze %dma_wait3A_65 : memref<1x40x128xi32, #tpu.memory_space<hbm>> -> memref<40x128xi32, #tpu.memory_space<hbm>>
      tpu.wait_dma2 semaphore(%run_scoped3A_55 : memref<!tpu.dma_semaphore, #tpu.memory_space<semaphore_mem>>) src(%dma_wait3A_66 : memref<40x128xi32, #tpu.memory_space<hbm>>) dst(%arg6 : memref<40x128xi32, #tpu.memory_space<vmem>>)
      tpu.yield
    }) : () -> ()
    %dma_start3A = arith.constant 0 : i32
    %dma_start3A_22 = arith.constant 0 : i32
    %dma_start3A_23 = tpu.memref_slice %arg5[%dma_start3A, %dma_start3A_22] : memref<40x128xi32, #tpu.memory_space<vmem>> -> memref<1x128xi32, #tpu.memory_space<vmem>>
    %dma_start3A_24 = tpu.memref_squeeze %dma_start3A_23 : memref<1x128xi32, #tpu.memory_space<vmem>> -> memref<128xi32, #tpu.memory_space<vmem>>
    %dma_start3A_25 = arith.constant 0 : i32
    %dma_start3A_26 = arith.constant 0 : i32
    %dma_start3A_27 = tpu.memref_slice %arg2[%dma_start3A_25, %dma_start3A_26] : memref<10000x128xf32, #tpu.memory_space<hbm>> -> memref<10000x128xf32, #tpu.memory_space<hbm>>
    tpu.enqueue_indirect_dma source(%dma_start3A_27 : memref<10000x128xf32, #tpu.memory_space<hbm>>) target(%arg8 : memref<128x128xf32, #tpu.memory_space<vmem>>) offsets(%dma_start3A_24 : memref<128xi32, #tpu.memory_space<vmem>>) semaphore(%arg10 : memref<!tpu.dma_semaphore, #tpu.memory_space<semaphore_mem>>)
    %scan3A_28 = arith.constant 0 : i32
    %scan3A_29 = arith.constant 20 : i32
    %scan3A_30 = arith.addi %scan3A_28, %scan3A_29 : i32
    %scan3A_31 = arith.constant 1 : i32
    scf.for %scan3A_55 = %scan3A_28 to %scan3A_30 step %scan3A_31  : i32 {
      %mul3A_56 = arith.constant 2 : i32
      %mul3A_57 = arith.muli %scan3A_55, %mul3A_56 : i32
      %add3A_58 = arith.constant 0 : i32
      %add3A_59 = arith.addi %add3A_58, %mul3A_57 : i32
      %dma_wait3A = arith.constant 0 : i32
      %dma_wait3A_60 = tpu.memref_slice %arg5[%add3A_59, %dma_wait3A] : memref<40x128xi32, #tpu.memory_space<vmem>> -> memref<1x128xi32, #tpu.memory_space<vmem>>
      %dma_wait3A_61 = tpu.memref_squeeze %dma_wait3A_60 : memref<1x128xi32, #tpu.memory_space<vmem>> -> memref<128xi32, #tpu.memory_space<vmem>>
      %dma_wait3A_62 = arith.constant 0 : i32
      %dma_wait3A_63 = arith.constant 0 : i32
      %dma_wait3A_64 = tpu.memref_slice %arg2[%dma_wait3A_62, %dma_wait3A_63] : memref<10000x128xf32, #tpu.memory_space<hbm>> -> memref<10000x128xf32, #tpu.memory_space<hbm>>
      tpu.wait_indirect_dma semaphore(%arg10 : memref<!tpu.dma_semaphore, #tpu.memory_space<semaphore_mem>>) src(%dma_wait3A_64 : memref<10000x128xf32, #tpu.memory_space<hbm>>) dst(%arg8 : memref<128x128xf32, #tpu.memory_space<vmem>>)
      %add3A_65 = arith.constant 1 : i32
      %add3A_66 = arith.addi %add3A_59, %add3A_65 : i32
      %dma_start3A_67 = arith.constant 0 : i32
      %dma_start3A_68 = tpu.memref_slice %arg5[%add3A_66, %dma_start3A_67] : memref<40x128xi32, #tpu.memory_space<vmem>> -> memref<1x128xi32, #tpu.memory_space<vmem>>
      %dma_start3A_69 = tpu.memref_squeeze %dma_start3A_68 : memref<1x128xi32, #tpu.memory_space<vmem>> -> memref<128xi32, #tpu.memory_space<vmem>>
      %dma_start3A_70 = arith.constant 0 : i32
      %dma_start3A_71 = arith.constant 0 : i32
      %dma_start3A_72 = tpu.memref_slice %arg2[%dma_start3A_70, %dma_start3A_71] : memref<10000x128xf32, #tpu.memory_space<hbm>> -> memref<10000x128xf32, #tpu.memory_space<hbm>>
      tpu.enqueue_indirect_dma source(%dma_start3A_72 : memref<10000x128xf32, #tpu.memory_space<hbm>>) target(%arg9 : memref<128x128xf32, #tpu.memory_space<vmem>>) offsets(%dma_start3A_69 : memref<128xi32, #tpu.memory_space<vmem>>) semaphore(%arg11 : memref<!tpu.dma_semaphore, #tpu.memory_space<semaphore_mem>>)
      "tpu.region"() ({
        %run_scoped3A_87 = tpu.sem_alloc : memref<!tpu.dma_semaphore, #tpu.memory_space<semaphore_mem>>
        %dma_start3A_88 = arith.constant 0 : i32
        %dma_start3A_89 = tpu.memref_slice %arg6[%add3A_59, %dma_start3A_88] : memref<40x128xi32, #tpu.memory_space<vmem>> -> memref<1x128xi32, #tpu.memory_space<vmem>>
        %dma_start3A_90 = tpu.memref_squeeze %dma_start3A_89 : memref<1x128xi32, #tpu.memory_space<vmem>> -> memref<128xi32, #tpu.memory_space<vmem>>
        %dma_start3A_91 = arith.constant 0 : i32
        %dma_start3A_92 = arith.constant 0 : i32
        %dma_start3A_93 = tpu.memref_slice %arg7[%dma_start3A_91, %dma_start3A_92] : memref<10112x128xf32, #tpu.memory_space<vmem_shared>> -> memref<10112x128xf32, #tpu.memory_space<vmem_shared>>
        tpu.enqueue_indirect_dma source(%arg8 : memref<128x128xf32, #tpu.memory_space<vmem>>) target(%dma_start3A_93 : memref<10112x128xf32, #tpu.memory_space<vmem_shared>>) offsets(%dma_start3A_90 : memref<128xi32, #tpu.memory_space<vmem>>) semaphore(%run_scoped3A_87 : memref<!tpu.dma_semaphore, #tpu.memory_space<semaphore_mem>>) {add = true}
        %dma_wait3A_94 = arith.constant 0 : i32
        %dma_wait3A_95 = tpu.memref_slice %arg6[%add3A_59, %dma_wait3A_94] : memref<40x128xi32, #tpu.memory_space<vmem>> -> memref<1x128xi32, #tpu.memory_space<vmem>>
        %dma_wait3A_96 = tpu.memref_squeeze %dma_wait3A_95 : memref<1x128xi32, #tpu.memory_space<vmem>> -> memref<128xi32, #tpu.memory_space<vmem>>
        %dma_wait3A_97 = arith.constant 0 : i32
        %dma_wait3A_98 = arith.constant 0 : i32
        %dma_wait3A_99 = tpu.memref_slice %arg7[%dma_wait3A_97, %dma_wait3A_98] : memref<10112x128xf32, #tpu.memory_space<vmem_shared>> -> memref<10112x128xf32, #tpu.memory_space<vmem_shared>>
        tpu.wait_indirect_dma semaphore(%run_scoped3A_87 : memref<!tpu.dma_semaphore, #tpu.memory_space<semaphore_mem>>) src(%arg8 : memref<128x128xf32, #tpu.memory_space<vmem>>) dst(%dma_wait3A_99 : memref<10112x128xf32, #tpu.memory_space<vmem_shared>>)
        tpu.yield
      }) : () -> ()
      %add3A_73 = arith.constant 1 : i32
      %add3A_74 = arith.addi %add3A_59, %add3A_73 : i32
      %dma_wait3A_75 = arith.constant 0 : i32
      %dma_wait3A_76 = tpu.memref_slice %arg5[%add3A_74, %dma_wait3A_75] : memref<40x128xi32, #tpu.memory_space<vmem>> -> memref<1x128xi32, #tpu.memory_space<vmem>>
      %dma_wait3A_77 = tpu.memref_squeeze %dma_wait3A_76 : memref<1x128xi32, #tpu.memory_space<vmem>> -> memref<128xi32, #tpu.memory_space<vmem>>
      %dma_wait3A_78 = arith.constant 0 : i32
      %dma_wait3A_79 = arith.constant 0 : i32
      %dma_wait3A_80 = tpu.memref_slice %arg2[%dma_wait3A_78, %dma_wait3A_79] : memref<10000x128xf32, #tpu.memory_space<hbm>> -> memref<10000x128xf32, #tpu.memory_space<hbm>>
      tpu.wait_indirect_dma semaphore(%arg11 : memref<!tpu.dma_semaphore, #tpu.memory_space<semaphore_mem>>) src(%dma_wait3A_80 : memref<10000x128xf32, #tpu.memory_space<hbm>>) dst(%arg9 : memref<128x128xf32, #tpu.memory_space<vmem>>)
      %add3A_81 = arith.constant 2 : i32
      %add3A_82 = arith.addi %add3A_59, %add3A_81 : i32
      %lt3A = arith.constant 40 : i32
      %lt3A_83 = arith.cmpi slt, %add3A_82, %lt3A : i32
      %convert_element_type3A = arith.extui %lt3A_83 : i1 to i32
      %cond3A = arith.constant 0 : i32
      %cond3A_84 = arith.cmpi ne, %convert_element_type3A, %cond3A : i32
      scf.if %cond3A_84 {
        %add3A_87 = arith.constant 2 : i32
        %add3A_88 = arith.addi %add3A_59, %add3A_87 : i32
        %dma_start3A_89 = arith.constant 0 : i32
        %dma_start3A_90 = tpu.memref_slice %arg5[%add3A_88, %dma_start3A_89] : memref<40x128xi32, #tpu.memory_space<vmem>> -> memref<1x128xi32, #tpu.memory_space<vmem>>
        %dma_start3A_91 = tpu.memref_squeeze %dma_start3A_90 : memref<1x128xi32, #tpu.memory_space<vmem>> -> memref<128xi32, #tpu.memory_space<vmem>>
        %dma_start3A_92 = arith.constant 0 : i32
        %dma_start3A_93 = arith.constant 0 : i32
        %dma_start3A_94 = tpu.memref_slice %arg2[%dma_start3A_92, %dma_start3A_93] : memref<10000x128xf32, #tpu.memory_space<hbm>> -> memref<10000x128xf32, #tpu.memory_space<hbm>>
        tpu.enqueue_indirect_dma source(%dma_start3A_94 : memref<10000x128xf32, #tpu.memory_space<hbm>>) target(%arg8 : memref<128x128xf32, #tpu.memory_space<vmem>>) offsets(%dma_start3A_91 : memref<128xi32, #tpu.memory_space<vmem>>) semaphore(%arg10 : memref<!tpu.dma_semaphore, #tpu.memory_space<semaphore_mem>>)
      } else {
      }
      %add3A_85 = arith.constant 1 : i32
      %add3A_86 = arith.addi %add3A_59, %add3A_85 : i32
      "tpu.region"() ({
        %run_scoped3A_87 = tpu.sem_alloc : memref<!tpu.dma_semaphore, #tpu.memory_space<semaphore_mem>>
        %dma_start3A_88 = arith.constant 0 : i32
        %dma_start3A_89 = tpu.memref_slice %arg6[%add3A_86, %dma_start3A_88] : memref<40x128xi32, #tpu.memory_space<vmem>> -> memref<1x128xi32, #tpu.memory_space<vmem>>
        %dma_start3A_90 = tpu.memref_squeeze %dma_start3A_89 : memref<1x128xi32, #tpu.memory_space<vmem>> -> memref<128xi32, #tpu.memory_space<vmem>>
        %dma_start3A_91 = arith.constant 0 : i32
        %dma_start3A_92 = arith.constant 0 : i32
        %dma_start3A_93 = tpu.memref_slice %arg7[%dma_start3A_91, %dma_start3A_92] : memref<10112x128xf32, #tpu.memory_space<vmem_shared>> -> memref<10112x128xf32, #tpu.memory_space<vmem_shared>>
        tpu.enqueue_indirect_dma source(%arg9 : memref<128x128xf32, #tpu.memory_space<vmem>>) target(%dma_start3A_93 : memref<10112x128xf32, #tpu.memory_space<vmem_shared>>) offsets(%dma_start3A_90 : memref<128xi32, #tpu.memory_space<vmem>>) semaphore(%run_scoped3A_87 : memref<!tpu.dma_semaphore, #tpu.memory_space<semaphore_mem>>) {add = true}
        %dma_wait3A_94 = arith.constant 0 : i32
        %dma_wait3A_95 = tpu.memref_slice %arg6[%add3A_86, %dma_wait3A_94] : memref<40x128xi32, #tpu.memory_space<vmem>> -> memref<1x128xi32, #tpu.memory_space<vmem>>
        %dma_wait3A_96 = tpu.memref_squeeze %dma_wait3A_95 : memref<1x128xi32, #tpu.memory_space<vmem>> -> memref<128xi32, #tpu.memory_space<vmem>>
        %dma_wait3A_97 = arith.constant 0 : i32
        %dma_wait3A_98 = arith.constant 0 : i32
        %dma_wait3A_99 = tpu.memref_slice %arg7[%dma_wait3A_97, %dma_wait3A_98] : memref<10112x128xf32, #tpu.memory_space<vmem_shared>> -> memref<10112x128xf32, #tpu.memory_space<vmem_shared>>
        tpu.wait_indirect_dma semaphore(%run_scoped3A_87 : memref<!tpu.dma_semaphore, #tpu.memory_space<semaphore_mem>>) src(%arg9 : memref<128x128xf32, #tpu.memory_space<vmem>>) dst(%dma_wait3A_99 : memref<10112x128xf32, #tpu.memory_space<vmem_shared>>)
        tpu.yield
      }) : () -> ()
    }
    %scan3A_32 = arith.constant 20 : i32
    %mul3A_33 = arith.constant 80 : i32
    %mul3A_34 = arith.muli %add3A, %mul3A_33 : i32
    %add3A_35 = arith.constant 40 : i32
    %add3A_36 = arith.addi %mul3A_34, %add3A_35 : i32
    %run_scoped3A_37 = arith.constant 0 : i32
    "tpu.region"() ({
      %run_scoped3A_55 = tpu.sem_alloc : memref<!tpu.dma_semaphore, #tpu.memory_space<semaphore_mem>>
      %dma_start3A_56 = arith.constant 0 : i32
      %dma_start3A_57 = tpu.memref_slice %arg3[%run_scoped3A_37, %add3A_36, %dma_start3A_56] : memref<2x2560x128xi32, #tpu.memory_space<hbm>> -> memref<1x40x128xi32, #tpu.memory_space<hbm>>
      %dma_start3A_58 = tpu.memref_squeeze %dma_start3A_57 : memref<1x40x128xi32, #tpu.memory_space<hbm>> -> memref<40x128xi32, #tpu.memory_space<hbm>>
      %dma_start3A_59 = arith.constant 0 : i32
      %dma_start3A_60 = tpu.memref_slice %arg3[%run_scoped3A_37, %add3A_36, %dma_start3A_59] : memref<2x2560x128xi32, #tpu.memory_space<hbm>> -> memref<1x40x128xi32, #tpu.memory_space<hbm>>
      %dma_start3A_61 = tpu.memref_squeeze %dma_start3A_60 : memref<1x40x128xi32, #tpu.memory_space<hbm>> -> memref<40x128xi32, #tpu.memory_space<hbm>>
      tpu.enqueue_dma source(%dma_start3A_61 : memref<40x128xi32, #tpu.memory_space<hbm>>) target(%arg5 : memref<40x128xi32, #tpu.memory_space<vmem>>) target_semaphore(%run_scoped3A_55 : memref<!tpu.dma_semaphore, #tpu.memory_space<semaphore_mem>>)
      %dma_wait3A = arith.constant 0 : i32
      %dma_wait3A_62 = tpu.memref_slice %arg3[%run_scoped3A_37, %add3A_36, %dma_wait3A] : memref<2x2560x128xi32, #tpu.memory_space<hbm>> -> memref<1x40x128xi32, #tpu.memory_space<hbm>>
      %dma_wait3A_63 = tpu.memref_squeeze %dma_wait3A_62 : memref<1x40x128xi32, #tpu.memory_space<hbm>> -> memref<40x128xi32, #tpu.memory_space<hbm>>
      %dma_wait3A_64 = arith.constant 0 : i32
      %dma_wait3A_65 = tpu.memref_slice %arg3[%run_scoped3A_37, %add3A_36, %dma_wait3A_64] : memref<2x2560x128xi32, #tpu.memory_space<hbm>> -> memref<1x40x128xi32, #tpu.memory_space<hbm>>
      %dma_wait3A_66 = tpu.memref_squeeze %dma_wait3A_65 : memref<1x40x128xi32, #tpu.memory_space<hbm>> -> memref<40x128xi32, #tpu.memory_space<hbm>>
      tpu.wait_dma2 semaphore(%run_scoped3A_55 : memref<!tpu.dma_semaphore, #tpu.memory_space<semaphore_mem>>) src(%dma_wait3A_66 : memref<40x128xi32, #tpu.memory_space<hbm>>) dst(%arg5 : memref<40x128xi32, #tpu.memory_space<vmem>>)
      tpu.yield
    }) : () -> ()
    %run_scoped3A_38 = arith.constant 1 : i32
    "tpu.region"() ({
      %run_scoped3A_55 = tpu.sem_alloc : memref<!tpu.dma_semaphore, #tpu.memory_space<semaphore_mem>>
      %dma_start3A_56 = arith.constant 0 : i32
      %dma_start3A_57 = tpu.memref_slice %arg3[%run_scoped3A_38, %add3A_36, %dma_start3A_56] : memref<2x2560x128xi32, #tpu.memory_space<hbm>> -> memref<1x40x128xi32, #tpu.memory_space<hbm>>
      %dma_start3A_58 = tpu.memref_squeeze %dma_start3A_57 : memref<1x40x128xi32, #tpu.memory_space<hbm>> -> memref<40x128xi32, #tpu.memory_space<hbm>>
      %dma_start3A_59 = arith.constant 0 : i32
      %dma_start3A_60 = tpu.memref_slice %arg3[%run_scoped3A_38, %add3A_36, %dma_start3A_59] : memref<2x2560x128xi32, #tpu.memory_space<hbm>> -> memref<1x40x128xi32, #tpu.memory_space<hbm>>
      %dma_start3A_61 = tpu.memref_squeeze %dma_start3A_60 : memref<1x40x128xi32, #tpu.memory_space<hbm>> -> memref<40x128xi32, #tpu.memory_space<hbm>>
      tpu.enqueue_dma source(%dma_start3A_61 : memref<40x128xi32, #tpu.memory_space<hbm>>) target(%arg6 : memref<40x128xi32, #tpu.memory_space<vmem>>) target_semaphore(%run_scoped3A_55 : memref<!tpu.dma_semaphore, #tpu.memory_space<semaphore_mem>>)
      %dma_wait3A = arith.constant 0 : i32
      %dma_wait3A_62 = tpu.memref_slice %arg3[%run_scoped3A_38, %add3A_36, %dma_wait3A] : memref<2x2560x128xi32, #tpu.memory_space<hbm>> -> memref<1x40x128xi32, #tpu.memory_space<hbm>>
      %dma_wait3A_63 = tpu.memref_squeeze %dma_wait3A_62 : memref<1x40x128xi32, #tpu.memory_space<hbm>> -> memref<40x128xi32, #tpu.memory_space<hbm>>
      %dma_wait3A_64 = arith.constant 0 : i32
      %dma_wait3A_65 = tpu.memref_slice %arg3[%run_scoped3A_38, %add3A_36, %dma_wait3A_64] : memref<2x2560x128xi32, #tpu.memory_space<hbm>> -> memref<1x40x128xi32, #tpu.memory_space<hbm>>
      %dma_wait3A_66 = tpu.memref_squeeze %dma_wait3A_65 : memref<1x40x128xi32, #tpu.memory_space<hbm>> -> memref<40x128xi32, #tpu.memory_space<hbm>>
      tpu.wait_dma2 semaphore(%run_scoped3A_55 : memref<!tpu.dma_semaphore, #tpu.memory_space<semaphore_mem>>) src(%dma_wait3A_66 : memref<40x128xi32, #tpu.memory_space<hbm>>) dst(%arg6 : memref<40x128xi32, #tpu.memory_space<vmem>>)
      tpu.yield
    }) : () -> ()
    %dma_start3A_39 = arith.constant 0 : i32
    %dma_start3A_40 = arith.constant 0 : i32
    %dma_start3A_41 = tpu.memref_slice %arg5[%dma_start3A_39, %dma_start3A_40] : memref<40x128xi32, #tpu.memory_space<vmem>> -> memref<1x128xi32, #tpu.memory_space<vmem>>
    %dma_start3A_42 = tpu.memref_squeeze %dma_start3A_41 : memref<1x128xi32, #tpu.memory_space<vmem>> -> memref<128xi32, #tpu.memory_space<vmem>>
    %dma_start3A_43 = arith.constant 0 : i32
    %dma_start3A_44 = arith.constant 0 : i32
    %dma_start3A_45 = tpu.memref_slice %arg2[%dma_start3A_43, %dma_start3A_44] : memref<10000x128xf32, #tpu.memory_space<hbm>> -> memref<10000x128xf32, #tpu.memory_space<hbm>>
    tpu.enqueue_indirect_dma source(%dma_start3A_45 : memref<10000x128xf32, #tpu.memory_space<hbm>>) target(%arg8 : memref<128x128xf32, #tpu.memory_space<vmem>>) offsets(%dma_start3A_42 : memref<128xi32, #tpu.memory_space<vmem>>) semaphore(%arg10 : memref<!tpu.dma_semaphore, #tpu.memory_space<semaphore_mem>>)
    %scan3A_46 = arith.constant 0 : i32
    %scan3A_47 = arith.constant 20 : i32
    %scan3A_48 = arith.addi %scan3A_46, %scan3A_47 : i32
    %scan3A_49 = arith.constant 1 : i32
    scf.for %scan3A_55 = %scan3A_46 to %scan3A_48 step %scan3A_49  : i32 {
      %mul3A_56 = arith.constant 2 : i32
      %mul3A_57 = arith.muli %scan3A_55, %mul3A_56 : i32
      %add3A_58 = arith.constant 0 : i32
      %add3A_59 = arith.addi %add3A_58, %mul3A_57 : i32
      %dma_wait3A = arith.constant 0 : i32
      %dma_wait3A_60 = tpu.memref_slice %arg5[%add3A_59, %dma_wait3A] : memref<40x128xi32, #tpu.memory_space<vmem>> -> memref<1x128xi32, #tpu.memory_space<vmem>>
      %dma_wait3A_61 = tpu.memref_squeeze %dma_wait3A_60 : memref<1x128xi32, #tpu.memory_space<vmem>> -> memref<128xi32, #tpu.memory_space<vmem>>
      %dma_wait3A_62 = arith.constant 0 : i32
      %dma_wait3A_63 = arith.constant 0 : i32
      %dma_wait3A_64 = tpu.memref_slice %arg2[%dma_wait3A_62, %dma_wait3A_63] : memref<10000x128xf32, #tpu.memory_space<hbm>> -> memref<10000x128xf32, #tpu.memory_space<hbm>>
      tpu.wait_indirect_dma semaphore(%arg10 : memref<!tpu.dma_semaphore, #tpu.memory_space<semaphore_mem>>) src(%dma_wait3A_64 : memref<10000x128xf32, #tpu.memory_space<hbm>>) dst(%arg8 : memref<128x128xf32, #tpu.memory_space<vmem>>)
      %add3A_65 = arith.constant 1 : i32
      %add3A_66 = arith.addi %add3A_59, %add3A_65 : i32
      %dma_start3A_67 = arith.constant 0 : i32
      %dma_start3A_68 = tpu.memref_slice %arg5[%add3A_66, %dma_start3A_67] : memref<40x128xi32, #tpu.memory_space<vmem>> -> memref<1x128xi32, #tpu.memory_space<vmem>>
      %dma_start3A_69 = tpu.memref_squeeze %dma_start3A_68 : memref<1x128xi32, #tpu.memory_space<vmem>> -> memref<128xi32, #tpu.memory_space<vmem>>
      %dma_start3A_70 = arith.constant 0 : i32
      %dma_start3A_71 = arith.constant 0 : i32
      %dma_start3A_72 = tpu.memref_slice %arg2[%dma_start3A_70, %dma_start3A_71] : memref<10000x128xf32, #tpu.memory_space<hbm>> -> memref<10000x128xf32, #tpu.memory_space<hbm>>
      tpu.enqueue_indirect_dma source(%dma_start3A_72 : memref<10000x128xf32, #tpu.memory_space<hbm>>) target(%arg9 : memref<128x128xf32, #tpu.memory_space<vmem>>) offsets(%dma_start3A_69 : memref<128xi32, #tpu.memory_space<vmem>>) semaphore(%arg11 : memref<!tpu.dma_semaphore, #tpu.memory_space<semaphore_mem>>)
      "tpu.region"() ({
        %run_scoped3A_87 = tpu.sem_alloc : memref<!tpu.dma_semaphore, #tpu.memory_space<semaphore_mem>>
        %dma_start3A_88 = arith.constant 0 : i32
        %dma_start3A_89 = tpu.memref_slice %arg6[%add3A_59, %dma_start3A_88] : memref<40x128xi32, #tpu.memory_space<vmem>> -> memref<1x128xi32, #tpu.memory_space<vmem>>
        %dma_start3A_90 = tpu.memref_squeeze %dma_start3A_89 : memref<1x128xi32, #tpu.memory_space<vmem>> -> memref<128xi32, #tpu.memory_space<vmem>>
        %dma_start3A_91 = arith.constant 0 : i32
        %dma_start3A_92 = arith.constant 0 : i32
        %dma_start3A_93 = tpu.memref_slice %arg7[%dma_start3A_91, %dma_start3A_92] : memref<10112x128xf32, #tpu.memory_space<vmem_shared>> -> memref<10112x128xf32, #tpu.memory_space<vmem_shared>>
        tpu.enqueue_indirect_dma source(%arg8 : memref<128x128xf32, #tpu.memory_space<vmem>>) target(%dma_start3A_93 : memref<10112x128xf32, #tpu.memory_space<vmem_shared>>) offsets(%dma_start3A_90 : memref<128xi32, #tpu.memory_space<vmem>>) semaphore(%run_scoped3A_87 : memref<!tpu.dma_semaphore, #tpu.memory_space<semaphore_mem>>) {add = true}
        %dma_wait3A_94 = arith.constant 0 : i32
        %dma_wait3A_95 = tpu.memref_slice %arg6[%add3A_59, %dma_wait3A_94] : memref<40x128xi32, #tpu.memory_space<vmem>> -> memref<1x128xi32, #tpu.memory_space<vmem>>
        %dma_wait3A_96 = tpu.memref_squeeze %dma_wait3A_95 : memref<1x128xi32, #tpu.memory_space<vmem>> -> memref<128xi32, #tpu.memory_space<vmem>>
        %dma_wait3A_97 = arith.constant 0 : i32
        %dma_wait3A_98 = arith.constant 0 : i32
        %dma_wait3A_99 = tpu.memref_slice %arg7[%dma_wait3A_97, %dma_wait3A_98] : memref<10112x128xf32, #tpu.memory_space<vmem_shared>> -> memref<10112x128xf32, #tpu.memory_space<vmem_shared>>
        tpu.wait_indirect_dma semaphore(%run_scoped3A_87 : memref<!tpu.dma_semaphore, #tpu.memory_space<semaphore_mem>>) src(%arg8 : memref<128x128xf32, #tpu.memory_space<vmem>>) dst(%dma_wait3A_99 : memref<10112x128xf32, #tpu.memory_space<vmem_shared>>)
        tpu.yield
      }) : () -> ()
      %add3A_73 = arith.constant 1 : i32
      %add3A_74 = arith.addi %add3A_59, %add3A_73 : i32
      %dma_wait3A_75 = arith.constant 0 : i32
      %dma_wait3A_76 = tpu.memref_slice %arg5[%add3A_74, %dma_wait3A_75] : memref<40x128xi32, #tpu.memory_space<vmem>> -> memref<1x128xi32, #tpu.memory_space<vmem>>
      %dma_wait3A_77 = tpu.memref_squeeze %dma_wait3A_76 : memref<1x128xi32, #tpu.memory_space<vmem>> -> memref<128xi32, #tpu.memory_space<vmem>>
      %dma_wait3A_78 = arith.constant 0 : i32
      %dma_wait3A_79 = arith.constant 0 : i32
      %dma_wait3A_80 = tpu.memref_slice %arg2[%dma_wait3A_78, %dma_wait3A_79] : memref<10000x128xf32, #tpu.memory_space<hbm>> -> memref<10000x128xf32, #tpu.memory_space<hbm>>
      tpu.wait_indirect_dma semaphore(%arg11 : memref<!tpu.dma_semaphore, #tpu.memory_space<semaphore_mem>>) src(%dma_wait3A_80 : memref<10000x128xf32, #tpu.memory_space<hbm>>) dst(%arg9 : memref<128x128xf32, #tpu.memory_space<vmem>>)
      %add3A_81 = arith.constant 2 : i32
      %add3A_82 = arith.addi %add3A_59, %add3A_81 : i32
      %lt3A = arith.constant 40 : i32
      %lt3A_83 = arith.cmpi slt, %add3A_82, %lt3A : i32
      %convert_element_type3A = arith.extui %lt3A_83 : i1 to i32
      %cond3A = arith.constant 0 : i32
      %cond3A_84 = arith.cmpi ne, %convert_element_type3A, %cond3A : i32
      scf.if %cond3A_84 {
        %add3A_87 = arith.constant 2 : i32
        %add3A_88 = arith.addi %add3A_59, %add3A_87 : i32
        %dma_start3A_89 = arith.constant 0 : i32
        %dma_start3A_90 = tpu.memref_slice %arg5[%add3A_88, %dma_start3A_89] : memref<40x128xi32, #tpu.memory_space<vmem>> -> memref<1x128xi32, #tpu.memory_space<vmem>>
        %dma_start3A_91 = tpu.memref_squeeze %dma_start3A_90 : memref<1x128xi32, #tpu.memory_space<vmem>> -> memref<128xi32, #tpu.memory_space<vmem>>
        %dma_start3A_92 = arith.constant 0 : i32
        %dma_start3A_93 = arith.constant 0 : i32
        %dma_start3A_94 = tpu.memref_slice %arg2[%dma_start3A_92, %dma_start3A_93] : memref<10000x128xf32, #tpu.memory_space<hbm>> -> memref<10000x128xf32, #tpu.memory_space<hbm>>
        tpu.enqueue_indirect_dma source(%dma_start3A_94 : memref<10000x128xf32, #tpu.memory_space<hbm>>) target(%arg8 : memref<128x128xf32, #tpu.memory_space<vmem>>) offsets(%dma_start3A_91 : memref<128xi32, #tpu.memory_space<vmem>>) semaphore(%arg10 : memref<!tpu.dma_semaphore, #tpu.memory_space<semaphore_mem>>)
      } else {
      }
      %add3A_85 = arith.constant 1 : i32
      %add3A_86 = arith.addi %add3A_59, %add3A_85 : i32
      "tpu.region"() ({
        %run_scoped3A_87 = tpu.sem_alloc : memref<!tpu.dma_semaphore, #tpu.memory_space<semaphore_mem>>
        %dma_start3A_88 = arith.constant 0 : i32
        %dma_start3A_89 = tpu.memref_slice %arg6[%add3A_86, %dma_start3A_88] : memref<40x128xi32, #tpu.memory_space<vmem>> -> memref<1x128xi32, #tpu.memory_space<vmem>>
        %dma_start3A_90 = tpu.memref_squeeze %dma_start3A_89 : memref<1x128xi32, #tpu.memory_space<vmem>> -> memref<128xi32, #tpu.memory_space<vmem>>
        %dma_start3A_91 = arith.constant 0 : i32
        %dma_start3A_92 = arith.constant 0 : i32
        %dma_start3A_93 = tpu.memref_slice %arg7[%dma_start3A_91, %dma_start3A_92] : memref<10112x128xf32, #tpu.memory_space<vmem_shared>> -> memref<10112x128xf32, #tpu.memory_space<vmem_shared>>
        tpu.enqueue_indirect_dma source(%arg9 : memref<128x128xf32, #tpu.memory_space<vmem>>) target(%dma_start3A_93 : memref<10112x128xf32, #tpu.memory_space<vmem_shared>>) offsets(%dma_start3A_90 : memref<128xi32, #tpu.memory_space<vmem>>) semaphore(%run_scoped3A_87 : memref<!tpu.dma_semaphore, #tpu.memory_space<semaphore_mem>>) {add = true}
        %dma_wait3A_94 = arith.constant 0 : i32
        %dma_wait3A_95 = tpu.memref_slice %arg6[%add3A_86, %dma_wait3A_94] : memref<40x128xi32, #tpu.memory_space<vmem>> -> memref<1x128xi32, #tpu.memory_space<vmem>>
        %dma_wait3A_96 = tpu.memref_squeeze %dma_wait3A_95 : memref<1x128xi32, #tpu.memory_space<vmem>> -> memref<128xi32, #tpu.memory_space<vmem>>
        %dma_wait3A_97 = arith.constant 0 : i32
        %dma_wait3A_98 = arith.constant 0 : i32
        %dma_wait3A_99 = tpu.memref_slice %arg7[%dma_wait3A_97, %dma_wait3A_98] : memref<10112x128xf32, #tpu.memory_space<vmem_shared>> -> memref<10112x128xf32, #tpu.memory_space<vmem_shared>>
        tpu.wait_indirect_dma semaphore(%run_scoped3A_87 : memref<!tpu.dma_semaphore, #tpu.memory_space<semaphore_mem>>) src(%arg9 : memref<128x128xf32, #tpu.memory_space<vmem>>) dst(%dma_wait3A_99 : memref<10112x128xf32, #tpu.memory_space<vmem_shared>>)
        tpu.yield
      }) : () -> ()
    }
    %scan3A_50 = arith.constant 20 : i32
    %barrier3A_51 = arith.constant 0 : index
    tpu.barrier barrier_id(%barrier3A_51)
    %mul3A_52 = arith.constant 10112 : i32
    %mul3A_53 = arith.muli %arg0, %mul3A_52 : i32
    %add3A_54 = arith.addi %mul3A_53, %mul3A_6 : i32
    %multiple_of3A = tpu.assume_multiple %add3A_54, 8 : i32
    "tpu.region"() ({
      %run_scoped3A_55 = tpu.sem_alloc : memref<!tpu.dma_semaphore, #tpu.memory_space<semaphore_mem>>
      %dma_start3A_56 = arith.constant 0 : i32
      %dma_start3A_57 = tpu.memref_slice %arg4[%multiple_of3A, %dma_start3A_56] : memref<20224x128xf32, #tpu.memory_space<hbm>> -> memref<632x128xf32, #tpu.memory_space<hbm>>
      %dma_start3A_58 = arith.constant 0 : i32
      %dma_start3A_59 = tpu.memref_slice %arg7[%mul3A_6, %dma_start3A_58] : memref<10112x128xf32, #tpu.memory_space<vmem_shared>> -> memref<632x128xf32, #tpu.memory_space<vmem_shared>>
      tpu.enqueue_dma source(%dma_start3A_59 : memref<632x128xf32, #tpu.memory_space<vmem_shared>>) target(%dma_start3A_57 : memref<632x128xf32, #tpu.memory_space<hbm>>) target_semaphore(%run_scoped3A_55 : memref<!tpu.dma_semaphore, #tpu.memory_space<semaphore_mem>>)
      %dma_wait3A = arith.constant 0 : i32
      %dma_wait3A_60 = tpu.memref_slice %arg4[%multiple_of3A, %dma_wait3A] : memref<20224x128xf32, #tpu.memory_space<hbm>> -> memref<632x128xf32, #tpu.memory_space<hbm>>
      %dma_wait3A_61 = arith.constant 0 : i32
      %dma_wait3A_62 = tpu.memref_slice %arg7[%mul3A_6, %dma_wait3A_61] : memref<10112x128xf32, #tpu.memory_space<vmem_shared>> -> memref<632x128xf32, #tpu.memory_space<vmem_shared>>
      tpu.wait_dma2 semaphore(%run_scoped3A_55 : memref<!tpu.dma_semaphore, #tpu.memory_space<semaphore_mem>>) src(%dma_wait3A_62 : memref<632x128xf32, #tpu.memory_space<vmem_shared>>) dst(%dma_wait3A_60 : memref<632x128xf32, #tpu.memory_space<hbm>>)
      tpu.yield
    }) : () -> ()
    return
  }
}

#map = affine_map<(d0, d1) -> (0, 0)>
#map1 = affine_map<(d0, d1) -> (0, 0, 0)>
module attributes {stable_mosaic.version = 14 : i64} {
  func.func @agg(%arg0: i32, %arg1: i32, %arg2: memref<10000x128xf32, #tpu.memory_space<hbm>>, %arg3: memref<2x2560x128xi32, #tpu.memory_space<hbm>>, %arg4: memref<20224x128xf32, #tpu.memory_space<hbm>>, %arg5: memref<40x128xi32, #tpu.memory_space<vmem>>, %arg6: memref<40x128xi32, #tpu.memory_space<vmem>>, %arg7: memref<10112x128xf32, #tpu.memory_space<vmem_shared>>, %arg8: memref<128x128xf32, #tpu.memory_space<vmem>>, %arg9: memref<128x128xf32, #tpu.memory_space<vmem>>, %arg10: memref<!tpu.dma_semaphore, #tpu.memory_space<semaphore_mem>>, %arg11: memref<!tpu.dma_semaphore, #tpu.memory_space<semaphore_mem>>) attributes {dimension_semantics = [#tpu.dimension_semantics<core_parallel>, #tpu.dimension_semantics<subcore_parallel>], iteration_bounds = array<i64: 2, 16>, scalar_prefetch = 0 : i64, scratch_operands = 7 : i64, tpu.core_type = #tpu.core_type<sc_vector_subcore>, window_params = [{transform_indices = #map}, {transform_indices = #map1}, {transform_indices = #map}]} {
    %mul3A = arith.constant 16 : i32
    %mul3A_0 = arith.muli %arg0, %mul3A : i32
    %add3A = arith.addi %mul3A_0, %arg1 : i32
    %scan3A = arith.constant 0 : i32
    %scan3A_1 = arith.constant 128 : i32
    %scan3A_2 = arith.addi %scan3A, %scan3A_1 : i32
    %scan3A_3 = arith.constant 1 : i32
    scf.for %scan3A_55 = %scan3A to %scan3A_2 step %scan3A_3  : i32 {
      %mul3A_56 = arith.constant 1 : i32
      %mul3A_57 = arith.muli %scan3A_55, %mul3A_56 : i32
      %add3A_58 = arith.constant 0 : i32
      %add3A_59 = arith.addi %add3A_58, %mul3A_57 : i32
      %scan3A_60 = arith.constant 0 : i32
      %scan3A_61 = arith.constant 8 : i32
      %scan3A_62 = arith.addi %scan3A_60, %scan3A_61 : i32
      %scan3A_63 = arith.constant 1 : i32
      scf.for %scan3A_65 = %scan3A_60 to %scan3A_62 step %scan3A_63  : i32 {
        %mul3A_66 = arith.constant 16 : i32
        %mul3A_67 = arith.muli %scan3A_65, %mul3A_66 : i32
        %add3A_68 = arith.constant 0 : i32
        %add3A_69 = arith.addi %add3A_68, %mul3A_67 : i32
        %broadcast_in_dim3A = arith.constant 0.000000e+00 : f32
        %broadcast_in_dim3A_70 = vector.broadcast %broadcast_in_dim3A : f32 to vector<16xf32>
        %swap3A = arith.index_cast %add3A_59 : i32 to index
        %swap3A_71 = arith.index_cast %add3A_69 : i32 to index
        %swap3A_72 = tpu.vector_load %arg8[%swap3A, %swap3A_71] {strides = array<i32>} : memref<128x128xf32, #tpu.memory_space<vmem>>, vector<1x16xf32>,
        %swap3A_73 = vector.shape_cast %swap3A_72 : vector<1x16xf32> to vector<16xf32>
        %swap3A_74 = vector.shape_cast %broadcast_in_dim3A_70 : vector<16xf32> to vector<1x16xf32>
        tpu.vector_store %arg8[%swap3A, %swap3A_71], %swap3A_74 {strides = array<i32>} : memref<128x128xf32, #tpu.memory_space<vmem>>, vector<1x16xf32>,
      }
      %scan3A_64 = arith.constant 8 : i32
    }
    %scan3A_4 = arith.constant 128 : i32
    %mul3A_5 = arith.constant 632 : i32
    %mul3A_6 = arith.muli %arg1, %mul3A_5 : i32
    %add3A_7 = arith.constant 0 : i32
    %add3A_8 = arith.addi %mul3A_6, %add3A_7 : i32
    "tpu.region"() ({
      %run_scoped3A_55 = tpu.sem_alloc : memref<!tpu.dma_semaphore, #tpu.memory_space<semaphore_mem>>
      %dma_start3A_56 = arith.constant 0 : i32
      %dma_start3A_57 = tpu.memref_slice %arg7[%add3A_8, %dma_start3A_56] : memref<10112x128xf32, #tpu.memory_space<vmem_shared>> -> memref<128x128xf32, #tpu.memory_space<vmem_shared>>
      %dma_start3A_58 = arith.constant 0 : i32
      %dma_start3A_59 = tpu.memref_slice %arg7[%add3A_8, %dma_start3A_58] : memref<10112x128xf32, #tpu.memory_space<vmem_shared>> -> memref<128x128xf32, #tpu.memory_space<vmem_shared>>
      tpu.enqueue_dma source(%arg8 : memref<128x128xf32, #tpu.memory_space<vmem>>) target(%dma_start3A_59 : memref<128x128xf32, #tpu.memory_space<vmem_shared>>) target_semaphore(%run_scoped3A_55 : memref<!tpu.dma_semaphore, #tpu.memory_space<semaphore_mem>>)
      %dma_wait3A = arith.constant 0 : i32
      %dma_wait3A_60 = tpu.memref_slice %arg7[%add3A_8, %dma_wait3A] : memref<10112x128xf32, #tpu.memory_space<vmem_shared>> -> memref<128x128xf32, #tpu.memory_space<vmem_shared>>
      %dma_wait3A_61 = arith.constant 0 : i32
      %dma_wait3A_62 = tpu.memref_slice %arg7[%add3A_8, %dma_wait3A_61] : memref<10112x128xf32, #tpu.memory_space<vmem_shared>> -> memref<128x128xf32, #tpu.memory_space<vmem_shared>>
      tpu.wait_dma2 semaphore(%run_scoped3A_55 : memref<!tpu.dma_semaphore, #tpu.memory_space<semaphore_mem>>) src(%arg8 : memref<128x128xf32, #tpu.memory_space<vmem>>) dst(%dma_wait3A_62 : memref<128x128xf32, #tpu.memory_space<vmem_shared>>)
      tpu.yield
    }) : () -> ()
    %add3A_9 = arith.constant 128 : i32
    %add3A_10 = arith.addi %mul3A_6, %add3A_9 : i32
    "tpu.region"() ({
      %run_scoped3A_55 = tpu.sem_alloc : memref<!tpu.dma_semaphore, #tpu.memory_space<semaphore_mem>>
      %dma_start3A_56 = arith.constant 0 : i32
      %dma_start3A_57 = tpu.memref_slice %arg7[%add3A_10, %dma_start3A_56] : memref<10112x128xf32, #tpu.memory_space<vmem_shared>> -> memref<128x128xf32, #tpu.memory_space<vmem_shared>>
      %dma_start3A_58 = arith.constant 0 : i32
      %dma_start3A_59 = tpu.memref_slice %arg7[%add3A_10, %dma_start3A_58] : memref<10112x128xf32, #tpu.memory_space<vmem_shared>> -> memref<128x128xf32, #tpu.memory_space<vmem_shared>>
      tpu.enqueue_dma source(%arg8 : memref<128x128xf32, #tpu.memory_space<vmem>>) target(%dma_start3A_59 : memref<128x128xf32, #tpu.memory_space<vmem_shared>>) target_semaphore(%run_scoped3A_55 : memref<!tpu.dma_semaphore, #tpu.memory_space<semaphore_mem>>)
      %dma_wait3A = arith.constant 0 : i32
      %dma_wait3A_60 = tpu.memref_slice %arg7[%add3A_10, %dma_wait3A] : memref<10112x128xf32, #tpu.memory_space<vmem_shared>> -> memref<128x128xf32, #tpu.memory_space<vmem_shared>>
      %dma_wait3A_61 = arith.constant 0 : i32
      %dma_wait3A_62 = tpu.memref_slice %arg7[%add3A_10, %dma_wait3A_61] : memref<10112x128xf32, #tpu.memory_space<vmem_shared>> -> memref<128x128xf32, #tpu.memory_space<vmem_shared>>
      tpu.wait_dma2 semaphore(%run_scoped3A_55 : memref<!tpu.dma_semaphore, #tpu.memory_space<semaphore_mem>>) src(%arg8 : memref<128x128xf32, #tpu.memory_space<vmem>>) dst(%dma_wait3A_62 : memref<128x128xf32, #tpu.memory_space<vmem_shared>>)
      tpu.yield
    }) : () -> ()
    %add3A_11 = arith.constant 256 : i32
    %add3A_12 = arith.addi %mul3A_6, %add3A_11 : i32
    "tpu.region"() ({
      %run_scoped3A_55 = tpu.sem_alloc : memref<!tpu.dma_semaphore, #tpu.memory_space<semaphore_mem>>
      %dma_start3A_56 = arith.constant 0 : i32
      %dma_start3A_57 = tpu.memref_slice %arg7[%add3A_12, %dma_start3A_56] : memref<10112x128xf32, #tpu.memory_space<vmem_shared>> -> memref<128x128xf32, #tpu.memory_space<vmem_shared>>
      %dma_start3A_58 = arith.constant 0 : i32
      %dma_start3A_59 = tpu.memref_slice %arg7[%add3A_12, %dma_start3A_58] : memref<10112x128xf32, #tpu.memory_space<vmem_shared>> -> memref<128x128xf32, #tpu.memory_space<vmem_shared>>
      tpu.enqueue_dma source(%arg8 : memref<128x128xf32, #tpu.memory_space<vmem>>) target(%dma_start3A_59 : memref<128x128xf32, #tpu.memory_space<vmem_shared>>) target_semaphore(%run_scoped3A_55 : memref<!tpu.dma_semaphore, #tpu.memory_space<semaphore_mem>>)
      %dma_wait3A = arith.constant 0 : i32
      %dma_wait3A_60 = tpu.memref_slice %arg7[%add3A_12, %dma_wait3A] : memref<10112x128xf32, #tpu.memory_space<vmem_shared>> -> memref<128x128xf32, #tpu.memory_space<vmem_shared>>
      %dma_wait3A_61 = arith.constant 0 : i32
      %dma_wait3A_62 = tpu.memref_slice %arg7[%add3A_12, %dma_wait3A_61] : memref<10112x128xf32, #tpu.memory_space<vmem_shared>> -> memref<128x128xf32, #tpu.memory_space<vmem_shared>>
      tpu.wait_dma2 semaphore(%run_scoped3A_55 : memref<!tpu.dma_semaphore, #tpu.memory_space<semaphore_mem>>) src(%arg8 : memref<128x128xf32, #tpu.memory_space<vmem>>) dst(%dma_wait3A_62 : memref<128x128xf32, #tpu.memory_space<vmem_shared>>)
      tpu.yield
    }) : () -> ()
    %add3A_13 = arith.constant 384 : i32
    %add3A_14 = arith.addi %mul3A_6, %add3A_13 : i32
    "tpu.region"() ({
      %run_scoped3A_55 = tpu.sem_alloc : memref<!tpu.dma_semaphore, #tpu.memory_space<semaphore_mem>>
      %dma_start3A_56 = arith.constant 0 : i32
      %dma_start3A_57 = tpu.memref_slice %arg7[%add3A_14, %dma_start3A_56] : memref<10112x128xf32, #tpu.memory_space<vmem_shared>> -> memref<128x128xf32, #tpu.memory_space<vmem_shared>>
      %dma_start3A_58 = arith.constant 0 : i32
      %dma_start3A_59 = tpu.memref_slice %arg7[%add3A_14, %dma_start3A_58] : memref<10112x128xf32, #tpu.memory_space<vmem_shared>> -> memref<128x128xf32, #tpu.memory_space<vmem_shared>>
      tpu.enqueue_dma source(%arg8 : memref<128x128xf32, #tpu.memory_space<vmem>>) target(%dma_start3A_59 : memref<128x128xf32, #tpu.memory_space<vmem_shared>>) target_semaphore(%run_scoped3A_55 : memref<!tpu.dma_semaphore, #tpu.memory_space<semaphore_mem>>)
      %dma_wait3A = arith.constant 0 : i32
      %dma_wait3A_60 = tpu.memref_slice %arg7[%add3A_14, %dma_wait3A] : memref<10112x128xf32, #tpu.memory_space<vmem_shared>> -> memref<128x128xf32, #tpu.memory_space<vmem_shared>>
      %dma_wait3A_61 = arith.constant 0 : i32
      %dma_wait3A_62 = tpu.memref_slice %arg7[%add3A_14, %dma_wait3A_61] : memref<10112x128xf32, #tpu.memory_space<vmem_shared>> -> memref<128x128xf32, #tpu.memory_space<vmem_shared>>
      tpu.wait_dma2 semaphore(%run_scoped3A_55 : memref<!tpu.dma_semaphore, #tpu.memory_space<semaphore_mem>>) src(%arg8 : memref<128x128xf32, #tpu.memory_space<vmem>>) dst(%dma_wait3A_62 : memref<128x128xf32, #tpu.memory_space<vmem_shared>>)
      tpu.yield
    }) : () -> ()
    %add3A_15 = arith.constant 512 : i32
    %add3A_16 = arith.addi %mul3A_6, %add3A_15 : i32
    "tpu.region"() ({
      %run_scoped3A_55 = tpu.sem_alloc : memref<!tpu.dma_semaphore, #tpu.memory_space<semaphore_mem>>
      %dma_start3A_56 = arith.constant 0 : i32
      %dma_start3A_57 = arith.constant 0 : i32
      %dma_start3A_58 = tpu.memref_slice %arg8[%dma_start3A_56, %dma_start3A_57] : memref<128x128xf32, #tpu.memory_space<vmem>> -> memref<120x128xf32, #tpu.memory_space<vmem>>
      %dma_start3A_59 = arith.constant 0 : i32
      %dma_start3A_60 = tpu.memref_slice %arg7[%add3A_16, %dma_start3A_59] : memref<10112x128xf32, #tpu.memory_space<vmem_shared>> -> memref<120x128xf32, #tpu.memory_space<vmem_shared>>
      %dma_start3A_61 = arith.constant 0 : i32
      %dma_start3A_62 = tpu.memref_slice %arg7[%add3A_16, %dma_start3A_61] : memref<10112x128xf32, #tpu.memory_space<vmem_shared>> -> memref<120x128xf32, #tpu.memory_space<vmem_shared>>
      %dma_start3A_63 = arith.constant 0 : i32
      %dma_start3A_64 = arith.constant 0 : i32
      %dma_start3A_65 = tpu.memref_slice %arg8[%dma_start3A_63, %dma_start3A_64] : memref<128x128xf32, #tpu.memory_space<vmem>> -> memref<120x128xf32, #tpu.memory_space<vmem>>
      tpu.enqueue_dma source(%dma_start3A_65 : memref<120x128xf32, #tpu.memory_space<vmem>>) target(%dma_start3A_62 : memref<120x128xf32, #tpu.memory_space<vmem_shared>>) target_semaphore(%run_scoped3A_55 : memref<!tpu.dma_semaphore, #tpu.memory_space<semaphore_mem>>)
      %dma_wait3A = arith.constant 0 : i32
      %dma_wait3A_66 = arith.constant 0 : i32
      %dma_wait3A_67 = tpu.memref_slice %arg8[%dma_wait3A, %dma_wait3A_66] : memref<128x128xf32, #tpu.memory_space<vmem>> -> memref<120x128xf32, #tpu.memory_space<vmem>>
      %dma_wait3A_68 = arith.constant 0 : i32
      %dma_wait3A_69 = tpu.memref_slice %arg7[%add3A_16, %dma_wait3A_68] : memref<10112x128xf32, #tpu.memory_space<vmem_shared>> -> memref<120x128xf32, #tpu.memory_space<vmem_shared>>
      %dma_wait3A_70 = arith.constant 0 : i32
      %dma_wait3A_71 = tpu.memref_slice %arg7[%add3A_16, %dma_wait3A_70] : memref<10112x128xf32, #tpu.memory_space<vmem_shared>> -> memref<120x128xf32, #tpu.memory_space<vmem_shared>>
      %dma_wait3A_72 = arith.constant 0 : i32
      %dma_wait3A_73 = arith.constant 0 : i32
      %dma_wait3A_74 = tpu.memref_slice %arg8[%dma_wait3A_72, %dma_wait3A_73] : memref<128x128xf32, #tpu.memory_space<vmem>> -> memref<120x128xf32, #tpu.memory_space<vmem>>
      tpu.wait_dma2 semaphore(%run_scoped3A_55 : memref<!tpu.dma_semaphore, #tpu.memory_space<semaphore_mem>>) src(%dma_wait3A_74 : memref<120x128xf32, #tpu.memory_space<vmem>>) dst(%dma_wait3A_71 : memref<120x128xf32, #tpu.memory_space<vmem_shared>>)
      tpu.yield
    }) : () -> ()
    %barrier3A = arith.constant 0 : index
    tpu.barrier barrier_id(%barrier3A)
    %mul3A_17 = arith.constant 80 : i32
    %mul3A_18 = arith.muli %add3A, %mul3A_17 : i32
    %add3A_19 = arith.constant 0 : i32
    %add3A_20 = arith.addi %mul3A_18, %add3A_19 : i32
    %run_scoped3A = arith.constant 0 : i32
    "tpu.region"() ({
      %run_scoped3A_55 = tpu.sem_alloc : memref<!tpu.dma_semaphore, #tpu.memory_space<semaphore_mem>>
      %dma_start3A_56 = arith.constant 0 : i32
      %dma_start3A_57 = tpu.memref_slice %arg3[%run_scoped3A, %add3A_20, %dma_start3A_56] : memref<2x2560x128xi32, #tpu.memory_space<hbm>> -> memref<1x40x128xi32, #tpu.memory_space<hbm>>
      %dma_start3A_58 = tpu.memref_squeeze %dma_start3A_57 : memref<1x40x128xi32, #tpu.memory_space<hbm>> -> memref<40x128xi32, #tpu.memory_space<hbm>>
      %dma_start3A_59 = arith.constant 0 : i32
      %dma_start3A_60 = tpu.memref_slice %arg3[%run_scoped3A, %add3A_20, %dma_start3A_59] : memref<2x2560x128xi32, #tpu.memory_space<hbm>> -> memref<1x40x128xi32, #tpu.memory_space<hbm>>
      %dma_start3A_61 = tpu.memref_squeeze %dma_start3A_60 : memref<1x40x128xi32, #tpu.memory_space<hbm>> -> memref<40x128xi32, #tpu.memory_space<hbm>>
      tpu.enqueue_dma source(%dma_start3A_61 : memref<40x128xi32, #tpu.memory_space<hbm>>) target(%arg5 : memref<40x128xi32, #tpu.memory_space<vmem>>) target_semaphore(%run_scoped3A_55 : memref<!tpu.dma_semaphore, #tpu.memory_space<semaphore_mem>>)
      %dma_wait3A = arith.constant 0 : i32
      %dma_wait3A_62 = tpu.memref_slice %arg3[%run_scoped3A, %add3A_20, %dma_wait3A] : memref<2x2560x128xi32, #tpu.memory_space<hbm>> -> memref<1x40x128xi32, #tpu.memory_space<hbm>>
      %dma_wait3A_63 = tpu.memref_squeeze %dma_wait3A_62 : memref<1x40x128xi32, #tpu.memory_space<hbm>> -> memref<40x128xi32, #tpu.memory_space<hbm>>
      %dma_wait3A_64 = arith.constant 0 : i32
      %dma_wait3A_65 = tpu.memref_slice %arg3[%run_scoped3A, %add3A_20, %dma_wait3A_64] : memref<2x2560x128xi32, #tpu.memory_space<hbm>> -> memref<1x40x128xi32, #tpu.memory_space<hbm>>
      %dma_wait3A_66 = tpu.memref_squeeze %dma_wait3A_65 : memref<1x40x128xi32, #tpu.memory_space<hbm>> -> memref<40x128xi32, #tpu.memory_space<hbm>>
      tpu.wait_dma2 semaphore(%run_scoped3A_55 : memref<!tpu.dma_semaphore, #tpu.memory_space<semaphore_mem>>) src(%dma_wait3A_66 : memref<40x128xi32, #tpu.memory_space<hbm>>) dst(%arg5 : memref<40x128xi32, #tpu.memory_space<vmem>>)
      tpu.yield
    }) : () -> ()
    %run_scoped3A_21 = arith.constant 1 : i32
    "tpu.region"() ({
      %run_scoped3A_55 = tpu.sem_alloc : memref<!tpu.dma_semaphore, #tpu.memory_space<semaphore_mem>>
      %dma_start3A_56 = arith.constant 0 : i32
      %dma_start3A_57 = tpu.memref_slice %arg3[%run_scoped3A_21, %add3A_20, %dma_start3A_56] : memref<2x2560x128xi32, #tpu.memory_space<hbm>> -> memref<1x40x128xi32, #tpu.memory_space<hbm>>
      %dma_start3A_58 = tpu.memref_squeeze %dma_start3A_57 : memref<1x40x128xi32, #tpu.memory_space<hbm>> -> memref<40x128xi32, #tpu.memory_space<hbm>>
      %dma_start3A_59 = arith.constant 0 : i32
      %dma_start3A_60 = tpu.memref_slice %arg3[%run_scoped3A_21, %add3A_20, %dma_start3A_59] : memref<2x2560x128xi32, #tpu.memory_space<hbm>> -> memref<1x40x128xi32, #tpu.memory_space<hbm>>
      %dma_start3A_61 = tpu.memref_squeeze %dma_start3A_60 : memref<1x40x128xi32, #tpu.memory_space<hbm>> -> memref<40x128xi32, #tpu.memory_space<hbm>>
      tpu.enqueue_dma source(%dma_start3A_61 : memref<40x128xi32, #tpu.memory_space<hbm>>) target(%arg6 : memref<40x128xi32, #tpu.memory_space<vmem>>) target_semaphore(%run_scoped3A_55 : memref<!tpu.dma_semaphore, #tpu.memory_space<semaphore_mem>>)
      %dma_wait3A = arith.constant 0 : i32
      %dma_wait3A_62 = tpu.memref_slice %arg3[%run_scoped3A_21, %add3A_20, %dma_wait3A] : memref<2x2560x128xi32, #tpu.memory_space<hbm>> -> memref<1x40x128xi32, #tpu.memory_space<hbm>>
      %dma_wait3A_63 = tpu.memref_squeeze %dma_wait3A_62 : memref<1x40x128xi32, #tpu.memory_space<hbm>> -> memref<40x128xi32, #tpu.memory_space<hbm>>
      %dma_wait3A_64 = arith.constant 0 : i32
      %dma_wait3A_65 = tpu.memref_slice %arg3[%run_scoped3A_21, %add3A_20, %dma_wait3A_64] : memref<2x2560x128xi32, #tpu.memory_space<hbm>> -> memref<1x40x128xi32, #tpu.memory_space<hbm>>
      %dma_wait3A_66 = tpu.memref_squeeze %dma_wait3A_65 : memref<1x40x128xi32, #tpu.memory_space<hbm>> -> memref<40x128xi32, #tpu.memory_space<hbm>>
      tpu.wait_dma2 semaphore(%run_scoped3A_55 : memref<!tpu.dma_semaphore, #tpu.memory_space<semaphore_mem>>) src(%dma_wait3A_66 : memref<40x128xi32, #tpu.memory_space<hbm>>) dst(%arg6 : memref<40x128xi32, #tpu.memory_space<vmem>>)
      tpu.yield
    }) : () -> ()
    %dma_start3A = arith.constant 0 : i32
    %dma_start3A_22 = arith.constant 0 : i32
    %dma_start3A_23 = tpu.memref_slice %arg5[%dma_start3A, %dma_start3A_22] : memref<40x128xi32, #tpu.memory_space<vmem>> -> memref<1x128xi32, #tpu.memory_space<vmem>>
    %dma_start3A_24 = tpu.memref_squeeze %dma_start3A_23 : memref<1x128xi32, #tpu.memory_space<vmem>> -> memref<128xi32, #tpu.memory_space<vmem>>
    %dma_start3A_25 = arith.constant 0 : i32
    %dma_start3A_26 = arith.constant 0 : i32
    %dma_start3A_27 = tpu.memref_slice %arg2[%dma_start3A_25, %dma_start3A_26] : memref<10000x128xf32, #tpu.memory_space<hbm>> -> memref<10000x128xf32, #tpu.memory_space<hbm>>
    tpu.enqueue_indirect_dma source(%dma_start3A_27 : memref<10000x128xf32, #tpu.memory_space<hbm>>) target(%arg8 : memref<128x128xf32, #tpu.memory_space<vmem>>) offsets(%dma_start3A_24 : memref<128xi32, #tpu.memory_space<vmem>>) semaphore(%arg10 : memref<!tpu.dma_semaphore, #tpu.memory_space<semaphore_mem>>)
    %scan3A_28 = arith.constant 0 : i32
    %scan3A_29 = arith.constant 20 : i32
    %scan3A_30 = arith.addi %scan3A_28, %scan3A_29 : i32
    %scan3A_31 = arith.constant 1 : i32
    scf.for %scan3A_55 = %scan3A_28 to %scan3A_30 step %scan3A_31  : i32 {
      %mul3A_56 = arith.constant 2 : i32
      %mul3A_57 = arith.muli %scan3A_55, %mul3A_56 : i32
      %add3A_58 = arith.constant 0 : i32
      %add3A_59 = arith.addi %add3A_58, %mul3A_57 : i32
      %dma_wait3A = arith.constant 0 : i32
      %dma_wait3A_60 = tpu.memref_slice %arg5[%add3A_59, %dma_wait3A] : memref<40x128xi32, #tpu.memory_space<vmem>> -> memref<1x128xi32, #tpu.memory_space<vmem>>
      %dma_wait3A_61 = tpu.memref_squeeze %dma_wait3A_60 : memref<1x128xi32, #tpu.memory_space<vmem>> -> memref<128xi32, #tpu.memory_space<vmem>>
      %dma_wait3A_62 = arith.constant 0 : i32
      %dma_wait3A_63 = arith.constant 0 : i32
      %dma_wait3A_64 = tpu.memref_slice %arg2[%dma_wait3A_62, %dma_wait3A_63] : memref<10000x128xf32, #tpu.memory_space<hbm>> -> memref<10000x128xf32, #tpu.memory_space<hbm>>
      tpu.wait_indirect_dma semaphore(%arg10 : memref<!tpu.dma_semaphore, #tpu.memory_space<semaphore_mem>>) src(%dma_wait3A_64 : memref<10000x128xf32, #tpu.memory_space<hbm>>) dst(%arg8 : memref<128x128xf32, #tpu.memory_space<vmem>>)
      %add3A_65 = arith.constant 1 : i32
      %add3A_66 = arith.addi %add3A_59, %add3A_65 : i32
      %dma_start3A_67 = arith.constant 0 : i32
      %dma_start3A_68 = tpu.memref_slice %arg5[%add3A_66, %dma_start3A_67] : memref<40x128xi32, #tpu.memory_space<vmem>> -> memref<1x128xi32, #tpu.memory_space<vmem>>
      %dma_start3A_69 = tpu.memref_squeeze %dma_start3A_68 : memref<1x128xi32, #tpu.memory_space<vmem>> -> memref<128xi32, #tpu.memory_space<vmem>>
      %dma_start3A_70 = arith.constant 0 : i32
      %dma_start3A_71 = arith.constant 0 : i32
      %dma_start3A_72 = tpu.memref_slice %arg2[%dma_start3A_70, %dma_start3A_71] : memref<10000x128xf32, #tpu.memory_space<hbm>> -> memref<10000x128xf32, #tpu.memory_space<hbm>>
      tpu.enqueue_indirect_dma source(%dma_start3A_72 : memref<10000x128xf32, #tpu.memory_space<hbm>>) target(%arg9 : memref<128x128xf32, #tpu.memory_space<vmem>>) offsets(%dma_start3A_69 : memref<128xi32, #tpu.memory_space<vmem>>) semaphore(%arg11 : memref<!tpu.dma_semaphore, #tpu.memory_space<semaphore_mem>>)
      "tpu.region"() ({
        %run_scoped3A_87 = tpu.sem_alloc : memref<!tpu.dma_semaphore, #tpu.memory_space<semaphore_mem>>
        %dma_start3A_88 = arith.constant 0 : i32
        %dma_start3A_89 = tpu.memref_slice %arg6[%add3A_59, %dma_start3A_88] : memref<40x128xi32, #tpu.memory_space<vmem>> -> memref<1x128xi32, #tpu.memory_space<vmem>>
        %dma_start3A_90 = tpu.memref_squeeze %dma_start3A_89 : memref<1x128xi32, #tpu.memory_space<vmem>> -> memref<128xi32, #tpu.memory_space<vmem>>
        %dma_start3A_91 = arith.constant 0 : i32
        %dma_start3A_92 = arith.constant 0 : i32
        %dma_start3A_93 = tpu.memref_slice %arg7[%dma_start3A_91, %dma_start3A_92] : memref<10112x128xf32, #tpu.memory_space<vmem_shared>> -> memref<10112x128xf32, #tpu.memory_space<vmem_shared>>
        tpu.enqueue_indirect_dma source(%arg8 : memref<128x128xf32, #tpu.memory_space<vmem>>) target(%dma_start3A_93 : memref<10112x128xf32, #tpu.memory_space<vmem_shared>>) offsets(%dma_start3A_90 : memref<128xi32, #tpu.memory_space<vmem>>) semaphore(%run_scoped3A_87 : memref<!tpu.dma_semaphore, #tpu.memory_space<semaphore_mem>>) {add = true}
        %dma_wait3A_94 = arith.constant 0 : i32
        %dma_wait3A_95 = tpu.memref_slice %arg6[%add3A_59, %dma_wait3A_94] : memref<40x128xi32, #tpu.memory_space<vmem>> -> memref<1x128xi32, #tpu.memory_space<vmem>>
        %dma_wait3A_96 = tpu.memref_squeeze %dma_wait3A_95 : memref<1x128xi32, #tpu.memory_space<vmem>> -> memref<128xi32, #tpu.memory_space<vmem>>
        %dma_wait3A_97 = arith.constant 0 : i32
        %dma_wait3A_98 = arith.constant 0 : i32
        %dma_wait3A_99 = tpu.memref_slice %arg7[%dma_wait3A_97, %dma_wait3A_98] : memref<10112x128xf32, #tpu.memory_space<vmem_shared>> -> memref<10112x128xf32, #tpu.memory_space<vmem_shared>>
        tpu.wait_indirect_dma semaphore(%run_scoped3A_87 : memref<!tpu.dma_semaphore, #tpu.memory_space<semaphore_mem>>) src(%arg8 : memref<128x128xf32, #tpu.memory_space<vmem>>) dst(%dma_wait3A_99 : memref<10112x128xf32, #tpu.memory_space<vmem_shared>>)
        tpu.yield
      }) : () -> ()
      %add3A_73 = arith.constant 1 : i32
      %add3A_74 = arith.addi %add3A_59, %add3A_73 : i32
      %dma_wait3A_75 = arith.constant 0 : i32
      %dma_wait3A_76 = tpu.memref_slice %arg5[%add3A_74, %dma_wait3A_75] : memref<40x128xi32, #tpu.memory_space<vmem>> -> memref<1x128xi32, #tpu.memory_space<vmem>>
      %dma_wait3A_77 = tpu.memref_squeeze %dma_wait3A_76 : memref<1x128xi32, #tpu.memory_space<vmem>> -> memref<128xi32, #tpu.memory_space<vmem>>
      %dma_wait3A_78 = arith.constant 0 : i32
      %dma_wait3A_79 = arith.constant 0 : i32
      %dma_wait3A_80 = tpu.memref_slice %arg2[%dma_wait3A_78, %dma_wait3A_79] : memref<10000x128xf32, #tpu.memory_space<hbm>> -> memref<10000x128xf32, #tpu.memory_space<hbm>>
      tpu.wait_indirect_dma semaphore(%arg11 : memref<!tpu.dma_semaphore, #tpu.memory_space<semaphore_mem>>) src(%dma_wait3A_80 : memref<10000x128xf32, #tpu.memory_space<hbm>>) dst(%arg9 : memref<128x128xf32, #tpu.memory_space<vmem>>)
      %add3A_81 = arith.constant 2 : i32
      %add3A_82 = arith.addi %add3A_59, %add3A_81 : i32
      %lt3A = arith.constant 40 : i32
      %lt3A_83 = arith.cmpi slt, %add3A_82, %lt3A : i32
      %convert_element_type3A = arith.extui %lt3A_83 : i1 to i32
      %cond3A = arith.constant 0 : i32
      %cond3A_84 = arith.cmpi ne, %convert_element_type3A, %cond3A : i32
      scf.if %cond3A_84 {
        %add3A_87 = arith.constant 2 : i32
        %add3A_88 = arith.addi %add3A_59, %add3A_87 : i32
        %dma_start3A_89 = arith.constant 0 : i32
        %dma_start3A_90 = tpu.memref_slice %arg5[%add3A_88, %dma_start3A_89] : memref<40x128xi32, #tpu.memory_space<vmem>> -> memref<1x128xi32, #tpu.memory_space<vmem>>
        %dma_start3A_91 = tpu.memref_squeeze %dma_start3A_90 : memref<1x128xi32, #tpu.memory_space<vmem>> -> memref<128xi32, #tpu.memory_space<vmem>>
        %dma_start3A_92 = arith.constant 0 : i32
        %dma_start3A_93 = arith.constant 0 : i32
        %dma_start3A_94 = tpu.memref_slice %arg2[%dma_start3A_92, %dma_start3A_93] : memref<10000x128xf32, #tpu.memory_space<hbm>> -> memref<10000x128xf32, #tpu.memory_space<hbm>>
        tpu.enqueue_indirect_dma source(%dma_start3A_94 : memref<10000x128xf32, #tpu.memory_space<hbm>>) target(%arg8 : memref<128x128xf32, #tpu.memory_space<vmem>>) offsets(%dma_start3A_91 : memref<128xi32, #tpu.memory_space<vmem>>) semaphore(%arg10 : memref<!tpu.dma_semaphore, #tpu.memory_space<semaphore_mem>>)
      } else {
      }
      %add3A_85 = arith.constant 1 : i32
      %add3A_86 = arith.addi %add3A_59, %add3A_85 : i32
      "tpu.region"() ({
        %run_scoped3A_87 = tpu.sem_alloc : memref<!tpu.dma_semaphore, #tpu.memory_space<semaphore_mem>>
        %dma_start3A_88 = arith.constant 0 : i32
        %dma_start3A_89 = tpu.memref_slice %arg6[%add3A_86, %dma_start3A_88] : memref<40x128xi32, #tpu.memory_space<vmem>> -> memref<1x128xi32, #tpu.memory_space<vmem>>
        %dma_start3A_90 = tpu.memref_squeeze %dma_start3A_89 : memref<1x128xi32, #tpu.memory_space<vmem>> -> memref<128xi32, #tpu.memory_space<vmem>>
        %dma_start3A_91 = arith.constant 0 : i32
        %dma_start3A_92 = arith.constant 0 : i32
        %dma_start3A_93 = tpu.memref_slice %arg7[%dma_start3A_91, %dma_start3A_92] : memref<10112x128xf32, #tpu.memory_space<vmem_shared>> -> memref<10112x128xf32, #tpu.memory_space<vmem_shared>>
        tpu.enqueue_indirect_dma source(%arg9 : memref<128x128xf32, #tpu.memory_space<vmem>>) target(%dma_start3A_93 : memref<10112x128xf32, #tpu.memory_space<vmem_shared>>) offsets(%dma_start3A_90 : memref<128xi32, #tpu.memory_space<vmem>>) semaphore(%run_scoped3A_87 : memref<!tpu.dma_semaphore, #tpu.memory_space<semaphore_mem>>) {add = true}
        %dma_wait3A_94 = arith.constant 0 : i32
        %dma_wait3A_95 = tpu.memref_slice %arg6[%add3A_86, %dma_wait3A_94] : memref<40x128xi32, #tpu.memory_space<vmem>> -> memref<1x128xi32, #tpu.memory_space<vmem>>
        %dma_wait3A_96 = tpu.memref_squeeze %dma_wait3A_95 : memref<1x128xi32, #tpu.memory_space<vmem>> -> memref<128xi32, #tpu.memory_space<vmem>>
        %dma_wait3A_97 = arith.constant 0 : i32
        %dma_wait3A_98 = arith.constant 0 : i32
        %dma_wait3A_99 = tpu.memref_slice %arg7[%dma_wait3A_97, %dma_wait3A_98] : memref<10112x128xf32, #tpu.memory_space<vmem_shared>> -> memref<10112x128xf32, #tpu.memory_space<vmem_shared>>
        tpu.wait_indirect_dma semaphore(%run_scoped3A_87 : memref<!tpu.dma_semaphore, #tpu.memory_space<semaphore_mem>>) src(%arg9 : memref<128x128xf32, #tpu.memory_space<vmem>>) dst(%dma_wait3A_99 : memref<10112x128xf32, #tpu.memory_space<vmem_shared>>)
        tpu.yield
      }) : () -> ()
    }
    %scan3A_32 = arith.constant 20 : i32
    %mul3A_33 = arith.constant 80 : i32
    %mul3A_34 = arith.muli %add3A, %mul3A_33 : i32
    %add3A_35 = arith.constant 40 : i32
    %add3A_36 = arith.addi %mul3A_34, %add3A_35 : i32
    %run_scoped3A_37 = arith.constant 0 : i32
    "tpu.region"() ({
      %run_scoped3A_55 = tpu.sem_alloc : memref<!tpu.dma_semaphore, #tpu.memory_space<semaphore_mem>>
      %dma_start3A_56 = arith.constant 0 : i32
      %dma_start3A_57 = tpu.memref_slice %arg3[%run_scoped3A_37, %add3A_36, %dma_start3A_56] : memref<2x2560x128xi32, #tpu.memory_space<hbm>> -> memref<1x40x128xi32, #tpu.memory_space<hbm>>
      %dma_start3A_58 = tpu.memref_squeeze %dma_start3A_57 : memref<1x40x128xi32, #tpu.memory_space<hbm>> -> memref<40x128xi32, #tpu.memory_space<hbm>>
      %dma_start3A_59 = arith.constant 0 : i32
      %dma_start3A_60 = tpu.memref_slice %arg3[%run_scoped3A_37, %add3A_36, %dma_start3A_59] : memref<2x2560x128xi32, #tpu.memory_space<hbm>> -> memref<1x40x128xi32, #tpu.memory_space<hbm>>
      %dma_start3A_61 = tpu.memref_squeeze %dma_start3A_60 : memref<1x40x128xi32, #tpu.memory_space<hbm>> -> memref<40x128xi32, #tpu.memory_space<hbm>>
      tpu.enqueue_dma source(%dma_start3A_61 : memref<40x128xi32, #tpu.memory_space<hbm>>) target(%arg5 : memref<40x128xi32, #tpu.memory_space<vmem>>) target_semaphore(%run_scoped3A_55 : memref<!tpu.dma_semaphore, #tpu.memory_space<semaphore_mem>>)
      %dma_wait3A = arith.constant 0 : i32
      %dma_wait3A_62 = tpu.memref_slice %arg3[%run_scoped3A_37, %add3A_36, %dma_wait3A] : memref<2x2560x128xi32, #tpu.memory_space<hbm>> -> memref<1x40x128xi32, #tpu.memory_space<hbm>>
      %dma_wait3A_63 = tpu.memref_squeeze %dma_wait3A_62 : memref<1x40x128xi32, #tpu.memory_space<hbm>> -> memref<40x128xi32, #tpu.memory_space<hbm>>
      %dma_wait3A_64 = arith.constant 0 : i32
      %dma_wait3A_65 = tpu.memref_slice %arg3[%run_scoped3A_37, %add3A_36, %dma_wait3A_64] : memref<2x2560x128xi32, #tpu.memory_space<hbm>> -> memref<1x40x128xi32, #tpu.memory_space<hbm>>
      %dma_wait3A_66 = tpu.memref_squeeze %dma_wait3A_65 : memref<1x40x128xi32, #tpu.memory_space<hbm>> -> memref<40x128xi32, #tpu.memory_space<hbm>>
      tpu.wait_dma2 semaphore(%run_scoped3A_55 : memref<!tpu.dma_semaphore, #tpu.memory_space<semaphore_mem>>) src(%dma_wait3A_66 : memref<40x128xi32, #tpu.memory_space<hbm>>) dst(%arg5 : memref<40x128xi32, #tpu.memory_space<vmem>>)
      tpu.yield
    }) : () -> ()
    %run_scoped3A_38 = arith.constant 1 : i32
    "tpu.region"() ({
      %run_scoped3A_55 = tpu.sem_alloc : memref<!tpu.dma_semaphore, #tpu.memory_space<semaphore_mem>>
      %dma_start3A_56 = arith.constant 0 : i32
      %dma_start3A_57 = tpu.memref_slice %arg3[%run_scoped3A_38, %add3A_36, %dma_start3A_56] : memref<2x2560x128xi32, #tpu.memory_space<hbm>> -> memref<1x40x128xi32, #tpu.memory_space<hbm>>
      %dma_start3A_58 = tpu.memref_squeeze %dma_start3A_57 : memref<1x40x128xi32, #tpu.memory_space<hbm>> -> memref<40x128xi32, #tpu.memory_space<hbm>>
      %dma_start3A_59 = arith.constant 0 : i32
      %dma_start3A_60 = tpu.memref_slice %arg3[%run_scoped3A_38, %add3A_36, %dma_start3A_59] : memref<2x2560x128xi32, #tpu.memory_space<hbm>> -> memref<1x40x128xi32, #tpu.memory_space<hbm>>
      %dma_start3A_61 = tpu.memref_squeeze %dma_start3A_60 : memref<1x40x128xi32, #tpu.memory_space<hbm>> -> memref<40x128xi32, #tpu.memory_space<hbm>>
      tpu.enqueue_dma source(%dma_start3A_61 : memref<40x128xi32, #tpu.memory_space<hbm>>) target(%arg6 : memref<40x128xi32, #tpu.memory_space<vmem>>) target_semaphore(%run_scoped3A_55 : memref<!tpu.dma_semaphore, #tpu.memory_space<semaphore_mem>>)
      %dma_wait3A = arith.constant 0 : i32
      %dma_wait3A_62 = tpu.memref_slice %arg3[%run_scoped3A_38, %add3A_36, %dma_wait3A] : memref<2x2560x128xi32, #tpu.memory_space<hbm>> -> memref<1x40x128xi32, #tpu.memory_space<hbm>>
      %dma_wait3A_63 = tpu.memref_squeeze %dma_wait3A_62 : memref<1x40x128xi32, #tpu.memory_space<hbm>> -> memref<40x128xi32, #tpu.memory_space<hbm>>
      %dma_wait3A_64 = arith.constant 0 : i32
      %dma_wait3A_65 = tpu.memref_slice %arg3[%run_scoped3A_38, %add3A_36, %dma_wait3A_64] : memref<2x2560x128xi32, #tpu.memory_space<hbm>> -> memref<1x40x128xi32, #tpu.memory_space<hbm>>
      %dma_wait3A_66 = tpu.memref_squeeze %dma_wait3A_65 : memref<1x40x128xi32, #tpu.memory_space<hbm>> -> memref<40x128xi32, #tpu.memory_space<hbm>>
      tpu.wait_dma2 semaphore(%run_scoped3A_55 : memref<!tpu.dma_semaphore, #tpu.memory_space<semaphore_mem>>) src(%dma_wait3A_66 : memref<40x128xi32, #tpu.memory_space<hbm>>) dst(%arg6 : memref<40x128xi32, #tpu.memory_space<vmem>>)
      tpu.yield
    }) : () -> ()
    %dma_start3A_39 = arith.constant 0 : i32
    %dma_start3A_40 = arith.constant 0 : i32
    %dma_start3A_41 = tpu.memref_slice %arg5[%dma_start3A_39, %dma_start3A_40] : memref<40x128xi32, #tpu.memory_space<vmem>> -> memref<1x128xi32, #tpu.memory_space<vmem>>
    %dma_start3A_42 = tpu.memref_squeeze %dma_start3A_41 : memref<1x128xi32, #tpu.memory_space<vmem>> -> memref<128xi32, #tpu.memory_space<vmem>>
    %dma_start3A_43 = arith.constant 0 : i32
    %dma_start3A_44 = arith.constant 0 : i32
    %dma_start3A_45 = tpu.memref_slice %arg2[%dma_start3A_43, %dma_start3A_44] : memref<10000x128xf32, #tpu.memory_space<hbm>> -> memref<10000x128xf32, #tpu.memory_space<hbm>>
    tpu.enqueue_indirect_dma source(%dma_start3A_45 : memref<10000x128xf32, #tpu.memory_space<hbm>>) target(%arg8 : memref<128x128xf32, #tpu.memory_space<vmem>>) offsets(%dma_start3A_42 : memref<128xi32, #tpu.memory_space<vmem>>) semaphore(%arg10 : memref<!tpu.dma_semaphore, #tpu.memory_space<semaphore_mem>>)
    %scan3A_46 = arith.constant 0 : i32
    %scan3A_47 = arith.constant 20 : i32
    %scan3A_48 = arith.addi %scan3A_46, %scan3A_47 : i32
    %scan3A_49 = arith.constant 1 : i32
    scf.for %scan3A_55 = %scan3A_46 to %scan3A_48 step %scan3A_49  : i32 {
      %mul3A_56 = arith.constant 2 : i32
      %mul3A_57 = arith.muli %scan3A_55, %mul3A_56 : i32
      %add3A_58 = arith.constant 0 : i32
      %add3A_59 = arith.addi %add3A_58, %mul3A_57 : i32
      %dma_wait3A = arith.constant 0 : i32
      %dma_wait3A_60 = tpu.memref_slice %arg5[%add3A_59, %dma_wait3A] : memref<40x128xi32, #tpu.memory_space<vmem>> -> memref<1x128xi32, #tpu.memory_space<vmem>>
      %dma_wait3A_61 = tpu.memref_squeeze %dma_wait3A_60 : memref<1x128xi32, #tpu.memory_space<vmem>> -> memref<128xi32, #tpu.memory_space<vmem>>
      %dma_wait3A_62 = arith.constant 0 : i32
      %dma_wait3A_63 = arith.constant 0 : i32
      %dma_wait3A_64 = tpu.memref_slice %arg2[%dma_wait3A_62, %dma_wait3A_63] : memref<10000x128xf32, #tpu.memory_space<hbm>> -> memref<10000x128xf32, #tpu.memory_space<hbm>>
      tpu.wait_indirect_dma semaphore(%arg10 : memref<!tpu.dma_semaphore, #tpu.memory_space<semaphore_mem>>) src(%dma_wait3A_64 : memref<10000x128xf32, #tpu.memory_space<hbm>>) dst(%arg8 : memref<128x128xf32, #tpu.memory_space<vmem>>)
      %add3A_65 = arith.constant 1 : i32
      %add3A_66 = arith.addi %add3A_59, %add3A_65 : i32
      %dma_start3A_67 = arith.constant 0 : i32
      %dma_start3A_68 = tpu.memref_slice %arg5[%add3A_66, %dma_start3A_67] : memref<40x128xi32, #tpu.memory_space<vmem>> -> memref<1x128xi32, #tpu.memory_space<vmem>>
      %dma_start3A_69 = tpu.memref_squeeze %dma_start3A_68 : memref<1x128xi32, #tpu.memory_space<vmem>> -> memref<128xi32, #tpu.memory_space<vmem>>
      %dma_start3A_70 = arith.constant 0 : i32
      %dma_start3A_71 = arith.constant 0 : i32
      %dma_start3A_72 = tpu.memref_slice %arg2[%dma_start3A_70, %dma_start3A_71] : memref<10000x128xf32, #tpu.memory_space<hbm>> -> memref<10000x128xf32, #tpu.memory_space<hbm>>
      tpu.enqueue_indirect_dma source(%dma_start3A_72 : memref<10000x128xf32, #tpu.memory_space<hbm>>) target(%arg9 : memref<128x128xf32, #tpu.memory_space<vmem>>) offsets(%dma_start3A_69 : memref<128xi32, #tpu.memory_space<vmem>>) semaphore(%arg11 : memref<!tpu.dma_semaphore, #tpu.memory_space<semaphore_mem>>)
      "tpu.region"() ({
        %run_scoped3A_87 = tpu.sem_alloc : memref<!tpu.dma_semaphore, #tpu.memory_space<semaphore_mem>>
        %dma_start3A_88 = arith.constant 0 : i32
        %dma_start3A_89 = tpu.memref_slice %arg6[%add3A_59, %dma_start3A_88] : memref<40x128xi32, #tpu.memory_space<vmem>> -> memref<1x128xi32, #tpu.memory_space<vmem>>
        %dma_start3A_90 = tpu.memref_squeeze %dma_start3A_89 : memref<1x128xi32, #tpu.memory_space<vmem>> -> memref<128xi32, #tpu.memory_space<vmem>>
        %dma_start3A_91 = arith.constant 0 : i32
        %dma_start3A_92 = arith.constant 0 : i32
        %dma_start3A_93 = tpu.memref_slice %arg7[%dma_start3A_91, %dma_start3A_92] : memref<10112x128xf32, #tpu.memory_space<vmem_shared>> -> memref<10112x128xf32, #tpu.memory_space<vmem_shared>>
        tpu.enqueue_indirect_dma source(%arg8 : memref<128x128xf32, #tpu.memory_space<vmem>>) target(%dma_start3A_93 : memref<10112x128xf32, #tpu.memory_space<vmem_shared>>) offsets(%dma_start3A_90 : memref<128xi32, #tpu.memory_space<vmem>>) semaphore(%run_scoped3A_87 : memref<!tpu.dma_semaphore, #tpu.memory_space<semaphore_mem>>) {add = true}
        %dma_wait3A_94 = arith.constant 0 : i32
        %dma_wait3A_95 = tpu.memref_slice %arg6[%add3A_59, %dma_wait3A_94] : memref<40x128xi32, #tpu.memory_space<vmem>> -> memref<1x128xi32, #tpu.memory_space<vmem>>
        %dma_wait3A_96 = tpu.memref_squeeze %dma_wait3A_95 : memref<1x128xi32, #tpu.memory_space<vmem>> -> memref<128xi32, #tpu.memory_space<vmem>>
        %dma_wait3A_97 = arith.constant 0 : i32
        %dma_wait3A_98 = arith.constant 0 : i32
        %dma_wait3A_99 = tpu.memref_slice %arg7[%dma_wait3A_97, %dma_wait3A_98] : memref<10112x128xf32, #tpu.memory_space<vmem_shared>> -> memref<10112x128xf32, #tpu.memory_space<vmem_shared>>
        tpu.wait_indirect_dma semaphore(%run_scoped3A_87 : memref<!tpu.dma_semaphore, #tpu.memory_space<semaphore_mem>>) src(%arg8 : memref<128x128xf32, #tpu.memory_space<vmem>>) dst(%dma_wait3A_99 : memref<10112x128xf32, #tpu.memory_space<vmem_shared>>)
        tpu.yield
      }) : () -> ()
      %add3A_73 = arith.constant 1 : i32
      %add3A_74 = arith.addi %add3A_59, %add3A_73 : i32
      %dma_wait3A_75 = arith.constant 0 : i32
      %dma_wait3A_76 = tpu.memref_slice %arg5[%add3A_74, %dma_wait3A_75] : memref<40x128xi32, #tpu.memory_space<vmem>> -> memref<1x128xi32, #tpu.memory_space<vmem>>
      %dma_wait3A_77 = tpu.memref_squeeze %dma_wait3A_76 : memref<1x128xi32, #tpu.memory_space<vmem>> -> memref<128xi32, #tpu.memory_space<vmem>>
      %dma_wait3A_78 = arith.constant 0 : i32
      %dma_wait3A_79 = arith.constant 0 : i32
      %dma_wait3A_80 = tpu.memref_slice %arg2[%dma_wait3A_78, %dma_wait3A_79] : memref<10000x128xf32, #tpu.memory_space<hbm>> -> memref<10000x128xf32, #tpu.memory_space<hbm>>
      tpu.wait_indirect_dma semaphore(%arg11 : memref<!tpu.dma_semaphore, #tpu.memory_space<semaphore_mem>>) src(%dma_wait3A_80 : memref<10000x128xf32, #tpu.memory_space<hbm>>) dst(%arg9 : memref<128x128xf32, #tpu.memory_space<vmem>>)
      %add3A_81 = arith.constant 2 : i32
      %add3A_82 = arith.addi %add3A_59, %add3A_81 : i32
      %lt3A = arith.constant 40 : i32
      %lt3A_83 = arith.cmpi slt, %add3A_82, %lt3A : i32
      %convert_element_type3A = arith.extui %lt3A_83 : i1 to i32
      %cond3A = arith.constant 0 : i32
      %cond3A_84 = arith.cmpi ne, %convert_element_type3A, %cond3A : i32
      scf.if %cond3A_84 {
        %add3A_87 = arith.constant 2 : i32
        %add3A_88 = arith.addi %add3A_59, %add3A_87 : i32
        %dma_start3A_89 = arith.constant 0 : i32
        %dma_start3A_90 = tpu.memref_slice %arg5[%add3A_88, %dma_start3A_89] : memref<40x128xi32, #tpu.memory_space<vmem>> -> memref<1x128xi32, #tpu.memory_space<vmem>>
        %dma_start3A_91 = tpu.memref_squeeze %dma_start3A_90 : memref<1x128xi32, #tpu.memory_space<vmem>> -> memref<128xi32, #tpu.memory_space<vmem>>
        %dma_start3A_92 = arith.constant 0 : i32
        %dma_start3A_93 = arith.constant 0 : i32
        %dma_start3A_94 = tpu.memref_slice %arg2[%dma_start3A_92, %dma_start3A_93] : memref<10000x128xf32, #tpu.memory_space<hbm>> -> memref<10000x128xf32, #tpu.memory_space<hbm>>
        tpu.enqueue_indirect_dma source(%dma_start3A_94 : memref<10000x128xf32, #tpu.memory_space<hbm>>) target(%arg8 : memref<128x128xf32, #tpu.memory_space<vmem>>) offsets(%dma_start3A_91 : memref<128xi32, #tpu.memory_space<vmem>>) semaphore(%arg10 : memref<!tpu.dma_semaphore, #tpu.memory_space<semaphore_mem>>)
      } else {
      }
      %add3A_85 = arith.constant 1 : i32
      %add3A_86 = arith.addi %add3A_59, %add3A_85 : i32
      "tpu.region"() ({
        %run_scoped3A_87 = tpu.sem_alloc : memref<!tpu.dma_semaphore, #tpu.memory_space<semaphore_mem>>
        %dma_start3A_88 = arith.constant 0 : i32
        %dma_start3A_89 = tpu.memref_slice %arg6[%add3A_86, %dma_start3A_88] : memref<40x128xi32, #tpu.memory_space<vmem>> -> memref<1x128xi32, #tpu.memory_space<vmem>>
        %dma_start3A_90 = tpu.memref_squeeze %dma_start3A_89 : memref<1x128xi32, #tpu.memory_space<vmem>> -> memref<128xi32, #tpu.memory_space<vmem>>
        %dma_start3A_91 = arith.constant 0 : i32
        %dma_start3A_92 = arith.constant 0 : i32
        %dma_start3A_93 = tpu.memref_slice %arg7[%dma_start3A_91, %dma_start3A_92] : memref<10112x128xf32, #tpu.memory_space<vmem_shared>> -> memref<10112x128xf32, #tpu.memory_space<vmem_shared>>
        tpu.enqueue_indirect_dma source(%arg9 : memref<128x128xf32, #tpu.memory_space<vmem>>) target(%dma_start3A_93 : memref<10112x128xf32, #tpu.memory_space<vmem_shared>>) offsets(%dma_start3A_90 : memref<128xi32, #tpu.memory_space<vmem>>) semaphore(%run_scoped3A_87 : memref<!tpu.dma_semaphore, #tpu.memory_space<semaphore_mem>>) {add = true}
        %dma_wait3A_94 = arith.constant 0 : i32
        %dma_wait3A_95 = tpu.memref_slice %arg6[%add3A_86, %dma_wait3A_94] : memref<40x128xi32, #tpu.memory_space<vmem>> -> memref<1x128xi32, #tpu.memory_space<vmem>>
        %dma_wait3A_96 = tpu.memref_squeeze %dma_wait3A_95 : memref<1x128xi32, #tpu.memory_space<vmem>> -> memref<128xi32, #tpu.memory_space<vmem>>
        %dma_wait3A_97 = arith.constant 0 : i32
        %dma_wait3A_98 = arith.constant 0 : i32
        %dma_wait3A_99 = tpu.memref_slice %arg7[%dma_wait3A_97, %dma_wait3A_98] : memref<10112x128xf32, #tpu.memory_space<vmem_shared>> -> memref<10112x128xf32, #tpu.memory_space<vmem_shared>>
        tpu.wait_indirect_dma semaphore(%run_scoped3A_87 : memref<!tpu.dma_semaphore, #tpu.memory_space<semaphore_mem>>) src(%arg9 : memref<128x128xf32, #tpu.memory_space<vmem>>) dst(%dma_wait3A_99 : memref<10112x128xf32, #tpu.memory_space<vmem_shared>>)
        tpu.yield
      }) : () -> ()
    }
    %scan3A_50 = arith.constant 20 : i32
    %barrier3A_51 = arith.constant 0 : index
    tpu.barrier barrier_id(%barrier3A_51)
    %mul3A_52 = arith.constant 10112 : i32
    %mul3A_53 = arith.muli %arg0, %mul3A_52 : i32
    %add3A_54 = arith.addi %mul3A_53, %mul3A_6 : i32
    %multiple_of3A = tpu.assume_multiple %add3A_54, 8 : i32
    "tpu.region"() ({
      %run_scoped3A_55 = tpu.sem_alloc : memref<!tpu.dma_semaphore, #tpu.memory_space<semaphore_mem>>
      %dma_start3A_56 = arith.constant 0 : i32
      %dma_start3A_57 = tpu.memref_slice %arg4[%multiple_of3A, %dma_start3A_56] : memref<20224x128xf32, #tpu.memory_space<hbm>> -> memref<632x128xf32, #tpu.memory_space<hbm>>
      %dma_start3A_58 = arith.constant 0 : i32
      %dma_start3A_59 = tpu.memref_slice %arg7[%mul3A_6, %dma_start3A_58] : memref<10112x128xf32, #tpu.memory_space<vmem_shared>> -> memref<632x128xf32, #tpu.memory_space<vmem_shared>>
      tpu.enqueue_dma source(%dma_start3A_59 : memref<632x128xf32, #tpu.memory_space<vmem_shared>>) target(%dma_start3A_57 : memref<632x128xf32, #tpu.memory_space<hbm>>) target_semaphore(%run_scoped3A_55 : memref<!tpu.dma_semaphore, #tpu.memory_space<semaphore_mem>>)
      %dma_wait3A = arith.constant 0 : i32
      %dma_wait3A_60 = tpu.memref_slice %arg4[%multiple_of3A, %dma_wait3A] : memref<20224x128xf32, #tpu.memory_space<hbm>> -> memref<632x128xf32, #tpu.memory_space<hbm>>
      %dma_wait3A_61 = arith.constant 0 : i32
      %dma_wait3A_62 = tpu.memref_slice %arg7[%mul3A_6, %dma_wait3A_61] : memref<10112x128xf32, #tpu.memory_space<vmem_shared>> -> memref<632x128xf32, #tpu.memory_space<vmem_shared>>
      tpu.wait_dma2 semaphore(%run_scoped3A_55 : memref<!tpu.dma_semaphore, #tpu.memory_space<semaphore_mem>>) src(%dma_wait3A_62 : memref<632x128xf32, #tpu.memory_space<vmem_shared>>) dst(%dma_wait3A_60 : memref<632x128xf32, #tpu.memory_space<hbm>>)
      tpu.yield
    }) : () -> ()
    return
  }
}

#map = affine_map<(d0, d1) -> (0, 0)>
#map1 = affine_map<(d0, d1) -> (0, 0, 0)>
module attributes {stable_mosaic.version = 14 : i64} {
  func.func @agg(%arg0: i32, %arg1: i32, %arg2: memref<10000x128xf32, #tpu.memory_space<hbm>>, %arg3: memref<2x2560x128xi32, #tpu.memory_space<hbm>>, %arg4: memref<20224x128xf32, #tpu.memory_space<hbm>>, %arg5: memref<40x128xi32, #tpu.memory_space<vmem>>, %arg6: memref<40x128xi32, #tpu.memory_space<vmem>>, %arg7: memref<10112x128xf32, #tpu.memory_space<vmem_shared>>, %arg8: memref<128x128xf32, #tpu.memory_space<vmem>>, %arg9: memref<128x128xf32, #tpu.memory_space<vmem>>, %arg10: memref<!tpu.dma_semaphore, #tpu.memory_space<semaphore_mem>>, %arg11: memref<!tpu.dma_semaphore, #tpu.memory_space<semaphore_mem>>) attributes {dimension_semantics = [#tpu.dimension_semantics<core_parallel>, #tpu.dimension_semantics<subcore_parallel>], iteration_bounds = array<i64: 2, 16>, scalar_prefetch = 0 : i64, scratch_operands = 7 : i64, tpu.core_type = #tpu.core_type<sc_vector_subcore>, window_params = [{transform_indices = #map}, {transform_indices = #map1}, {transform_indices = #map}]} {
    %mul3A = arith.constant 16 : i32
    %mul3A_0 = arith.muli %arg0, %mul3A : i32
    %add3A = arith.addi %mul3A_0, %arg1 : i32
    %scan3A = arith.constant 0 : i32
    %scan3A_1 = arith.constant 128 : i32
    %scan3A_2 = arith.addi %scan3A, %scan3A_1 : i32
    %scan3A_3 = arith.constant 1 : i32
    scf.for %scan3A_55 = %scan3A to %scan3A_2 step %scan3A_3  : i32 {
      %mul3A_56 = arith.constant 1 : i32
      %mul3A_57 = arith.muli %scan3A_55, %mul3A_56 : i32
      %add3A_58 = arith.constant 0 : i32
      %add3A_59 = arith.addi %add3A_58, %mul3A_57 : i32
      %scan3A_60 = arith.constant 0 : i32
      %scan3A_61 = arith.constant 8 : i32
      %scan3A_62 = arith.addi %scan3A_60, %scan3A_61 : i32
      %scan3A_63 = arith.constant 1 : i32
      scf.for %scan3A_65 = %scan3A_60 to %scan3A_62 step %scan3A_63  : i32 {
        %mul3A_66 = arith.constant 16 : i32
        %mul3A_67 = arith.muli %scan3A_65, %mul3A_66 : i32
        %add3A_68 = arith.constant 0 : i32
        %add3A_69 = arith.addi %add3A_68, %mul3A_67 : i32
        %broadcast_in_dim3A = arith.constant 0.000000e+00 : f32
        %broadcast_in_dim3A_70 = vector.broadcast %broadcast_in_dim3A : f32 to vector<16xf32>
        %swap3A = arith.index_cast %add3A_59 : i32 to index
        %swap3A_71 = arith.index_cast %add3A_69 : i32 to index
        %swap3A_72 = tpu.vector_load %arg8[%swap3A, %swap3A_71] {strides = array<i32>} : memref<128x128xf32, #tpu.memory_space<vmem>>, vector<1x16xf32>,
        %swap3A_73 = vector.shape_cast %swap3A_72 : vector<1x16xf32> to vector<16xf32>
        %swap3A_74 = vector.shape_cast %broadcast_in_dim3A_70 : vector<16xf32> to vector<1x16xf32>
        tpu.vector_store %arg8[%swap3A, %swap3A_71], %swap3A_74 {strides = array<i32>} : memref<128x128xf32, #tpu.memory_space<vmem>>, vector<1x16xf32>,
      }
      %scan3A_64 = arith.constant 8 : i32
    }
    %scan3A_4 = arith.constant 128 : i32
    %mul3A_5 = arith.constant 632 : i32
    %mul3A_6 = arith.muli %arg1, %mul3A_5 : i32
    %add3A_7 = arith.constant 0 : i32
    %add3A_8 = arith.addi %mul3A_6, %add3A_7 : i32
    "tpu.region"() ({
      %run_scoped3A_55 = tpu.sem_alloc : memref<!tpu.dma_semaphore, #tpu.memory_space<semaphore_mem>>
      %dma_start3A_56 = arith.constant 0 : i32
      %dma_start3A_57 = tpu.memref_slice %arg7[%add3A_8, %dma_start3A_56] : memref<10112x128xf32, #tpu.memory_space<vmem_shared>> -> memref<128x128xf32, #tpu.memory_space<vmem_shared>>
      %dma_start3A_58 = arith.constant 0 : i32
      %dma_start3A_59 = tpu.memref_slice %arg7[%add3A_8, %dma_start3A_58] : memref<10112x128xf32, #tpu.memory_space<vmem_shared>> -> memref<128x128xf32, #tpu.memory_space<vmem_shared>>
      tpu.enqueue_dma source(%arg8 : memref<128x128xf32, #tpu.memory_space<vmem>>) target(%dma_start3A_59 : memref<128x128xf32, #tpu.memory_space<vmem_shared>>) target_semaphore(%run_scoped3A_55 : memref<!tpu.dma_semaphore, #tpu.memory_space<semaphore_mem>>)
      %dma_wait3A = arith.constant 0 : i32
      %dma_wait3A_60 = tpu.memref_slice %arg7[%add3A_8, %dma_wait3A] : memref<10112x128xf32, #tpu.memory_space<vmem_shared>> -> memref<128x128xf32, #tpu.memory_space<vmem_shared>>
      %dma_wait3A_61 = arith.constant 0 : i32
      %dma_wait3A_62 = tpu.memref_slice %arg7[%add3A_8, %dma_wait3A_61] : memref<10112x128xf32, #tpu.memory_space<vmem_shared>> -> memref<128x128xf32, #tpu.memory_space<vmem_shared>>
      tpu.wait_dma2 semaphore(%run_scoped3A_55 : memref<!tpu.dma_semaphore, #tpu.memory_space<semaphore_mem>>) src(%arg8 : memref<128x128xf32, #tpu.memory_space<vmem>>) dst(%dma_wait3A_62 : memref<128x128xf32, #tpu.memory_space<vmem_shared>>)
      tpu.yield
    }) : () -> ()
    %add3A_9 = arith.constant 128 : i32
    %add3A_10 = arith.addi %mul3A_6, %add3A_9 : i32
    "tpu.region"() ({
      %run_scoped3A_55 = tpu.sem_alloc : memref<!tpu.dma_semaphore, #tpu.memory_space<semaphore_mem>>
      %dma_start3A_56 = arith.constant 0 : i32
      %dma_start3A_57 = tpu.memref_slice %arg7[%add3A_10, %dma_start3A_56] : memref<10112x128xf32, #tpu.memory_space<vmem_shared>> -> memref<128x128xf32, #tpu.memory_space<vmem_shared>>
      %dma_start3A_58 = arith.constant 0 : i32
      %dma_start3A_59 = tpu.memref_slice %arg7[%add3A_10, %dma_start3A_58] : memref<10112x128xf32, #tpu.memory_space<vmem_shared>> -> memref<128x128xf32, #tpu.memory_space<vmem_shared>>
      tpu.enqueue_dma source(%arg8 : memref<128x128xf32, #tpu.memory_space<vmem>>) target(%dma_start3A_59 : memref<128x128xf32, #tpu.memory_space<vmem_shared>>) target_semaphore(%run_scoped3A_55 : memref<!tpu.dma_semaphore, #tpu.memory_space<semaphore_mem>>)
      %dma_wait3A = arith.constant 0 : i32
      %dma_wait3A_60 = tpu.memref_slice %arg7[%add3A_10, %dma_wait3A] : memref<10112x128xf32, #tpu.memory_space<vmem_shared>> -> memref<128x128xf32, #tpu.memory_space<vmem_shared>>
      %dma_wait3A_61 = arith.constant 0 : i32
      %dma_wait3A_62 = tpu.memref_slice %arg7[%add3A_10, %dma_wait3A_61] : memref<10112x128xf32, #tpu.memory_space<vmem_shared>> -> memref<128x128xf32, #tpu.memory_space<vmem_shared>>
      tpu.wait_dma2 semaphore(%run_scoped3A_55 : memref<!tpu.dma_semaphore, #tpu.memory_space<semaphore_mem>>) src(%arg8 : memref<128x128xf32, #tpu.memory_space<vmem>>) dst(%dma_wait3A_62 : memref<128x128xf32, #tpu.memory_space<vmem_shared>>)
      tpu.yield
    }) : () -> ()
    %add3A_11 = arith.constant 256 : i32
    %add3A_12 = arith.addi %mul3A_6, %add3A_11 : i32
    "tpu.region"() ({
      %run_scoped3A_55 = tpu.sem_alloc : memref<!tpu.dma_semaphore, #tpu.memory_space<semaphore_mem>>
      %dma_start3A_56 = arith.constant 0 : i32
      %dma_start3A_57 = tpu.memref_slice %arg7[%add3A_12, %dma_start3A_56] : memref<10112x128xf32, #tpu.memory_space<vmem_shared>> -> memref<128x128xf32, #tpu.memory_space<vmem_shared>>
      %dma_start3A_58 = arith.constant 0 : i32
      %dma_start3A_59 = tpu.memref_slice %arg7[%add3A_12, %dma_start3A_58] : memref<10112x128xf32, #tpu.memory_space<vmem_shared>> -> memref<128x128xf32, #tpu.memory_space<vmem_shared>>
      tpu.enqueue_dma source(%arg8 : memref<128x128xf32, #tpu.memory_space<vmem>>) target(%dma_start3A_59 : memref<128x128xf32, #tpu.memory_space<vmem_shared>>) target_semaphore(%run_scoped3A_55 : memref<!tpu.dma_semaphore, #tpu.memory_space<semaphore_mem>>)
      %dma_wait3A = arith.constant 0 : i32
      %dma_wait3A_60 = tpu.memref_slice %arg7[%add3A_12, %dma_wait3A] : memref<10112x128xf32, #tpu.memory_space<vmem_shared>> -> memref<128x128xf32, #tpu.memory_space<vmem_shared>>
      %dma_wait3A_61 = arith.constant 0 : i32
      %dma_wait3A_62 = tpu.memref_slice %arg7[%add3A_12, %dma_wait3A_61] : memref<10112x128xf32, #tpu.memory_space<vmem_shared>> -> memref<128x128xf32, #tpu.memory_space<vmem_shared>>
      tpu.wait_dma2 semaphore(%run_scoped3A_55 : memref<!tpu.dma_semaphore, #tpu.memory_space<semaphore_mem>>) src(%arg8 : memref<128x128xf32, #tpu.memory_space<vmem>>) dst(%dma_wait3A_62 : memref<128x128xf32, #tpu.memory_space<vmem_shared>>)
      tpu.yield
    }) : () -> ()
    %add3A_13 = arith.constant 384 : i32
    %add3A_14 = arith.addi %mul3A_6, %add3A_13 : i32
    "tpu.region"() ({
      %run_scoped3A_55 = tpu.sem_alloc : memref<!tpu.dma_semaphore, #tpu.memory_space<semaphore_mem>>
      %dma_start3A_56 = arith.constant 0 : i32
      %dma_start3A_57 = tpu.memref_slice %arg7[%add3A_14, %dma_start3A_56] : memref<10112x128xf32, #tpu.memory_space<vmem_shared>> -> memref<128x128xf32, #tpu.memory_space<vmem_shared>>
      %dma_start3A_58 = arith.constant 0 : i32
      %dma_start3A_59 = tpu.memref_slice %arg7[%add3A_14, %dma_start3A_58] : memref<10112x128xf32, #tpu.memory_space<vmem_shared>> -> memref<128x128xf32, #tpu.memory_space<vmem_shared>>
      tpu.enqueue_dma source(%arg8 : memref<128x128xf32, #tpu.memory_space<vmem>>) target(%dma_start3A_59 : memref<128x128xf32, #tpu.memory_space<vmem_shared>>) target_semaphore(%run_scoped3A_55 : memref<!tpu.dma_semaphore, #tpu.memory_space<semaphore_mem>>)
      %dma_wait3A = arith.constant 0 : i32
      %dma_wait3A_60 = tpu.memref_slice %arg7[%add3A_14, %dma_wait3A] : memref<10112x128xf32, #tpu.memory_space<vmem_shared>> -> memref<128x128xf32, #tpu.memory_space<vmem_shared>>
      %dma_wait3A_61 = arith.constant 0 : i32
      %dma_wait3A_62 = tpu.memref_slice %arg7[%add3A_14, %dma_wait3A_61] : memref<10112x128xf32, #tpu.memory_space<vmem_shared>> -> memref<128x128xf32, #tpu.memory_space<vmem_shared>>
      tpu.wait_dma2 semaphore(%run_scoped3A_55 : memref<!tpu.dma_semaphore, #tpu.memory_space<semaphore_mem>>) src(%arg8 : memref<128x128xf32, #tpu.memory_space<vmem>>) dst(%dma_wait3A_62 : memref<128x128xf32, #tpu.memory_space<vmem_shared>>)
      tpu.yield
    }) : () -> ()
    %add3A_15 = arith.constant 512 : i32
    %add3A_16 = arith.addi %mul3A_6, %add3A_15 : i32
    "tpu.region"() ({
      %run_scoped3A_55 = tpu.sem_alloc : memref<!tpu.dma_semaphore, #tpu.memory_space<semaphore_mem>>
      %dma_start3A_56 = arith.constant 0 : i32
      %dma_start3A_57 = arith.constant 0 : i32
      %dma_start3A_58 = tpu.memref_slice %arg8[%dma_start3A_56, %dma_start3A_57] : memref<128x128xf32, #tpu.memory_space<vmem>> -> memref<120x128xf32, #tpu.memory_space<vmem>>
      %dma_start3A_59 = arith.constant 0 : i32
      %dma_start3A_60 = tpu.memref_slice %arg7[%add3A_16, %dma_start3A_59] : memref<10112x128xf32, #tpu.memory_space<vmem_shared>> -> memref<120x128xf32, #tpu.memory_space<vmem_shared>>
      %dma_start3A_61 = arith.constant 0 : i32
      %dma_start3A_62 = tpu.memref_slice %arg7[%add3A_16, %dma_start3A_61] : memref<10112x128xf32, #tpu.memory_space<vmem_shared>> -> memref<120x128xf32, #tpu.memory_space<vmem_shared>>
      %dma_start3A_63 = arith.constant 0 : i32
      %dma_start3A_64 = arith.constant 0 : i32
      %dma_start3A_65 = tpu.memref_slice %arg8[%dma_start3A_63, %dma_start3A_64] : memref<128x128xf32, #tpu.memory_space<vmem>> -> memref<120x128xf32, #tpu.memory_space<vmem>>
      tpu.enqueue_dma source(%dma_start3A_65 : memref<120x128xf32, #tpu.memory_space<vmem>>) target(%dma_start3A_62 : memref<120x128xf32, #tpu.memory_space<vmem_shared>>) target_semaphore(%run_scoped3A_55 : memref<!tpu.dma_semaphore, #tpu.memory_space<semaphore_mem>>)
      %dma_wait3A = arith.constant 0 : i32
      %dma_wait3A_66 = arith.constant 0 : i32
      %dma_wait3A_67 = tpu.memref_slice %arg8[%dma_wait3A, %dma_wait3A_66] : memref<128x128xf32, #tpu.memory_space<vmem>> -> memref<120x128xf32, #tpu.memory_space<vmem>>
      %dma_wait3A_68 = arith.constant 0 : i32
      %dma_wait3A_69 = tpu.memref_slice %arg7[%add3A_16, %dma_wait3A_68] : memref<10112x128xf32, #tpu.memory_space<vmem_shared>> -> memref<120x128xf32, #tpu.memory_space<vmem_shared>>
      %dma_wait3A_70 = arith.constant 0 : i32
      %dma_wait3A_71 = tpu.memref_slice %arg7[%add3A_16, %dma_wait3A_70] : memref<10112x128xf32, #tpu.memory_space<vmem_shared>> -> memref<120x128xf32, #tpu.memory_space<vmem_shared>>
      %dma_wait3A_72 = arith.constant 0 : i32
      %dma_wait3A_73 = arith.constant 0 : i32
      %dma_wait3A_74 = tpu.memref_slice %arg8[%dma_wait3A_72, %dma_wait3A_73] : memref<128x128xf32, #tpu.memory_space<vmem>> -> memref<120x128xf32, #tpu.memory_space<vmem>>
      tpu.wait_dma2 semaphore(%run_scoped3A_55 : memref<!tpu.dma_semaphore, #tpu.memory_space<semaphore_mem>>) src(%dma_wait3A_74 : memref<120x128xf32, #tpu.memory_space<vmem>>) dst(%dma_wait3A_71 : memref<120x128xf32, #tpu.memory_space<vmem_shared>>)
      tpu.yield
    }) : () -> ()
    %barrier3A = arith.constant 0 : index
    tpu.barrier barrier_id(%barrier3A)
    %mul3A_17 = arith.constant 80 : i32
    %mul3A_18 = arith.muli %add3A, %mul3A_17 : i32
    %add3A_19 = arith.constant 0 : i32
    %add3A_20 = arith.addi %mul3A_18, %add3A_19 : i32
    %run_scoped3A = arith.constant 0 : i32
    "tpu.region"() ({
      %run_scoped3A_55 = tpu.sem_alloc : memref<!tpu.dma_semaphore, #tpu.memory_space<semaphore_mem>>
      %dma_start3A_56 = arith.constant 0 : i32
      %dma_start3A_57 = tpu.memref_slice %arg3[%run_scoped3A, %add3A_20, %dma_start3A_56] : memref<2x2560x128xi32, #tpu.memory_space<hbm>> -> memref<1x40x128xi32, #tpu.memory_space<hbm>>
      %dma_start3A_58 = tpu.memref_squeeze %dma_start3A_57 : memref<1x40x128xi32, #tpu.memory_space<hbm>> -> memref<40x128xi32, #tpu.memory_space<hbm>>
      %dma_start3A_59 = arith.constant 0 : i32
      %dma_start3A_60 = tpu.memref_slice %arg3[%run_scoped3A, %add3A_20, %dma_start3A_59] : memref<2x2560x128xi32, #tpu.memory_space<hbm>> -> memref<1x40x128xi32, #tpu.memory_space<hbm>>
      %dma_start3A_61 = tpu.memref_squeeze %dma_start3A_60 : memref<1x40x128xi32, #tpu.memory_space<hbm>> -> memref<40x128xi32, #tpu.memory_space<hbm>>
      tpu.enqueue_dma source(%dma_start3A_61 : memref<40x128xi32, #tpu.memory_space<hbm>>) target(%arg5 : memref<40x128xi32, #tpu.memory_space<vmem>>) target_semaphore(%run_scoped3A_55 : memref<!tpu.dma_semaphore, #tpu.memory_space<semaphore_mem>>)
      %dma_wait3A = arith.constant 0 : i32
      %dma_wait3A_62 = tpu.memref_slice %arg3[%run_scoped3A, %add3A_20, %dma_wait3A] : memref<2x2560x128xi32, #tpu.memory_space<hbm>> -> memref<1x40x128xi32, #tpu.memory_space<hbm>>
      %dma_wait3A_63 = tpu.memref_squeeze %dma_wait3A_62 : memref<1x40x128xi32, #tpu.memory_space<hbm>> -> memref<40x128xi32, #tpu.memory_space<hbm>>
      %dma_wait3A_64 = arith.constant 0 : i32
      %dma_wait3A_65 = tpu.memref_slice %arg3[%run_scoped3A, %add3A_20, %dma_wait3A_64] : memref<2x2560x128xi32, #tpu.memory_space<hbm>> -> memref<1x40x128xi32, #tpu.memory_space<hbm>>
      %dma_wait3A_66 = tpu.memref_squeeze %dma_wait3A_65 : memref<1x40x128xi32, #tpu.memory_space<hbm>> -> memref<40x128xi32, #tpu.memory_space<hbm>>
      tpu.wait_dma2 semaphore(%run_scoped3A_55 : memref<!tpu.dma_semaphore, #tpu.memory_space<semaphore_mem>>) src(%dma_wait3A_66 : memref<40x128xi32, #tpu.memory_space<hbm>>) dst(%arg5 : memref<40x128xi32, #tpu.memory_space<vmem>>)
      tpu.yield
    }) : () -> ()
    %run_scoped3A_21 = arith.constant 1 : i32
    "tpu.region"() ({
      %run_scoped3A_55 = tpu.sem_alloc : memref<!tpu.dma_semaphore, #tpu.memory_space<semaphore_mem>>
      %dma_start3A_56 = arith.constant 0 : i32
      %dma_start3A_57 = tpu.memref_slice %arg3[%run_scoped3A_21, %add3A_20, %dma_start3A_56] : memref<2x2560x128xi32, #tpu.memory_space<hbm>> -> memref<1x40x128xi32, #tpu.memory_space<hbm>>
      %dma_start3A_58 = tpu.memref_squeeze %dma_start3A_57 : memref<1x40x128xi32, #tpu.memory_space<hbm>> -> memref<40x128xi32, #tpu.memory_space<hbm>>
      %dma_start3A_59 = arith.constant 0 : i32
      %dma_start3A_60 = tpu.memref_slice %arg3[%run_scoped3A_21, %add3A_20, %dma_start3A_59] : memref<2x2560x128xi32, #tpu.memory_space<hbm>> -> memref<1x40x128xi32, #tpu.memory_space<hbm>>
      %dma_start3A_61 = tpu.memref_squeeze %dma_start3A_60 : memref<1x40x128xi32, #tpu.memory_space<hbm>> -> memref<40x128xi32, #tpu.memory_space<hbm>>
      tpu.enqueue_dma source(%dma_start3A_61 : memref<40x128xi32, #tpu.memory_space<hbm>>) target(%arg6 : memref<40x128xi32, #tpu.memory_space<vmem>>) target_semaphore(%run_scoped3A_55 : memref<!tpu.dma_semaphore, #tpu.memory_space<semaphore_mem>>)
      %dma_wait3A = arith.constant 0 : i32
      %dma_wait3A_62 = tpu.memref_slice %arg3[%run_scoped3A_21, %add3A_20, %dma_wait3A] : memref<2x2560x128xi32, #tpu.memory_space<hbm>> -> memref<1x40x128xi32, #tpu.memory_space<hbm>>
      %dma_wait3A_63 = tpu.memref_squeeze %dma_wait3A_62 : memref<1x40x128xi32, #tpu.memory_space<hbm>> -> memref<40x128xi32, #tpu.memory_space<hbm>>
      %dma_wait3A_64 = arith.constant 0 : i32
      %dma_wait3A_65 = tpu.memref_slice %arg3[%run_scoped3A_21, %add3A_20, %dma_wait3A_64] : memref<2x2560x128xi32, #tpu.memory_space<hbm>> -> memref<1x40x128xi32, #tpu.memory_space<hbm>>
      %dma_wait3A_66 = tpu.memref_squeeze %dma_wait3A_65 : memref<1x40x128xi32, #tpu.memory_space<hbm>> -> memref<40x128xi32, #tpu.memory_space<hbm>>
      tpu.wait_dma2 semaphore(%run_scoped3A_55 : memref<!tpu.dma_semaphore, #tpu.memory_space<semaphore_mem>>) src(%dma_wait3A_66 : memref<40x128xi32, #tpu.memory_space<hbm>>) dst(%arg6 : memref<40x128xi32, #tpu.memory_space<vmem>>)
      tpu.yield
    }) : () -> ()
    %dma_start3A = arith.constant 0 : i32
    %dma_start3A_22 = arith.constant 0 : i32
    %dma_start3A_23 = tpu.memref_slice %arg5[%dma_start3A, %dma_start3A_22] : memref<40x128xi32, #tpu.memory_space<vmem>> -> memref<1x128xi32, #tpu.memory_space<vmem>>
    %dma_start3A_24 = tpu.memref_squeeze %dma_start3A_23 : memref<1x128xi32, #tpu.memory_space<vmem>> -> memref<128xi32, #tpu.memory_space<vmem>>
    %dma_start3A_25 = arith.constant 0 : i32
    %dma_start3A_26 = arith.constant 0 : i32
    %dma_start3A_27 = tpu.memref_slice %arg2[%dma_start3A_25, %dma_start3A_26] : memref<10000x128xf32, #tpu.memory_space<hbm>> -> memref<10000x128xf32, #tpu.memory_space<hbm>>
    tpu.enqueue_indirect_dma source(%dma_start3A_27 : memref<10000x128xf32, #tpu.memory_space<hbm>>) target(%arg8 : memref<128x128xf32, #tpu.memory_space<vmem>>) offsets(%dma_start3A_24 : memref<128xi32, #tpu.memory_space<vmem>>) semaphore(%arg10 : memref<!tpu.dma_semaphore, #tpu.memory_space<semaphore_mem>>)
    %scan3A_28 = arith.constant 0 : i32
    %scan3A_29 = arith.constant 20 : i32
    %scan3A_30 = arith.addi %scan3A_28, %scan3A_29 : i32
    %scan3A_31 = arith.constant 1 : i32
    scf.for %scan3A_55 = %scan3A_28 to %scan3A_30 step %scan3A_31  : i32 {
      %mul3A_56 = arith.constant 2 : i32
      %mul3A_57 = arith.muli %scan3A_55, %mul3A_56 : i32
      %add3A_58 = arith.constant 0 : i32
      %add3A_59 = arith.addi %add3A_58, %mul3A_57 : i32
      %dma_wait3A = arith.constant 0 : i32
      %dma_wait3A_60 = tpu.memref_slice %arg5[%add3A_59, %dma_wait3A] : memref<40x128xi32, #tpu.memory_space<vmem>> -> memref<1x128xi32, #tpu.memory_space<vmem>>
      %dma_wait3A_61 = tpu.memref_squeeze %dma_wait3A_60 : memref<1x128xi32, #tpu.memory_space<vmem>> -> memref<128xi32, #tpu.memory_space<vmem>>
      %dma_wait3A_62 = arith.constant 0 : i32
      %dma_wait3A_63 = arith.constant 0 : i32
      %dma_wait3A_64 = tpu.memref_slice %arg2[%dma_wait3A_62, %dma_wait3A_63] : memref<10000x128xf32, #tpu.memory_space<hbm>> -> memref<10000x128xf32, #tpu.memory_space<hbm>>
      tpu.wait_indirect_dma semaphore(%arg10 : memref<!tpu.dma_semaphore, #tpu.memory_space<semaphore_mem>>) src(%dma_wait3A_64 : memref<10000x128xf32, #tpu.memory_space<hbm>>) dst(%arg8 : memref<128x128xf32, #tpu.memory_space<vmem>>)
      %add3A_65 = arith.constant 1 : i32
      %add3A_66 = arith.addi %add3A_59, %add3A_65 : i32
      %dma_start3A_67 = arith.constant 0 : i32
      %dma_start3A_68 = tpu.memref_slice %arg5[%add3A_66, %dma_start3A_67] : memref<40x128xi32, #tpu.memory_space<vmem>> -> memref<1x128xi32, #tpu.memory_space<vmem>>
      %dma_start3A_69 = tpu.memref_squeeze %dma_start3A_68 : memref<1x128xi32, #tpu.memory_space<vmem>> -> memref<128xi32, #tpu.memory_space<vmem>>
      %dma_start3A_70 = arith.constant 0 : i32
      %dma_start3A_71 = arith.constant 0 : i32
      %dma_start3A_72 = tpu.memref_slice %arg2[%dma_start3A_70, %dma_start3A_71] : memref<10000x128xf32, #tpu.memory_space<hbm>> -> memref<10000x128xf32, #tpu.memory_space<hbm>>
      tpu.enqueue_indirect_dma source(%dma_start3A_72 : memref<10000x128xf32, #tpu.memory_space<hbm>>) target(%arg9 : memref<128x128xf32, #tpu.memory_space<vmem>>) offsets(%dma_start3A_69 : memref<128xi32, #tpu.memory_space<vmem>>) semaphore(%arg11 : memref<!tpu.dma_semaphore, #tpu.memory_space<semaphore_mem>>)
      "tpu.region"() ({
        %run_scoped3A_87 = tpu.sem_alloc : memref<!tpu.dma_semaphore, #tpu.memory_space<semaphore_mem>>
        %dma_start3A_88 = arith.constant 0 : i32
        %dma_start3A_89 = tpu.memref_slice %arg6[%add3A_59, %dma_start3A_88] : memref<40x128xi32, #tpu.memory_space<vmem>> -> memref<1x128xi32, #tpu.memory_space<vmem>>
        %dma_start3A_90 = tpu.memref_squeeze %dma_start3A_89 : memref<1x128xi32, #tpu.memory_space<vmem>> -> memref<128xi32, #tpu.memory_space<vmem>>
        %dma_start3A_91 = arith.constant 0 : i32
        %dma_start3A_92 = arith.constant 0 : i32
        %dma_start3A_93 = tpu.memref_slice %arg7[%dma_start3A_91, %dma_start3A_92] : memref<10112x128xf32, #tpu.memory_space<vmem_shared>> -> memref<10112x128xf32, #tpu.memory_space<vmem_shared>>
        tpu.enqueue_indirect_dma source(%arg8 : memref<128x128xf32, #tpu.memory_space<vmem>>) target(%dma_start3A_93 : memref<10112x128xf32, #tpu.memory_space<vmem_shared>>) offsets(%dma_start3A_90 : memref<128xi32, #tpu.memory_space<vmem>>) semaphore(%run_scoped3A_87 : memref<!tpu.dma_semaphore, #tpu.memory_space<semaphore_mem>>) {add = true}
        %dma_wait3A_94 = arith.constant 0 : i32
        %dma_wait3A_95 = tpu.memref_slice %arg6[%add3A_59, %dma_wait3A_94] : memref<40x128xi32, #tpu.memory_space<vmem>> -> memref<1x128xi32, #tpu.memory_space<vmem>>
        %dma_wait3A_96 = tpu.memref_squeeze %dma_wait3A_95 : memref<1x128xi32, #tpu.memory_space<vmem>> -> memref<128xi32, #tpu.memory_space<vmem>>
        %dma_wait3A_97 = arith.constant 0 : i32
        %dma_wait3A_98 = arith.constant 0 : i32
        %dma_wait3A_99 = tpu.memref_slice %arg7[%dma_wait3A_97, %dma_wait3A_98] : memref<10112x128xf32, #tpu.memory_space<vmem_shared>> -> memref<10112x128xf32, #tpu.memory_space<vmem_shared>>
        tpu.wait_indirect_dma semaphore(%run_scoped3A_87 : memref<!tpu.dma_semaphore, #tpu.memory_space<semaphore_mem>>) src(%arg8 : memref<128x128xf32, #tpu.memory_space<vmem>>) dst(%dma_wait3A_99 : memref<10112x128xf32, #tpu.memory_space<vmem_shared>>)
        tpu.yield
      }) : () -> ()
      %add3A_73 = arith.constant 1 : i32
      %add3A_74 = arith.addi %add3A_59, %add3A_73 : i32
      %dma_wait3A_75 = arith.constant 0 : i32
      %dma_wait3A_76 = tpu.memref_slice %arg5[%add3A_74, %dma_wait3A_75] : memref<40x128xi32, #tpu.memory_space<vmem>> -> memref<1x128xi32, #tpu.memory_space<vmem>>
      %dma_wait3A_77 = tpu.memref_squeeze %dma_wait3A_76 : memref<1x128xi32, #tpu.memory_space<vmem>> -> memref<128xi32, #tpu.memory_space<vmem>>
      %dma_wait3A_78 = arith.constant 0 : i32
      %dma_wait3A_79 = arith.constant 0 : i32
      %dma_wait3A_80 = tpu.memref_slice %arg2[%dma_wait3A_78, %dma_wait3A_79] : memref<10000x128xf32, #tpu.memory_space<hbm>> -> memref<10000x128xf32, #tpu.memory_space<hbm>>
      tpu.wait_indirect_dma semaphore(%arg11 : memref<!tpu.dma_semaphore, #tpu.memory_space<semaphore_mem>>) src(%dma_wait3A_80 : memref<10000x128xf32, #tpu.memory_space<hbm>>) dst(%arg9 : memref<128x128xf32, #tpu.memory_space<vmem>>)
      %add3A_81 = arith.constant 2 : i32
      %add3A_82 = arith.addi %add3A_59, %add3A_81 : i32
      %lt3A = arith.constant 40 : i32
      %lt3A_83 = arith.cmpi slt, %add3A_82, %lt3A : i32
      %convert_element_type3A = arith.extui %lt3A_83 : i1 to i32
      %cond3A = arith.constant 0 : i32
      %cond3A_84 = arith.cmpi ne, %convert_element_type3A, %cond3A : i32
      scf.if %cond3A_84 {
        %add3A_87 = arith.constant 2 : i32
        %add3A_88 = arith.addi %add3A_59, %add3A_87 : i32
        %dma_start3A_89 = arith.constant 0 : i32
        %dma_start3A_90 = tpu.memref_slice %arg5[%add3A_88, %dma_start3A_89] : memref<40x128xi32, #tpu.memory_space<vmem>> -> memref<1x128xi32, #tpu.memory_space<vmem>>
        %dma_start3A_91 = tpu.memref_squeeze %dma_start3A_90 : memref<1x128xi32, #tpu.memory_space<vmem>> -> memref<128xi32, #tpu.memory_space<vmem>>
        %dma_start3A_92 = arith.constant 0 : i32
        %dma_start3A_93 = arith.constant 0 : i32
        %dma_start3A_94 = tpu.memref_slice %arg2[%dma_start3A_92, %dma_start3A_93] : memref<10000x128xf32, #tpu.memory_space<hbm>> -> memref<10000x128xf32, #tpu.memory_space<hbm>>
        tpu.enqueue_indirect_dma source(%dma_start3A_94 : memref<10000x128xf32, #tpu.memory_space<hbm>>) target(%arg8 : memref<128x128xf32, #tpu.memory_space<vmem>>) offsets(%dma_start3A_91 : memref<128xi32, #tpu.memory_space<vmem>>) semaphore(%arg10 : memref<!tpu.dma_semaphore, #tpu.memory_space<semaphore_mem>>)
      } else {
      }
      %add3A_85 = arith.constant 1 : i32
      %add3A_86 = arith.addi %add3A_59, %add3A_85 : i32
      "tpu.region"() ({
        %run_scoped3A_87 = tpu.sem_alloc : memref<!tpu.dma_semaphore, #tpu.memory_space<semaphore_mem>>
        %dma_start3A_88 = arith.constant 0 : i32
        %dma_start3A_89 = tpu.memref_slice %arg6[%add3A_86, %dma_start3A_88] : memref<40x128xi32, #tpu.memory_space<vmem>> -> memref<1x128xi32, #tpu.memory_space<vmem>>
        %dma_start3A_90 = tpu.memref_squeeze %dma_start3A_89 : memref<1x128xi32, #tpu.memory_space<vmem>> -> memref<128xi32, #tpu.memory_space<vmem>>
        %dma_start3A_91 = arith.constant 0 : i32
        %dma_start3A_92 = arith.constant 0 : i32
        %dma_start3A_93 = tpu.memref_slice %arg7[%dma_start3A_91, %dma_start3A_92] : memref<10112x128xf32, #tpu.memory_space<vmem_shared>> -> memref<10112x128xf32, #tpu.memory_space<vmem_shared>>
        tpu.enqueue_indirect_dma source(%arg9 : memref<128x128xf32, #tpu.memory_space<vmem>>) target(%dma_start3A_93 : memref<10112x128xf32, #tpu.memory_space<vmem_shared>>) offsets(%dma_start3A_90 : memref<128xi32, #tpu.memory_space<vmem>>) semaphore(%run_scoped3A_87 : memref<!tpu.dma_semaphore, #tpu.memory_space<semaphore_mem>>) {add = true}
        %dma_wait3A_94 = arith.constant 0 : i32
        %dma_wait3A_95 = tpu.memref_slice %arg6[%add3A_86, %dma_wait3A_94] : memref<40x128xi32, #tpu.memory_space<vmem>> -> memref<1x128xi32, #tpu.memory_space<vmem>>
        %dma_wait3A_96 = tpu.memref_squeeze %dma_wait3A_95 : memref<1x128xi32, #tpu.memory_space<vmem>> -> memref<128xi32, #tpu.memory_space<vmem>>
        %dma_wait3A_97 = arith.constant 0 : i32
        %dma_wait3A_98 = arith.constant 0 : i32
        %dma_wait3A_99 = tpu.memref_slice %arg7[%dma_wait3A_97, %dma_wait3A_98] : memref<10112x128xf32, #tpu.memory_space<vmem_shared>> -> memref<10112x128xf32, #tpu.memory_space<vmem_shared>>
        tpu.wait_indirect_dma semaphore(%run_scoped3A_87 : memref<!tpu.dma_semaphore, #tpu.memory_space<semaphore_mem>>) src(%arg9 : memref<128x128xf32, #tpu.memory_space<vmem>>) dst(%dma_wait3A_99 : memref<10112x128xf32, #tpu.memory_space<vmem_shared>>)
        tpu.yield
      }) : () -> ()
    }
    %scan3A_32 = arith.constant 20 : i32
    %mul3A_33 = arith.constant 80 : i32
    %mul3A_34 = arith.muli %add3A, %mul3A_33 : i32
    %add3A_35 = arith.constant 40 : i32
    %add3A_36 = arith.addi %mul3A_34, %add3A_35 : i32
    %run_scoped3A_37 = arith.constant 0 : i32
    "tpu.region"() ({
      %run_scoped3A_55 = tpu.sem_alloc : memref<!tpu.dma_semaphore, #tpu.memory_space<semaphore_mem>>
      %dma_start3A_56 = arith.constant 0 : i32
      %dma_start3A_57 = tpu.memref_slice %arg3[%run_scoped3A_37, %add3A_36, %dma_start3A_56] : memref<2x2560x128xi32, #tpu.memory_space<hbm>> -> memref<1x40x128xi32, #tpu.memory_space<hbm>>
      %dma_start3A_58 = tpu.memref_squeeze %dma_start3A_57 : memref<1x40x128xi32, #tpu.memory_space<hbm>> -> memref<40x128xi32, #tpu.memory_space<hbm>>
      %dma_start3A_59 = arith.constant 0 : i32
      %dma_start3A_60 = tpu.memref_slice %arg3[%run_scoped3A_37, %add3A_36, %dma_start3A_59] : memref<2x2560x128xi32, #tpu.memory_space<hbm>> -> memref<1x40x128xi32, #tpu.memory_space<hbm>>
      %dma_start3A_61 = tpu.memref_squeeze %dma_start3A_60 : memref<1x40x128xi32, #tpu.memory_space<hbm>> -> memref<40x128xi32, #tpu.memory_space<hbm>>
      tpu.enqueue_dma source(%dma_start3A_61 : memref<40x128xi32, #tpu.memory_space<hbm>>) target(%arg5 : memref<40x128xi32, #tpu.memory_space<vmem>>) target_semaphore(%run_scoped3A_55 : memref<!tpu.dma_semaphore, #tpu.memory_space<semaphore_mem>>)
      %dma_wait3A = arith.constant 0 : i32
      %dma_wait3A_62 = tpu.memref_slice %arg3[%run_scoped3A_37, %add3A_36, %dma_wait3A] : memref<2x2560x128xi32, #tpu.memory_space<hbm>> -> memref<1x40x128xi32, #tpu.memory_space<hbm>>
      %dma_wait3A_63 = tpu.memref_squeeze %dma_wait3A_62 : memref<1x40x128xi32, #tpu.memory_space<hbm>> -> memref<40x128xi32, #tpu.memory_space<hbm>>
      %dma_wait3A_64 = arith.constant 0 : i32
      %dma_wait3A_65 = tpu.memref_slice %arg3[%run_scoped3A_37, %add3A_36, %dma_wait3A_64] : memref<2x2560x128xi32, #tpu.memory_space<hbm>> -> memref<1x40x128xi32, #tpu.memory_space<hbm>>
      %dma_wait3A_66 = tpu.memref_squeeze %dma_wait3A_65 : memref<1x40x128xi32, #tpu.memory_space<hbm>> -> memref<40x128xi32, #tpu.memory_space<hbm>>
      tpu.wait_dma2 semaphore(%run_scoped3A_55 : memref<!tpu.dma_semaphore, #tpu.memory_space<semaphore_mem>>) src(%dma_wait3A_66 : memref<40x128xi32, #tpu.memory_space<hbm>>) dst(%arg5 : memref<40x128xi32, #tpu.memory_space<vmem>>)
      tpu.yield
    }) : () -> ()
    %run_scoped3A_38 = arith.constant 1 : i32
    "tpu.region"() ({
      %run_scoped3A_55 = tpu.sem_alloc : memref<!tpu.dma_semaphore, #tpu.memory_space<semaphore_mem>>
      %dma_start3A_56 = arith.constant 0 : i32
      %dma_start3A_57 = tpu.memref_slice %arg3[%run_scoped3A_38, %add3A_36, %dma_start3A_56] : memref<2x2560x128xi32, #tpu.memory_space<hbm>> -> memref<1x40x128xi32, #tpu.memory_space<hbm>>
      %dma_start3A_58 = tpu.memref_squeeze %dma_start3A_57 : memref<1x40x128xi32, #tpu.memory_space<hbm>> -> memref<40x128xi32, #tpu.memory_space<hbm>>
      %dma_start3A_59 = arith.constant 0 : i32
      %dma_start3A_60 = tpu.memref_slice %arg3[%run_scoped3A_38, %add3A_36, %dma_start3A_59] : memref<2x2560x128xi32, #tpu.memory_space<hbm>> -> memref<1x40x128xi32, #tpu.memory_space<hbm>>
      %dma_start3A_61 = tpu.memref_squeeze %dma_start3A_60 : memref<1x40x128xi32, #tpu.memory_space<hbm>> -> memref<40x128xi32, #tpu.memory_space<hbm>>
      tpu.enqueue_dma source(%dma_start3A_61 : memref<40x128xi32, #tpu.memory_space<hbm>>) target(%arg6 : memref<40x128xi32, #tpu.memory_space<vmem>>) target_semaphore(%run_scoped3A_55 : memref<!tpu.dma_semaphore, #tpu.memory_space<semaphore_mem>>)
      %dma_wait3A = arith.constant 0 : i32
      %dma_wait3A_62 = tpu.memref_slice %arg3[%run_scoped3A_38, %add3A_36, %dma_wait3A] : memref<2x2560x128xi32, #tpu.memory_space<hbm>> -> memref<1x40x128xi32, #tpu.memory_space<hbm>>
      %dma_wait3A_63 = tpu.memref_squeeze %dma_wait3A_62 : memref<1x40x128xi32, #tpu.memory_space<hbm>> -> memref<40x128xi32, #tpu.memory_space<hbm>>
      %dma_wait3A_64 = arith.constant 0 : i32
      %dma_wait3A_65 = tpu.memref_slice %arg3[%run_scoped3A_38, %add3A_36, %dma_wait3A_64] : memref<2x2560x128xi32, #tpu.memory_space<hbm>> -> memref<1x40x128xi32, #tpu.memory_space<hbm>>
      %dma_wait3A_66 = tpu.memref_squeeze %dma_wait3A_65 : memref<1x40x128xi32, #tpu.memory_space<hbm>> -> memref<40x128xi32, #tpu.memory_space<hbm>>
      tpu.wait_dma2 semaphore(%run_scoped3A_55 : memref<!tpu.dma_semaphore, #tpu.memory_space<semaphore_mem>>) src(%dma_wait3A_66 : memref<40x128xi32, #tpu.memory_space<hbm>>) dst(%arg6 : memref<40x128xi32, #tpu.memory_space<vmem>>)
      tpu.yield
    }) : () -> ()
    %dma_start3A_39 = arith.constant 0 : i32
    %dma_start3A_40 = arith.constant 0 : i32
    %dma_start3A_41 = tpu.memref_slice %arg5[%dma_start3A_39, %dma_start3A_40] : memref<40x128xi32, #tpu.memory_space<vmem>> -> memref<1x128xi32, #tpu.memory_space<vmem>>
    %dma_start3A_42 = tpu.memref_squeeze %dma_start3A_41 : memref<1x128xi32, #tpu.memory_space<vmem>> -> memref<128xi32, #tpu.memory_space<vmem>>
    %dma_start3A_43 = arith.constant 0 : i32
    %dma_start3A_44 = arith.constant 0 : i32
    %dma_start3A_45 = tpu.memref_slice %arg2[%dma_start3A_43, %dma_start3A_44] : memref<10000x128xf32, #tpu.memory_space<hbm>> -> memref<10000x128xf32, #tpu.memory_space<hbm>>
    tpu.enqueue_indirect_dma source(%dma_start3A_45 : memref<10000x128xf32, #tpu.memory_space<hbm>>) target(%arg8 : memref<128x128xf32, #tpu.memory_space<vmem>>) offsets(%dma_start3A_42 : memref<128xi32, #tpu.memory_space<vmem>>) semaphore(%arg10 : memref<!tpu.dma_semaphore, #tpu.memory_space<semaphore_mem>>)
    %scan3A_46 = arith.constant 0 : i32
    %scan3A_47 = arith.constant 20 : i32
    %scan3A_48 = arith.addi %scan3A_46, %scan3A_47 : i32
    %scan3A_49 = arith.constant 1 : i32
    scf.for %scan3A_55 = %scan3A_46 to %scan3A_48 step %scan3A_49  : i32 {
      %mul3A_56 = arith.constant 2 : i32
      %mul3A_57 = arith.muli %scan3A_55, %mul3A_56 : i32
      %add3A_58 = arith.constant 0 : i32
      %add3A_59 = arith.addi %add3A_58, %mul3A_57 : i32
      %dma_wait3A = arith.constant 0 : i32
      %dma_wait3A_60 = tpu.memref_slice %arg5[%add3A_59, %dma_wait3A] : memref<40x128xi32, #tpu.memory_space<vmem>> -> memref<1x128xi32, #tpu.memory_space<vmem>>
      %dma_wait3A_61 = tpu.memref_squeeze %dma_wait3A_60 : memref<1x128xi32, #tpu.memory_space<vmem>> -> memref<128xi32, #tpu.memory_space<vmem>>
      %dma_wait3A_62 = arith.constant 0 : i32
      %dma_wait3A_63 = arith.constant 0 : i32
      %dma_wait3A_64 = tpu.memref_slice %arg2[%dma_wait3A_62, %dma_wait3A_63] : memref<10000x128xf32, #tpu.memory_space<hbm>> -> memref<10000x128xf32, #tpu.memory_space<hbm>>
      tpu.wait_indirect_dma semaphore(%arg10 : memref<!tpu.dma_semaphore, #tpu.memory_space<semaphore_mem>>) src(%dma_wait3A_64 : memref<10000x128xf32, #tpu.memory_space<hbm>>) dst(%arg8 : memref<128x128xf32, #tpu.memory_space<vmem>>)
      %add3A_65 = arith.constant 1 : i32
      %add3A_66 = arith.addi %add3A_59, %add3A_65 : i32
      %dma_start3A_67 = arith.constant 0 : i32
      %dma_start3A_68 = tpu.memref_slice %arg5[%add3A_66, %dma_start3A_67] : memref<40x128xi32, #tpu.memory_space<vmem>> -> memref<1x128xi32, #tpu.memory_space<vmem>>
      %dma_start3A_69 = tpu.memref_squeeze %dma_start3A_68 : memref<1x128xi32, #tpu.memory_space<vmem>> -> memref<128xi32, #tpu.memory_space<vmem>>
      %dma_start3A_70 = arith.constant 0 : i32
      %dma_start3A_71 = arith.constant 0 : i32
      %dma_start3A_72 = tpu.memref_slice %arg2[%dma_start3A_70, %dma_start3A_71] : memref<10000x128xf32, #tpu.memory_space<hbm>> -> memref<10000x128xf32, #tpu.memory_space<hbm>>
      tpu.enqueue_indirect_dma source(%dma_start3A_72 : memref<10000x128xf32, #tpu.memory_space<hbm>>) target(%arg9 : memref<128x128xf32, #tpu.memory_space<vmem>>) offsets(%dma_start3A_69 : memref<128xi32, #tpu.memory_space<vmem>>) semaphore(%arg11 : memref<!tpu.dma_semaphore, #tpu.memory_space<semaphore_mem>>)
      "tpu.region"() ({
        %run_scoped3A_87 = tpu.sem_alloc : memref<!tpu.dma_semaphore, #tpu.memory_space<semaphore_mem>>
        %dma_start3A_88 = arith.constant 0 : i32
        %dma_start3A_89 = tpu.memref_slice %arg6[%add3A_59, %dma_start3A_88] : memref<40x128xi32, #tpu.memory_space<vmem>> -> memref<1x128xi32, #tpu.memory_space<vmem>>
        %dma_start3A_90 = tpu.memref_squeeze %dma_start3A_89 : memref<1x128xi32, #tpu.memory_space<vmem>> -> memref<128xi32, #tpu.memory_space<vmem>>
        %dma_start3A_91 = arith.constant 0 : i32
        %dma_start3A_92 = arith.constant 0 : i32
        %dma_start3A_93 = tpu.memref_slice %arg7[%dma_start3A_91, %dma_start3A_92] : memref<10112x128xf32, #tpu.memory_space<vmem_shared>> -> memref<10112x128xf32, #tpu.memory_space<vmem_shared>>
        tpu.enqueue_indirect_dma source(%arg8 : memref<128x128xf32, #tpu.memory_space<vmem>>) target(%dma_start3A_93 : memref<10112x128xf32, #tpu.memory_space<vmem_shared>>) offsets(%dma_start3A_90 : memref<128xi32, #tpu.memory_space<vmem>>) semaphore(%run_scoped3A_87 : memref<!tpu.dma_semaphore, #tpu.memory_space<semaphore_mem>>) {add = true}
        %dma_wait3A_94 = arith.constant 0 : i32
        %dma_wait3A_95 = tpu.memref_slice %arg6[%add3A_59, %dma_wait3A_94] : memref<40x128xi32, #tpu.memory_space<vmem>> -> memref<1x128xi32, #tpu.memory_space<vmem>>
        %dma_wait3A_96 = tpu.memref_squeeze %dma_wait3A_95 : memref<1x128xi32, #tpu.memory_space<vmem>> -> memref<128xi32, #tpu.memory_space<vmem>>
        %dma_wait3A_97 = arith.constant 0 : i32
        %dma_wait3A_98 = arith.constant 0 : i32
        %dma_wait3A_99 = tpu.memref_slice %arg7[%dma_wait3A_97, %dma_wait3A_98] : memref<10112x128xf32, #tpu.memory_space<vmem_shared>> -> memref<10112x128xf32, #tpu.memory_space<vmem_shared>>
        tpu.wait_indirect_dma semaphore(%run_scoped3A_87 : memref<!tpu.dma_semaphore, #tpu.memory_space<semaphore_mem>>) src(%arg8 : memref<128x128xf32, #tpu.memory_space<vmem>>) dst(%dma_wait3A_99 : memref<10112x128xf32, #tpu.memory_space<vmem_shared>>)
        tpu.yield
      }) : () -> ()
      %add3A_73 = arith.constant 1 : i32
      %add3A_74 = arith.addi %add3A_59, %add3A_73 : i32
      %dma_wait3A_75 = arith.constant 0 : i32
      %dma_wait3A_76 = tpu.memref_slice %arg5[%add3A_74, %dma_wait3A_75] : memref<40x128xi32, #tpu.memory_space<vmem>> -> memref<1x128xi32, #tpu.memory_space<vmem>>
      %dma_wait3A_77 = tpu.memref_squeeze %dma_wait3A_76 : memref<1x128xi32, #tpu.memory_space<vmem>> -> memref<128xi32, #tpu.memory_space<vmem>>
      %dma_wait3A_78 = arith.constant 0 : i32
      %dma_wait3A_79 = arith.constant 0 : i32
      %dma_wait3A_80 = tpu.memref_slice %arg2[%dma_wait3A_78, %dma_wait3A_79] : memref<10000x128xf32, #tpu.memory_space<hbm>> -> memref<10000x128xf32, #tpu.memory_space<hbm>>
      tpu.wait_indirect_dma semaphore(%arg11 : memref<!tpu.dma_semaphore, #tpu.memory_space<semaphore_mem>>) src(%dma_wait3A_80 : memref<10000x128xf32, #tpu.memory_space<hbm>>) dst(%arg9 : memref<128x128xf32, #tpu.memory_space<vmem>>)
      %add3A_81 = arith.constant 2 : i32
      %add3A_82 = arith.addi %add3A_59, %add3A_81 : i32
      %lt3A = arith.constant 40 : i32
      %lt3A_83 = arith.cmpi slt, %add3A_82, %lt3A : i32
      %convert_element_type3A = arith.extui %lt3A_83 : i1 to i32
      %cond3A = arith.constant 0 : i32
      %cond3A_84 = arith.cmpi ne, %convert_element_type3A, %cond3A : i32
      scf.if %cond3A_84 {
        %add3A_87 = arith.constant 2 : i32
        %add3A_88 = arith.addi %add3A_59, %add3A_87 : i32
        %dma_start3A_89 = arith.constant 0 : i32
        %dma_start3A_90 = tpu.memref_slice %arg5[%add3A_88, %dma_start3A_89] : memref<40x128xi32, #tpu.memory_space<vmem>> -> memref<1x128xi32, #tpu.memory_space<vmem>>
        %dma_start3A_91 = tpu.memref_squeeze %dma_start3A_90 : memref<1x128xi32, #tpu.memory_space<vmem>> -> memref<128xi32, #tpu.memory_space<vmem>>
        %dma_start3A_92 = arith.constant 0 : i32
        %dma_start3A_93 = arith.constant 0 : i32
        %dma_start3A_94 = tpu.memref_slice %arg2[%dma_start3A_92, %dma_start3A_93] : memref<10000x128xf32, #tpu.memory_space<hbm>> -> memref<10000x128xf32, #tpu.memory_space<hbm>>
        tpu.enqueue_indirect_dma source(%dma_start3A_94 : memref<10000x128xf32, #tpu.memory_space<hbm>>) target(%arg8 : memref<128x128xf32, #tpu.memory_space<vmem>>) offsets(%dma_start3A_91 : memref<128xi32, #tpu.memory_space<vmem>>) semaphore(%arg10 : memref<!tpu.dma_semaphore, #tpu.memory_space<semaphore_mem>>)
      } else {
      }
      %add3A_85 = arith.constant 1 : i32
      %add3A_86 = arith.addi %add3A_59, %add3A_85 : i32
      "tpu.region"() ({
        %run_scoped3A_87 = tpu.sem_alloc : memref<!tpu.dma_semaphore, #tpu.memory_space<semaphore_mem>>
        %dma_start3A_88 = arith.constant 0 : i32
        %dma_start3A_89 = tpu.memref_slice %arg6[%add3A_86, %dma_start3A_88] : memref<40x128xi32, #tpu.memory_space<vmem>> -> memref<1x128xi32, #tpu.memory_space<vmem>>
        %dma_start3A_90 = tpu.memref_squeeze %dma_start3A_89 : memref<1x128xi32, #tpu.memory_space<vmem>> -> memref<128xi32, #tpu.memory_space<vmem>>
        %dma_start3A_91 = arith.constant 0 : i32
        %dma_start3A_92 = arith.constant 0 : i32
        %dma_start3A_93 = tpu.memref_slice %arg7[%dma_start3A_91, %dma_start3A_92] : memref<10112x128xf32, #tpu.memory_space<vmem_shared>> -> memref<10112x128xf32, #tpu.memory_space<vmem_shared>>
        tpu.enqueue_indirect_dma source(%arg9 : memref<128x128xf32, #tpu.memory_space<vmem>>) target(%dma_start3A_93 : memref<10112x128xf32, #tpu.memory_space<vmem_shared>>) offsets(%dma_start3A_90 : memref<128xi32, #tpu.memory_space<vmem>>) semaphore(%run_scoped3A_87 : memref<!tpu.dma_semaphore, #tpu.memory_space<semaphore_mem>>) {add = true}
        %dma_wait3A_94 = arith.constant 0 : i32
        %dma_wait3A_95 = tpu.memref_slice %arg6[%add3A_86, %dma_wait3A_94] : memref<40x128xi32, #tpu.memory_space<vmem>> -> memref<1x128xi32, #tpu.memory_space<vmem>>
        %dma_wait3A_96 = tpu.memref_squeeze %dma_wait3A_95 : memref<1x128xi32, #tpu.memory_space<vmem>> -> memref<128xi32, #tpu.memory_space<vmem>>
        %dma_wait3A_97 = arith.constant 0 : i32
        %dma_wait3A_98 = arith.constant 0 : i32
        %dma_wait3A_99 = tpu.memref_slice %arg7[%dma_wait3A_97, %dma_wait3A_98] : memref<10112x128xf32, #tpu.memory_space<vmem_shared>> -> memref<10112x128xf32, #tpu.memory_space<vmem_shared>>
        tpu.wait_indirect_dma semaphore(%run_scoped3A_87 : memref<!tpu.dma_semaphore, #tpu.memory_space<semaphore_mem>>) src(%arg9 : memref<128x128xf32, #tpu.memory_space<vmem>>) dst(%dma_wait3A_99 : memref<10112x128xf32, #tpu.memory_space<vmem_shared>>)
        tpu.yield
      }) : () -> ()
    }
    %scan3A_50 = arith.constant 20 : i32
    %barrier3A_51 = arith.constant 0 : index
    tpu.barrier barrier_id(%barrier3A_51)
    %mul3A_52 = arith.constant 10112 : i32
    %mul3A_53 = arith.muli %arg0, %mul3A_52 : i32
    %add3A_54 = arith.addi %mul3A_53, %mul3A_6 : i32
    %multiple_of3A = tpu.assume_multiple %add3A_54, 8 : i32
    "tpu.region"() ({
      %run_scoped3A_55 = tpu.sem_alloc : memref<!tpu.dma_semaphore, #tpu.memory_space<semaphore_mem>>
      %dma_start3A_56 = arith.constant 0 : i32
      %dma_start3A_57 = tpu.memref_slice %arg4[%multiple_of3A, %dma_start3A_56] : memref<20224x128xf32, #tpu.memory_space<hbm>> -> memref<632x128xf32, #tpu.memory_space<hbm>>
      %dma_start3A_58 = arith.constant 0 : i32
      %dma_start3A_59 = tpu.memref_slice %arg7[%mul3A_6, %dma_start3A_58] : memref<10112x128xf32, #tpu.memory_space<vmem_shared>> -> memref<632x128xf32, #tpu.memory_space<vmem_shared>>
      tpu.enqueue_dma source(%dma_start3A_59 : memref<632x128xf32, #tpu.memory_space<vmem_shared>>) target(%dma_start3A_57 : memref<632x128xf32, #tpu.memory_space<hbm>>) target_semaphore(%run_scoped3A_55 : memref<!tpu.dma_semaphore, #tpu.memory_space<semaphore_mem>>)
      %dma_wait3A = arith.constant 0 : i32
      %dma_wait3A_60 = tpu.memref_slice %arg4[%multiple_of3A, %dma_wait3A] : memref<20224x128xf32, #tpu.memory_space<hbm>> -> memref<632x128xf32, #tpu.memory_space<hbm>>
      %dma_wait3A_61 = arith.constant 0 : i32
      %dma_wait3A_62 = tpu.memref_slice %arg7[%mul3A_6, %dma_wait3A_61] : memref<10112x128xf32, #tpu.memory_space<vmem_shared>> -> memref<632x128xf32, #tpu.memory_space<vmem_shared>>
      tpu.wait_dma2 semaphore(%run_scoped3A_55 : memref<!tpu.dma_semaphore, #tpu.memory_space<semaphore_mem>>) src(%dma_wait3A_62 : memref<632x128xf32, #tpu.memory_space<vmem_shared>>) dst(%dma_wait3A_60 : memref<632x128xf32, #tpu.memory_space<hbm>>)
      tpu.yield
    }) : () -> ()
    return
  }
}

#map = affine_map<(d0, d1) -> (0, 0)>
#map1 = affine_map<(d0, d1) -> (0, 0, 0)>
module attributes {stable_mosaic.version = 14 : i64} {
  func.func @agg(%arg0: i32, %arg1: i32, %arg2: memref<10000x128xf32, #tpu.memory_space<hbm>>, %arg3: memref<2x2560x128xi32, #tpu.memory_space<hbm>>, %arg4: memref<20224x128xf32, #tpu.memory_space<hbm>>, %arg5: memref<40x128xi32, #tpu.memory_space<vmem>>, %arg6: memref<40x128xi32, #tpu.memory_space<vmem>>, %arg7: memref<10112x128xf32, #tpu.memory_space<vmem_shared>>, %arg8: memref<128x128xf32, #tpu.memory_space<vmem>>, %arg9: memref<128x128xf32, #tpu.memory_space<vmem>>, %arg10: memref<!tpu.dma_semaphore, #tpu.memory_space<semaphore_mem>>, %arg11: memref<!tpu.dma_semaphore, #tpu.memory_space<semaphore_mem>>) attributes {dimension_semantics = [#tpu.dimension_semantics<core_parallel>, #tpu.dimension_semantics<subcore_parallel>], iteration_bounds = array<i64: 2, 16>, scalar_prefetch = 0 : i64, scratch_operands = 7 : i64, tpu.core_type = #tpu.core_type<sc_vector_subcore>, window_params = [{transform_indices = #map}, {transform_indices = #map1}, {transform_indices = #map}]} {
    %mul3A = arith.constant 16 : i32
    %mul3A_0 = arith.muli %arg0, %mul3A : i32
    %add3A = arith.addi %mul3A_0, %arg1 : i32
    %scan3A = arith.constant 0 : i32
    %scan3A_1 = arith.constant 128 : i32
    %scan3A_2 = arith.addi %scan3A, %scan3A_1 : i32
    %scan3A_3 = arith.constant 1 : i32
    scf.for %scan3A_55 = %scan3A to %scan3A_2 step %scan3A_3  : i32 {
      %mul3A_56 = arith.constant 1 : i32
      %mul3A_57 = arith.muli %scan3A_55, %mul3A_56 : i32
      %add3A_58 = arith.constant 0 : i32
      %add3A_59 = arith.addi %add3A_58, %mul3A_57 : i32
      %scan3A_60 = arith.constant 0 : i32
      %scan3A_61 = arith.constant 8 : i32
      %scan3A_62 = arith.addi %scan3A_60, %scan3A_61 : i32
      %scan3A_63 = arith.constant 1 : i32
      scf.for %scan3A_65 = %scan3A_60 to %scan3A_62 step %scan3A_63  : i32 {
        %mul3A_66 = arith.constant 16 : i32
        %mul3A_67 = arith.muli %scan3A_65, %mul3A_66 : i32
        %add3A_68 = arith.constant 0 : i32
        %add3A_69 = arith.addi %add3A_68, %mul3A_67 : i32
        %broadcast_in_dim3A = arith.constant 0.000000e+00 : f32
        %broadcast_in_dim3A_70 = vector.broadcast %broadcast_in_dim3A : f32 to vector<16xf32>
        %swap3A = arith.index_cast %add3A_59 : i32 to index
        %swap3A_71 = arith.index_cast %add3A_69 : i32 to index
        %swap3A_72 = tpu.vector_load %arg8[%swap3A, %swap3A_71] {strides = array<i32>} : memref<128x128xf32, #tpu.memory_space<vmem>>, vector<1x16xf32>,
        %swap3A_73 = vector.shape_cast %swap3A_72 : vector<1x16xf32> to vector<16xf32>
        %swap3A_74 = vector.shape_cast %broadcast_in_dim3A_70 : vector<16xf32> to vector<1x16xf32>
        tpu.vector_store %arg8[%swap3A, %swap3A_71], %swap3A_74 {strides = array<i32>} : memref<128x128xf32, #tpu.memory_space<vmem>>, vector<1x16xf32>,
      }
      %scan3A_64 = arith.constant 8 : i32
    }
    %scan3A_4 = arith.constant 128 : i32
    %mul3A_5 = arith.constant 632 : i32
    %mul3A_6 = arith.muli %arg1, %mul3A_5 : i32
    %add3A_7 = arith.constant 0 : i32
    %add3A_8 = arith.addi %mul3A_6, %add3A_7 : i32
    "tpu.region"() ({
      %run_scoped3A_55 = tpu.sem_alloc : memref<!tpu.dma_semaphore, #tpu.memory_space<semaphore_mem>>
      %dma_start3A_56 = arith.constant 0 : i32
      %dma_start3A_57 = tpu.memref_slice %arg7[%add3A_8, %dma_start3A_56] : memref<10112x128xf32, #tpu.memory_space<vmem_shared>> -> memref<128x128xf32, #tpu.memory_space<vmem_shared>>
      %dma_start3A_58 = arith.constant 0 : i32
      %dma_start3A_59 = tpu.memref_slice %arg7[%add3A_8, %dma_start3A_58] : memref<10112x128xf32, #tpu.memory_space<vmem_shared>> -> memref<128x128xf32, #tpu.memory_space<vmem_shared>>
      tpu.enqueue_dma source(%arg8 : memref<128x128xf32, #tpu.memory_space<vmem>>) target(%dma_start3A_59 : memref<128x128xf32, #tpu.memory_space<vmem_shared>>) target_semaphore(%run_scoped3A_55 : memref<!tpu.dma_semaphore, #tpu.memory_space<semaphore_mem>>)
      %dma_wait3A = arith.constant 0 : i32
      %dma_wait3A_60 = tpu.memref_slice %arg7[%add3A_8, %dma_wait3A] : memref<10112x128xf32, #tpu.memory_space<vmem_shared>> -> memref<128x128xf32, #tpu.memory_space<vmem_shared>>
      %dma_wait3A_61 = arith.constant 0 : i32
      %dma_wait3A_62 = tpu.memref_slice %arg7[%add3A_8, %dma_wait3A_61] : memref<10112x128xf32, #tpu.memory_space<vmem_shared>> -> memref<128x128xf32, #tpu.memory_space<vmem_shared>>
      tpu.wait_dma2 semaphore(%run_scoped3A_55 : memref<!tpu.dma_semaphore, #tpu.memory_space<semaphore_mem>>) src(%arg8 : memref<128x128xf32, #tpu.memory_space<vmem>>) dst(%dma_wait3A_62 : memref<128x128xf32, #tpu.memory_space<vmem_shared>>)
      tpu.yield
    }) : () -> ()
    %add3A_9 = arith.constant 128 : i32
    %add3A_10 = arith.addi %mul3A_6, %add3A_9 : i32
    "tpu.region"() ({
      %run_scoped3A_55 = tpu.sem_alloc : memref<!tpu.dma_semaphore, #tpu.memory_space<semaphore_mem>>
      %dma_start3A_56 = arith.constant 0 : i32
      %dma_start3A_57 = tpu.memref_slice %arg7[%add3A_10, %dma_start3A_56] : memref<10112x128xf32, #tpu.memory_space<vmem_shared>> -> memref<128x128xf32, #tpu.memory_space<vmem_shared>>
      %dma_start3A_58 = arith.constant 0 : i32
      %dma_start3A_59 = tpu.memref_slice %arg7[%add3A_10, %dma_start3A_58] : memref<10112x128xf32, #tpu.memory_space<vmem_shared>> -> memref<128x128xf32, #tpu.memory_space<vmem_shared>>
      tpu.enqueue_dma source(%arg8 : memref<128x128xf32, #tpu.memory_space<vmem>>) target(%dma_start3A_59 : memref<128x128xf32, #tpu.memory_space<vmem_shared>>) target_semaphore(%run_scoped3A_55 : memref<!tpu.dma_semaphore, #tpu.memory_space<semaphore_mem>>)
      %dma_wait3A = arith.constant 0 : i32
      %dma_wait3A_60 = tpu.memref_slice %arg7[%add3A_10, %dma_wait3A] : memref<10112x128xf32, #tpu.memory_space<vmem_shared>> -> memref<128x128xf32, #tpu.memory_space<vmem_shared>>
      %dma_wait3A_61 = arith.constant 0 : i32
      %dma_wait3A_62 = tpu.memref_slice %arg7[%add3A_10, %dma_wait3A_61] : memref<10112x128xf32, #tpu.memory_space<vmem_shared>> -> memref<128x128xf32, #tpu.memory_space<vmem_shared>>
      tpu.wait_dma2 semaphore(%run_scoped3A_55 : memref<!tpu.dma_semaphore, #tpu.memory_space<semaphore_mem>>) src(%arg8 : memref<128x128xf32, #tpu.memory_space<vmem>>) dst(%dma_wait3A_62 : memref<128x128xf32, #tpu.memory_space<vmem_shared>>)
      tpu.yield
    }) : () -> ()
    %add3A_11 = arith.constant 256 : i32
    %add3A_12 = arith.addi %mul3A_6, %add3A_11 : i32
    "tpu.region"() ({
      %run_scoped3A_55 = tpu.sem_alloc : memref<!tpu.dma_semaphore, #tpu.memory_space<semaphore_mem>>
      %dma_start3A_56 = arith.constant 0 : i32
      %dma_start3A_57 = tpu.memref_slice %arg7[%add3A_12, %dma_start3A_56] : memref<10112x128xf32, #tpu.memory_space<vmem_shared>> -> memref<128x128xf32, #tpu.memory_space<vmem_shared>>
      %dma_start3A_58 = arith.constant 0 : i32
      %dma_start3A_59 = tpu.memref_slice %arg7[%add3A_12, %dma_start3A_58] : memref<10112x128xf32, #tpu.memory_space<vmem_shared>> -> memref<128x128xf32, #tpu.memory_space<vmem_shared>>
      tpu.enqueue_dma source(%arg8 : memref<128x128xf32, #tpu.memory_space<vmem>>) target(%dma_start3A_59 : memref<128x128xf32, #tpu.memory_space<vmem_shared>>) target_semaphore(%run_scoped3A_55 : memref<!tpu.dma_semaphore, #tpu.memory_space<semaphore_mem>>)
      %dma_wait3A = arith.constant 0 : i32
      %dma_wait3A_60 = tpu.memref_slice %arg7[%add3A_12, %dma_wait3A] : memref<10112x128xf32, #tpu.memory_space<vmem_shared>> -> memref<128x128xf32, #tpu.memory_space<vmem_shared>>
      %dma_wait3A_61 = arith.constant 0 : i32
      %dma_wait3A_62 = tpu.memref_slice %arg7[%add3A_12, %dma_wait3A_61] : memref<10112x128xf32, #tpu.memory_space<vmem_shared>> -> memref<128x128xf32, #tpu.memory_space<vmem_shared>>
      tpu.wait_dma2 semaphore(%run_scoped3A_55 : memref<!tpu.dma_semaphore, #tpu.memory_space<semaphore_mem>>) src(%arg8 : memref<128x128xf32, #tpu.memory_space<vmem>>) dst(%dma_wait3A_62 : memref<128x128xf32, #tpu.memory_space<vmem_shared>>)
      tpu.yield
    }) : () -> ()
    %add3A_13 = arith.constant 384 : i32
    %add3A_14 = arith.addi %mul3A_6, %add3A_13 : i32
    "tpu.region"() ({
      %run_scoped3A_55 = tpu.sem_alloc : memref<!tpu.dma_semaphore, #tpu.memory_space<semaphore_mem>>
      %dma_start3A_56 = arith.constant 0 : i32
      %dma_start3A_57 = tpu.memref_slice %arg7[%add3A_14, %dma_start3A_56] : memref<10112x128xf32, #tpu.memory_space<vmem_shared>> -> memref<128x128xf32, #tpu.memory_space<vmem_shared>>
      %dma_start3A_58 = arith.constant 0 : i32
      %dma_start3A_59 = tpu.memref_slice %arg7[%add3A_14, %dma_start3A_58] : memref<10112x128xf32, #tpu.memory_space<vmem_shared>> -> memref<128x128xf32, #tpu.memory_space<vmem_shared>>
      tpu.enqueue_dma source(%arg8 : memref<128x128xf32, #tpu.memory_space<vmem>>) target(%dma_start3A_59 : memref<128x128xf32, #tpu.memory_space<vmem_shared>>) target_semaphore(%run_scoped3A_55 : memref<!tpu.dma_semaphore, #tpu.memory_space<semaphore_mem>>)
      %dma_wait3A = arith.constant 0 : i32
      %dma_wait3A_60 = tpu.memref_slice %arg7[%add3A_14, %dma_wait3A] : memref<10112x128xf32, #tpu.memory_space<vmem_shared>> -> memref<128x128xf32, #tpu.memory_space<vmem_shared>>
      %dma_wait3A_61 = arith.constant 0 : i32
      %dma_wait3A_62 = tpu.memref_slice %arg7[%add3A_14, %dma_wait3A_61] : memref<10112x128xf32, #tpu.memory_space<vmem_shared>> -> memref<128x128xf32, #tpu.memory_space<vmem_shared>>
      tpu.wait_dma2 semaphore(%run_scoped3A_55 : memref<!tpu.dma_semaphore, #tpu.memory_space<semaphore_mem>>) src(%arg8 : memref<128x128xf32, #tpu.memory_space<vmem>>) dst(%dma_wait3A_62 : memref<128x128xf32, #tpu.memory_space<vmem_shared>>)
      tpu.yield
    }) : () -> ()
    %add3A_15 = arith.constant 512 : i32
    %add3A_16 = arith.addi %mul3A_6, %add3A_15 : i32
    "tpu.region"() ({
      %run_scoped3A_55 = tpu.sem_alloc : memref<!tpu.dma_semaphore, #tpu.memory_space<semaphore_mem>>
      %dma_start3A_56 = arith.constant 0 : i32
      %dma_start3A_57 = arith.constant 0 : i32
      %dma_start3A_58 = tpu.memref_slice %arg8[%dma_start3A_56, %dma_start3A_57] : memref<128x128xf32, #tpu.memory_space<vmem>> -> memref<120x128xf32, #tpu.memory_space<vmem>>
      %dma_start3A_59 = arith.constant 0 : i32
      %dma_start3A_60 = tpu.memref_slice %arg7[%add3A_16, %dma_start3A_59] : memref<10112x128xf32, #tpu.memory_space<vmem_shared>> -> memref<120x128xf32, #tpu.memory_space<vmem_shared>>
      %dma_start3A_61 = arith.constant 0 : i32
      %dma_start3A_62 = tpu.memref_slice %arg7[%add3A_16, %dma_start3A_61] : memref<10112x128xf32, #tpu.memory_space<vmem_shared>> -> memref<120x128xf32, #tpu.memory_space<vmem_shared>>
      %dma_start3A_63 = arith.constant 0 : i32
      %dma_start3A_64 = arith.constant 0 : i32
      %dma_start3A_65 = tpu.memref_slice %arg8[%dma_start3A_63, %dma_start3A_64] : memref<128x128xf32, #tpu.memory_space<vmem>> -> memref<120x128xf32, #tpu.memory_space<vmem>>
      tpu.enqueue_dma source(%dma_start3A_65 : memref<120x128xf32, #tpu.memory_space<vmem>>) target(%dma_start3A_62 : memref<120x128xf32, #tpu.memory_space<vmem_shared>>) target_semaphore(%run_scoped3A_55 : memref<!tpu.dma_semaphore, #tpu.memory_space<semaphore_mem>>)
      %dma_wait3A = arith.constant 0 : i32
      %dma_wait3A_66 = arith.constant 0 : i32
      %dma_wait3A_67 = tpu.memref_slice %arg8[%dma_wait3A, %dma_wait3A_66] : memref<128x128xf32, #tpu.memory_space<vmem>> -> memref<120x128xf32, #tpu.memory_space<vmem>>
      %dma_wait3A_68 = arith.constant 0 : i32
      %dma_wait3A_69 = tpu.memref_slice %arg7[%add3A_16, %dma_wait3A_68] : memref<10112x128xf32, #tpu.memory_space<vmem_shared>> -> memref<120x128xf32, #tpu.memory_space<vmem_shared>>
      %dma_wait3A_70 = arith.constant 0 : i32
      %dma_wait3A_71 = tpu.memref_slice %arg7[%add3A_16, %dma_wait3A_70] : memref<10112x128xf32, #tpu.memory_space<vmem_shared>> -> memref<120x128xf32, #tpu.memory_space<vmem_shared>>
      %dma_wait3A_72 = arith.constant 0 : i32
      %dma_wait3A_73 = arith.constant 0 : i32
      %dma_wait3A_74 = tpu.memref_slice %arg8[%dma_wait3A_72, %dma_wait3A_73] : memref<128x128xf32, #tpu.memory_space<vmem>> -> memref<120x128xf32, #tpu.memory_space<vmem>>
      tpu.wait_dma2 semaphore(%run_scoped3A_55 : memref<!tpu.dma_semaphore, #tpu.memory_space<semaphore_mem>>) src(%dma_wait3A_74 : memref<120x128xf32, #tpu.memory_space<vmem>>) dst(%dma_wait3A_71 : memref<120x128xf32, #tpu.memory_space<vmem_shared>>)
      tpu.yield
    }) : () -> ()
    %barrier3A = arith.constant 0 : index
    tpu.barrier barrier_id(%barrier3A)
    %mul3A_17 = arith.constant 80 : i32
    %mul3A_18 = arith.muli %add3A, %mul3A_17 : i32
    %add3A_19 = arith.constant 0 : i32
    %add3A_20 = arith.addi %mul3A_18, %add3A_19 : i32
    %run_scoped3A = arith.constant 0 : i32
    "tpu.region"() ({
      %run_scoped3A_55 = tpu.sem_alloc : memref<!tpu.dma_semaphore, #tpu.memory_space<semaphore_mem>>
      %dma_start3A_56 = arith.constant 0 : i32
      %dma_start3A_57 = tpu.memref_slice %arg3[%run_scoped3A, %add3A_20, %dma_start3A_56] : memref<2x2560x128xi32, #tpu.memory_space<hbm>> -> memref<1x40x128xi32, #tpu.memory_space<hbm>>
      %dma_start3A_58 = tpu.memref_squeeze %dma_start3A_57 : memref<1x40x128xi32, #tpu.memory_space<hbm>> -> memref<40x128xi32, #tpu.memory_space<hbm>>
      %dma_start3A_59 = arith.constant 0 : i32
      %dma_start3A_60 = tpu.memref_slice %arg3[%run_scoped3A, %add3A_20, %dma_start3A_59] : memref<2x2560x128xi32, #tpu.memory_space<hbm>> -> memref<1x40x128xi32, #tpu.memory_space<hbm>>
      %dma_start3A_61 = tpu.memref_squeeze %dma_start3A_60 : memref<1x40x128xi32, #tpu.memory_space<hbm>> -> memref<40x128xi32, #tpu.memory_space<hbm>>
      tpu.enqueue_dma source(%dma_start3A_61 : memref<40x128xi32, #tpu.memory_space<hbm>>) target(%arg5 : memref<40x128xi32, #tpu.memory_space<vmem>>) target_semaphore(%run_scoped3A_55 : memref<!tpu.dma_semaphore, #tpu.memory_space<semaphore_mem>>)
      %dma_wait3A = arith.constant 0 : i32
      %dma_wait3A_62 = tpu.memref_slice %arg3[%run_scoped3A, %add3A_20, %dma_wait3A] : memref<2x2560x128xi32, #tpu.memory_space<hbm>> -> memref<1x40x128xi32, #tpu.memory_space<hbm>>
      %dma_wait3A_63 = tpu.memref_squeeze %dma_wait3A_62 : memref<1x40x128xi32, #tpu.memory_space<hbm>> -> memref<40x128xi32, #tpu.memory_space<hbm>>
      %dma_wait3A_64 = arith.constant 0 : i32
      %dma_wait3A_65 = tpu.memref_slice %arg3[%run_scoped3A, %add3A_20, %dma_wait3A_64] : memref<2x2560x128xi32, #tpu.memory_space<hbm>> -> memref<1x40x128xi32, #tpu.memory_space<hbm>>
      %dma_wait3A_66 = tpu.memref_squeeze %dma_wait3A_65 : memref<1x40x128xi32, #tpu.memory_space<hbm>> -> memref<40x128xi32, #tpu.memory_space<hbm>>
      tpu.wait_dma2 semaphore(%run_scoped3A_55 : memref<!tpu.dma_semaphore, #tpu.memory_space<semaphore_mem>>) src(%dma_wait3A_66 : memref<40x128xi32, #tpu.memory_space<hbm>>) dst(%arg5 : memref<40x128xi32, #tpu.memory_space<vmem>>)
      tpu.yield
    }) : () -> ()
    %run_scoped3A_21 = arith.constant 1 : i32
    "tpu.region"() ({
      %run_scoped3A_55 = tpu.sem_alloc : memref<!tpu.dma_semaphore, #tpu.memory_space<semaphore_mem>>
      %dma_start3A_56 = arith.constant 0 : i32
      %dma_start3A_57 = tpu.memref_slice %arg3[%run_scoped3A_21, %add3A_20, %dma_start3A_56] : memref<2x2560x128xi32, #tpu.memory_space<hbm>> -> memref<1x40x128xi32, #tpu.memory_space<hbm>>
      %dma_start3A_58 = tpu.memref_squeeze %dma_start3A_57 : memref<1x40x128xi32, #tpu.memory_space<hbm>> -> memref<40x128xi32, #tpu.memory_space<hbm>>
      %dma_start3A_59 = arith.constant 0 : i32
      %dma_start3A_60 = tpu.memref_slice %arg3[%run_scoped3A_21, %add3A_20, %dma_start3A_59] : memref<2x2560x128xi32, #tpu.memory_space<hbm>> -> memref<1x40x128xi32, #tpu.memory_space<hbm>>
      %dma_start3A_61 = tpu.memref_squeeze %dma_start3A_60 : memref<1x40x128xi32, #tpu.memory_space<hbm>> -> memref<40x128xi32, #tpu.memory_space<hbm>>
      tpu.enqueue_dma source(%dma_start3A_61 : memref<40x128xi32, #tpu.memory_space<hbm>>) target(%arg6 : memref<40x128xi32, #tpu.memory_space<vmem>>) target_semaphore(%run_scoped3A_55 : memref<!tpu.dma_semaphore, #tpu.memory_space<semaphore_mem>>)
      %dma_wait3A = arith.constant 0 : i32
      %dma_wait3A_62 = tpu.memref_slice %arg3[%run_scoped3A_21, %add3A_20, %dma_wait3A] : memref<2x2560x128xi32, #tpu.memory_space<hbm>> -> memref<1x40x128xi32, #tpu.memory_space<hbm>>
      %dma_wait3A_63 = tpu.memref_squeeze %dma_wait3A_62 : memref<1x40x128xi32, #tpu.memory_space<hbm>> -> memref<40x128xi32, #tpu.memory_space<hbm>>
      %dma_wait3A_64 = arith.constant 0 : i32
      %dma_wait3A_65 = tpu.memref_slice %arg3[%run_scoped3A_21, %add3A_20, %dma_wait3A_64] : memref<2x2560x128xi32, #tpu.memory_space<hbm>> -> memref<1x40x128xi32, #tpu.memory_space<hbm>>
      %dma_wait3A_66 = tpu.memref_squeeze %dma_wait3A_65 : memref<1x40x128xi32, #tpu.memory_space<hbm>> -> memref<40x128xi32, #tpu.memory_space<hbm>>
      tpu.wait_dma2 semaphore(%run_scoped3A_55 : memref<!tpu.dma_semaphore, #tpu.memory_space<semaphore_mem>>) src(%dma_wait3A_66 : memref<40x128xi32, #tpu.memory_space<hbm>>) dst(%arg6 : memref<40x128xi32, #tpu.memory_space<vmem>>)
      tpu.yield
    }) : () -> ()
    %dma_start3A = arith.constant 0 : i32
    %dma_start3A_22 = arith.constant 0 : i32
    %dma_start3A_23 = tpu.memref_slice %arg5[%dma_start3A, %dma_start3A_22] : memref<40x128xi32, #tpu.memory_space<vmem>> -> memref<1x128xi32, #tpu.memory_space<vmem>>
    %dma_start3A_24 = tpu.memref_squeeze %dma_start3A_23 : memref<1x128xi32, #tpu.memory_space<vmem>> -> memref<128xi32, #tpu.memory_space<vmem>>
    %dma_start3A_25 = arith.constant 0 : i32
    %dma_start3A_26 = arith.constant 0 : i32
    %dma_start3A_27 = tpu.memref_slice %arg2[%dma_start3A_25, %dma_start3A_26] : memref<10000x128xf32, #tpu.memory_space<hbm>> -> memref<10000x128xf32, #tpu.memory_space<hbm>>
    tpu.enqueue_indirect_dma source(%dma_start3A_27 : memref<10000x128xf32, #tpu.memory_space<hbm>>) target(%arg8 : memref<128x128xf32, #tpu.memory_space<vmem>>) offsets(%dma_start3A_24 : memref<128xi32, #tpu.memory_space<vmem>>) semaphore(%arg10 : memref<!tpu.dma_semaphore, #tpu.memory_space<semaphore_mem>>)
    %scan3A_28 = arith.constant 0 : i32
    %scan3A_29 = arith.constant 20 : i32
    %scan3A_30 = arith.addi %scan3A_28, %scan3A_29 : i32
    %scan3A_31 = arith.constant 1 : i32
    scf.for %scan3A_55 = %scan3A_28 to %scan3A_30 step %scan3A_31  : i32 {
      %mul3A_56 = arith.constant 2 : i32
      %mul3A_57 = arith.muli %scan3A_55, %mul3A_56 : i32
      %add3A_58 = arith.constant 0 : i32
      %add3A_59 = arith.addi %add3A_58, %mul3A_57 : i32
      %dma_wait3A = arith.constant 0 : i32
      %dma_wait3A_60 = tpu.memref_slice %arg5[%add3A_59, %dma_wait3A] : memref<40x128xi32, #tpu.memory_space<vmem>> -> memref<1x128xi32, #tpu.memory_space<vmem>>
      %dma_wait3A_61 = tpu.memref_squeeze %dma_wait3A_60 : memref<1x128xi32, #tpu.memory_space<vmem>> -> memref<128xi32, #tpu.memory_space<vmem>>
      %dma_wait3A_62 = arith.constant 0 : i32
      %dma_wait3A_63 = arith.constant 0 : i32
      %dma_wait3A_64 = tpu.memref_slice %arg2[%dma_wait3A_62, %dma_wait3A_63] : memref<10000x128xf32, #tpu.memory_space<hbm>> -> memref<10000x128xf32, #tpu.memory_space<hbm>>
      tpu.wait_indirect_dma semaphore(%arg10 : memref<!tpu.dma_semaphore, #tpu.memory_space<semaphore_mem>>) src(%dma_wait3A_64 : memref<10000x128xf32, #tpu.memory_space<hbm>>) dst(%arg8 : memref<128x128xf32, #tpu.memory_space<vmem>>)
      %add3A_65 = arith.constant 1 : i32
      %add3A_66 = arith.addi %add3A_59, %add3A_65 : i32
      %dma_start3A_67 = arith.constant 0 : i32
      %dma_start3A_68 = tpu.memref_slice %arg5[%add3A_66, %dma_start3A_67] : memref<40x128xi32, #tpu.memory_space<vmem>> -> memref<1x128xi32, #tpu.memory_space<vmem>>
      %dma_start3A_69 = tpu.memref_squeeze %dma_start3A_68 : memref<1x128xi32, #tpu.memory_space<vmem>> -> memref<128xi32, #tpu.memory_space<vmem>>
      %dma_start3A_70 = arith.constant 0 : i32
      %dma_start3A_71 = arith.constant 0 : i32
      %dma_start3A_72 = tpu.memref_slice %arg2[%dma_start3A_70, %dma_start3A_71] : memref<10000x128xf32, #tpu.memory_space<hbm>> -> memref<10000x128xf32, #tpu.memory_space<hbm>>
      tpu.enqueue_indirect_dma source(%dma_start3A_72 : memref<10000x128xf32, #tpu.memory_space<hbm>>) target(%arg9 : memref<128x128xf32, #tpu.memory_space<vmem>>) offsets(%dma_start3A_69 : memref<128xi32, #tpu.memory_space<vmem>>) semaphore(%arg11 : memref<!tpu.dma_semaphore, #tpu.memory_space<semaphore_mem>>)
      "tpu.region"() ({
        %run_scoped3A_87 = tpu.sem_alloc : memref<!tpu.dma_semaphore, #tpu.memory_space<semaphore_mem>>
        %dma_start3A_88 = arith.constant 0 : i32
        %dma_start3A_89 = tpu.memref_slice %arg6[%add3A_59, %dma_start3A_88] : memref<40x128xi32, #tpu.memory_space<vmem>> -> memref<1x128xi32, #tpu.memory_space<vmem>>
        %dma_start3A_90 = tpu.memref_squeeze %dma_start3A_89 : memref<1x128xi32, #tpu.memory_space<vmem>> -> memref<128xi32, #tpu.memory_space<vmem>>
        %dma_start3A_91 = arith.constant 0 : i32
        %dma_start3A_92 = arith.constant 0 : i32
        %dma_start3A_93 = tpu.memref_slice %arg7[%dma_start3A_91, %dma_start3A_92] : memref<10112x128xf32, #tpu.memory_space<vmem_shared>> -> memref<10112x128xf32, #tpu.memory_space<vmem_shared>>
        tpu.enqueue_indirect_dma source(%arg8 : memref<128x128xf32, #tpu.memory_space<vmem>>) target(%dma_start3A_93 : memref<10112x128xf32, #tpu.memory_space<vmem_shared>>) offsets(%dma_start3A_90 : memref<128xi32, #tpu.memory_space<vmem>>) semaphore(%run_scoped3A_87 : memref<!tpu.dma_semaphore, #tpu.memory_space<semaphore_mem>>) {add = true}
        %dma_wait3A_94 = arith.constant 0 : i32
        %dma_wait3A_95 = tpu.memref_slice %arg6[%add3A_59, %dma_wait3A_94] : memref<40x128xi32, #tpu.memory_space<vmem>> -> memref<1x128xi32, #tpu.memory_space<vmem>>
        %dma_wait3A_96 = tpu.memref_squeeze %dma_wait3A_95 : memref<1x128xi32, #tpu.memory_space<vmem>> -> memref<128xi32, #tpu.memory_space<vmem>>
        %dma_wait3A_97 = arith.constant 0 : i32
        %dma_wait3A_98 = arith.constant 0 : i32
        %dma_wait3A_99 = tpu.memref_slice %arg7[%dma_wait3A_97, %dma_wait3A_98] : memref<10112x128xf32, #tpu.memory_space<vmem_shared>> -> memref<10112x128xf32, #tpu.memory_space<vmem_shared>>
        tpu.wait_indirect_dma semaphore(%run_scoped3A_87 : memref<!tpu.dma_semaphore, #tpu.memory_space<semaphore_mem>>) src(%arg8 : memref<128x128xf32, #tpu.memory_space<vmem>>) dst(%dma_wait3A_99 : memref<10112x128xf32, #tpu.memory_space<vmem_shared>>)
        tpu.yield
      }) : () -> ()
      %add3A_73 = arith.constant 1 : i32
      %add3A_74 = arith.addi %add3A_59, %add3A_73 : i32
      %dma_wait3A_75 = arith.constant 0 : i32
      %dma_wait3A_76 = tpu.memref_slice %arg5[%add3A_74, %dma_wait3A_75] : memref<40x128xi32, #tpu.memory_space<vmem>> -> memref<1x128xi32, #tpu.memory_space<vmem>>
      %dma_wait3A_77 = tpu.memref_squeeze %dma_wait3A_76 : memref<1x128xi32, #tpu.memory_space<vmem>> -> memref<128xi32, #tpu.memory_space<vmem>>
      %dma_wait3A_78 = arith.constant 0 : i32
      %dma_wait3A_79 = arith.constant 0 : i32
      %dma_wait3A_80 = tpu.memref_slice %arg2[%dma_wait3A_78, %dma_wait3A_79] : memref<10000x128xf32, #tpu.memory_space<hbm>> -> memref<10000x128xf32, #tpu.memory_space<hbm>>
      tpu.wait_indirect_dma semaphore(%arg11 : memref<!tpu.dma_semaphore, #tpu.memory_space<semaphore_mem>>) src(%dma_wait3A_80 : memref<10000x128xf32, #tpu.memory_space<hbm>>) dst(%arg9 : memref<128x128xf32, #tpu.memory_space<vmem>>)
      %add3A_81 = arith.constant 2 : i32
      %add3A_82 = arith.addi %add3A_59, %add3A_81 : i32
      %lt3A = arith.constant 40 : i32
      %lt3A_83 = arith.cmpi slt, %add3A_82, %lt3A : i32
      %convert_element_type3A = arith.extui %lt3A_83 : i1 to i32
      %cond3A = arith.constant 0 : i32
      %cond3A_84 = arith.cmpi ne, %convert_element_type3A, %cond3A : i32
      scf.if %cond3A_84 {
        %add3A_87 = arith.constant 2 : i32
        %add3A_88 = arith.addi %add3A_59, %add3A_87 : i32
        %dma_start3A_89 = arith.constant 0 : i32
        %dma_start3A_90 = tpu.memref_slice %arg5[%add3A_88, %dma_start3A_89] : memref<40x128xi32, #tpu.memory_space<vmem>> -> memref<1x128xi32, #tpu.memory_space<vmem>>
        %dma_start3A_91 = tpu.memref_squeeze %dma_start3A_90 : memref<1x128xi32, #tpu.memory_space<vmem>> -> memref<128xi32, #tpu.memory_space<vmem>>
        %dma_start3A_92 = arith.constant 0 : i32
        %dma_start3A_93 = arith.constant 0 : i32
        %dma_start3A_94 = tpu.memref_slice %arg2[%dma_start3A_92, %dma_start3A_93] : memref<10000x128xf32, #tpu.memory_space<hbm>> -> memref<10000x128xf32, #tpu.memory_space<hbm>>
        tpu.enqueue_indirect_dma source(%dma_start3A_94 : memref<10000x128xf32, #tpu.memory_space<hbm>>) target(%arg8 : memref<128x128xf32, #tpu.memory_space<vmem>>) offsets(%dma_start3A_91 : memref<128xi32, #tpu.memory_space<vmem>>) semaphore(%arg10 : memref<!tpu.dma_semaphore, #tpu.memory_space<semaphore_mem>>)
      } else {
      }
      %add3A_85 = arith.constant 1 : i32
      %add3A_86 = arith.addi %add3A_59, %add3A_85 : i32
      "tpu.region"() ({
        %run_scoped3A_87 = tpu.sem_alloc : memref<!tpu.dma_semaphore, #tpu.memory_space<semaphore_mem>>
        %dma_start3A_88 = arith.constant 0 : i32
        %dma_start3A_89 = tpu.memref_slice %arg6[%add3A_86, %dma_start3A_88] : memref<40x128xi32, #tpu.memory_space<vmem>> -> memref<1x128xi32, #tpu.memory_space<vmem>>
        %dma_start3A_90 = tpu.memref_squeeze %dma_start3A_89 : memref<1x128xi32, #tpu.memory_space<vmem>> -> memref<128xi32, #tpu.memory_space<vmem>>
        %dma_start3A_91 = arith.constant 0 : i32
        %dma_start3A_92 = arith.constant 0 : i32
        %dma_start3A_93 = tpu.memref_slice %arg7[%dma_start3A_91, %dma_start3A_92] : memref<10112x128xf32, #tpu.memory_space<vmem_shared>> -> memref<10112x128xf32, #tpu.memory_space<vmem_shared>>
        tpu.enqueue_indirect_dma source(%arg9 : memref<128x128xf32, #tpu.memory_space<vmem>>) target(%dma_start3A_93 : memref<10112x128xf32, #tpu.memory_space<vmem_shared>>) offsets(%dma_start3A_90 : memref<128xi32, #tpu.memory_space<vmem>>) semaphore(%run_scoped3A_87 : memref<!tpu.dma_semaphore, #tpu.memory_space<semaphore_mem>>) {add = true}
        %dma_wait3A_94 = arith.constant 0 : i32
        %dma_wait3A_95 = tpu.memref_slice %arg6[%add3A_86, %dma_wait3A_94] : memref<40x128xi32, #tpu.memory_space<vmem>> -> memref<1x128xi32, #tpu.memory_space<vmem>>
        %dma_wait3A_96 = tpu.memref_squeeze %dma_wait3A_95 : memref<1x128xi32, #tpu.memory_space<vmem>> -> memref<128xi32, #tpu.memory_space<vmem>>
        %dma_wait3A_97 = arith.constant 0 : i32
        %dma_wait3A_98 = arith.constant 0 : i32
        %dma_wait3A_99 = tpu.memref_slice %arg7[%dma_wait3A_97, %dma_wait3A_98] : memref<10112x128xf32, #tpu.memory_space<vmem_shared>> -> memref<10112x128xf32, #tpu.memory_space<vmem_shared>>
        tpu.wait_indirect_dma semaphore(%run_scoped3A_87 : memref<!tpu.dma_semaphore, #tpu.memory_space<semaphore_mem>>) src(%arg9 : memref<128x128xf32, #tpu.memory_space<vmem>>) dst(%dma_wait3A_99 : memref<10112x128xf32, #tpu.memory_space<vmem_shared>>)
        tpu.yield
      }) : () -> ()
    }
    %scan3A_32 = arith.constant 20 : i32
    %mul3A_33 = arith.constant 80 : i32
    %mul3A_34 = arith.muli %add3A, %mul3A_33 : i32
    %add3A_35 = arith.constant 40 : i32
    %add3A_36 = arith.addi %mul3A_34, %add3A_35 : i32
    %run_scoped3A_37 = arith.constant 0 : i32
    "tpu.region"() ({
      %run_scoped3A_55 = tpu.sem_alloc : memref<!tpu.dma_semaphore, #tpu.memory_space<semaphore_mem>>
      %dma_start3A_56 = arith.constant 0 : i32
      %dma_start3A_57 = tpu.memref_slice %arg3[%run_scoped3A_37, %add3A_36, %dma_start3A_56] : memref<2x2560x128xi32, #tpu.memory_space<hbm>> -> memref<1x40x128xi32, #tpu.memory_space<hbm>>
      %dma_start3A_58 = tpu.memref_squeeze %dma_start3A_57 : memref<1x40x128xi32, #tpu.memory_space<hbm>> -> memref<40x128xi32, #tpu.memory_space<hbm>>
      %dma_start3A_59 = arith.constant 0 : i32
      %dma_start3A_60 = tpu.memref_slice %arg3[%run_scoped3A_37, %add3A_36, %dma_start3A_59] : memref<2x2560x128xi32, #tpu.memory_space<hbm>> -> memref<1x40x128xi32, #tpu.memory_space<hbm>>
      %dma_start3A_61 = tpu.memref_squeeze %dma_start3A_60 : memref<1x40x128xi32, #tpu.memory_space<hbm>> -> memref<40x128xi32, #tpu.memory_space<hbm>>
      tpu.enqueue_dma source(%dma_start3A_61 : memref<40x128xi32, #tpu.memory_space<hbm>>) target(%arg5 : memref<40x128xi32, #tpu.memory_space<vmem>>) target_semaphore(%run_scoped3A_55 : memref<!tpu.dma_semaphore, #tpu.memory_space<semaphore_mem>>)
      %dma_wait3A = arith.constant 0 : i32
      %dma_wait3A_62 = tpu.memref_slice %arg3[%run_scoped3A_37, %add3A_36, %dma_wait3A] : memref<2x2560x128xi32, #tpu.memory_space<hbm>> -> memref<1x40x128xi32, #tpu.memory_space<hbm>>
      %dma_wait3A_63 = tpu.memref_squeeze %dma_wait3A_62 : memref<1x40x128xi32, #tpu.memory_space<hbm>> -> memref<40x128xi32, #tpu.memory_space<hbm>>
      %dma_wait3A_64 = arith.constant 0 : i32
      %dma_wait3A_65 = tpu.memref_slice %arg3[%run_scoped3A_37, %add3A_36, %dma_wait3A_64] : memref<2x2560x128xi32, #tpu.memory_space<hbm>> -> memref<1x40x128xi32, #tpu.memory_space<hbm>>
      %dma_wait3A_66 = tpu.memref_squeeze %dma_wait3A_65 : memref<1x40x128xi32, #tpu.memory_space<hbm>> -> memref<40x128xi32, #tpu.memory_space<hbm>>
      tpu.wait_dma2 semaphore(%run_scoped3A_55 : memref<!tpu.dma_semaphore, #tpu.memory_space<semaphore_mem>>) src(%dma_wait3A_66 : memref<40x128xi32, #tpu.memory_space<hbm>>) dst(%arg5 : memref<40x128xi32, #tpu.memory_space<vmem>>)
      tpu.yield
    }) : () -> ()
    %run_scoped3A_38 = arith.constant 1 : i32
    "tpu.region"() ({
      %run_scoped3A_55 = tpu.sem_alloc : memref<!tpu.dma_semaphore, #tpu.memory_space<semaphore_mem>>
      %dma_start3A_56 = arith.constant 0 : i32
      %dma_start3A_57 = tpu.memref_slice %arg3[%run_scoped3A_38, %add3A_36, %dma_start3A_56] : memref<2x2560x128xi32, #tpu.memory_space<hbm>> -> memref<1x40x128xi32, #tpu.memory_space<hbm>>
      %dma_start3A_58 = tpu.memref_squeeze %dma_start3A_57 : memref<1x40x128xi32, #tpu.memory_space<hbm>> -> memref<40x128xi32, #tpu.memory_space<hbm>>
      %dma_start3A_59 = arith.constant 0 : i32
      %dma_start3A_60 = tpu.memref_slice %arg3[%run_scoped3A_38, %add3A_36, %dma_start3A_59] : memref<2x2560x128xi32, #tpu.memory_space<hbm>> -> memref<1x40x128xi32, #tpu.memory_space<hbm>>
      %dma_start3A_61 = tpu.memref_squeeze %dma_start3A_60 : memref<1x40x128xi32, #tpu.memory_space<hbm>> -> memref<40x128xi32, #tpu.memory_space<hbm>>
      tpu.enqueue_dma source(%dma_start3A_61 : memref<40x128xi32, #tpu.memory_space<hbm>>) target(%arg6 : memref<40x128xi32, #tpu.memory_space<vmem>>) target_semaphore(%run_scoped3A_55 : memref<!tpu.dma_semaphore, #tpu.memory_space<semaphore_mem>>)
      %dma_wait3A = arith.constant 0 : i32
      %dma_wait3A_62 = tpu.memref_slice %arg3[%run_scoped3A_38, %add3A_36, %dma_wait3A] : memref<2x2560x128xi32, #tpu.memory_space<hbm>> -> memref<1x40x128xi32, #tpu.memory_space<hbm>>
      %dma_wait3A_63 = tpu.memref_squeeze %dma_wait3A_62 : memref<1x40x128xi32, #tpu.memory_space<hbm>> -> memref<40x128xi32, #tpu.memory_space<hbm>>
      %dma_wait3A_64 = arith.constant 0 : i32
      %dma_wait3A_65 = tpu.memref_slice %arg3[%run_scoped3A_38, %add3A_36, %dma_wait3A_64] : memref<2x2560x128xi32, #tpu.memory_space<hbm>> -> memref<1x40x128xi32, #tpu.memory_space<hbm>>
      %dma_wait3A_66 = tpu.memref_squeeze %dma_wait3A_65 : memref<1x40x128xi32, #tpu.memory_space<hbm>> -> memref<40x128xi32, #tpu.memory_space<hbm>>
      tpu.wait_dma2 semaphore(%run_scoped3A_55 : memref<!tpu.dma_semaphore, #tpu.memory_space<semaphore_mem>>) src(%dma_wait3A_66 : memref<40x128xi32, #tpu.memory_space<hbm>>) dst(%arg6 : memref<40x128xi32, #tpu.memory_space<vmem>>)
      tpu.yield
    }) : () -> ()
    %dma_start3A_39 = arith.constant 0 : i32
    %dma_start3A_40 = arith.constant 0 : i32
    %dma_start3A_41 = tpu.memref_slice %arg5[%dma_start3A_39, %dma_start3A_40] : memref<40x128xi32, #tpu.memory_space<vmem>> -> memref<1x128xi32, #tpu.memory_space<vmem>>
    %dma_start3A_42 = tpu.memref_squeeze %dma_start3A_41 : memref<1x128xi32, #tpu.memory_space<vmem>> -> memref<128xi32, #tpu.memory_space<vmem>>
    %dma_start3A_43 = arith.constant 0 : i32
    %dma_start3A_44 = arith.constant 0 : i32
    %dma_start3A_45 = tpu.memref_slice %arg2[%dma_start3A_43, %dma_start3A_44] : memref<10000x128xf32, #tpu.memory_space<hbm>> -> memref<10000x128xf32, #tpu.memory_space<hbm>>
    tpu.enqueue_indirect_dma source(%dma_start3A_45 : memref<10000x128xf32, #tpu.memory_space<hbm>>) target(%arg8 : memref<128x128xf32, #tpu.memory_space<vmem>>) offsets(%dma_start3A_42 : memref<128xi32, #tpu.memory_space<vmem>>) semaphore(%arg10 : memref<!tpu.dma_semaphore, #tpu.memory_space<semaphore_mem>>)
    %scan3A_46 = arith.constant 0 : i32
    %scan3A_47 = arith.constant 20 : i32
    %scan3A_48 = arith.addi %scan3A_46, %scan3A_47 : i32
    %scan3A_49 = arith.constant 1 : i32
    scf.for %scan3A_55 = %scan3A_46 to %scan3A_48 step %scan3A_49  : i32 {
      %mul3A_56 = arith.constant 2 : i32
      %mul3A_57 = arith.muli %scan3A_55, %mul3A_56 : i32
      %add3A_58 = arith.constant 0 : i32
      %add3A_59 = arith.addi %add3A_58, %mul3A_57 : i32
      %dma_wait3A = arith.constant 0 : i32
      %dma_wait3A_60 = tpu.memref_slice %arg5[%add3A_59, %dma_wait3A] : memref<40x128xi32, #tpu.memory_space<vmem>> -> memref<1x128xi32, #tpu.memory_space<vmem>>
      %dma_wait3A_61 = tpu.memref_squeeze %dma_wait3A_60 : memref<1x128xi32, #tpu.memory_space<vmem>> -> memref<128xi32, #tpu.memory_space<vmem>>
      %dma_wait3A_62 = arith.constant 0 : i32
      %dma_wait3A_63 = arith.constant 0 : i32
      %dma_wait3A_64 = tpu.memref_slice %arg2[%dma_wait3A_62, %dma_wait3A_63] : memref<10000x128xf32, #tpu.memory_space<hbm>> -> memref<10000x128xf32, #tpu.memory_space<hbm>>
      tpu.wait_indirect_dma semaphore(%arg10 : memref<!tpu.dma_semaphore, #tpu.memory_space<semaphore_mem>>) src(%dma_wait3A_64 : memref<10000x128xf32, #tpu.memory_space<hbm>>) dst(%arg8 : memref<128x128xf32, #tpu.memory_space<vmem>>)
      %add3A_65 = arith.constant 1 : i32
      %add3A_66 = arith.addi %add3A_59, %add3A_65 : i32
      %dma_start3A_67 = arith.constant 0 : i32
      %dma_start3A_68 = tpu.memref_slice %arg5[%add3A_66, %dma_start3A_67] : memref<40x128xi32, #tpu.memory_space<vmem>> -> memref<1x128xi32, #tpu.memory_space<vmem>>
      %dma_start3A_69 = tpu.memref_squeeze %dma_start3A_68 : memref<1x128xi32, #tpu.memory_space<vmem>> -> memref<128xi32, #tpu.memory_space<vmem>>
      %dma_start3A_70 = arith.constant 0 : i32
      %dma_start3A_71 = arith.constant 0 : i32
      %dma_start3A_72 = tpu.memref_slice %arg2[%dma_start3A_70, %dma_start3A_71] : memref<10000x128xf32, #tpu.memory_space<hbm>> -> memref<10000x128xf32, #tpu.memory_space<hbm>>
      tpu.enqueue_indirect_dma source(%dma_start3A_72 : memref<10000x128xf32, #tpu.memory_space<hbm>>) target(%arg9 : memref<128x128xf32, #tpu.memory_space<vmem>>) offsets(%dma_start3A_69 : memref<128xi32, #tpu.memory_space<vmem>>) semaphore(%arg11 : memref<!tpu.dma_semaphore, #tpu.memory_space<semaphore_mem>>)
      "tpu.region"() ({
        %run_scoped3A_87 = tpu.sem_alloc : memref<!tpu.dma_semaphore, #tpu.memory_space<semaphore_mem>>
        %dma_start3A_88 = arith.constant 0 : i32
        %dma_start3A_89 = tpu.memref_slice %arg6[%add3A_59, %dma_start3A_88] : memref<40x128xi32, #tpu.memory_space<vmem>> -> memref<1x128xi32, #tpu.memory_space<vmem>>
        %dma_start3A_90 = tpu.memref_squeeze %dma_start3A_89 : memref<1x128xi32, #tpu.memory_space<vmem>> -> memref<128xi32, #tpu.memory_space<vmem>>
        %dma_start3A_91 = arith.constant 0 : i32
        %dma_start3A_92 = arith.constant 0 : i32
        %dma_start3A_93 = tpu.memref_slice %arg7[%dma_start3A_91, %dma_start3A_92] : memref<10112x128xf32, #tpu.memory_space<vmem_shared>> -> memref<10112x128xf32, #tpu.memory_space<vmem_shared>>
        tpu.enqueue_indirect_dma source(%arg8 : memref<128x128xf32, #tpu.memory_space<vmem>>) target(%dma_start3A_93 : memref<10112x128xf32, #tpu.memory_space<vmem_shared>>) offsets(%dma_start3A_90 : memref<128xi32, #tpu.memory_space<vmem>>) semaphore(%run_scoped3A_87 : memref<!tpu.dma_semaphore, #tpu.memory_space<semaphore_mem>>) {add = true}
        %dma_wait3A_94 = arith.constant 0 : i32
        %dma_wait3A_95 = tpu.memref_slice %arg6[%add3A_59, %dma_wait3A_94] : memref<40x128xi32, #tpu.memory_space<vmem>> -> memref<1x128xi32, #tpu.memory_space<vmem>>
        %dma_wait3A_96 = tpu.memref_squeeze %dma_wait3A_95 : memref<1x128xi32, #tpu.memory_space<vmem>> -> memref<128xi32, #tpu.memory_space<vmem>>
        %dma_wait3A_97 = arith.constant 0 : i32
        %dma_wait3A_98 = arith.constant 0 : i32
        %dma_wait3A_99 = tpu.memref_slice %arg7[%dma_wait3A_97, %dma_wait3A_98] : memref<10112x128xf32, #tpu.memory_space<vmem_shared>> -> memref<10112x128xf32, #tpu.memory_space<vmem_shared>>
        tpu.wait_indirect_dma semaphore(%run_scoped3A_87 : memref<!tpu.dma_semaphore, #tpu.memory_space<semaphore_mem>>) src(%arg8 : memref<128x128xf32, #tpu.memory_space<vmem>>) dst(%dma_wait3A_99 : memref<10112x128xf32, #tpu.memory_space<vmem_shared>>)
        tpu.yield
      }) : () -> ()
      %add3A_73 = arith.constant 1 : i32
      %add3A_74 = arith.addi %add3A_59, %add3A_73 : i32
      %dma_wait3A_75 = arith.constant 0 : i32
      %dma_wait3A_76 = tpu.memref_slice %arg5[%add3A_74, %dma_wait3A_75] : memref<40x128xi32, #tpu.memory_space<vmem>> -> memref<1x128xi32, #tpu.memory_space<vmem>>
      %dma_wait3A_77 = tpu.memref_squeeze %dma_wait3A_76 : memref<1x128xi32, #tpu.memory_space<vmem>> -> memref<128xi32, #tpu.memory_space<vmem>>
      %dma_wait3A_78 = arith.constant 0 : i32
      %dma_wait3A_79 = arith.constant 0 : i32
      %dma_wait3A_80 = tpu.memref_slice %arg2[%dma_wait3A_78, %dma_wait3A_79] : memref<10000x128xf32, #tpu.memory_space<hbm>> -> memref<10000x128xf32, #tpu.memory_space<hbm>>
      tpu.wait_indirect_dma semaphore(%arg11 : memref<!tpu.dma_semaphore, #tpu.memory_space<semaphore_mem>>) src(%dma_wait3A_80 : memref<10000x128xf32, #tpu.memory_space<hbm>>) dst(%arg9 : memref<128x128xf32, #tpu.memory_space<vmem>>)
      %add3A_81 = arith.constant 2 : i32
      %add3A_82 = arith.addi %add3A_59, %add3A_81 : i32
      %lt3A = arith.constant 40 : i32
      %lt3A_83 = arith.cmpi slt, %add3A_82, %lt3A : i32
      %convert_element_type3A = arith.extui %lt3A_83 : i1 to i32
      %cond3A = arith.constant 0 : i32
      %cond3A_84 = arith.cmpi ne, %convert_element_type3A, %cond3A : i32
      scf.if %cond3A_84 {
        %add3A_87 = arith.constant 2 : i32
        %add3A_88 = arith.addi %add3A_59, %add3A_87 : i32
        %dma_start3A_89 = arith.constant 0 : i32
        %dma_start3A_90 = tpu.memref_slice %arg5[%add3A_88, %dma_start3A_89] : memref<40x128xi32, #tpu.memory_space<vmem>> -> memref<1x128xi32, #tpu.memory_space<vmem>>
        %dma_start3A_91 = tpu.memref_squeeze %dma_start3A_90 : memref<1x128xi32, #tpu.memory_space<vmem>> -> memref<128xi32, #tpu.memory_space<vmem>>
        %dma_start3A_92 = arith.constant 0 : i32
        %dma_start3A_93 = arith.constant 0 : i32
        %dma_start3A_94 = tpu.memref_slice %arg2[%dma_start3A_92, %dma_start3A_93] : memref<10000x128xf32, #tpu.memory_space<hbm>> -> memref<10000x128xf32, #tpu.memory_space<hbm>>
        tpu.enqueue_indirect_dma source(%dma_start3A_94 : memref<10000x128xf32, #tpu.memory_space<hbm>>) target(%arg8 : memref<128x128xf32, #tpu.memory_space<vmem>>) offsets(%dma_start3A_91 : memref<128xi32, #tpu.memory_space<vmem>>) semaphore(%arg10 : memref<!tpu.dma_semaphore, #tpu.memory_space<semaphore_mem>>)
      } else {
      }
      %add3A_85 = arith.constant 1 : i32
      %add3A_86 = arith.addi %add3A_59, %add3A_85 : i32
      "tpu.region"() ({
        %run_scoped3A_87 = tpu.sem_alloc : memref<!tpu.dma_semaphore, #tpu.memory_space<semaphore_mem>>
        %dma_start3A_88 = arith.constant 0 : i32
        %dma_start3A_89 = tpu.memref_slice %arg6[%add3A_86, %dma_start3A_88] : memref<40x128xi32, #tpu.memory_space<vmem>> -> memref<1x128xi32, #tpu.memory_space<vmem>>
        %dma_start3A_90 = tpu.memref_squeeze %dma_start3A_89 : memref<1x128xi32, #tpu.memory_space<vmem>> -> memref<128xi32, #tpu.memory_space<vmem>>
        %dma_start3A_91 = arith.constant 0 : i32
        %dma_start3A_92 = arith.constant 0 : i32
        %dma_start3A_93 = tpu.memref_slice %arg7[%dma_start3A_91, %dma_start3A_92] : memref<10112x128xf32, #tpu.memory_space<vmem_shared>> -> memref<10112x128xf32, #tpu.memory_space<vmem_shared>>
        tpu.enqueue_indirect_dma source(%arg9 : memref<128x128xf32, #tpu.memory_space<vmem>>) target(%dma_start3A_93 : memref<10112x128xf32, #tpu.memory_space<vmem_shared>>) offsets(%dma_start3A_90 : memref<128xi32, #tpu.memory_space<vmem>>) semaphore(%run_scoped3A_87 : memref<!tpu.dma_semaphore, #tpu.memory_space<semaphore_mem>>) {add = true}
        %dma_wait3A_94 = arith.constant 0 : i32
        %dma_wait3A_95 = tpu.memref_slice %arg6[%add3A_86, %dma_wait3A_94] : memref<40x128xi32, #tpu.memory_space<vmem>> -> memref<1x128xi32, #tpu.memory_space<vmem>>
        %dma_wait3A_96 = tpu.memref_squeeze %dma_wait3A_95 : memref<1x128xi32, #tpu.memory_space<vmem>> -> memref<128xi32, #tpu.memory_space<vmem>>
        %dma_wait3A_97 = arith.constant 0 : i32
        %dma_wait3A_98 = arith.constant 0 : i32
        %dma_wait3A_99 = tpu.memref_slice %arg7[%dma_wait3A_97, %dma_wait3A_98] : memref<10112x128xf32, #tpu.memory_space<vmem_shared>> -> memref<10112x128xf32, #tpu.memory_space<vmem_shared>>
        tpu.wait_indirect_dma semaphore(%run_scoped3A_87 : memref<!tpu.dma_semaphore, #tpu.memory_space<semaphore_mem>>) src(%arg9 : memref<128x128xf32, #tpu.memory_space<vmem>>) dst(%dma_wait3A_99 : memref<10112x128xf32, #tpu.memory_space<vmem_shared>>)
        tpu.yield
      }) : () -> ()
    }
    %scan3A_50 = arith.constant 20 : i32
    %barrier3A_51 = arith.constant 0 : index
    tpu.barrier barrier_id(%barrier3A_51)
    %mul3A_52 = arith.constant 10112 : i32
    %mul3A_53 = arith.muli %arg0, %mul3A_52 : i32
    %add3A_54 = arith.addi %mul3A_53, %mul3A_6 : i32
    %multiple_of3A = tpu.assume_multiple %add3A_54, 8 : i32
    "tpu.region"() ({
      %run_scoped3A_55 = tpu.sem_alloc : memref<!tpu.dma_semaphore, #tpu.memory_space<semaphore_mem>>
      %dma_start3A_56 = arith.constant 0 : i32
      %dma_start3A_57 = tpu.memref_slice %arg4[%multiple_of3A, %dma_start3A_56] : memref<20224x128xf32, #tpu.memory_space<hbm>> -> memref<632x128xf32, #tpu.memory_space<hbm>>
      %dma_start3A_58 = arith.constant 0 : i32
      %dma_start3A_59 = tpu.memref_slice %arg7[%mul3A_6, %dma_start3A_58] : memref<10112x128xf32, #tpu.memory_space<vmem_shared>> -> memref<632x128xf32, #tpu.memory_space<vmem_shared>>
      tpu.enqueue_dma source(%dma_start3A_59 : memref<632x128xf32, #tpu.memory_space<vmem_shared>>) target(%dma_start3A_57 : memref<632x128xf32, #tpu.memory_space<hbm>>) target_semaphore(%run_scoped3A_55 : memref<!tpu.dma_semaphore, #tpu.memory_space<semaphore_mem>>)
      %dma_wait3A = arith.constant 0 : i32
      %dma_wait3A_60 = tpu.memref_slice %arg4[%multiple_of3A, %dma_wait3A] : memref<20224x128xf32, #tpu.memory_space<hbm>> -> memref<632x128xf32, #tpu.memory_space<hbm>>
      %dma_wait3A_61 = arith.constant 0 : i32
      %dma_wait3A_62 = tpu.memref_slice %arg7[%mul3A_6, %dma_wait3A_61] : memref<10112x128xf32, #tpu.memory_space<vmem_shared>> -> memref<632x128xf32, #tpu.memory_space<vmem_shared>>
      tpu.wait_dma2 semaphore(%run_scoped3A_55 : memref<!tpu.dma_semaphore, #tpu.memory_space<semaphore_mem>>) src(%dma_wait3A_62 : memref<632x128xf32, #tpu.memory_space<vmem_shared>>) dst(%dma_wait3A_60 : memref<632x128xf32, #tpu.memory_space<hbm>>)
      tpu.yield
    }) : () -> ()
    return
  }
}

module attributes {stable_mosaic.version = 14 : i64} {
  func.func @_pre_body(%arg0: memref<10000x128xf32, #tpu.memory_space<vmem>>, %arg1: memref<128x128xf32, #tpu.memory_space<vmem>>, %arg2: memref<1x128xf32, #tpu.memory_space<vmem>>, %arg3: memref<10000x128xf32, #tpu.memory_space<vmem>>) attributes {dimension_semantics = [], scalar_prefetch = 0 : i64, scratch_operands = 0 : i64, tpu.core_type = #tpu.core_type<tc>} {
    %get3A = arith.constant 0 : index
    %get3A_0 = arith.constant 0 : index
    %get3A_1 = vector.load %arg0[%get3A, %get3A_0] : memref<10000x128xf32, #tpu.memory_space<vmem>>, vector<10000x128xf32>
    %get3A_2 = arith.constant 0 : index
    %get3A_3 = arith.constant 0 : index
    %get3A_4 = vector.load %arg1[%get3A_2, %get3A_3] : memref<128x128xf32, #tpu.memory_space<vmem>>, vector<128x128xf32>
    %dot_general3A = arith.constant dense<0.000000e+00> : vector<10000x128xf32>
    %dot_general3A_5 = tpu.matmul %get3A_1, %get3A_4, %dot_general3A {dimension_numbers = #tpu.dot_dimension_numbers<[1], [0], [0], [1], [0, 0, 1, 1], [], []>, transpose_lhs_hint = false} : vector<10000x128xf32>, vector<128x128xf32>, vector<10000x128xf32> -> vector<10000x128xf32>
    %get3A_6 = arith.constant 0 : index
    %get3A_7 = arith.constant 0 : index
    %get3A_8 = vector.load %arg2[%get3A_6, %get3A_7] : memref<1x128xf32, #tpu.memory_space<vmem>>, vector<1x128xf32>
    %add3A = vector.broadcast %get3A_8 : vector<1x128xf32> to vector<10000x128xf32>
    %add3A_9 = arith.addf %dot_general3A_5, %add3A : vector<10000x128xf32>
    %swap3A = arith.constant 0 : index
    %swap3A_10 = arith.constant 0 : index
    %swap3A_11 = vector.load %arg3[%swap3A, %swap3A_10] : memref<10000x128xf32, #tpu.memory_space<vmem>>, vector<10000x128xf32>
    tpu.vector_store %arg3[%swap3A, %swap3A_10], %add3A_9 {strides = array<i32>} : memref<10000x128xf32, #tpu.memory_space<vmem>>, vector<10000x128xf32>,
    return
  }
}

module attributes {stable_mosaic.version = 14 : i64} {
  func.func @_post0_body(%arg0: memref<20224x128xf32, #tpu.memory_space<vmem>>, %arg1: memref<20224x128xf32, #tpu.memory_space<vmem>>, %arg2: memref<10000x128xf32, #tpu.memory_space<vmem>>, %arg3: memref<128x128xf32, #tpu.memory_space<vmem>>, %arg4: memref<1x128xf32, #tpu.memory_space<vmem>>, %arg5: memref<1x128xf32, #tpu.memory_space<vmem>>, %arg6: memref<10000x128xf32, #tpu.memory_space<vmem>>, %arg7: memref<10000x1xf32, #tpu.memory_space<vmem>>) attributes {dimension_semantics = [], scalar_prefetch = 0 : i64, scratch_operands = 0 : i64, tpu.core_type = #tpu.core_type<tc>} {
    %get3A = arith.constant 0 : index
    %get3A_0 = arith.constant 0 : index
    %get3A_1 = vector.load %arg1[%get3A, %get3A_0] : memref<20224x128xf32, #tpu.memory_space<vmem>>, vector<10000x1xf32>
    %get3A_2 = arith.constant 10112 : index
    %get3A_3 = arith.constant 0 : index
    %get3A_4 = vector.load %arg1[%get3A_2, %get3A_3] : memref<20224x128xf32, #tpu.memory_space<vmem>>, vector<10000x1xf32>
    %add3A = arith.addf %get3A_1, %get3A_4 : vector<10000x1xf32>
    %max3A = arith.constant 1.000000e+00 : f32
    %max3A_5 = vector.broadcast %max3A : f32 to vector<10000x1xf32>
    %max3A_6 = arith.maximumf %add3A, %max3A_5 : vector<10000x1xf32>
    %div3A = arith.constant 1.000000e+00 : f32
    %div3A_7 = vector.broadcast %div3A : f32 to vector<10000x1xf32>
    %div3A_8 = arith.divf %div3A_7, %max3A_6 : vector<10000x1xf32>
    %swap3A = arith.constant 0 : index
    %swap3A_9 = arith.constant 0 : index
    %swap3A_10 = vector.load %arg7[%swap3A, %swap3A_9] : memref<10000x1xf32, #tpu.memory_space<vmem>>, vector<10000x1xf32>
    tpu.vector_store %arg7[%swap3A, %swap3A_9], %div3A_8 {strides = array<i32>} : memref<10000x1xf32, #tpu.memory_space<vmem>>, vector<10000x1xf32>,
    %get3A_11 = arith.constant 0 : index
    %get3A_12 = arith.constant 0 : index
    %get3A_13 = vector.load %arg0[%get3A_11, %get3A_12] : memref<20224x128xf32, #tpu.memory_space<vmem>>, vector<10000x128xf32>
    %get3A_14 = arith.constant 10112 : index
    %get3A_15 = arith.constant 0 : index
    %get3A_16 = vector.load %arg0[%get3A_14, %get3A_15] : memref<20224x128xf32, #tpu.memory_space<vmem>>, vector<10000x128xf32>
    %add3A_17 = arith.addf %get3A_13, %get3A_16 : vector<10000x128xf32>
    %mul3A = vector.broadcast %div3A_8 : vector<10000x1xf32> to vector<10000x128xf32>
    %mul3A_18 = arith.mulf %add3A_17, %mul3A : vector<10000x128xf32>
    %get3A_19 = arith.constant 0 : index
    %get3A_20 = arith.constant 0 : index
    %get3A_21 = vector.load %arg3[%get3A_19, %get3A_20] : memref<128x128xf32, #tpu.memory_space<vmem>>, vector<128x128xf32>
    %dot_general3A = arith.constant dense<0.000000e+00> : vector<10000x128xf32>
    %dot_general3A_22 = tpu.matmul %mul3A_18, %get3A_21, %dot_general3A {dimension_numbers = #tpu.dot_dimension_numbers<[1], [0], [0], [1], [0, 0, 1, 1], [], []>, transpose_lhs_hint = false} : vector<10000x128xf32>, vector<128x128xf32>, vector<10000x128xf32> -> vector<10000x128xf32>
    %get3A_23 = arith.constant 0 : index
    %get3A_24 = arith.constant 0 : index
    %get3A_25 = vector.load %arg2[%get3A_23, %get3A_24] : memref<10000x128xf32, #tpu.memory_space<vmem>>, vector<10000x128xf32>
    %add3A_26 = arith.addf %dot_general3A_22, %get3A_25 : vector<10000x128xf32>
    %get3A_27 = arith.constant 0 : index
    %get3A_28 = arith.constant 0 : index
    %get3A_29 = vector.load %arg4[%get3A_27, %get3A_28] : memref<1x128xf32, #tpu.memory_space<vmem>>, vector<1x128xf32>
    %get3A_30 = arith.constant 0 : index
    %get3A_31 = arith.constant 0 : index
    %get3A_32 = vector.load %arg5[%get3A_30, %get3A_31] : memref<1x128xf32, #tpu.memory_space<vmem>>, vector<1x128xf32>
    %reduce_sum3A = arith.constant dense<0.000000e+00> : vector<128xf32>
    %reduce_sum3A_33 = vector.multi_reduction <add>, %add3A_26, %reduce_sum3A [0] : vector<10000x128xf32> to vector<128xf32>
    %broadcast_in_dim3A = vector.shape_cast %reduce_sum3A_33 : vector<128xf32> to vector<1x128xf32>
    %div3A_34 = arith.constant 1.000000e+04 : f32
    %div3A_35 = vector.broadcast %div3A_34 : f32 to vector<1x128xf32>
    %div3A_36 = arith.divf %broadcast_in_dim3A, %div3A_35 : vector<1x128xf32>
    %sub3A = vector.broadcast %div3A_36 : vector<1x128xf32> to vector<10000x128xf32>
    %sub3A_37 = arith.subf %add3A_26, %sub3A : vector<10000x128xf32>
    %sub3A_38 = vector.broadcast %div3A_36 : vector<1x128xf32> to vector<10000x128xf32>
    %sub3A_39 = arith.subf %add3A_26, %sub3A_38 : vector<10000x128xf32>
    %mul3A_40 = arith.mulf %sub3A_37, %sub3A_39 : vector<10000x128xf32>
    %reduce_sum3A_41 = arith.constant dense<0.000000e+00> : vector<128xf32>
    %reduce_sum3A_42 = vector.multi_reduction <add>, %mul3A_40, %reduce_sum3A_41 [0] : vector<10000x128xf32> to vector<128xf32>
    %broadcast_in_dim3A_43 = vector.shape_cast %reduce_sum3A_42 : vector<128xf32> to vector<1x128xf32>
    %div3A_44 = arith.constant 1.000000e+04 : f32
    %div3A_45 = vector.broadcast %div3A_44 : f32 to vector<1x128xf32>
    %div3A_46 = arith.divf %broadcast_in_dim3A_43, %div3A_45 : vector<1x128xf32>
    %sub3A_47 = vector.broadcast %div3A_36 : vector<1x128xf32> to vector<10000x128xf32>
    %sub3A_48 = arith.subf %add3A_26, %sub3A_47 : vector<10000x128xf32>
    %add3A_49 = arith.constant 9.99999974E-6 : f32
    %add3A_50 = vector.broadcast %add3A_49 : f32 to vector<1x128xf32>
    %add3A_51 = arith.addf %div3A_46, %add3A_50 : vector<1x128xf32>
    %sqrt3A = math.sqrt %add3A_51 : vector<1x128xf32>
    %div3A_52 = vector.broadcast %sqrt3A : vector<1x128xf32> to vector<10000x128xf32>
    %div3A_53 = arith.divf %sub3A_48, %div3A_52 : vector<10000x128xf32>
    %mul3A_54 = vector.broadcast %get3A_29 : vector<1x128xf32> to vector<10000x128xf32>
    %mul3A_55 = arith.mulf %div3A_53, %mul3A_54 : vector<10000x128xf32>
    %add3A_56 = vector.broadcast %get3A_32 : vector<1x128xf32> to vector<10000x128xf32>
    %add3A_57 = arith.addf %mul3A_55, %add3A_56 : vector<10000x128xf32>
    %max3A_58 = arith.constant 0.000000e+00 : f32
    %max3A_59 = vector.broadcast %max3A_58 : f32 to vector<10000x128xf32>
    %max3A_60 = arith.maximumf %add3A_57, %max3A_59 : vector<10000x128xf32>
    %swap3A_61 = arith.constant 0 : index
    %swap3A_62 = arith.constant 0 : index
    %swap3A_63 = vector.load %arg6[%swap3A_61, %swap3A_62] : memref<10000x128xf32, #tpu.memory_space<vmem>>, vector<10000x128xf32>
    tpu.vector_store %arg6[%swap3A_61, %swap3A_62], %max3A_60 {strides = array<i32>} : memref<10000x128xf32, #tpu.memory_space<vmem>>, vector<10000x128xf32>,
    return
  }
}

module attributes {stable_mosaic.version = 14 : i64} {
  func.func @_post_body(%arg0: memref<20224x128xf32, #tpu.memory_space<vmem>>, %arg1: memref<10000x1xf32, #tpu.memory_space<vmem>>, %arg2: memref<10000x128xf32, #tpu.memory_space<vmem>>, %arg3: memref<128x128xf32, #tpu.memory_space<vmem>>, %arg4: memref<1x128xf32, #tpu.memory_space<vmem>>, %arg5: memref<1x128xf32, #tpu.memory_space<vmem>>, %arg6: memref<10000x128xf32, #tpu.memory_space<vmem>>) attributes {dimension_semantics = [], scalar_prefetch = 0 : i64, scratch_operands = 0 : i64, tpu.core_type = #tpu.core_type<tc>} {
    %get3A = arith.constant 0 : index
    %get3A_0 = arith.constant 0 : index
    %get3A_1 = vector.load %arg0[%get3A, %get3A_0] : memref<20224x128xf32, #tpu.memory_space<vmem>>, vector<10000x128xf32>
    %get3A_2 = arith.constant 10112 : index
    %get3A_3 = arith.constant 0 : index
    %get3A_4 = vector.load %arg0[%get3A_2, %get3A_3] : memref<20224x128xf32, #tpu.memory_space<vmem>>, vector<10000x128xf32>
    %add3A = arith.addf %get3A_1, %get3A_4 : vector<10000x128xf32>
    %get3A_5 = arith.constant 0 : index
    %get3A_6 = arith.constant 0 : index
    %get3A_7 = vector.load %arg1[%get3A_5, %get3A_6] : memref<10000x1xf32, #tpu.memory_space<vmem>>, vector<10000x1xf32>
    %mul3A = vector.broadcast %get3A_7 : vector<10000x1xf32> to vector<10000x128xf32>
    %mul3A_8 = arith.mulf %add3A, %mul3A : vector<10000x128xf32>
    %get3A_9 = arith.constant 0 : index
    %get3A_10 = arith.constant 0 : index
    %get3A_11 = vector.load %arg3[%get3A_9, %get3A_10] : memref<128x128xf32, #tpu.memory_space<vmem>>, vector<128x128xf32>
    %dot_general3A = arith.constant dense<0.000000e+00> : vector<10000x128xf32>
    %dot_general3A_12 = tpu.matmul %mul3A_8, %get3A_11, %dot_general3A {dimension_numbers = #tpu.dot_dimension_numbers<[1], [0], [0], [1], [0, 0, 1, 1], [], []>, transpose_lhs_hint = false} : vector<10000x128xf32>, vector<128x128xf32>, vector<10000x128xf32> -> vector<10000x128xf32>
    %get3A_13 = arith.constant 0 : index
    %get3A_14 = arith.constant 0 : index
    %get3A_15 = vector.load %arg2[%get3A_13, %get3A_14] : memref<10000x128xf32, #tpu.memory_space<vmem>>, vector<10000x128xf32>
    %add3A_16 = arith.addf %dot_general3A_12, %get3A_15 : vector<10000x128xf32>
    %get3A_17 = arith.constant 0 : index
    %get3A_18 = arith.constant 0 : index
    %get3A_19 = vector.load %arg4[%get3A_17, %get3A_18] : memref<1x128xf32, #tpu.memory_space<vmem>>, vector<1x128xf32>
    %get3A_20 = arith.constant 0 : index
    %get3A_21 = arith.constant 0 : index
    %get3A_22 = vector.load %arg5[%get3A_20, %get3A_21] : memref<1x128xf32, #tpu.memory_space<vmem>>, vector<1x128xf32>
    %reduce_sum3A = arith.constant dense<0.000000e+00> : vector<128xf32>
    %reduce_sum3A_23 = vector.multi_reduction <add>, %add3A_16, %reduce_sum3A [0] : vector<10000x128xf32> to vector<128xf32>
    %broadcast_in_dim3A = vector.shape_cast %reduce_sum3A_23 : vector<128xf32> to vector<1x128xf32>
    %div3A = arith.constant 1.000000e+04 : f32
    %div3A_24 = vector.broadcast %div3A : f32 to vector<1x128xf32>
    %div3A_25 = arith.divf %broadcast_in_dim3A, %div3A_24 : vector<1x128xf32>
    %sub3A = vector.broadcast %div3A_25 : vector<1x128xf32> to vector<10000x128xf32>
    %sub3A_26 = arith.subf %add3A_16, %sub3A : vector<10000x128xf32>
    %sub3A_27 = vector.broadcast %div3A_25 : vector<1x128xf32> to vector<10000x128xf32>
    %sub3A_28 = arith.subf %add3A_16, %sub3A_27 : vector<10000x128xf32>
    %mul3A_29 = arith.mulf %sub3A_26, %sub3A_28 : vector<10000x128xf32>
    %reduce_sum3A_30 = arith.constant dense<0.000000e+00> : vector<128xf32>
    %reduce_sum3A_31 = vector.multi_reduction <add>, %mul3A_29, %reduce_sum3A_30 [0] : vector<10000x128xf32> to vector<128xf32>
    %broadcast_in_dim3A_32 = vector.shape_cast %reduce_sum3A_31 : vector<128xf32> to vector<1x128xf32>
    %div3A_33 = arith.constant 1.000000e+04 : f32
    %div3A_34 = vector.broadcast %div3A_33 : f32 to vector<1x128xf32>
    %div3A_35 = arith.divf %broadcast_in_dim3A_32, %div3A_34 : vector<1x128xf32>
    %sub3A_36 = vector.broadcast %div3A_25 : vector<1x128xf32> to vector<10000x128xf32>
    %sub3A_37 = arith.subf %add3A_16, %sub3A_36 : vector<10000x128xf32>
    %add3A_38 = arith.constant 9.99999974E-6 : f32
    %add3A_39 = vector.broadcast %add3A_38 : f32 to vector<1x128xf32>
    %add3A_40 = arith.addf %div3A_35, %add3A_39 : vector<1x128xf32>
    %sqrt3A = math.sqrt %add3A_40 : vector<1x128xf32>
    %div3A_41 = vector.broadcast %sqrt3A : vector<1x128xf32> to vector<10000x128xf32>
    %div3A_42 = arith.divf %sub3A_37, %div3A_41 : vector<10000x128xf32>
    %mul3A_43 = vector.broadcast %get3A_19 : vector<1x128xf32> to vector<10000x128xf32>
    %mul3A_44 = arith.mulf %div3A_42, %mul3A_43 : vector<10000x128xf32>
    %add3A_45 = vector.broadcast %get3A_22 : vector<1x128xf32> to vector<10000x128xf32>
    %add3A_46 = arith.addf %mul3A_44, %add3A_45 : vector<10000x128xf32>
    %max3A = arith.constant 0.000000e+00 : f32
    %max3A_47 = vector.broadcast %max3A : f32 to vector<10000x128xf32>
    %max3A_48 = arith.maximumf %add3A_46, %max3A_47 : vector<10000x128xf32>
    %swap3A = arith.constant 0 : index
    %swap3A_49 = arith.constant 0 : index
    %swap3A_50 = vector.load %arg6[%swap3A, %swap3A_49] : memref<10000x128xf32, #tpu.memory_space<vmem>>, vector<10000x128xf32>
    tpu.vector_store %arg6[%swap3A, %swap3A_49], %max3A_48 {strides = array<i32>} : memref<10000x128xf32, #tpu.memory_space<vmem>>, vector<10000x128xf32>,
    return
  }
}

module attributes {stable_mosaic.version = 14 : i64} {
  func.func @_prefinal_body(%arg0: memref<10000x128xf32, #tpu.memory_space<vmem>>, %arg1: memref<1x10000xi32, #tpu.memory_space<vmem>>, %arg2: memref<128x64xf32, #tpu.memory_space<vmem>>, %arg3: memref<1x64xf32, #tpu.memory_space<vmem>>, %arg4: memref<64x64xf32, #tpu.memory_space<vmem>>) attributes {dimension_semantics = [], scalar_prefetch = 0 : i64, scratch_operands = 0 : i64, tpu.core_type = #tpu.core_type<tc>} {
    %iota3A = tpu.iota {dimensions = array<i32: 0>} : vector<64x10000xi32>
    %get3A = arith.constant 0 : index
    %get3A_0 = arith.constant 0 : index
    %get3A_1 = vector.load %arg1[%get3A, %get3A_0] : memref<1x10000xi32, #tpu.memory_space<vmem>>, vector<1x10000xi32>
    %eq3A = vector.broadcast %get3A_1 : vector<1x10000xi32> to vector<64x10000xi32>
    %eq3A_2 = arith.cmpi eq, %eq3A, %iota3A : vector<64x10000xi32>
    %convert_element_type3A = arith.extui %eq3A_2 : vector<64x10000xi1> to vector<64x10000xi32>
    %convert_element_type3A_3 = arith.sitofp %convert_element_type3A : vector<64x10000xi32> to vector<64x10000xf32>
    %reduce_sum3A = arith.constant dense<0.000000e+00> : vector<64xf32>
    %reduce_sum3A_4 = vector.multi_reduction <add>, %convert_element_type3A_3, %reduce_sum3A [1] : vector<64x10000xf32> to vector<64xf32>
    %broadcast_in_dim3A = vector.shape_cast %reduce_sum3A_4 : vector<64xf32> to vector<64x1xf32>
    %gt3A = arith.constant 0.000000e+00 : f32
    %gt3A_5 = vector.broadcast %gt3A : f32 to vector<64x1xf32>
    %gt3A_6 = arith.cmpf ogt, %broadcast_in_dim3A, %gt3A_5 : vector<64x1xf32>
    %max3A = arith.constant 1.000000e+00 : f32
    %max3A_7 = vector.broadcast %max3A : f32 to vector<64x1xf32>
    %max3A_8 = arith.maximumf %broadcast_in_dim3A, %max3A_7 : vector<64x1xf32>
    %div3A = arith.constant 1.000000e+00 : f32
    %div3A_9 = vector.broadcast %div3A : f32 to vector<64x1xf32>
    %div3A_10 = arith.divf %div3A_9, %max3A_8 : vector<64x1xf32>
    %jit3A = arith.constant 0.000000e+00 : f32
    %broadcast_in_dim3A_11 = vector.broadcast %jit3A : f32 to vector<64x1xf32>
    %select_n3A = arith.select %gt3A_6, %div3A_10, %broadcast_in_dim3A_11 : vector<64x1xi1>, vector<64x1xf32>
    %mul3A = vector.broadcast %select_n3A : vector<64x1xf32> to vector<64x10000xf32>
    %mul3A_12 = arith.mulf %convert_element_type3A_3, %mul3A : vector<64x10000xf32>
    %get3A_13 = arith.constant 0 : index
    %get3A_14 = arith.constant 0 : index
    %get3A_15 = vector.load %arg0[%get3A_13, %get3A_14] : memref<10000x128xf32, #tpu.memory_space<vmem>>, vector<10000x128xf32>
    %dot_general3A = arith.constant dense<0.000000e+00> : vector<64x128xf32>
    %dot_general3A_16 = tpu.matmul %mul3A_12, %get3A_15, %dot_general3A {dimension_numbers = #tpu.dot_dimension_numbers<[1], [0], [0], [1], [0, 0, 1, 1], [], []>, transpose_lhs_hint = false} : vector<64x10000xf32>, vector<10000x128xf32>, vector<64x128xf32> -> vector<64x128xf32>
    %get3A_17 = arith.constant 0 : index
    %get3A_18 = arith.constant 0 : index
    %get3A_19 = vector.load %arg2[%get3A_17, %get3A_18] : memref<128x64xf32, #tpu.memory_space<vmem>>, vector<128x64xf32>
    %dot_general3A_20 = arith.constant dense<0.000000e+00> : vector<64x64xf32>
    %dot_general3A_21 = tpu.matmul %dot_general3A_16, %get3A_19, %dot_general3A_20 {dimension_numbers = #tpu.dot_dimension_numbers<[1], [0], [0], [1], [0, 0, 1, 1], [], []>, transpose_lhs_hint = false} : vector<64x128xf32>, vector<128x64xf32>, vector<64x64xf32> -> vector<64x64xf32>
    %get3A_22 = arith.constant 0 : index
    %get3A_23 = arith.constant 0 : index
    %get3A_24 = vector.load %arg3[%get3A_22, %get3A_23] : memref<1x64xf32, #tpu.memory_space<vmem>>, vector<1x64xf32>
    %add3A = vector.broadcast %get3A_24 : vector<1x64xf32> to vector<64x64xf32>
    %add3A_25 = arith.addf %dot_general3A_21, %add3A : vector<64x64xf32>
    %swap3A = arith.constant 0 : index
    %swap3A_26 = arith.constant 0 : index
    %swap3A_27 = vector.load %arg4[%swap3A, %swap3A_26] : memref<64x64xf32, #tpu.memory_space<vmem>>, vector<64x64xf32>
    tpu.vector_store %arg4[%swap3A, %swap3A_26], %add3A_25 {strides = array<i32>} : memref<64x64xf32, #tpu.memory_space<vmem>>, vector<64x64xf32>,
    return
  }
}

module attributes {stable_mosaic.version = 14 : i64} {
  func.func @_final_body(%arg0: memref<20224x128xf32, #tpu.memory_space<vmem>>, %arg1: memref<10000x1xf32, #tpu.memory_space<vmem>>, %arg2: memref<1x10000xi32, #tpu.memory_space<vmem>>, %arg3: memref<128x64xf32, #tpu.memory_space<vmem>>, %arg4: memref<64x64xf32, #tpu.memory_space<vmem>>, %arg5: memref<64x64xf32, #tpu.memory_space<vmem>>) attributes {dimension_semantics = [], scalar_prefetch = 0 : i64, scratch_operands = 0 : i64, tpu.core_type = #tpu.core_type<tc>} {
    %get3A = arith.constant 0 : index
    %get3A_0 = arith.constant 0 : index
    %get3A_1 = vector.load %arg0[%get3A, %get3A_0] : memref<20224x128xf32, #tpu.memory_space<vmem>>, vector<10000x128xf32>
    %get3A_2 = arith.constant 10112 : index
    %get3A_3 = arith.constant 0 : index
    %get3A_4 = vector.load %arg0[%get3A_2, %get3A_3] : memref<20224x128xf32, #tpu.memory_space<vmem>>, vector<10000x128xf32>
    %add3A = arith.addf %get3A_1, %get3A_4 : vector<10000x128xf32>
    %get3A_5 = arith.constant 0 : index
    %get3A_6 = arith.constant 0 : index
    %get3A_7 = vector.load %arg1[%get3A_5, %get3A_6] : memref<10000x1xf32, #tpu.memory_space<vmem>>, vector<10000x1xf32>
    %mul3A = vector.broadcast %get3A_7 : vector<10000x1xf32> to vector<10000x128xf32>
    %mul3A_8 = arith.mulf %add3A, %mul3A : vector<10000x128xf32>
    %iota3A = tpu.iota {dimensions = array<i32: 0>} : vector<64x10000xi32>
    %get3A_9 = arith.constant 0 : index
    %get3A_10 = arith.constant 0 : index
    %get3A_11 = vector.load %arg2[%get3A_9, %get3A_10] : memref<1x10000xi32, #tpu.memory_space<vmem>>, vector<1x10000xi32>
    %eq3A = vector.broadcast %get3A_11 : vector<1x10000xi32> to vector<64x10000xi32>
    %eq3A_12 = arith.cmpi eq, %eq3A, %iota3A : vector<64x10000xi32>
    %convert_element_type3A = arith.extui %eq3A_12 : vector<64x10000xi1> to vector<64x10000xi32>
    %convert_element_type3A_13 = arith.sitofp %convert_element_type3A : vector<64x10000xi32> to vector<64x10000xf32>
    %reduce_sum3A = arith.constant dense<0.000000e+00> : vector<64xf32>
    %reduce_sum3A_14 = vector.multi_reduction <add>, %convert_element_type3A_13, %reduce_sum3A [1] : vector<64x10000xf32> to vector<64xf32>
    %broadcast_in_dim3A = vector.shape_cast %reduce_sum3A_14 : vector<64xf32> to vector<64x1xf32>
    %gt3A = arith.constant 0.000000e+00 : f32
    %gt3A_15 = vector.broadcast %gt3A : f32 to vector<64x1xf32>
    %gt3A_16 = arith.cmpf ogt, %broadcast_in_dim3A, %gt3A_15 : vector<64x1xf32>
    %max3A = arith.constant 1.000000e+00 : f32
    %max3A_17 = vector.broadcast %max3A : f32 to vector<64x1xf32>
    %max3A_18 = arith.maximumf %broadcast_in_dim3A, %max3A_17 : vector<64x1xf32>
    %div3A = arith.constant 1.000000e+00 : f32
    %div3A_19 = vector.broadcast %div3A : f32 to vector<64x1xf32>
    %div3A_20 = arith.divf %div3A_19, %max3A_18 : vector<64x1xf32>
    %jit3A = arith.constant 0.000000e+00 : f32
    %broadcast_in_dim3A_21 = vector.broadcast %jit3A : f32 to vector<64x1xf32>
    %select_n3A = arith.select %gt3A_16, %div3A_20, %broadcast_in_dim3A_21 : vector<64x1xi1>, vector<64x1xf32>
    %mul3A_22 = vector.broadcast %select_n3A : vector<64x1xf32> to vector<64x10000xf32>
    %mul3A_23 = arith.mulf %convert_element_type3A_13, %mul3A_22 : vector<64x10000xf32>
    %dot_general3A = arith.constant dense<0.000000e+00> : vector<64x128xf32>
    %dot_general3A_24 = tpu.matmul %mul3A_23, %mul3A_8, %dot_general3A {dimension_numbers = #tpu.dot_dimension_numbers<[1], [0], [0], [1], [0, 0, 1, 1], [], []>, transpose_lhs_hint = false} : vector<64x10000xf32>, vector<10000x128xf32>, vector<64x128xf32> -> vector<64x128xf32>
    %get3A_25 = arith.constant 0 : index
    %get3A_26 = arith.constant 0 : index
    %get3A_27 = vector.load %arg3[%get3A_25, %get3A_26] : memref<128x64xf32, #tpu.memory_space<vmem>>, vector<128x64xf32>
    %dot_general3A_28 = arith.constant dense<0.000000e+00> : vector<64x64xf32>
    %dot_general3A_29 = tpu.matmul %dot_general3A_24, %get3A_27, %dot_general3A_28 {dimension_numbers = #tpu.dot_dimension_numbers<[1], [0], [0], [1], [0, 0, 1, 1], [], []>, transpose_lhs_hint = false} : vector<64x128xf32>, vector<128x64xf32>, vector<64x64xf32> -> vector<64x64xf32>
    %get3A_30 = arith.constant 0 : index
    %get3A_31 = arith.constant 0 : index
    %get3A_32 = vector.load %arg4[%get3A_30, %get3A_31] : memref<64x64xf32, #tpu.memory_space<vmem>>, vector<64x64xf32>
    %add3A_33 = arith.addf %dot_general3A_29, %get3A_32 : vector<64x64xf32>
    %gt3A_34 = arith.constant 0.000000e+00 : f32
    %gt3A_35 = vector.broadcast %gt3A_34 : f32 to vector<64x1xf32>
    %gt3A_36 = arith.cmpf ogt, %broadcast_in_dim3A, %gt3A_35 : vector<64x1xf32>
    %jit3A_37 = arith.constant 0.000000e+00 : f32
    %broadcast_in_dim3A_38 = vector.shape_cast %gt3A_36 : vector<64x1xi1> to vector<64x1xi1>
    %broadcast_in_dim3A_39 = vector.broadcast %broadcast_in_dim3A_38 : vector<64x1xi1> to vector<64x64xi1>
    %broadcast_in_dim3A_40 = vector.broadcast %jit3A_37 : f32 to vector<64x64xf32>
    %select_n3A_41 = arith.select %broadcast_in_dim3A_39, %add3A_33, %broadcast_in_dim3A_40 : vector<64x64xi1>, vector<64x64xf32>
    %swap3A = arith.constant 0 : index
    %swap3A_42 = arith.constant 0 : index
    %swap3A_43 = vector.load %arg5[%swap3A, %swap3A_42] : memref<64x64xf32, #tpu.memory_space<vmem>>, vector<64x64xf32>
    tpu.vector_store %arg5[%swap3A, %swap3A_42], %select_n3A_41 {strides = array<i32>} : memref<64x64xf32, #tpu.memory_space<vmem>>, vector<64x64xf32>,
    return
  }
}

</mosaic_0001>

<sc_bundles>
// kernel: kernel.15.cloned.1.call-start
scs
__scs_entry_jumppad:
0x0: {  	(pc) =	sbr.rel $0x88, $3  }
0x1: {  	(tag) =	ssettag $0x0;
	lr =	simm.s32 $0x1  }
0x2: {  	[smem:$0x3F8C] =	sst lr;
	_ =	strace $0xD0000000  }
0x3: {  	_ = 	snop  }
0x4: {  	_ = 	snop  }
0x5: {  	_ = 	snop  }
0x6: {  	_ = 	snop  }
0x7: {  	_ = 	snop  }
__scs_overlays_trampoline_lowered:
0x8: {  	[smem:$0x3F9B] =	sst s0  }
0x9: {  	[smem:$0x3F9C] =	sst s1  }
0xa: {  	[smem:$0x3F9D] =	sst s2  }
0xb: {  	[smem:$0x3F9E] =	sst s3  }
0xc: {  	[smem:$0x3F9F] =	sst s4  }
0xd: {  	[smem:$0x3FA0] =	sst s5  }
0xe: {  	[smem:$0x3FA1] =	sst s6  }
0xf: {  	[smem:$0x3FA2] =	sst s7  }
0x10: {  	[smem:$0x3FA3] =	sst s8  }
0x11: {  	[smem:$0x3FA4] =	sst s9;
	s0 =	simm.s32 @!p0 $0x0  }
0x12: {  	s1 =	sld [smem:$0x3F8A];
	s0 =	simm.s32 @p0 $0x1  }
0x13: {  	[smem:$0x3FA5] =	sst s0;
	s0 =	simm.s32 @!p1 $0x0  }
0x14: {  	s2 =	sld [smem:$0x3F89];
	s0 =	simm.s32 @p1 $0x1  }
0x15: {  	[smem:$0x3FA6] =	sst s0;
	s0 =	simm.s32 @!p2 $0x0  }
0x16: {  	s3 =	sld [smem:$0x3FDB];
	s0 =	simm.s32 @p2 $0x1  }
0x17: {  	s4 =	simm.s32 $0x1BF5;
	[smem:$0x3FA8] =	sst s0  }
0x18: {  	s0 =	sld [smem:$0x3F8B];
	_ =	swait.ge [sflag:s4], $0x0  }
0x19: {  	s7 =	sld [smem:$0x3F8C]  }
0x1a: {  	s8 =	sadd.s32 $0xFFFFE003, lr  }
0x1b: {  	s9 =	sadd.s32 $0xFFFFFEF7, lr;
	s5 =	simm.s32 $0xFFFFFFFF;
	p2 =	slt.u32 s8, $0xFFFFF086  }
0x1c: {  	p1 =	slt.u32 s9, $0xF7A;
	s5 =	simm.s32 @!p2 $0x0  }
0x1d: {  	s5 =	simm.s32 @p1 $0x1;
	p0 =	seq.s32 s7, s2  }
0x1e: {  	s7 =	smul.u32 @!p0 $0xF7A, s2;
	p2 =	seq.s32 @!p0 s5, $0x0  }
0x1f: {  	s9 =	smul.u32 $0xF7A, s1;
	s8 =	simm.s32 @!p0 $0x1BF5;
	p2 =	por !p2, p0  }
0x20: {  	[sflag:s8] =	ssyncset.s32 @!p0 $0xFFFFF086;
	s6 =	sadd.s32 @!p0 s3, s7;
	s7 =	simm.s32 @!p0 $0x108  }
0x21: {  	s3 =	sadd.s32 s3, s9;
	s6 =	sadd.s32 @!p0 $0x88, s6;
	s7 =	simm.s32 @p2 $0x1082  }
0x22: {  	[simem:s7], [sflag:s8] =	dma.local @!p0 [hbm:s6], $0xF7A  }
0x23: {  	s9 =	sor.u32 $0xD0000000, s2;
	s6 =	simm.s32 $0x108;
	_ =	swait.ge @!p0 [sflag:s8], $0x0  }
0x24: {  	s3 =	sadd.s32 $0x88, s3;
	s6 =	simm.s32 @!p1 $0x1082;
	[sflag:s4] =	ssyncset.s32 $0xFFFFF086  }
0x25: {  	[simem:s6], [sflag:s4] =	dma.local [hbm:s3], $0xF7A  }
0x26: {  	[smem:$0x3F8C] =	sst s1;
	(tag) =	ssettag s2;
	_ =	strace s9  }
0x27: {  	s1 =	sld [smem:$0x3F9C]  }
0x28: {  	s2 =	sld [smem:$0x3F9D]  }
0x29: {  	s4 =	sld [smem:$0x3F9F]  }
0x2a: {  	p0 =	seq.s32 s5, $0x0;
	s5 =	sld [smem:$0x3FA0]  }
0x2b: {  	s6 =	sld [smem:$0x3FA1]  }
0x2c: {  	s7 =	sld [smem:$0x3FA2]  }
0x2d: {  	s3 =	simm.s32 $0x108;
	s8 =	sld [smem:$0x3FA3]  }
0x2e: {  	s3 =	simm.s32 @!p0 $0x1082;
	s9 =	sld [smem:$0x3FA4]  }
0x2f: {  	lr =	sadd.s32 s0, s3;
	s0 =	sld [smem:$0x3F9B]  }
0x30: {  	s3 =	sld [smem:$0x3F9E]  }
0x31: {  	[smem:$0x3FA7] =	sst s10  }
0x32: {  	s10 =	sld [smem:$0x3FA5];
	_ =	sdelay $0x3  }
0x33: {  	p0 =	seq.s32 s10, $0x1;
	s10 =	sld [smem:$0x3FA7];
	_ =	sdelay $0x3  }
0x34: {  	[smem:$0x3FA7] =	sst s10  }
0x35: {  	s10 =	sld [smem:$0x3FA6];
	_ =	sdelay $0x3  }
0x36: {  	p1 =	seq.s32 s10, $0x1;
	s10 =	sld [smem:$0x3FA7];
	_ =	sdelay $0x3  }
0x37: {  	[smem:$0x3FA7] =	sst s10  }
0x38: {  	s10 =	sld [smem:$0x3FA8]  }
0x39: {  	_ = 	snop;
	(pc) =	sbr.ind lr, $3  }
0x3a: {  	_ = 	snop  }
0x3b: {  	_ = 	snop  }
0x3c: {  	p2 =	seq.s32 s10, $0x1;
	s10 =	sld [smem:$0x3FA7]  }
0x3d: {  	_ =	shalt  }
0x3e: {  	_ =	shalt  }
0x3f: {  	_ =	shalt  }
0x40: {  	_ =	shalt  }
0x41: {  	_ =	shalt  }
0x42: {  	_ =	shalt  }
0x43: {  	_ =	shalt  }
0x44: {  	_ =	shalt  }
0x45: {  	_ =	shalt  }
0x46: {  	_ =	shalt  }
0x47: {  	_ =	shalt  }
0x48: {  	_ =	shalt  }
0x49: {  	_ =	shalt  }
0x4a: {  	_ =	shalt  }
0x4b: {  	_ =	shalt  }
0x4c: {  	_ =	shalt  }
0x4d: {  	_ =	shalt  }
0x4e: {  	_ =	shalt  }
0x4f: {  	_ =	shalt  }
0x50: {  	_ =	shalt  }
0x51: {  	_ =	shalt  }
0x52: {  	_ =	shalt  }
0x53: {  	_ =	shalt  }
0x54: {  	_ =	shalt  }
0x55: {  	_ =	shalt  }
0x56: {  	_ =	shalt  }
0x57: {  	_ =	shalt  }
0x58: {  	_ =	shalt  }
0x59: {  	_ =	shalt  }
0x5a: {  	_ =	shalt  }
0x5b: {  	_ =	shalt  }
0x5c: {  	_ =	shalt  }
0x5d: {  	_ =	shalt  }
0x5e: {  	_ =	shalt  }
0x5f: {  	_ =	shalt  }
0x60: {  	_ =	shalt  }
0x61: {  	_ =	shalt  }
0x62: {  	_ =	shalt  }
0x63: {  	_ =	shalt  }
0x64: {  	_ =	shalt  }
0x65: {  	_ =	shalt  }
0x66: {  	_ =	shalt  }
0x67: {  	_ =	shalt  }
0x68: {  	_ =	shalt  }
0x69: {  	_ =	shalt  }
0x6a: {  	_ =	shalt  }
0x6b: {  	_ =	shalt  }
0x6c: {  	_ =	shalt  }
0x6d: {  	_ =	shalt  }
0x6e: {  	_ =	shalt  }
0x6f: {  	_ =	shalt  }
0x70: {  	_ =	shalt  }
0x71: {  	_ =	shalt  }
0x72: {  	_ =	shalt  }
0x73: {  	_ =	shalt  }
0x74: {  	_ =	shalt  }
0x75: {  	_ =	shalt  }
0x76: {  	_ =	shalt  }
0x77: {  	_ =	shalt  }
0x78: {  	_ =	shalt  }
0x79: {  	_ =	shalt  }
0x7a: {  	_ =	shalt  }
0x7b: {  	_ =	shalt  }
0x7c: {  	_ =	shalt  }
0x7d: {  	_ =	shalt  }
0x7e: {  	_ =	shalt  }
0x7f: {  	_ =	shalt  }
0x80: {  	_ =	shalt  }
0x81: {  	_ =	shalt  }
0x82: {  	_ =	shalt  }
0x83: {  	_ =	shalt  }
0x84: {  	_ =	shalt  }
0x85: {  	_ =	shalt  }
0x86: {  	_ =	shalt  }
0x87: {  	_ =	shalt  }
.Lfunc_end0:
.L_simem_size_0:
called_computation_lowered:
.L_overlay_start_0:
0x88: {  	s2 =	sld [smem:$0x3FD9]  }
0x89: {  	s3 =	sld [smem:$0x3FFE];
	_ =	sdelay $0x1  }
0x8a: {  	s1 =	srdreg.scid  }
0x8b: {  	s0 =	sand.u32 $0x1, s1  }
0x8c: {  	s16 =	sshll.u32 s0, $0xA;
	s2 =	sadd.s32 s3, s2  }
0x8d: {  	s2 =	sadd.s32 s2, s16  }
0x8e: {  	[smem:$0x3FB3] =	sst s2  }
0x8f: {  	_ = 	snop  }
0x90: {  	(tm) =	ssettm $0x1  }
0x91: {  	s17 =	sld [smem:$0x3FFB];
	_ =	sdelay $0x3  }
0x92: {  	_ =	strace s17  }
0x93: {  	s2 =	sld [smem:$0x3FFC];
	_ =	sdelay $0x3  }
0x94: {  	_ =	strace s2  }
0x95: {  	s2 =	sld [smem:$0x3FFD];
	_ =	sdelay $0x3  }
0x96: {  	_ =	strace s2  }
0x97: {  	_ =	strace $0x8FFFFFFF  }
0x98: {  	s18 =	sld [smem:$0x3FDB];
	_ =	sdelay $0x1  }
0x99: {  	s19 =	simm.s32 $_scs_section_size  }
0x9a: {  	s4 =	simm.s32 $_size__tile_overlayer_lowered;
	s5 =	simm.s32 $_tile_overlayer_lowered  }
0x9b: {  	s22 =	simm.s32 $0x1BFF;
	s21 =	sshll.u32 s5, $0x1;
	s2 =	sadd.s32 s19, s18  }
0x9c: {  	s6 =	simm.s32 $0x0;
	s20 =	sshll.u32 s4, $0x1;
	s4 =	sadd.s32 s21, s2  }
0x9d: {  	[timem:s6], [sflag:s22] =	dma.local [hbm:s4], s20  }
0x9e: {  	_ =	swait.ge [sflag:s22], s20  }
0x9f: {  	s3 =	ssub.s32 $0x0, s20;
	[sflag:s22] =	ssyncset.done $0x0  }
0xa0: {  	[sflag:s22] =	ssyncadd.s32 s3;
	_ =	sdelay $0x1  }
0xa1: {  	s23 =	simm.s32 $0x1B8B  }
0xa2: {  	_ =	swait.ge [sflag:s23], $0x1  }
0xa3: {  	[sflag:s23] =	ssyncset.done $0x0  }
0xa4: {  	s25 =	simm.s32 $0x1B8E;
	s24 =	sld [smem:$0x3FFE];
	[sflag:s23] =	ssyncadd.s32 $0xFFFFFFFF  }
0xa5: {  	s26 =	simm.s32 $execute0_lowered;
	[smem:$0x3FD2] =	sst s25  }
0xa6: {  	s4 =	sshll.u32 s26, $0x1;
	_ =	strace $0x80000046;
	[dreg:$0x1] =	wrdreg $0xFFFFFFFF  }
0xa7: {  	s28 =	simm.s32 $_size_execute0_lowered;
	s2 =	sadd.s32 s2, s4;
	[dreg:$0x0] =	wrdreg $0x0  }
0xa8: {  	s4 =	sshll.u32 s28, $0x1;
	[dreg:$0x2] =	wrdreg s2  }
0xa9: {  	[dreg:$0x3] =	wrdreg s4  }
0xaa: {  	[dreg:$0x4] =	wrdreg $0xC0  }
0xab: {  	_ =	task [dreg:s6], $0x5FFFF  }
0xac: {  	[dreg:$0x1] =	wrdreg $0xFFFFFFFF  }
0xad: {  	[dreg:$0x0] =	wrdreg $0x60  }
0xae: {  	[dreg:$0x2] =	wrdreg s24  }
0xaf: {  	[dreg:$0x3] =	wrdreg $0x68000  }
0xb0: {  	[dreg:$0x4] =	wrdreg $0x9  }
0xb1: {  	_ =	task.clear_ibuf [dreg:s6], $0x5FFFF;
	_ =	strace $0x90000046  }
0xb2: {  	s29 =	simm.s32 $0x9;
	_ =	strace $0x80000048  }
0xb3: {  	_ =	swait.ge [sflag:s29], $0x1  }
0xb4: {  	[sflag:s29] =	ssyncadd.s32 $0xFFFFFFFF  }
0xb5: {  	_ =	strace $0x90000048  }
0xb6: {  	_ =	sfence  }
0xb7: {  	s30 =	sld [smem:$0x0];
	_ =	sdelay $0x2  }
0xb8: {  	s31 =	sshll.u32 s1, $0xD;
	s1 =	sshrl.u32 s1, $0x2  }
0xb9: {  	s3 =	sand.u32 $0x4000, s31;
	s1 =	sadd.s32 s1, s30  }
0xba: {  	s0 =	sor.u32 s3, s0;
	s1 =	sshll.u32 s1, $0x11  }
0xbb: {  	s0 =	sor.u32 s1, s0  }
0xbc: {  	s0 =	sadd.s32 $0x8F2B, s0  }
0xbd: {  	[sflag:s0] =	ssyncadd.remote.s32 $0x1  }
0xbe: {  	_ =	sfence.sel $0xFFFF  }
0xbf: {  	[dreg:$0x0] =	wrdreg $0xFFFFFFFF;
	(pc) =	sbr.abs _section_cstart, $3  }
0xc0: {  	[dreg:$0x1] =	wrdreg $0xFFFFFFFF  }
0xc1: {  	_ =	task.clear_ibuf [dreg:s6], $0x2FFFF;
	_ =	strace $0x9FFFFFFF  }
0xc2: {  	(tm) =	ssettm $0x7FFFFFFF  }
0xc3: {  	_ =	shalt  }
tec
execute0_lowered:
.L_overlay_start_1:
0x0: {  	(tag) =	ssettag $0x1  }
0x1: {  	s1 =	srdreg.scid;
	s5 =	rddreg [dreg:$0x0]  }
0x2: {  	s0 =	stileid.u32;
	s2 =	rddreg [dreg:$0x1];
	s3 =	simm.s32 $0x0  }
0x3: {  	s12 =	simm.s32 $0x1;
	s13 =	simm.s32 $0x2800;
	s14 =	simm.s32 $0x80  }
0x4: {  	s17 =	simm.s32 $0x0;
	s4 =	sand.u32 $0x1, s1;
	s6 =	smul.u32 $0x2780, s0  }
0x5: {  	[smem:$0x7FF] =	sst s3;
	s28 =	smul.u32 $0x4F000, s0;
	s15 =	sshll.u32 s0, $0x6  }
0x6: {  	s1 =	sshll.u32 s4, $0x4;
	s7 =	smul.u32 $0x27800, s4;
	s29 =	ssub.s32 $0x2, s4  }
0x7: {  	s15 =	sor.u32 $0x1C01, s15;
	s8 =	sor.u32 s0, s1;
	s1 =	rddreg [dreg:$0x2]  }
0x8: {  	_ =	strace $0x80000047;
	s31 =	sshrl.u32 s29, $0x1;
	s8 =	smul.u32 $0x2800, s8  }
0x9: {  	s6 =	sadd.s32 s6, s7;
	s7 =	sshrl.u32 s28, $0x2;
	s11 =	ssub.s32 s29, s31  }
0xa: {  	s10 =	sadd.s32 s6, s5;
	s4 =	sadd.s32 s7, s2;
	s11 =	smax.u32 s11, $0x1  }
0xb: {  	s30 =	sshrl.u32 s8, $0x3;
	s6 =	sadd.s32 $0x4000, s4;
	s7 =	sadd.s32 $0x8000, s4  }
0xc: {  	s8 =	sadd.s32 $0xC000, s4;
	s9 =	sadd.s32 $0x10000, s4;
	s5 =	sadd.s32 s5, s30  }
0xd: {  	v0 =	vimm.f32 $0.0e+00;
	v1 =	vimm.f32 $1.000000000e+00;
	s10 =	sadd.s32 $0x19400, s10;
	s16 =	sshrl.u32 s4, $0x3;
	s5 =	sadd.s32 $0xF400, s5  }
.LBB2_1:
0xe: {  	[tilespmem:s3], [sflag:$0x1] =	stream.linear.gather [hbm4b:s5+s3], $0x2800, $0x38;
	[tilespmem:$0x1A400] =	vst v63  }
0xf: {  	_ =	swait.ge [sflag:s12], $0x2800  }
0x10: {  	[sflag:s12] =	ssyncset.done $0x0  }
0x11: {  	s18 =	simm.s32 $0x0;
	s19 =	simm.s32 $0x200;
	[sflag:s12] =	ssyncadd.s32 $0xFFFFD800  }
.LBB2_2:
0x12: {  	p0 =	sne.s32 s19, $0xFE00;
	[tilespmem:s18+$0x2870] =	vst v0  }
0x13: {  	[tilespmem:s18+$0x2800] =	vst v0  }
0x14: {  	[tilespmem:s18+$0x2810] =	vst v0  }
.Ltmp0:
0x15: {  	[tilespmem:s18+$0x2820] =	vst v0;
	(pc) =	sbr.rel @p0 .LBB2_2-.Ltmp0, $4  }
0x16: {  	[tilespmem:s18+$0x2830] =	vst v0  }
0x17: {  	[tilespmem:s18+$0x2840] =	vst v0  }
0x18: {  	[tilespmem:s18+$0x2850] =	vst v0  }
0x19: {  	[tilespmem:s18+$0x2860] =	vst v0;
	s18 =	sshra.s32 s19, $0x2;
	s19 =	sadd.s32 $0x200, s19  }
0x1a: {  	[tilespmem:s18+$0x2870] =	vst v0  }
0x1b: {  	[tilespmem:s18+$0x2800] =	vst v0  }
0x1c: {  	[tilespmem:s18+$0x2810] =	vst v0  }
0x1d: {  	[tilespmem:s18+$0x2820] =	vst v0  }
0x1e: {  	[tilespmem:s18+$0x2830] =	vst v0  }
0x1f: {  	[tilespmem:s18+$0x2840] =	vst v0  }
0x20: {  	[tilespmem:s18+$0x2850] =	vst v0  }
0x21: {  	[tilespmem:s18+$0x2860] =	vst v0  }
0x22: {  	[spmem:s4] =	stream.linear.scatter [tilespmem:s13], [sflag:$0x1], $0x4000, $0x38;
	[tilespmem:$0x1A400] =	vst v63  }
0x23: {  	_ =	swait.ge [sflag:s12], $0x4000  }
0x24: {  	[sflag:s12] =	ssyncset.done $0x0  }
0x25: {  	[sflag:s12] =	ssyncadd.s32 $0xFFFFC000  }
0x26: {  	[spmem:s6] =	stream.linear.scatter [tilespmem:s13], [sflag:$0x1], $0x4000, $0x38;
	[tilespmem:$0x1A400] =	vst v63  }
0x27: {  	_ =	swait.ge [sflag:s12], $0x4000  }
0x28: {  	[sflag:s12] =	ssyncset.done $0x0  }
0x29: {  	[sflag:s12] =	ssyncadd.s32 $0xFFFFC000  }
0x2a: {  	[spmem:s7] =	stream.linear.scatter [tilespmem:s13], [sflag:$0x1], $0x4000, $0x38;
	[tilespmem:$0x1A400] =	vst v63  }
0x2b: {  	_ =	swait.ge [sflag:s12], $0x4000  }
0x2c: {  	[sflag:s12] =	ssyncset.done $0x0  }
0x2d: {  	[sflag:s12] =	ssyncadd.s32 $0xFFFFC000  }
0x2e: {  	[spmem:s8] =	stream.linear.scatter [tilespmem:s13], [sflag:$0x1], $0x4000, $0x38;
	[tilespmem:$0x1A400] =	vst v63  }
0x2f: {  	_ =	swait.ge [sflag:s12], $0x4000  }
0x30: {  	[sflag:s12] =	ssyncset.done $0x0  }
0x31: {  	[sflag:s12] =	ssyncadd.s32 $0xFFFFC000  }
0x32: {  	[spmem:s9] =	stream.linear.scatter [tilespmem:s13], [sflag:$0x1], $0x3C00, $0x38;
	[tilespmem:$0x1A400] =	vst v63  }
0x33: {  	_ =	swait.ge [sflag:s12], $0x3C00  }
0x34: {  	[sflag:s12] =	ssyncset.done $0x0  }
0x35: {  	s18 =	simm.s32 $0x0;
	s19 =	simm.s32 $0x200;
	[sflag:s12] =	ssyncadd.s32 $0xFFFFC400  }
.LBB2_4:
0x36: {  	p0 =	sne.s32 s19, $0xFE00;
	[tilespmem:s18+$0x2870] =	vst v1  }
0x37: {  	[tilespmem:s18+$0x2800] =	vst v1  }
0x38: {  	[tilespmem:s18+$0x2810] =	vst v1  }
.Ltmp1:
0x39: {  	[tilespmem:s18+$0x2820] =	vst v1;
	(pc) =	sbr.rel @p0 .LBB2_4-.Ltmp1, $4  }
0x3a: {  	[tilespmem:s18+$0x2830] =	vst v1  }
0x3b: {  	[tilespmem:s18+$0x2840] =	vst v1  }
0x3c: {  	[tilespmem:s18+$0x2850] =	vst v1  }
0x3d: {  	[tilespmem:s18+$0x2860] =	vst v1;
	s18 =	sshra.s32 s19, $0x2;
	s19 =	sadd.s32 $0x200, s19  }
0x3e: {  	[tilespmem:s18+$0x2870] =	vst v1  }
0x3f: {  	[tilespmem:s18+$0x2800] =	vst v1  }
0x40: {  	[tilespmem:s18+$0x2810] =	vst v1  }
0x41: {  	[tilespmem:s18+$0x2820] =	vst v1  }
0x42: {  	[tilespmem:s18+$0x2830] =	vst v1  }
0x43: {  	[tilespmem:s18+$0x2840] =	vst v1  }
0x44: {  	[tilespmem:s18+$0x2850] =	vst v1  }
0x45: {  	[tilespmem:s18+$0x2860] =	vst v1  }
0x46: {  	s31 =	simm.s32 $0x0;
	[bflag:$0x0] =	sbarrier.arrive $0xFFFF  }
0x47: {  	[spmem:s2] =	stream.indirect.scatter.add.f32 [tilespmem:s13], [sflag:$0x1], $0x80, s31, s14, $0xb8;
	[tilespmem:$0x1A400] =	vst v63  }
0x48: {  	_ =	swait.ge [sflag:s12], $0x4000  }
0x49: {  	s18 =	simm.s32 $0x200;
	[sflag:s12] =	ssyncset.done $0x0  }
.LBB2_6:
0x4a: {  	s19 =	sshra.s32 s18, $0x2;
	[sflag:s12] =	ssyncadd.s32 $0xFFFFC000;
	p0 =	sne.s32 s18, $0x9E00  }
0x4b: {  	[spmem:s2] =	stream.indirect.scatter.add.f32 [tilespmem:s13], [sflag:$0x1], $0x80, s19, s14, $0xb8;
	[tilespmem:$0x1A400] =	vst v63  }
.Ltmp2:
0x4c: {  	_ = 	snop;
	(pc) =	sbr.rel @p0 .LBB2_6-.Ltmp2, $4  }
0x4d: {  	_ = 	snop  }
0x4e: {  	s18 =	sadd.s32 $0x200, s18  }
0x4f: {  	_ =	swait.ge [sflag:s12], $0x4000  }
0x50: {  	[sflag:s12] =	ssyncset.done $0x0  }
0x51: {  	s17 =	sadd.s32 $0x1, s17  }
0x52: {  	[sflag:s12] =	ssyncadd.s32 $0xFFFFC000;
	p0 =	sne.s32 s17, s11  }
.Ltmp3:
0x53: {  	[bflag:$0x0] =	sbarrier.arrive $0xFFFF;
	(pc) =	sbr.rel @p0 .LBB2_1-.Ltmp3, $4  }
0x54: {  	[hbm:s10], [sflag:s15] =	dma.local [spmem:s16], $0x2780  }
0x55: {  	_ =	swait.ge [sflag:s12], $0x2780  }
0x56: {  	[sflag:s12] =	ssyncset.done $0x0  }
0x57: {  	[sflag:s12] =	ssyncadd.s32 $0xFFFFD880  }
0x58: {  	_ =	sfence.sel $0x180000  }
0x59: {  	[bflag:$0x0] =	sbarrier.arrive $0xFFFF  }
0x5a: {  	p0 =	sne.s32 s0, $0x0;
	_ =	strace $0x90000047  }
0x5b: {  	s0 =	sadd.s32 @!p0 $0x100000, s1;
	[bflag:$0x2] =	sbarrier.arrive $0xFFFF  }
0x5c: {  	[sflag:s0] =	ssyncadd.tile.s32 @!p0 $0x1;
	_ =	shalt  }
.Lfunc_end2:
_tile_overlayer_lowered:
.L_overlay_start_2:
0x5d: {  	(tag) =	ssettag $0x2  }
0x5e: {  	s0 =	rddreg [dreg:$0x0];
	s2 =	stileid.u32  }
0x5f: {  	s1 =	rddreg [dreg:$0x1];
	p0 =	sne.s32 s2, $0x0  }
0x60: {  	s3 =	rddreg [dreg:$0x2];
	[bflag:$0x3] =	sbarrier.arrive $0xFFFF;
	s2 =	simm.s32 @!p0 $0x1C01  }
0x61: {  	[timem:s3], [sflag:s2] =	dma.local @!p0 [hbm:s0], s1  }
0x62: {  	s0 =	simm.s32 @!p0 $0x1  }
0x63: {  	_ =	swait.ge @!p0 [sflag:s0], s1  }
0x64: {  	s1 =	ssub.s32 @!p0 $0x0, s1;
	[sflag:s0] =	ssyncset.done @!p0 $0x0  }
0x65: {  	[sflag:s0] =	ssyncadd.s32 @!p0 s1  }
0x66: {  	[bflag:$0x3] =	sbarrier.arrive $0xFFFF  }
0x67: {  	_ =	shalt  }

// kernel: kernel.18.cloned.1.call-start
scs
__scs_entry_jumppad:
0x0: {  	(pc) =	sbr.rel $0x88, $3  }
0x1: {  	(tag) =	ssettag $0x0;
	lr =	simm.s32 $0x1  }
0x2: {  	[smem:$0x3F8C] =	sst lr;
	_ =	strace $0xD0000000  }
0x3: {  	_ = 	snop  }
0x4: {  	_ = 	snop  }
0x5: {  	_ = 	snop  }
0x6: {  	_ = 	snop  }
0x7: {  	_ = 	snop  }
__scs_overlays_trampoline_lowered:
0x8: {  	[smem:$0x3F9B] =	sst s0  }
0x9: {  	[smem:$0x3F9C] =	sst s1  }
0xa: {  	[smem:$0x3F9D] =	sst s2  }
0xb: {  	[smem:$0x3F9E] =	sst s3  }
0xc: {  	[smem:$0x3F9F] =	sst s4  }
0xd: {  	[smem:$0x3FA0] =	sst s5  }
0xe: {  	[smem:$0x3FA1] =	sst s6  }
0xf: {  	[smem:$0x3FA2] =	sst s7  }
0x10: {  	[smem:$0x3FA3] =	sst s8  }
0x11: {  	[smem:$0x3FA4] =	sst s9;
	s0 =	simm.s32 @!p0 $0x0  }
0x12: {  	s1 =	sld [smem:$0x3F8A];
	s0 =	simm.s32 @p0 $0x1  }
0x13: {  	[smem:$0x3FA5] =	sst s0;
	s0 =	simm.s32 @!p1 $0x0  }
0x14: {  	s2 =	sld [smem:$0x3F89];
	s0 =	simm.s32 @p1 $0x1  }
0x15: {  	[smem:$0x3FA6] =	sst s0;
	s0 =	simm.s32 @!p2 $0x0  }
0x16: {  	s3 =	sld [smem:$0x3FDB];
	s0 =	simm.s32 @p2 $0x1  }
0x17: {  	s4 =	simm.s32 $0x1BF5;
	[smem:$0x3FA8] =	sst s0  }
0x18: {  	s0 =	sld [smem:$0x3F8B];
	_ =	swait.ge [sflag:s4], $0x0  }
0x19: {  	s7 =	sld [smem:$0x3F8C]  }
0x1a: {  	s8 =	sadd.s32 $0xFFFFE003, lr  }
0x1b: {  	s9 =	sadd.s32 $0xFFFFFEF7, lr;
	s5 =	simm.s32 $0xFFFFFFFF;
	p2 =	slt.u32 s8, $0xFFFFF086  }
0x1c: {  	p1 =	slt.u32 s9, $0xF7A;
	s5 =	simm.s32 @!p2 $0x0  }
0x1d: {  	s5 =	simm.s32 @p1 $0x1;
	p0 =	seq.s32 s7, s2  }
0x1e: {  	s7 =	smul.u32 @!p0 $0xF7A, s2;
	p2 =	seq.s32 @!p0 s5, $0x0  }
0x1f: {  	s9 =	smul.u32 $0xF7A, s1;
	s8 =	simm.s32 @!p0 $0x1BF5;
	p2 =	por !p2, p0  }
0x20: {  	[sflag:s8] =	ssyncset.s32 @!p0 $0xFFFFF086;
	s6 =	sadd.s32 @!p0 s3, s7;
	s7 =	simm.s32 @!p0 $0x108  }
0x21: {  	s3 =	sadd.s32 s3, s9;
	s6 =	sadd.s32 @!p0 $0x88, s6;
	s7 =	simm.s32 @p2 $0x1082  }
0x22: {  	[simem:s7], [sflag:s8] =	dma.local @!p0 [hbm:s6], $0xF7A  }
0x23: {  	s9 =	sor.u32 $0xD0000000, s2;
	s6 =	simm.s32 $0x108;
	_ =	swait.ge @!p0 [sflag:s8], $0x0  }
0x24: {  	s3 =	sadd.s32 $0x88, s3;
	s6 =	simm.s32 @!p1 $0x1082;
	[sflag:s4] =	ssyncset.s32 $0xFFFFF086  }
0x25: {  	[simem:s6], [sflag:s4] =	dma.local [hbm:s3], $0xF7A  }
0x26: {  	[smem:$0x3F8C] =	sst s1;
	(tag) =	ssettag s2;
	_ =	strace s9  }
0x27: {  	s1 =	sld [smem:$0x3F9C]  }
0x28: {  	s2 =	sld [smem:$0x3F9D]  }
0x29: {  	s4 =	sld [smem:$0x3F9F]  }
0x2a: {  	p0 =	seq.s32 s5, $0x0;
	s5 =	sld [smem:$0x3FA0]  }
0x2b: {  	s6 =	sld [smem:$0x3FA1]  }
0x2c: {  	s7 =	sld [smem:$0x3FA2]  }
0x2d: {  	s3 =	simm.s32 $0x108;
	s8 =	sld [smem:$0x3FA3]  }
0x2e: {  	s3 =	simm.s32 @!p0 $0x1082;
	s9 =	sld [smem:$0x3FA4]  }
0x2f: {  	lr =	sadd.s32 s0, s3;
	s0 =	sld [smem:$0x3F9B]  }
0x30: {  	s3 =	sld [smem:$0x3F9E]  }
0x31: {  	[smem:$0x3FA7] =	sst s10  }
0x32: {  	s10 =	sld [smem:$0x3FA5];
	_ =	sdelay $0x3  }
0x33: {  	p0 =	seq.s32 s10, $0x1;
	s10 =	sld [smem:$0x3FA7];
	_ =	sdelay $0x3  }
0x34: {  	[smem:$0x3FA7] =	sst s10  }
0x35: {  	s10 =	sld [smem:$0x3FA6];
	_ =	sdelay $0x3  }
0x36: {  	p1 =	seq.s32 s10, $0x1;
	s10 =	sld [smem:$0x3FA7];
	_ =	sdelay $0x3  }
0x37: {  	[smem:$0x3FA7] =	sst s10  }
0x38: {  	s10 =	sld [smem:$0x3FA8]  }
0x39: {  	_ = 	snop;
	(pc) =	sbr.ind lr, $3  }
0x3a: {  	_ = 	snop  }
0x3b: {  	_ = 	snop  }
0x3c: {  	p2 =	seq.s32 s10, $0x1;
	s10 =	sld [smem:$0x3FA7]  }
0x3d: {  	_ =	shalt  }
0x3e: {  	_ =	shalt  }
0x3f: {  	_ =	shalt  }
0x40: {  	_ =	shalt  }
0x41: {  	_ =	shalt  }
0x42: {  	_ =	shalt  }
0x43: {  	_ =	shalt  }
0x44: {  	_ =	shalt  }
0x45: {  	_ =	shalt  }
0x46: {  	_ =	shalt  }
0x47: {  	_ =	shalt  }
0x48: {  	_ =	shalt  }
0x49: {  	_ =	shalt  }
0x4a: {  	_ =	shalt  }
0x4b: {  	_ =	shalt  }
0x4c: {  	_ =	shalt  }
0x4d: {  	_ =	shalt  }
0x4e: {  	_ =	shalt  }
0x4f: {  	_ =	shalt  }
0x50: {  	_ =	shalt  }
0x51: {  	_ =	shalt  }
0x52: {  	_ =	shalt  }
0x53: {  	_ =	shalt  }
0x54: {  	_ =	shalt  }
0x55: {  	_ =	shalt  }
0x56: {  	_ =	shalt  }
0x57: {  	_ =	shalt  }
0x58: {  	_ =	shalt  }
0x59: {  	_ =	shalt  }
0x5a: {  	_ =	shalt  }
0x5b: {  	_ =	shalt  }
0x5c: {  	_ =	shalt  }
0x5d: {  	_ =	shalt  }
0x5e: {  	_ =	shalt  }
0x5f: {  	_ =	shalt  }
0x60: {  	_ =	shalt  }
0x61: {  	_ =	shalt  }
0x62: {  	_ =	shalt  }
0x63: {  	_ =	shalt  }
0x64: {  	_ =	shalt  }
0x65: {  	_ =	shalt  }
0x66: {  	_ =	shalt  }
0x67: {  	_ =	shalt  }
0x68: {  	_ =	shalt  }
0x69: {  	_ =	shalt  }
0x6a: {  	_ =	shalt  }
0x6b: {  	_ =	shalt  }
0x6c: {  	_ =	shalt  }
0x6d: {  	_ =	shalt  }
0x6e: {  	_ =	shalt  }
0x6f: {  	_ =	shalt  }
0x70: {  	_ =	shalt  }
0x71: {  	_ =	shalt  }
0x72: {  	_ =	shalt  }
0x73: {  	_ =	shalt  }
0x74: {  	_ =	shalt  }
0x75: {  	_ =	shalt  }
0x76: {  	_ =	shalt  }
0x77: {  	_ =	shalt  }
0x78: {  	_ =	shalt  }
0x79: {  	_ =	shalt  }
0x7a: {  	_ =	shalt  }
0x7b: {  	_ =	shalt  }
0x7c: {  	_ =	shalt  }
0x7d: {  	_ =	shalt  }
0x7e: {  	_ =	shalt  }
0x7f: {  	_ =	shalt  }
0x80: {  	_ =	shalt  }
0x81: {  	_ =	shalt  }
0x82: {  	_ =	shalt  }
0x83: {  	_ =	shalt  }
0x84: {  	_ =	shalt  }
0x85: {  	_ =	shalt  }
0x86: {  	_ =	shalt  }
0x87: {  	_ =	shalt  }
.Lfunc_end0:
.L_simem_size_0:
called_computation.1_lowered:
.L_overlay_start_0:
0x88: {  	s2 =	sld [smem:$0x3FD9]  }
0x89: {  	s3 =	sld [smem:$0x3FFE];
	_ =	sdelay $0x1  }
0x8a: {  	s1 =	srdreg.scid  }
0x8b: {  	s0 =	sand.u32 $0x1, s1  }
0x8c: {  	s17 =	sshll.u32 s0, $0xA;
	s2 =	sadd.s32 s3, s2  }
0x8d: {  	s2 =	sadd.s32 s2, s17  }
0x8e: {  	[smem:$0x3FB3] =	sst s2  }
0x8f: {  	_ = 	snop  }
0x90: {  	s18 =	sld [smem:$0x3FC9];
	(tm) =	ssettm $0x1  }
0x91: {  	s19 =	sld [smem:$0x3FFB];
	_ =	sdelay $0x3  }
0x92: {  	_ =	strace s19  }
0x93: {  	s2 =	sld [smem:$0x3FFC];
	_ =	sdelay $0x3  }
0x94: {  	_ =	strace s2  }
0x95: {  	s2 =	sld [smem:$0x3FFD];
	_ =	sdelay $0x3  }
0x96: {  	_ =	strace s2  }
0x97: {  	_ =	strace $0x8FFFFFFF  }
0x98: {  	s20 =	sld [smem:$0x3FDB];
	_ =	sdelay $0x1  }
0x99: {  	s4 =	simm.s32 $_scs_section_size  }
0x9a: {  	s5 =	simm.s32 $_size__tile_overlayer_lowered;
	s6 =	simm.s32 $_tile_overlayer_lowered  }
0x9b: {  	s7 =	simm.s32 $0x1BFF;
	s21 =	sshll.u32 s6, $0x1;
	s4 =	sadd.s32 s4, s20  }
0x9c: {  	s22 =	simm.s32 $0x0;
	s5 =	sshll.u32 s5, $0x1;
	s6 =	sadd.s32 s21, s4  }
0x9d: {  	[timem:s22], [sflag:s7] =	dma.local [hbm:s6], s5  }
0x9e: {  	_ =	swait.ge [sflag:s7], s5  }
0x9f: {  	s5 =	ssub.s32 $0x0, s5;
	[sflag:s7] =	ssyncset.done $0x0  }
0xa0: {  	[sflag:s7] =	ssyncadd.s32 s5;
	_ =	sdelay $0x1  }
0xa1: {  	s23 =	simm.s32 $0x1B8B  }
0xa2: {  	_ =	swait.ge [sflag:s23], $0x1  }
0xa3: {  	[sflag:s23] =	ssyncset.done $0x0  }
0xa4: {  	[sflag:s23] =	ssyncadd.s32 $0xFFFFFFFF  }
0xa5: {  	s5 =	sld [smem:$0x0]  }
0xa6: {  	s6 =	sand.u32 $0xFFFFFFFE, s1  }
0xa7: {  	p0 =	sne.s32 s1, s6  }
0xa8: {  	s6 =	sshll.u32 @p0 s6, $0xE  }
0xa9: {  	s6 =	sadd.s32 @p0 $0x11B8D, s6;
	s7 =	sshll.u32 @p0 s5, $0x11  }
0xaa: {  	s6 =	sor.u32 @p0 s7, s6  }
0xab: {  	[sflag:s6] =	ssyncadd.remote.s32 @p0 $0x1;
	_ =	sdelay $0x1  }
0xac: {  	s6 =	simm.s32 @p0 $0x1B8D  }
0xad: {  	_ =	swait.eq @p0 [sflag:s6], $0x1  }
0xae: {  	[sflag:s6] =	ssyncadd.s32 @p0 $0xFFFFFFFF  }
0xaf: {  	s7 =	sshll.u32 @!p0 s1, $0xE  }
0xb0: {  	s7 =	sor.u32 @!p0 $0x4000, s7;
	s6 =	simm.s32 @!p0 $0x1B8D  }
0xb1: {  	s5 =	sshll.u32 @!p0 s5, $0x11;
	s7 =	sadd.s32 @!p0 $0x11B8D, s7;
	_ =	swait.eq @!p0 [sflag:s6], $0x1  }
0xb2: {  	s5 =	sor.u32 @!p0 s5, s7;
	[sflag:s6] =	ssyncadd.s32 @!p0 $0xFFFFFFFF  }
0xb3: {  	s25 =	simm.s32 $0x1B8E;
	s24 =	sld [smem:$0x3FFE];
	[sflag:s5] =	ssyncadd.remote.s32 @!p0 $0x1  }
0xb4: {  	s26 =	simm.s32 $execute0_lowered;
	[smem:$0x3FD2] =	sst s25  }
0xb5: {  	s6 =	sshll.u32 s26, $0x1;
	_ =	strace $0x80000049;
	[dreg:$0x1] =	wrdreg $0xFFFFFFFF  }
0xb6: {  	s28 =	simm.s32 $_size_execute0_lowered;
	s4 =	sadd.s32 s4, s6;
	[dreg:$0x0] =	wrdreg $0x0  }
0xb7: {  	s6 =	sshll.u32 s28, $0x1;
	[dreg:$0x2] =	wrdreg s4  }
0xb8: {  	[dreg:$0x3] =	wrdreg s6  }
0xb9: {  	[dreg:$0x4] =	wrdreg $0xC0  }
0xba: {  	_ =	task [dreg:s22], $0x5FFFF  }
0xbb: {  	[dreg:$0x1] =	wrdreg $0xFFFFFFFF  }
0xbc: {  	[dreg:$0x0] =	wrdreg $0x60  }
0xbd: {  	[dreg:$0x2] =	wrdreg s18  }
0xbe: {  	[dreg:$0x3] =	wrdreg s24  }
0xbf: {  	[dreg:$0x4] =	wrdreg $0x28000  }
0xc0: {  	[dreg:$0x5] =	wrdreg $0xA  }
0xc1: {  	_ =	task.clear_ibuf [dreg:s22], $0x6FFFF;
	_ =	strace $0x90000049  }
0xc2: {  	s29 =	simm.s32 $0xA;
	_ =	strace $0x8000004B  }
0xc3: {  	_ =	swait.ge [sflag:s29], $0x1  }
0xc4: {  	[sflag:s29] =	ssyncadd.s32 $0xFFFFFFFF  }
0xc5: {  	_ =	strace $0x9000004B  }
0xc6: {  	_ =	sfence  }
0xc7: {  	s30 =	sld [smem:$0x0];
	_ =	sdelay $0x2  }
0xc8: {  	s31 =	sshll.u32 s1, $0xD;
	s1 =	sshrl.u32 s1, $0x2  }
0xc9: {  	s4 =	sand.u32 $0x4000, s31;
	s1 =	sadd.s32 s1, s30  }
0xca: {  	s0 =	sor.u32 s4, s0;
	s1 =	sshll.u32 s1, $0x11  }
0xcb: {  	s0 =	sor.u32 s1, s0  }
0xcc: {  	s0 =	sadd.s32 $0x8F2B, s0  }
0xcd: {  	[sflag:s0] =	ssyncadd.remote.s32 $0x1  }
0xce: {  	_ =	sfence.sel $0xFFFF  }
0xcf: {  	[dreg:$0x0] =	wrdreg $0xFFFFFFFF;
	(pc) =	sbr.abs _section_cstart, $3  }
0xd0: {  	[dreg:$0x1] =	wrdreg $0xFFFFFFFF  }
0xd1: {  	_ =	task.clear_ibuf [dreg:s22], $0x2FFFF;
	_ =	strace $0x9FFFFFFF  }
0xd2: {  	(tm) =	ssettm $0x7FFFFFFF  }
0xd3: {  	_ =	shalt  }
tec
execute0_lowered:
.L_overlay_start_1:
0x0: {  	(tag) =	ssettag $0x1  }
0x1: {  	s2 =	rddreg [dreg:$0x0]  }
0x2: {  	s0 =	srdreg.scid;
	s6 =	rddreg [dreg:$0x1]  }
0x3: {  	s3 =	rddreg [dreg:$0x2];
	s4 =	simm.s32 $0x0;
	s16 =	simm.s32 $0x16400  }
0x4: {  	s17 =	simm.s32 $0x3;
	s18 =	simm.s32 $0x1400;
	s19 =	simm.s32 $0x80  }
0x5: {  	s20 =	simm.s32 $0x1;
	s21 =	simm.s32 $0x1A400;
	s22 =	simm.s32 $0x2  }
0x6: {  	s23 =	simm.s32 $0x1380;
	s5 =	sand.u32 $0x1, s0;
	s0 =	stileid.u32  }
0x7: {  	s24 =	simm.s32 $0x2700;
	s25 =	simm.s32 $0x2780;
	s8 =	smul.u32 $0x2780, s0  }
0x8: {  	[smem:$0x7FF] =	sst s4;
	s1 =	sshll.u32 s5, $0x4;
	s9 =	smul.u32 $0x27800, s5  }
0x9: {  	s10 =	smul.u32 $0x4F000, s0;
	s29 =	ssub.s32 $0x2, s5;
	s1 =	sor.u32 s0, s1  }
0xa: {  	s31 =	sshrl.u32 s29, $0x1;
	s7 =	smul.u32 $0x2800, s1;
	s1 =	rddreg [dreg:$0x3]  }
0xb: {  	_ =	strace $0x8000004A;
	s28 =	sadd.s32 s8, s9;
	s30 =	sshrl.u32 s10, $0x2  }
0xc: {  	s15 =	ssub.s32 s29, s31;
	s14 =	sadd.s32 s28, s6;
	s5 =	sadd.s32 s30, s3  }
0xd: {  	s15 =	smax.u32 s15, $0x1;
	s7 =	sshrl.u32 s7, $0x3;
	s8 =	sadd.s32 $0xC000, s5  }
0xe: {  	s9 =	sadd.s32 $0x10000, s5;
	s14 =	sadd.s32 $0x68400, s14;
	s13 =	sadd.s32 s7, s6  }
0xf: {  	s6 =	sadd.s32 $0x4000, s5;
	s7 =	sadd.s32 $0x8000, s5;
	s10 =	sadd.s32 $0x5400, s13  }
0x10: {  	v0 =	vimm.f32 $0.0e+00;
	s11 =	sadd.s32 $0xF400, s13;
	s12 =	sadd.s32 $0x5680, s13;
	s13 =	sadd.s32 $0xF680, s13  }
.LBB2_1:
0x11: {  	s26 =	simm.s32 $0x0;
	s28 =	simm.s32 $0x200  }
.LBB2_2:
0x12: {  	p0 =	sne.s32 s28, $0xFE00;
	[tilespmem:s26+$0x16470] =	vst v0  }
0x13: {  	[tilespmem:s26+$0x16400] =	vst v0  }
0x14: {  	[tilespmem:s26+$0x16410] =	vst v0  }
.Ltmp0:
0x15: {  	[tilespmem:s26+$0x16420] =	vst v0;
	(pc) =	sbr.rel @p0 .LBB2_2-.Ltmp0, $4  }
0x16: {  	[tilespmem:s26+$0x16430] =	vst v0  }
0x17: {  	[tilespmem:s26+$0x16440] =	vst v0  }
0x18: {  	[tilespmem:s26+$0x16450] =	vst v0  }
0x19: {  	[tilespmem:s26+$0x16460] =	vst v0;
	s26 =	sshra.s32 s28, $0x2;
	s28 =	sadd.s32 $0x200, s28  }
0x1a: {  	[tilespmem:s26+$0x16470] =	vst v0  }
0x1b: {  	[tilespmem:s26+$0x16400] =	vst v0  }
0x1c: {  	[tilespmem:s26+$0x16410] =	vst v0  }
0x1d: {  	[tilespmem:s26+$0x16420] =	vst v0  }
0x1e: {  	[tilespmem:s26+$0x16430] =	vst v0  }
0x1f: {  	[tilespmem:s26+$0x16440] =	vst v0  }
0x20: {  	[tilespmem:s26+$0x16450] =	vst v0  }
0x21: {  	[tilespmem:s26+$0x16460] =	vst v0  }
0x22: {  	[spmem:s5] =	stream.linear.scatter [tilespmem:s16], [sflag:$0x3], $0x4000, $0x38;
	[tilespmem:$0x1E400] =	vst v63  }
0x23: {  	_ =	swait.ge [sflag:s17], $0x4000  }
0x24: {  	[sflag:s17] =	ssyncset.done $0x0  }
0x25: {  	[sflag:s17] =	ssyncadd.s32 $0xFFFFC000  }
0x26: {  	[spmem:s6] =	stream.linear.scatter [tilespmem:s16], [sflag:$0x3], $0x4000, $0x38;
	[tilespmem:$0x1E400] =	vst v63  }
0x27: {  	_ =	swait.ge [sflag:s17], $0x4000  }
0x28: {  	[sflag:s17] =	ssyncset.done $0x0  }
0x29: {  	[sflag:s17] =	ssyncadd.s32 $0xFFFFC000  }
0x2a: {  	[spmem:s7] =	stream.linear.scatter [tilespmem:s16], [sflag:$0x3], $0x4000, $0x38;
	[tilespmem:$0x1E400] =	vst v63  }
0x2b: {  	_ =	swait.ge [sflag:s17], $0x4000  }
0x2c: {  	[sflag:s17] =	ssyncset.done $0x0  }
0x2d: {  	[sflag:s17] =	ssyncadd.s32 $0xFFFFC000  }
0x2e: {  	[spmem:s8] =	stream.linear.scatter [tilespmem:s16], [sflag:$0x3], $0x4000, $0x38;
	[tilespmem:$0x1E400] =	vst v63  }
0x2f: {  	_ =	swait.ge [sflag:s17], $0x4000  }
0x30: {  	[sflag:s17] =	ssyncset.done $0x0  }
0x31: {  	[sflag:s17] =	ssyncadd.s32 $0xFFFFC000  }
0x32: {  	[spmem:s9] =	stream.linear.scatter [tilespmem:s16], [sflag:$0x3], $0x3C00, $0x38;
	[tilespmem:$0x1E400] =	vst v63  }
0x33: {  	_ =	swait.ge [sflag:s17], $0x3C00  }
0x34: {  	[sflag:s17] =	ssyncset.done $0x0  }
0x35: {  	[sflag:s17] =	ssyncadd.s32 $0xFFFFC400  }
0x36: {  	s31 =	simm.s32 $0x0;
	[bflag:$0x0] =	sbarrier.arrive $0xFFFF  }
0x37: {  	[tilespmem:s31], [sflag:$0x3] =	stream.linear.gather [hbm4b:s10+s31], $0x1400, $0x38;
	[tilespmem:$0x1E400] =	vst v63  }
0x38: {  	_ =	swait.ge [sflag:s17], $0x1400  }
0x39: {  	[sflag:s17] =	ssyncset.done $0x0  }
0x3a: {  	[sflag:s17] =	ssyncadd.s32 $0xFFFFEC00  }
0x3b: {  	[tilespmem:s18], [sflag:$0x3] =	stream.linear.gather [hbm4b:s11+s31], $0x1400, $0x38;
	[tilespmem:$0x1E400] =	vst v63  }
0x3c: {  	_ =	swait.ge [sflag:s17], $0x1400  }
0x3d: {  	[sflag:s17] =	ssyncset.done $0x0  }
0x3e: {  	[sflag:s17] =	ssyncadd.s32 $0xFFFFEC00  }
0x3f: {  	[tilespmem:s16], [sflag:$0x1] =	stream.indirect.gather [hbm4b:s2+s19], $0x80, s31, s19, $0xb8;
	[tilespmem:$0x1E400] =	vst v63  }
0x40: {  	_ =	swait.ge [sflag:s20], $0x4000  }
0x41: {  	[sflag:s20] =	ssyncset.done $0x0  }
0x42: {  	s28 =	simm.s32 $0x80;
	[sflag:s20] =	ssyncadd.s32 $0xFFFFC000  }
0x43: {  	[tilespmem:s21], [sflag:$0x2] =	stream.indirect.gather [hbm4b:s2+s19], $0x80, s28, s19, $0xb8;
	[tilespmem:$0x1E400] =	vst v63  }
0x44: {  	s29 =	simm.s32 $0x1400  }
0x45: {  	[spmem:s3] =	stream.indirect.scatter.add.f32 [tilespmem:s16], [sflag:$0x3], $0x80, s29, s19, $0xb8;
	[tilespmem:$0x1E400] =	vst v63  }
0x46: {  	_ =	swait.ge [sflag:s17], $0x4000  }
0x47: {  	[sflag:s17] =	ssyncset.done $0x0  }
0x48: {  	[sflag:s17] =	ssyncadd.s32 $0xFFFFC000  }
0x49: {  	_ =	swait.ge [sflag:s22], $0x4000  }
0x4a: {  	[sflag:s22] =	ssyncset.done $0x0  }
0x4b: {  	s30 =	simm.s32 $0x100;
	[sflag:s22] =	ssyncadd.s32 $0xFFFFC000  }
0x4c: {  	[tilespmem:s16], [sflag:$0x1] =	stream.indirect.gather [hbm4b:s2+s19], $0x80, s30, s19, $0xb8;
	[tilespmem:$0x1E400] =	vst v63  }
0x4d: {  	s31 =	simm.s32 $0x1480  }
0x4e: {  	[spmem:s3] =	stream.indirect.scatter.add.f32 [tilespmem:s21], [sflag:$0x3], $0x80, s31, s19, $0xb8;
	[tilespmem:$0x1E400] =	vst v63  }
0x4f: {  	_ =	swait.ge [sflag:s17], $0x4000  }
0x50: {  	s26 =	simm.s32 $0x400;
	[sflag:s17] =	ssyncset.done $0x0  }
.LBB2_4:
0x51: {  	p0 =	sne.s32 s26, $0x4800  }
0x52: {  	[sflag:s17] =	ssyncadd.s32 $0xFFFFC000;
	s28 =	smov.u32 s26;
	s26 =	sadd.s32 $0x400, s26  }
0x53: {  	_ = 	snop  }
0x54: {  	_ =	swait.ge [sflag:s20], $0x4000  }
0x55: {  	s28 =	sshra.s32 s28, $0x2;
	[sflag:s20] =	ssyncset.done $0x0  }
0x56: {  	s29 =	sadd.s32 $0x80, s28;
	[sflag:s20] =	ssyncadd.s32 $0xFFFFC000  }
0x57: {  	[tilespmem:s21], [sflag:$0x2] =	stream.indirect.gather [hbm4b:s2+s19], $0x80, s29, s19, $0xb8;
	[tilespmem:$0x1E400] =	vst v63  }
0x58: {  	s29 =	sadd.s32 $0x1400, s28  }
0x59: {  	[spmem:s3] =	stream.indirect.scatter.add.f32 [tilespmem:s16], [sflag:$0x3], $0x80, s29, s19, $0xb8;
	[tilespmem:$0x1E400] =	vst v63  }
0x5a: {  	_ =	swait.ge [sflag:s17], $0x4000  }
0x5b: {  	[sflag:s17] =	ssyncset.done $0x0  }
0x5c: {  	[sflag:s17] =	ssyncadd.s32 $0xFFFFC000  }
0x5d: {  	_ =	swait.ge [sflag:s22], $0x4000  }
0x5e: {  	[sflag:s22] =	ssyncset.done $0x0  }
0x5f: {  	s29 =	sadd.s32 $0x100, s28;
	[sflag:s22] =	ssyncadd.s32 $0xFFFFC000  }
0x60: {  	[tilespmem:s16], [sflag:$0x1] =	stream.indirect.gather [hbm4b:s2+s19], $0x80, s29, s19, $0xb8;
	[tilespmem:$0x1E400] =	vst v63  }
.Ltmp1:
0x61: {  	_ = 	snop;
	(pc) =	sbr.rel @p0 .LBB2_4-.Ltmp1, $4  }
0x62: {  	s28 =	sadd.s32 $0x1480, s28  }
0x63: {  	[spmem:s3] =	stream.indirect.scatter.add.f32 [tilespmem:s21], [sflag:$0x3], $0x80, s28, s19, $0xb8;
	[tilespmem:$0x1E400] =	vst v63  }
0x64: {  	_ =	swait.ge [sflag:s17], $0x4000  }
0x65: {  	[sflag:s17] =	ssyncset.done $0x0  }
0x66: {  	[sflag:s17] =	ssyncadd.s32 $0xFFFFC000  }
0x67: {  	_ =	swait.ge [sflag:s20], $0x4000  }
0x68: {  	[sflag:s20] =	ssyncset.done $0x0  }
0x69: {  	[sflag:s20] =	ssyncadd.s32 $0xFFFFC000  }
0x6a: {  	[tilespmem:s21], [sflag:$0x2] =	stream.indirect.gather [hbm4b:s2+s19], $0x80, s23, s19, $0xb8;
	[tilespmem:$0x1E400] =	vst v63  }
0x6b: {  	_ = 	snop  }
0x6c: {  	[spmem:s3] =	stream.indirect.scatter.add.f32 [tilespmem:s16], [sflag:$0x3], $0x80, s24, s19, $0xb8;
	[tilespmem:$0x1E400] =	vst v63  }
0x6d: {  	_ =	swait.ge [sflag:s17], $0x4000  }
0x6e: {  	[sflag:s17] =	ssyncset.done $0x0  }
0x6f: {  	[sflag:s17] =	ssyncadd.s32 $0xFFFFC000  }
0x70: {  	_ =	swait.ge [sflag:s22], $0x4000  }
0x71: {  	[sflag:s22] =	ssyncset.done $0x0  }
0x72: {  	[sflag:s22] =	ssyncadd.s32 $0xFFFFC000  }
0x73: {  	[spmem:s3] =	stream.indirect.scatter.add.f32 [tilespmem:s21], [sflag:$0x3], $0x80, s25, s19, $0xb8;
	[tilespmem:$0x1E400] =	vst v63  }
0x74: {  	_ =	swait.ge [sflag:s17], $0x4000  }
0x75: {  	[sflag:s17] =	ssyncset.done $0x0  }
0x76: {  	s26 =	simm.s32 $0x0;
	[sflag:s17] =	ssyncadd.s32 $0xFFFFC000  }
0x77: {  	[tilespmem:s26], [sflag:$0x3] =	stream.linear.gather [hbm4b:s12+s26], $0x1400, $0x38;
	[tilespmem:$0x1E400] =	vst v63  }
0x78: {  	_ =	swait.ge [sflag:s17], $0x1400  }
0x79: {  	[sflag:s17] =	ssyncset.done $0x0  }
0x7a: {  	[sflag:s17] =	ssyncadd.s32 $0xFFFFEC00  }
0x7b: {  	[tilespmem:s18], [sflag:$0x3] =	stream.linear.gather [hbm4b:s13+s26], $0x1400, $0x38;
	[tilespmem:$0x1E400] =	vst v63  }
0x7c: {  	_ =	swait.ge [sflag:s17], $0x1400  }
0x7d: {  	[sflag:s17] =	ssyncset.done $0x0  }
0x7e: {  	[sflag:s17] =	ssyncadd.s32 $0xFFFFEC00  }
0x7f: {  	[tilespmem:s16], [sflag:$0x1] =	stream.indirect.gather [hbm4b:s2+s19], $0x80, s26, s19, $0xb8;
	[tilespmem:$0x1E400] =	vst v63  }
0x80: {  	_ =	swait.ge [sflag:s20], $0x4000  }
0x81: {  	[sflag:s20] =	ssyncset.done $0x0  }
0x82: {  	s28 =	simm.s32 $0x80;
	[sflag:s20] =	ssyncadd.s32 $0xFFFFC000  }
0x83: {  	[tilespmem:s21], [sflag:$0x2] =	stream.indirect.gather [hbm4b:s2+s19], $0x80, s28, s19, $0xb8;
	[tilespmem:$0x1E400] =	vst v63  }
0x84: {  	s29 =	simm.s32 $0x1400  }
0x85: {  	[spmem:s3] =	stream.indirect.scatter.add.f32 [tilespmem:s16], [sflag:$0x3], $0x80, s29, s19, $0xb8;
	[tilespmem:$0x1E400] =	vst v63  }
0x86: {  	_ =	swait.ge [sflag:s17], $0x4000  }
0x87: {  	[sflag:s17] =	ssyncset.done $0x0  }
0x88: {  	[sflag:s17] =	ssyncadd.s32 $0xFFFFC000  }
0x89: {  	_ =	swait.ge [sflag:s22], $0x4000  }
0x8a: {  	[sflag:s22] =	ssyncset.done $0x0  }
0x8b: {  	s30 =	simm.s32 $0x100;
	[sflag:s22] =	ssyncadd.s32 $0xFFFFC000  }
0x8c: {  	[tilespmem:s16], [sflag:$0x1] =	stream.indirect.gather [hbm4b:s2+s19], $0x80, s30, s19, $0xb8;
	[tilespmem:$0x1E400] =	vst v63  }
0x8d: {  	s31 =	simm.s32 $0x1480  }
0x8e: {  	[spmem:s3] =	stream.indirect.scatter.add.f32 [tilespmem:s21], [sflag:$0x3], $0x80, s31, s19, $0xb8;
	[tilespmem:$0x1E400] =	vst v63  }
0x8f: {  	_ =	swait.ge [sflag:s17], $0x4000  }
0x90: {  	s26 =	simm.s32 $0x400;
	[sflag:s17] =	ssyncset.done $0x0  }
.LBB2_6:
0x91: {  	p0 =	sne.s32 s26, $0x4800  }
0x92: {  	[sflag:s17] =	ssyncadd.s32 $0xFFFFC000;
	s28 =	smov.u32 s26;
	s26 =	sadd.s32 $0x400, s26  }
0x93: {  	_ = 	snop  }
0x94: {  	_ =	swait.ge [sflag:s20], $0x4000  }
0x95: {  	s28 =	sshra.s32 s28, $0x2;
	[sflag:s20] =	ssyncset.done $0x0  }
0x96: {  	s29 =	sadd.s32 $0x80, s28;
	[sflag:s20] =	ssyncadd.s32 $0xFFFFC000  }
0x97: {  	[tilespmem:s21], [sflag:$0x2] =	stream.indirect.gather [hbm4b:s2+s19], $0x80, s29, s19, $0xb8;
	[tilespmem:$0x1E400] =	vst v63  }
0x98: {  	s29 =	sadd.s32 $0x1400, s28  }
0x99: {  	[spmem:s3] =	stream.indirect.scatter.add.f32 [tilespmem:s16], [sflag:$0x3], $0x80, s29, s19, $0xb8;
	[tilespmem:$0x1E400] =	vst v63  }
0x9a: {  	_ =	swait.ge [sflag:s17], $0x4000  }
0x9b: {  	[sflag:s17] =	ssyncset.done $0x0  }
0x9c: {  	[sflag:s17] =	ssyncadd.s32 $0xFFFFC000  }
0x9d: {  	_ =	swait.ge [sflag:s22], $0x4000  }
0x9e: {  	[sflag:s22] =	ssyncset.done $0x0  }
0x9f: {  	s29 =	sadd.s32 $0x100, s28;
	[sflag:s22] =	ssyncadd.s32 $0xFFFFC000  }
0xa0: {  	[tilespmem:s16], [sflag:$0x1] =	stream.indirect.gather [hbm4b:s2+s19], $0x80, s29, s19, $0xb8;
	[tilespmem:$0x1E400] =	vst v63  }
.Ltmp2:
0xa1: {  	_ = 	snop;
	(pc) =	sbr.rel @p0 .LBB2_6-.Ltmp2, $4  }
0xa2: {  	s28 =	sadd.s32 $0x1480, s28  }
0xa3: {  	[spmem:s3] =	stream.indirect.scatter.add.f32 [tilespmem:s21], [sflag:$0x3], $0x80, s28, s19, $0xb8;
	[tilespmem:$0x1E400] =	vst v63  }
0xa4: {  	_ =	swait.ge [sflag:s17], $0x4000  }
0xa5: {  	[sflag:s17] =	ssyncset.done $0x0  }
0xa6: {  	[sflag:s17] =	ssyncadd.s32 $0xFFFFC000  }
0xa7: {  	_ =	swait.ge [sflag:s20], $0x4000  }
0xa8: {  	[sflag:s20] =	ssyncset.done $0x0  }
0xa9: {  	[sflag:s20] =	ssyncadd.s32 $0xFFFFC000  }
0xaa: {  	[tilespmem:s21], [sflag:$0x2] =	stream.indirect.gather [hbm4b:s2+s19], $0x80, s23, s19, $0xb8;
	[tilespmem:$0x1E400] =	vst v63  }
0xab: {  	_ = 	snop  }
0xac: {  	[spmem:s3] =	stream.indirect.scatter.add.f32 [tilespmem:s16], [sflag:$0x3], $0x80, s24, s19, $0xb8;
	[tilespmem:$0x1E400] =	vst v63  }
0xad: {  	_ =	swait.ge [sflag:s17], $0x4000  }
0xae: {  	[sflag:s17] =	ssyncset.done $0x0  }
0xaf: {  	[sflag:s17] =	ssyncadd.s32 $0xFFFFC000  }
0xb0: {  	_ =	swait.ge [sflag:s22], $0x4000  }
0xb1: {  	[sflag:s22] =	ssyncset.done $0x0  }
0xb2: {  	[sflag:s22] =	ssyncadd.s32 $0xFFFFC000  }
0xb3: {  	[spmem:s3] =	stream.indirect.scatter.add.f32 [tilespmem:s21], [sflag:$0x3], $0x80, s25, s19, $0xb8;
	[tilespmem:$0x1E400] =	vst v63  }
0xb4: {  	_ =	swait.ge [sflag:s17], $0x4000  }
0xb5: {  	s26 =	sshll.u32 s0, $0x6;
	s4 =	sadd.s32 $0x1, s4;
	[sflag:s17] =	ssyncset.done $0x0  }
0xb6: {  	s28 =	sshrl.u32 s5, $0x3;
	p0 =	sne.s32 s4, s15;
	[sflag:s17] =	ssyncadd.s32 $0xFFFFC000  }
.Ltmp3:
0xb7: {  	s26 =	sor.u32 $0x1C03, s26;
	[bflag:$0x0] =	sbarrier.arrive $0xFFFF;
	(pc) =	sbr.rel @p0 .LBB2_1-.Ltmp3, $4  }
0xb8: {  	[hbm:s14], [sflag:s26] =	dma.local [spmem:s28], $0x2780  }
0xb9: {  	_ =	swait.ge [sflag:s17], $0x2780  }
0xba: {  	[sflag:s17] =	ssyncset.done $0x0  }
0xbb: {  	[sflag:s17] =	ssyncadd.s32 $0xFFFFD880  }
0xbc: {  	_ =	sfence.sel $0x180000  }
0xbd: {  	[bflag:$0x0] =	sbarrier.arrive $0xFFFF  }
0xbe: {  	p0 =	sne.s32 s0, $0x0;
	_ =	strace $0x9000004A  }
0xbf: {  	s0 =	sadd.s32 @!p0 $0x100000, s1;
	[bflag:$0x2] =	sbarrier.arrive $0xFFFF  }
0xc0: {  	[sflag:s0] =	ssyncadd.tile.s32 @!p0 $0x1;
	_ =	shalt  }
.Lfunc_end2:
_tile_overlayer_lowered:
.L_overlay_start_2:
0xc1: {  	(tag) =	ssettag $0x2  }
0xc2: {  	s0 =	rddreg [dreg:$0x0];
	s2 =	stileid.u32  }
0xc3: {  	s1 =	rddreg [dreg:$0x1];
	p0 =	sne.s32 s2, $0x0  }
0xc4: {  	s3 =	rddreg [dreg:$0x2];
	[bflag:$0x3] =	sbarrier.arrive $0xFFFF;
	s2 =	simm.s32 @!p0 $0x1C03  }
0xc5: {  	[timem:s3], [sflag:s2] =	dma.local @!p0 [hbm:s0], s1  }
0xc6: {  	s0 =	simm.s32 @!p0 $0x3  }
0xc7: {  	_ =	swait.ge @!p0 [sflag:s0], s1  }
0xc8: {  	s1 =	ssub.s32 @!p0 $0x0, s1;
	[sflag:s0] =	ssyncset.done @!p0 $0x0  }
0xc9: {  	[sflag:s0] =	ssyncadd.s32 @!p0 s1  }
0xca: {  	[bflag:$0x3] =	sbarrier.arrive $0xFFFF  }
0xcb: {  	_ =	shalt  }

// kernel: kernel.21.cloned.1.call-start
scs
__scs_entry_jumppad:
0x0: {  	(pc) =	sbr.rel $0x88, $3  }
0x1: {  	(tag) =	ssettag $0x0;
	lr =	simm.s32 $0x1  }
0x2: {  	[smem:$0x3F8C] =	sst lr;
	_ =	strace $0xD0000000  }
0x3: {  	_ = 	snop  }
0x4: {  	_ = 	snop  }
0x5: {  	_ = 	snop  }
0x6: {  	_ = 	snop  }
0x7: {  	_ = 	snop  }
__scs_overlays_trampoline_lowered:
0x8: {  	[smem:$0x3F9B] =	sst s0  }
0x9: {  	[smem:$0x3F9C] =	sst s1  }
0xa: {  	[smem:$0x3F9D] =	sst s2  }
0xb: {  	[smem:$0x3F9E] =	sst s3  }
0xc: {  	[smem:$0x3F9F] =	sst s4  }
0xd: {  	[smem:$0x3FA0] =	sst s5  }
0xe: {  	[smem:$0x3FA1] =	sst s6  }
0xf: {  	[smem:$0x3FA2] =	sst s7  }
0x10: {  	[smem:$0x3FA3] =	sst s8  }
0x11: {  	[smem:$0x3FA4] =	sst s9;
	s0 =	simm.s32 @!p0 $0x0  }
0x12: {  	s1 =	sld [smem:$0x3F8A];
	s0 =	simm.s32 @p0 $0x1  }
0x13: {  	[smem:$0x3FA5] =	sst s0;
	s0 =	simm.s32 @!p1 $0x0  }
0x14: {  	s2 =	sld [smem:$0x3F89];
	s0 =	simm.s32 @p1 $0x1  }
0x15: {  	[smem:$0x3FA6] =	sst s0;
	s0 =	simm.s32 @!p2 $0x0  }
0x16: {  	s3 =	sld [smem:$0x3FDB];
	s0 =	simm.s32 @p2 $0x1  }
0x17: {  	s4 =	simm.s32 $0x1BF5;
	[smem:$0x3FA8] =	sst s0  }
0x18: {  	s0 =	sld [smem:$0x3F8B];
	_ =	swait.ge [sflag:s4], $0x0  }
0x19: {  	s7 =	sld [smem:$0x3F8C]  }
0x1a: {  	s8 =	sadd.s32 $0xFFFFE003, lr  }
0x1b: {  	s9 =	sadd.s32 $0xFFFFFEF7, lr;
	s5 =	simm.s32 $0xFFFFFFFF;
	p2 =	slt.u32 s8, $0xFFFFF086  }
0x1c: {  	p1 =	slt.u32 s9, $0xF7A;
	s5 =	simm.s32 @!p2 $0x0  }
0x1d: {  	s5 =	simm.s32 @p1 $0x1;
	p0 =	seq.s32 s7, s2  }
0x1e: {  	s7 =	smul.u32 @!p0 $0xF7A, s2;
	p2 =	seq.s32 @!p0 s5, $0x0  }
0x1f: {  	s9 =	smul.u32 $0xF7A, s1;
	s8 =	simm.s32 @!p0 $0x1BF5;
	p2 =	por !p2, p0  }
0x20: {  	[sflag:s8] =	ssyncset.s32 @!p0 $0xFFFFF086;
	s6 =	sadd.s32 @!p0 s3, s7;
	s7 =	simm.s32 @!p0 $0x108  }
0x21: {  	s3 =	sadd.s32 s3, s9;
	s6 =	sadd.s32 @!p0 $0x88, s6;
	s7 =	simm.s32 @p2 $0x1082  }
0x22: {  	[simem:s7], [sflag:s8] =	dma.local @!p0 [hbm:s6], $0xF7A  }
0x23: {  	s9 =	sor.u32 $0xD0000000, s2;
	s6 =	simm.s32 $0x108;
	_ =	swait.ge @!p0 [sflag:s8], $0x0  }
0x24: {  	s3 =	sadd.s32 $0x88, s3;
	s6 =	simm.s32 @!p1 $0x1082;
	[sflag:s4] =	ssyncset.s32 $0xFFFFF086  }
0x25: {  	[simem:s6], [sflag:s4] =	dma.local [hbm:s3], $0xF7A  }
0x26: {  	[smem:$0x3F8C] =	sst s1;
	(tag) =	ssettag s2;
	_ =	strace s9  }
0x27: {  	s1 =	sld [smem:$0x3F9C]  }
0x28: {  	s2 =	sld [smem:$0x3F9D]  }
0x29: {  	s4 =	sld [smem:$0x3F9F]  }
0x2a: {  	p0 =	seq.s32 s5, $0x0;
	s5 =	sld [smem:$0x3FA0]  }
0x2b: {  	s6 =	sld [smem:$0x3FA1]  }
0x2c: {  	s7 =	sld [smem:$0x3FA2]  }
0x2d: {  	s3 =	simm.s32 $0x108;
	s8 =	sld [smem:$0x3FA3]  }
0x2e: {  	s3 =	simm.s32 @!p0 $0x1082;
	s9 =	sld [smem:$0x3FA4]  }
0x2f: {  	lr =	sadd.s32 s0, s3;
	s0 =	sld [smem:$0x3F9B]  }
0x30: {  	s3 =	sld [smem:$0x3F9E]  }
0x31: {  	[smem:$0x3FA7] =	sst s10  }
0x32: {  	s10 =	sld [smem:$0x3FA5];
	_ =	sdelay $0x3  }
0x33: {  	p0 =	seq.s32 s10, $0x1;
	s10 =	sld [smem:$0x3FA7];
	_ =	sdelay $0x3  }
0x34: {  	[smem:$0x3FA7] =	sst s10  }
0x35: {  	s10 =	sld [smem:$0x3FA6];
	_ =	sdelay $0x3  }
0x36: {  	p1 =	seq.s32 s10, $0x1;
	s10 =	sld [smem:$0x3FA7];
	_ =	sdelay $0x3  }
0x37: {  	[smem:$0x3FA7] =	sst s10  }
0x38: {  	s10 =	sld [smem:$0x3FA8]  }
0x39: {  	_ = 	snop;
	(pc) =	sbr.ind lr, $3  }
0x3a: {  	_ = 	snop  }
0x3b: {  	_ = 	snop  }
0x3c: {  	p2 =	seq.s32 s10, $0x1;
	s10 =	sld [smem:$0x3FA7]  }
0x3d: {  	_ =	shalt  }
0x3e: {  	_ =	shalt  }
0x3f: {  	_ =	shalt  }
0x40: {  	_ =	shalt  }
0x41: {  	_ =	shalt  }
0x42: {  	_ =	shalt  }
0x43: {  	_ =	shalt  }
0x44: {  	_ =	shalt  }
0x45: {  	_ =	shalt  }
0x46: {  	_ =	shalt  }
0x47: {  	_ =	shalt  }
0x48: {  	_ =	shalt  }
0x49: {  	_ =	shalt  }
0x4a: {  	_ =	shalt  }
0x4b: {  	_ =	shalt  }
0x4c: {  	_ =	shalt  }
0x4d: {  	_ =	shalt  }
0x4e: {  	_ =	shalt  }
0x4f: {  	_ =	shalt  }
0x50: {  	_ =	shalt  }
0x51: {  	_ =	shalt  }
0x52: {  	_ =	shalt  }
0x53: {  	_ =	shalt  }
0x54: {  	_ =	shalt  }
0x55: {  	_ =	shalt  }
0x56: {  	_ =	shalt  }
0x57: {  	_ =	shalt  }
0x58: {  	_ =	shalt  }
0x59: {  	_ =	shalt  }
0x5a: {  	_ =	shalt  }
0x5b: {  	_ =	shalt  }
0x5c: {  	_ =	shalt  }
0x5d: {  	_ =	shalt  }
0x5e: {  	_ =	shalt  }
0x5f: {  	_ =	shalt  }
0x60: {  	_ =	shalt  }
0x61: {  	_ =	shalt  }
0x62: {  	_ =	shalt  }
0x63: {  	_ =	shalt  }
0x64: {  	_ =	shalt  }
0x65: {  	_ =	shalt  }
0x66: {  	_ =	shalt  }
0x67: {  	_ =	shalt  }
0x68: {  	_ =	shalt  }
0x69: {  	_ =	shalt  }
0x6a: {  	_ =	shalt  }
0x6b: {  	_ =	shalt  }
0x6c: {  	_ =	shalt  }
0x6d: {  	_ =	shalt  }
0x6e: {  	_ =	shalt  }
0x6f: {  	_ =	shalt  }
0x70: {  	_ =	shalt  }
0x71: {  	_ =	shalt  }
0x72: {  	_ =	shalt  }
0x73: {  	_ =	shalt  }
0x74: {  	_ =	shalt  }
0x75: {  	_ =	shalt  }
0x76: {  	_ =	shalt  }
0x77: {  	_ =	shalt  }
0x78: {  	_ =	shalt  }
0x79: {  	_ =	shalt  }
0x7a: {  	_ =	shalt  }
0x7b: {  	_ =	shalt  }
0x7c: {  	_ =	shalt  }
0x7d: {  	_ =	shalt  }
0x7e: {  	_ =	shalt  }
0x7f: {  	_ =	shalt  }
0x80: {  	_ =	shalt  }
0x81: {  	_ =	shalt  }
0x82: {  	_ =	shalt  }
0x83: {  	_ =	shalt  }
0x84: {  	_ =	shalt  }
0x85: {  	_ =	shalt  }
0x86: {  	_ =	shalt  }
0x87: {  	_ =	shalt  }
.Lfunc_end0:
.L_simem_size_0:
called_computation.2_lowered:
.L_overlay_start_0:
0x88: {  	s2 =	sld [smem:$0x3FD9]  }
0x89: {  	s3 =	sld [smem:$0x3FFE];
	_ =	sdelay $0x1  }
0x8a: {  	s1 =	srdreg.scid  }
0x8b: {  	s0 =	sand.u32 $0x1, s1  }
0x8c: {  	s16 =	sshll.u32 s0, $0xA;
	s2 =	sadd.s32 s3, s2  }
0x8d: {  	s2 =	sadd.s32 s2, s16  }
0x8e: {  	[smem:$0x3FB3] =	sst s2  }
0x8f: {  	_ = 	snop  }
0x90: {  	(tm) =	ssettm $0x1  }
0x91: {  	s17 =	sld [smem:$0x3FFB];
	_ =	sdelay $0x3  }
0x92: {  	_ =	strace s17  }
0x93: {  	s2 =	sld [smem:$0x3FFC];
	_ =	sdelay $0x3  }
0x94: {  	_ =	strace s2  }
0x95: {  	s2 =	sld [smem:$0x3FFD];
	_ =	sdelay $0x3  }
0x96: {  	_ =	strace s2  }
0x97: {  	_ =	strace $0x8FFFFFFF  }
0x98: {  	s18 =	sld [smem:$0x3FDB];
	_ =	sdelay $0x1  }
0x99: {  	s19 =	simm.s32 $_scs_section_size  }
0x9a: {  	s4 =	simm.s32 $_size__tile_overlayer_lowered;
	s5 =	simm.s32 $_tile_overlayer_lowered  }
0x9b: {  	s22 =	simm.s32 $0x1BFF;
	s21 =	sshll.u32 s5, $0x1;
	s2 =	sadd.s32 s19, s18  }
0x9c: {  	s6 =	simm.s32 $0x0;
	s20 =	sshll.u32 s4, $0x1;
	s4 =	sadd.s32 s21, s2  }
0x9d: {  	[timem:s6], [sflag:s22] =	dma.local [hbm:s4], s20  }
0x9e: {  	_ =	swait.ge [sflag:s22], s20  }
0x9f: {  	s3 =	ssub.s32 $0x0, s20;
	[sflag:s22] =	ssyncset.done $0x0  }
0xa0: {  	[sflag:s22] =	ssyncadd.s32 s3;
	_ =	sdelay $0x1  }
0xa1: {  	s23 =	simm.s32 $0x1B8B  }
0xa2: {  	_ =	swait.ge [sflag:s23], $0x1  }
0xa3: {  	[sflag:s23] =	ssyncset.done $0x0  }
0xa4: {  	s25 =	simm.s32 $0x1B8E;
	s24 =	sld [smem:$0x3FFE];
	[sflag:s23] =	ssyncadd.s32 $0xFFFFFFFF  }
0xa5: {  	s26 =	simm.s32 $execute0_lowered;
	[smem:$0x3FD2] =	sst s25  }
0xa6: {  	s4 =	sshll.u32 s26, $0x1;
	_ =	strace $0x8000004C;
	[dreg:$0x1] =	wrdreg $0xFFFFFFFF  }
0xa7: {  	s28 =	simm.s32 $_size_execute0_lowered;
	s2 =	sadd.s32 s2, s4;
	[dreg:$0x0] =	wrdreg $0x0  }
0xa8: {  	s4 =	sshll.u32 s28, $0x1;
	[dreg:$0x2] =	wrdreg s2  }
0xa9: {  	[dreg:$0x3] =	wrdreg s4  }
0xaa: {  	[dreg:$0x4] =	wrdreg $0xC0  }
0xab: {  	_ =	task [dreg:s6], $0x5FFFF  }
0xac: {  	[dreg:$0x1] =	wrdreg $0xFFFFFFFF  }
0xad: {  	[dreg:$0x0] =	wrdreg $0x60  }
0xae: {  	[dreg:$0x2] =	wrdreg s24  }
0xaf: {  	[dreg:$0x3] =	wrdreg $0x28000  }
0xb0: {  	[dreg:$0x4] =	wrdreg $0x9  }
0xb1: {  	_ =	task.clear_ibuf [dreg:s6], $0x5FFFF;
	_ =	strace $0x9000004C  }
0xb2: {  	s29 =	simm.s32 $0x9;
	_ =	strace $0x8000004E  }
0xb3: {  	_ =	swait.ge [sflag:s29], $0x1  }
0xb4: {  	[sflag:s29] =	ssyncadd.s32 $0xFFFFFFFF  }
0xb5: {  	_ =	strace $0x9000004E  }
0xb6: {  	_ =	sfence  }
0xb7: {  	s30 =	sld [smem:$0x0];
	_ =	sdelay $0x2  }
0xb8: {  	s31 =	sshll.u32 s1, $0xD;
	s1 =	sshrl.u32 s1, $0x2  }
0xb9: {  	s3 =	sand.u32 $0x4000, s31;
	s1 =	sadd.s32 s1, s30  }
0xba: {  	s0 =	sor.u32 s3, s0;
	s1 =	sshll.u32 s1, $0x11  }
0xbb: {  	s0 =	sor.u32 s1, s0  }
0xbc: {  	s0 =	sadd.s32 $0x8F2B, s0  }
0xbd: {  	[sflag:s0] =	ssyncadd.remote.s32 $0x1  }
0xbe: {  	_ =	sfence.sel $0xFFFF  }
0xbf: {  	[dreg:$0x0] =	wrdreg $0xFFFFFFFF;
	(pc) =	sbr.abs _section_cstart, $3  }
0xc0: {  	[dreg:$0x1] =	wrdreg $0xFFFFFFFF  }
0xc1: {  	_ =	task.clear_ibuf [dreg:s6], $0x2FFFF;
	_ =	strace $0x9FFFFFFF  }
0xc2: {  	(tm) =	ssettm $0x7FFFFFFF  }
0xc3: {  	_ =	shalt  }
tec
execute0_lowered:
.L_overlay_start_1:
0x0: {  	(tag) =	ssettag $0x1  }
0x1: {  	s6 =	rddreg [dreg:$0x0]  }
0x2: {  	s0 =	srdreg.scid;
	s2 =	rddreg [dreg:$0x1]  }
0x3: {  	s3 =	simm.s32 $0x0;
	s16 =	simm.s32 $0x16400;
	s17 =	simm.s32 $0x3  }
0x4: {  	s18 =	simm.s32 $0x1400;
	s19 =	simm.s32 $0x80;
	s20 =	simm.s32 $0x1  }
0x5: {  	s21 =	simm.s32 $0x1A400;
	s22 =	simm.s32 $0x2;
	s23 =	simm.s32 $0x1380  }
0x6: {  	s24 =	simm.s32 $0x2700;
	s5 =	sand.u32 $0x1, s0;
	s0 =	stileid.u32  }
0x7: {  	s25 =	simm.s32 $0x2780;
	[smem:$0x7FF] =	sst s3;
	s7 =	smul.u32 $0x2780, s0  }
0x8: {  	s1 =	sshll.u32 s5, $0x4;
	s8 =	smul.u32 $0x27800, s5;
	s29 =	ssub.s32 $0x2, s5  }
0x9: {  	s10 =	smul.u32 $0x4F000, s0;
	s1 =	sor.u32 s0, s1;
	s31 =	sshrl.u32 s29, $0x1  }
0xa: {  	s4 =	smul.u32 $0x2800, s1;
	s1 =	rddreg [dreg:$0x2];
	_ =	strace $0x8000004D  }
0xb: {  	s7 =	sadd.s32 s7, s8;
	s30 =	sshrl.u32 s10, $0x2;
	s15 =	ssub.s32 s29, s31  }
0xc: {  	s14 =	sadd.s32 s7, s6;
	s5 =	sadd.s32 s30, s2;
	s15 =	smax.u32 s15, $0x1  }
0xd: {  	s9 =	sshrl.u32 s4, $0x3;
	s4 =	sadd.s32 $0x19400, s6;
	s7 =	sadd.s32 $0x8000, s5  }
0xe: {  	s8 =	sadd.s32 $0xC000, s5;
	s14 =	sadd.s32 $0x40600, s14;
	s13 =	sadd.s32 s9, s6  }
0xf: {  	s6 =	sadd.s32 $0x4000, s5;
	s9 =	sadd.s32 $0x10000, s5;
	s10 =	sadd.s32 $0x5400, s13  }
0x10: {  	v0 =	vimm.f32 $0.0e+00;
	s11 =	sadd.s32 $0xF400, s13;
	s12 =	sadd.s32 $0x5680, s13;
	s13 =	sadd.s32 $0xF680, s13  }
.LBB2_1:
0x11: {  	s26 =	simm.s32 $0x0;
	s28 =	simm.s32 $0x200  }
.LBB2_2:
0x12: {  	p0 =	sne.s32 s28, $0xFE00;
	[tilespmem:s26+$0x16470] =	vst v0  }
0x13: {  	[tilespmem:s26+$0x16400] =	vst v0  }
0x14: {  	[tilespmem:s26+$0x16410] =	vst v0  }
.Ltmp0:
0x15: {  	[tilespmem:s26+$0x16420] =	vst v0;
	(pc) =	sbr.rel @p0 .LBB2_2-.Ltmp0, $4  }
0x16: {  	[tilespmem:s26+$0x16430] =	vst v0  }
0x17: {  	[tilespmem:s26+$0x16440] =	vst v0  }
0x18: {  	[tilespmem:s26+$0x16450] =	vst v0  }
0x19: {  	[tilespmem:s26+$0x16460] =	vst v0;
	s26 =	sshra.s32 s28, $0x2;
	s28 =	sadd.s32 $0x200, s28  }
0x1a: {  	[tilespmem:s26+$0x16470] =	vst v0  }
0x1b: {  	[tilespmem:s26+$0x16400] =	vst v0  }
0x1c: {  	[tilespmem:s26+$0x16410] =	vst v0  }
0x1d: {  	[tilespmem:s26+$0x16420] =	vst v0  }
0x1e: {  	[tilespmem:s26+$0x16430] =	vst v0  }
0x1f: {  	[tilespmem:s26+$0x16440] =	vst v0  }
0x20: {  	[tilespmem:s26+$0x16450] =	vst v0  }
0x21: {  	[tilespmem:s26+$0x16460] =	vst v0  }
0x22: {  	[spmem:s5] =	stream.linear.scatter [tilespmem:s16], [sflag:$0x3], $0x4000, $0x38;
	[tilespmem:$0x1E400] =	vst v63  }
0x23: {  	_ =	swait.ge [sflag:s17], $0x4000  }
0x24: {  	[sflag:s17] =	ssyncset.done $0x0  }
0x25: {  	[sflag:s17] =	ssyncadd.s32 $0xFFFFC000  }
0x26: {  	[spmem:s6] =	stream.linear.scatter [tilespmem:s16], [sflag:$0x3], $0x4000, $0x38;
	[tilespmem:$0x1E400] =	vst v63  }
0x27: {  	_ =	swait.ge [sflag:s17], $0x4000  }
0x28: {  	[sflag:s17] =	ssyncset.done $0x0  }
0x29: {  	[sflag:s17] =	ssyncadd.s32 $0xFFFFC000  }
0x2a: {  	[spmem:s7] =	stream.linear.scatter [tilespmem:s16], [sflag:$0x3], $0x4000, $0x38;
	[tilespmem:$0x1E400] =	vst v63  }
0x2b: {  	_ =	swait.ge [sflag:s17], $0x4000  }
0x2c: {  	[sflag:s17] =	ssyncset.done $0x0  }
0x2d: {  	[sflag:s17] =	ssyncadd.s32 $0xFFFFC000  }
0x2e: {  	[spmem:s8] =	stream.linear.scatter [tilespmem:s16], [sflag:$0x3], $0x4000, $0x38;
	[tilespmem:$0x1E400] =	vst v63  }
0x2f: {  	_ =	swait.ge [sflag:s17], $0x4000  }
0x30: {  	[sflag:s17] =	ssyncset.done $0x0  }
0x31: {  	[sflag:s17] =	ssyncadd.s32 $0xFFFFC000  }
0x32: {  	[spmem:s9] =	stream.linear.scatter [tilespmem:s16], [sflag:$0x3], $0x3C00, $0x38;
	[tilespmem:$0x1E400] =	vst v63  }
0x33: {  	_ =	swait.ge [sflag:s17], $0x3C00  }
0x34: {  	[sflag:s17] =	ssyncset.done $0x0  }
0x35: {  	[sflag:s17] =	ssyncadd.s32 $0xFFFFC400  }
0x36: {  	s31 =	simm.s32 $0x0;
	[bflag:$0x0] =	sbarrier.arrive $0xFFFF  }
0x37: {  	[tilespmem:s31], [sflag:$0x3] =	stream.linear.gather [hbm4b:s10+s31], $0x1400, $0x38;
	[tilespmem:$0x1E400] =	vst v63  }
0x38: {  	_ =	swait.ge [sflag:s17], $0x1400  }
0x39: {  	[sflag:s17] =	ssyncset.done $0x0  }
0x3a: {  	[sflag:s17] =	ssyncadd.s32 $0xFFFFEC00  }
0x3b: {  	[tilespmem:s18], [sflag:$0x3] =	stream.linear.gather [hbm4b:s11+s31], $0x1400, $0x38;
	[tilespmem:$0x1E400] =	vst v63  }
0x3c: {  	_ =	swait.ge [sflag:s17], $0x1400  }
0x3d: {  	[sflag:s17] =	ssyncset.done $0x0  }
0x3e: {  	[sflag:s17] =	ssyncadd.s32 $0xFFFFEC00  }
0x3f: {  	[tilespmem:s16], [sflag:$0x1] =	stream.indirect.gather [hbm4b:s4+s19], $0x80, s31, s19, $0xb8;
	[tilespmem:$0x1E400] =	vst v63  }
0x40: {  	_ =	swait.ge [sflag:s20], $0x4000  }
0x41: {  	[sflag:s20] =	ssyncset.done $0x0  }
0x42: {  	s28 =	simm.s32 $0x80;
	[sflag:s20] =	ssyncadd.s32 $0xFFFFC000  }
0x43: {  	[tilespmem:s21], [sflag:$0x2] =	stream.indirect.gather [hbm4b:s4+s19], $0x80, s28, s19, $0xb8;
	[tilespmem:$0x1E400] =	vst v63  }
0x44: {  	s29 =	simm.s32 $0x1400  }
0x45: {  	[spmem:s2] =	stream.indirect.scatter.add.f32 [tilespmem:s16], [sflag:$0x3], $0x80, s29, s19, $0xb8;
	[tilespmem:$0x1E400] =	vst v63  }
0x46: {  	_ =	swait.ge [sflag:s17], $0x4000  }
0x47: {  	[sflag:s17] =	ssyncset.done $0x0  }
0x48: {  	[sflag:s17] =	ssyncadd.s32 $0xFFFFC000  }
0x49: {  	_ =	swait.ge [sflag:s22], $0x4000  }
0x4a: {  	[sflag:s22] =	ssyncset.done $0x0  }
0x4b: {  	s30 =	simm.s32 $0x100;
	[sflag:s22] =	ssyncadd.s32 $0xFFFFC000  }
0x4c: {  	[tilespmem:s16], [sflag:$0x1] =	stream.indirect.gather [hbm4b:s4+s19], $0x80, s30, s19, $0xb8;
	[tilespmem:$0x1E400] =	vst v63  }
0x4d: {  	s31 =	simm.s32 $0x1480  }
0x4e: {  	[spmem:s2] =	stream.indirect.scatter.add.f32 [tilespmem:s21], [sflag:$0x3], $0x80, s31, s19, $0xb8;
	[tilespmem:$0x1E400] =	vst v63  }
0x4f: {  	_ =	swait.ge [sflag:s17], $0x4000  }
0x50: {  	s26 =	simm.s32 $0x400;
	[sflag:s17] =	ssyncset.done $0x0  }
.LBB2_4:
0x51: {  	p0 =	sne.s32 s26, $0x4800  }
0x52: {  	[sflag:s17] =	ssyncadd.s32 $0xFFFFC000;
	s28 =	smov.u32 s26;
	s26 =	sadd.s32 $0x400, s26  }
0x53: {  	_ = 	snop  }
0x54: {  	_ =	swait.ge [sflag:s20], $0x4000  }
0x55: {  	s28 =	sshra.s32 s28, $0x2;
	[sflag:s20] =	ssyncset.done $0x0  }
0x56: {  	s29 =	sadd.s32 $0x80, s28;
	[sflag:s20] =	ssyncadd.s32 $0xFFFFC000  }
0x57: {  	[tilespmem:s21], [sflag:$0x2] =	stream.indirect.gather [hbm4b:s4+s19], $0x80, s29, s19, $0xb8;
	[tilespmem:$0x1E400] =	vst v63  }
0x58: {  	s29 =	sadd.s32 $0x1400, s28  }
0x59: {  	[spmem:s2] =	stream.indirect.scatter.add.f32 [tilespmem:s16], [sflag:$0x3], $0x80, s29, s19, $0xb8;
	[tilespmem:$0x1E400] =	vst v63  }
0x5a: {  	_ =	swait.ge [sflag:s17], $0x4000  }
0x5b: {  	[sflag:s17] =	ssyncset.done $0x0  }
0x5c: {  	[sflag:s17] =	ssyncadd.s32 $0xFFFFC000  }
0x5d: {  	_ =	swait.ge [sflag:s22], $0x4000  }
0x5e: {  	[sflag:s22] =	ssyncset.done $0x0  }
0x5f: {  	s29 =	sadd.s32 $0x100, s28;
	[sflag:s22] =	ssyncadd.s32 $0xFFFFC000  }
0x60: {  	[tilespmem:s16], [sflag:$0x1] =	stream.indirect.gather [hbm4b:s4+s19], $0x80, s29, s19, $0xb8;
	[tilespmem:$0x1E400] =	vst v63  }
.Ltmp1:
0x61: {  	_ = 	snop;
	(pc) =	sbr.rel @p0 .LBB2_4-.Ltmp1, $4  }
0x62: {  	s28 =	sadd.s32 $0x1480, s28  }
0x63: {  	[spmem:s2] =	stream.indirect.scatter.add.f32 [tilespmem:s21], [sflag:$0x3], $0x80, s28, s19, $0xb8;
	[tilespmem:$0x1E400] =	vst v63  }
0x64: {  	_ =	swait.ge [sflag:s17], $0x4000  }
0x65: {  	[sflag:s17] =	ssyncset.done $0x0  }
0x66: {  	[sflag:s17] =	ssyncadd.s32 $0xFFFFC000  }
0x67: {  	_ =	swait.ge [sflag:s20], $0x4000  }
0x68: {  	[sflag:s20] =	ssyncset.done $0x0  }
0x69: {  	[sflag:s20] =	ssyncadd.s32 $0xFFFFC000  }
0x6a: {  	[tilespmem:s21], [sflag:$0x2] =	stream.indirect.gather [hbm4b:s4+s19], $0x80, s23, s19, $0xb8;
	[tilespmem:$0x1E400] =	vst v63  }
0x6b: {  	_ = 	snop  }
0x6c: {  	[spmem:s2] =	stream.indirect.scatter.add.f32 [tilespmem:s16], [sflag:$0x3], $0x80, s24, s19, $0xb8;
	[tilespmem:$0x1E400] =	vst v63  }
0x6d: {  	_ =	swait.ge [sflag:s17], $0x4000  }
0x6e: {  	[sflag:s17] =	ssyncset.done $0x0  }
0x6f: {  	[sflag:s17] =	ssyncadd.s32 $0xFFFFC000  }
0x70: {  	_ =	swait.ge [sflag:s22], $0x4000  }
0x71: {  	[sflag:s22] =	ssyncset.done $0x0  }
0x72: {  	[sflag:s22] =	ssyncadd.s32 $0xFFFFC000  }
0x73: {  	[spmem:s2] =	stream.indirect.scatter.add.f32 [tilespmem:s21], [sflag:$0x3], $0x80, s25, s19, $0xb8;
	[tilespmem:$0x1E400] =	vst v63  }
0x74: {  	_ =	swait.ge [sflag:s17], $0x4000  }
0x75: {  	[sflag:s17] =	ssyncset.done $0x0  }
0x76: {  	s26 =	simm.s32 $0x0;
	[sflag:s17] =	ssyncadd.s32 $0xFFFFC000  }
0x77: {  	[tilespmem:s26], [sflag:$0x3] =	stream.linear.gather [hbm4b:s12+s26], $0x1400, $0x38;
	[tilespmem:$0x1E400] =	vst v63  }
0x78: {  	_ =	swait.ge [sflag:s17], $0x1400  }
0x79: {  	[sflag:s17] =	ssyncset.done $0x0  }
0x7a: {  	[sflag:s17] =	ssyncadd.s32 $0xFFFFEC00  }
0x7b: {  	[tilespmem:s18], [sflag:$0x3] =	stream.linear.gather [hbm4b:s13+s26], $0x1400, $0x38;
	[tilespmem:$0x1E400] =	vst v63  }
0x7c: {  	_ =	swait.ge [sflag:s17], $0x1400  }
0x7d: {  	[sflag:s17] =	ssyncset.done $0x0  }
0x7e: {  	[sflag:s17] =	ssyncadd.s32 $0xFFFFEC00  }
0x7f: {  	[tilespmem:s16], [sflag:$0x1] =	stream.indirect.gather [hbm4b:s4+s19], $0x80, s26, s19, $0xb8;
	[tilespmem:$0x1E400] =	vst v63  }
0x80: {  	_ =	swait.ge [sflag:s20], $0x4000  }
0x81: {  	[sflag:s20] =	ssyncset.done $0x0  }
0x82: {  	s28 =	simm.s32 $0x80;
	[sflag:s20] =	ssyncadd.s32 $0xFFFFC000  }
0x83: {  	[tilespmem:s21], [sflag:$0x2] =	stream.indirect.gather [hbm4b:s4+s19], $0x80, s28, s19, $0xb8;
	[tilespmem:$0x1E400] =	vst v63  }
0x84: {  	s29 =	simm.s32 $0x1400  }
0x85: {  	[spmem:s2] =	stream.indirect.scatter.add.f32 [tilespmem:s16], [sflag:$0x3], $0x80, s29, s19, $0xb8;
	[tilespmem:$0x1E400] =	vst v63  }
0x86: {  	_ =	swait.ge [sflag:s17], $0x4000  }
0x87: {  	[sflag:s17] =	ssyncset.done $0x0  }
0x88: {  	[sflag:s17] =	ssyncadd.s32 $0xFFFFC000  }
0x89: {  	_ =	swait.ge [sflag:s22], $0x4000  }
0x8a: {  	[sflag:s22] =	ssyncset.done $0x0  }
0x8b: {  	s30 =	simm.s32 $0x100;
	[sflag:s22] =	ssyncadd.s32 $0xFFFFC000  }
0x8c: {  	[tilespmem:s16], [sflag:$0x1] =	stream.indirect.gather [hbm4b:s4+s19], $0x80, s30, s19, $0xb8;
	[tilespmem:$0x1E400] =	vst v63  }
0x8d: {  	s31 =	simm.s32 $0x1480  }
0x8e: {  	[spmem:s2] =	stream.indirect.scatter.add.f32 [tilespmem:s21], [sflag:$0x3], $0x80, s31, s19, $0xb8;
	[tilespmem:$0x1E400] =	vst v63  }
0x8f: {  	_ =	swait.ge [sflag:s17], $0x4000  }
0x90: {  	s26 =	simm.s32 $0x400;
	[sflag:s17] =	ssyncset.done $0x0  }
.LBB2_6:
0x91: {  	p0 =	sne.s32 s26, $0x4800  }
0x92: {  	[sflag:s17] =	ssyncadd.s32 $0xFFFFC000;
	s28 =	smov.u32 s26;
	s26 =	sadd.s32 $0x400, s26  }
0x93: {  	_ = 	snop  }
0x94: {  	_ =	swait.ge [sflag:s20], $0x4000  }
0x95: {  	s28 =	sshra.s32 s28, $0x2;
	[sflag:s20] =	ssyncset.done $0x0  }
0x96: {  	s29 =	sadd.s32 $0x80, s28;
	[sflag:s20] =	ssyncadd.s32 $0xFFFFC000  }
0x97: {  	[tilespmem:s21], [sflag:$0x2] =	stream.indirect.gather [hbm4b:s4+s19], $0x80, s29, s19, $0xb8;
	[tilespmem:$0x1E400] =	vst v63  }
0x98: {  	s29 =	sadd.s32 $0x1400, s28  }
0x99: {  	[spmem:s2] =	stream.indirect.scatter.add.f32 [tilespmem:s16], [sflag:$0x3], $0x80, s29, s19, $0xb8;
	[tilespmem:$0x1E400] =	vst v63  }
0x9a: {  	_ =	swait.ge [sflag:s17], $0x4000  }
0x9b: {  	[sflag:s17] =	ssyncset.done $0x0  }
0x9c: {  	[sflag:s17] =	ssyncadd.s32 $0xFFFFC000  }
0x9d: {  	_ =	swait.ge [sflag:s22], $0x4000  }
0x9e: {  	[sflag:s22] =	ssyncset.done $0x0  }
0x9f: {  	s29 =	sadd.s32 $0x100, s28;
	[sflag:s22] =	ssyncadd.s32 $0xFFFFC000  }
0xa0: {  	[tilespmem:s16], [sflag:$0x1] =	stream.indirect.gather [hbm4b:s4+s19], $0x80, s29, s19, $0xb8;
	[tilespmem:$0x1E400] =	vst v63  }
.Ltmp2:
0xa1: {  	_ = 	snop;
	(pc) =	sbr.rel @p0 .LBB2_6-.Ltmp2, $4  }
0xa2: {  	s28 =	sadd.s32 $0x1480, s28  }
0xa3: {  	[spmem:s2] =	stream.indirect.scatter.add.f32 [tilespmem:s21], [sflag:$0x3], $0x80, s28, s19, $0xb8;
	[tilespmem:$0x1E400] =	vst v63  }
0xa4: {  	_ =	swait.ge [sflag:s17], $0x4000  }
0xa5: {  	[sflag:s17] =	ssyncset.done $0x0  }
0xa6: {  	[sflag:s17] =	ssyncadd.s32 $0xFFFFC000  }
0xa7: {  	_ =	swait.ge [sflag:s20], $0x4000  }
0xa8: {  	[sflag:s20] =	ssyncset.done $0x0  }
0xa9: {  	[sflag:s20] =	ssyncadd.s32 $0xFFFFC000  }
0xaa: {  	[tilespmem:s21], [sflag:$0x2] =	stream.indirect.gather [hbm4b:s4+s19], $0x80, s23, s19, $0xb8;
	[tilespmem:$0x1E400] =	vst v63  }
0xab: {  	_ = 	snop  }
0xac: {  	[spmem:s2] =	stream.indirect.scatter.add.f32 [tilespmem:s16], [sflag:$0x3], $0x80, s24, s19, $0xb8;
	[tilespmem:$0x1E400] =	vst v63  }
0xad: {  	_ =	swait.ge [sflag:s17], $0x4000  }
0xae: {  	[sflag:s17] =	ssyncset.done $0x0  }
0xaf: {  	[sflag:s17] =	ssyncadd.s32 $0xFFFFC000  }
0xb0: {  	_ =	swait.ge [sflag:s22], $0x4000  }
0xb1: {  	[sflag:s22] =	ssyncset.done $0x0  }
0xb2: {  	[sflag:s22] =	ssyncadd.s32 $0xFFFFC000  }
0xb3: {  	[spmem:s2] =	stream.indirect.scatter.add.f32 [tilespmem:s21], [sflag:$0x3], $0x80, s25, s19, $0xb8;
	[tilespmem:$0x1E400] =	vst v63  }
0xb4: {  	_ =	swait.ge [sflag:s17], $0x4000  }
0xb5: {  	s26 =	sshll.u32 s0, $0x6;
	s3 =	sadd.s32 $0x1, s3;
	[sflag:s17] =	ssyncset.done $0x0  }
0xb6: {  	s28 =	sshrl.u32 s5, $0x3;
	p0 =	sne.s32 s3, s15;
	[sflag:s17] =	ssyncadd.s32 $0xFFFFC000  }
.Ltmp3:
0xb7: {  	s26 =	sor.u32 $0x1C03, s26;
	[bflag:$0x0] =	sbarrier.arrive $0xFFFF;
	(pc) =	sbr.rel @p0 .LBB2_1-.Ltmp3, $4  }
0xb8: {  	[hbm:s14], [sflag:s26] =	dma.local [spmem:s28], $0x2780  }
0xb9: {  	_ =	swait.ge [sflag:s17], $0x2780  }
0xba: {  	[sflag:s17] =	ssyncset.done $0x0  }
0xbb: {  	[sflag:s17] =	ssyncadd.s32 $0xFFFFD880  }
0xbc: {  	_ =	sfence.sel $0x180000  }
0xbd: {  	[bflag:$0x0] =	sbarrier.arrive $0xFFFF  }
0xbe: {  	p0 =	sne.s32 s0, $0x0;
	_ =	strace $0x9000004D  }
0xbf: {  	s0 =	sadd.s32 @!p0 $0x100000, s1;
	[bflag:$0x2] =	sbarrier.arrive $0xFFFF  }
0xc0: {  	[sflag:s0] =	ssyncadd.tile.s32 @!p0 $0x1;
	_ =	shalt  }
.Lfunc_end2:
_tile_overlayer_lowered:
.L_overlay_start_2:
0xc1: {  	(tag) =	ssettag $0x2  }
0xc2: {  	s0 =	rddreg [dreg:$0x0];
	s2 =	stileid.u32  }
0xc3: {  	s1 =	rddreg [dreg:$0x1];
	p0 =	sne.s32 s2, $0x0  }
0xc4: {  	s3 =	rddreg [dreg:$0x2];
	[bflag:$0x3] =	sbarrier.arrive $0xFFFF;
	s2 =	simm.s32 @!p0 $0x1C03  }
0xc5: {  	[timem:s3], [sflag:s2] =	dma.local @!p0 [hbm:s0], s1  }
0xc6: {  	s0 =	simm.s32 @!p0 $0x3  }
0xc7: {  	_ =	swait.ge @!p0 [sflag:s0], s1  }
0xc8: {  	s1 =	ssub.s32 @!p0 $0x0, s1;
	[sflag:s0] =	ssyncset.done @!p0 $0x0  }
0xc9: {  	[sflag:s0] =	ssyncadd.s32 @!p0 s1  }
0xca: {  	[bflag:$0x3] =	sbarrier.arrive $0xFFFF  }
0xcb: {  	_ =	shalt  }

// kernel: kernel.24.cloned.1.call-start
scs
__scs_entry_jumppad:
0x0: {  	(pc) =	sbr.rel $0x88, $3  }
0x1: {  	(tag) =	ssettag $0x0;
	lr =	simm.s32 $0x1  }
0x2: {  	[smem:$0x3F8C] =	sst lr;
	_ =	strace $0xD0000000  }
0x3: {  	_ = 	snop  }
0x4: {  	_ = 	snop  }
0x5: {  	_ = 	snop  }
0x6: {  	_ = 	snop  }
0x7: {  	_ = 	snop  }
__scs_overlays_trampoline_lowered:
0x8: {  	[smem:$0x3F9B] =	sst s0  }
0x9: {  	[smem:$0x3F9C] =	sst s1  }
0xa: {  	[smem:$0x3F9D] =	sst s2  }
0xb: {  	[smem:$0x3F9E] =	sst s3  }
0xc: {  	[smem:$0x3F9F] =	sst s4  }
0xd: {  	[smem:$0x3FA0] =	sst s5  }
0xe: {  	[smem:$0x3FA1] =	sst s6  }
0xf: {  	[smem:$0x3FA2] =	sst s7  }
0x10: {  	[smem:$0x3FA3] =	sst s8  }
0x11: {  	[smem:$0x3FA4] =	sst s9;
	s0 =	simm.s32 @!p0 $0x0  }
0x12: {  	s1 =	sld [smem:$0x3F8A];
	s0 =	simm.s32 @p0 $0x1  }
0x13: {  	[smem:$0x3FA5] =	sst s0;
	s0 =	simm.s32 @!p1 $0x0  }
0x14: {  	s2 =	sld [smem:$0x3F89];
	s0 =	simm.s32 @p1 $0x1  }
0x15: {  	[smem:$0x3FA6] =	sst s0;
	s0 =	simm.s32 @!p2 $0x0  }
0x16: {  	s3 =	sld [smem:$0x3FDB];
	s0 =	simm.s32 @p2 $0x1  }
0x17: {  	s4 =	simm.s32 $0x1BF5;
	[smem:$0x3FA8] =	sst s0  }
0x18: {  	s0 =	sld [smem:$0x3F8B];
	_ =	swait.ge [sflag:s4], $0x0  }
0x19: {  	s7 =	sld [smem:$0x3F8C]  }
0x1a: {  	s8 =	sadd.s32 $0xFFFFE003, lr  }
0x1b: {  	s9 =	sadd.s32 $0xFFFFFEF7, lr;
	s5 =	simm.s32 $0xFFFFFFFF;
	p2 =	slt.u32 s8, $0xFFFFF086  }
0x1c: {  	p1 =	slt.u32 s9, $0xF7A;
	s5 =	simm.s32 @!p2 $0x0  }
0x1d: {  	s5 =	simm.s32 @p1 $0x1;
	p0 =	seq.s32 s7, s2  }
0x1e: {  	s7 =	smul.u32 @!p0 $0xF7A, s2;
	p2 =	seq.s32 @!p0 s5, $0x0  }
0x1f: {  	s9 =	smul.u32 $0xF7A, s1;
	s8 =	simm.s32 @!p0 $0x1BF5;
	p2 =	por !p2, p0  }
0x20: {  	[sflag:s8] =	ssyncset.s32 @!p0 $0xFFFFF086;
	s6 =	sadd.s32 @!p0 s3, s7;
	s7 =	simm.s32 @!p0 $0x108  }
0x21: {  	s3 =	sadd.s32 s3, s9;
	s6 =	sadd.s32 @!p0 $0x88, s6;
	s7 =	simm.s32 @p2 $0x1082  }
0x22: {  	[simem:s7], [sflag:s8] =	dma.local @!p0 [hbm:s6], $0xF7A  }
0x23: {  	s9 =	sor.u32 $0xD0000000, s2;
	s6 =	simm.s32 $0x108;
	_ =	swait.ge @!p0 [sflag:s8], $0x0  }
0x24: {  	s3 =	sadd.s32 $0x88, s3;
	s6 =	simm.s32 @!p1 $0x1082;
	[sflag:s4] =	ssyncset.s32 $0xFFFFF086  }
0x25: {  	[simem:s6], [sflag:s4] =	dma.local [hbm:s3], $0xF7A  }
0x26: {  	[smem:$0x3F8C] =	sst s1;
	(tag) =	ssettag s2;
	_ =	strace s9  }
0x27: {  	s1 =	sld [smem:$0x3F9C]  }
0x28: {  	s2 =	sld [smem:$0x3F9D]  }
0x29: {  	s4 =	sld [smem:$0x3F9F]  }
0x2a: {  	p0 =	seq.s32 s5, $0x0;
	s5 =	sld [smem:$0x3FA0]  }
0x2b: {  	s6 =	sld [smem:$0x3FA1]  }
0x2c: {  	s7 =	sld [smem:$0x3FA2]  }
0x2d: {  	s3 =	simm.s32 $0x108;
	s8 =	sld [smem:$0x3FA3]  }
0x2e: {  	s3 =	simm.s32 @!p0 $0x1082;
	s9 =	sld [smem:$0x3FA4]  }
0x2f: {  	lr =	sadd.s32 s0, s3;
	s0 =	sld [smem:$0x3F9B]  }
0x30: {  	s3 =	sld [smem:$0x3F9E]  }
0x31: {  	[smem:$0x3FA7] =	sst s10  }
0x32: {  	s10 =	sld [smem:$0x3FA5];
	_ =	sdelay $0x3  }
0x33: {  	p0 =	seq.s32 s10, $0x1;
	s10 =	sld [smem:$0x3FA7];
	_ =	sdelay $0x3  }
0x34: {  	[smem:$0x3FA7] =	sst s10  }
0x35: {  	s10 =	sld [smem:$0x3FA6];
	_ =	sdelay $0x3  }
0x36: {  	p1 =	seq.s32 s10, $0x1;
	s10 =	sld [smem:$0x3FA7];
	_ =	sdelay $0x3  }
0x37: {  	[smem:$0x3FA7] =	sst s10  }
0x38: {  	s10 =	sld [smem:$0x3FA8]  }
0x39: {  	_ = 	snop;
	(pc) =	sbr.ind lr, $3  }
0x3a: {  	_ = 	snop  }
0x3b: {  	_ = 	snop  }
0x3c: {  	p2 =	seq.s32 s10, $0x1;
	s10 =	sld [smem:$0x3FA7]  }
0x3d: {  	_ =	shalt  }
0x3e: {  	_ =	shalt  }
0x3f: {  	_ =	shalt  }
0x40: {  	_ =	shalt  }
0x41: {  	_ =	shalt  }
0x42: {  	_ =	shalt  }
0x43: {  	_ =	shalt  }
0x44: {  	_ =	shalt  }
0x45: {  	_ =	shalt  }
0x46: {  	_ =	shalt  }
0x47: {  	_ =	shalt  }
0x48: {  	_ =	shalt  }
0x49: {  	_ =	shalt  }
0x4a: {  	_ =	shalt  }
0x4b: {  	_ =	shalt  }
0x4c: {  	_ =	shalt  }
0x4d: {  	_ =	shalt  }
0x4e: {  	_ =	shalt  }
0x4f: {  	_ =	shalt  }
0x50: {  	_ =	shalt  }
0x51: {  	_ =	shalt  }
0x52: {  	_ =	shalt  }
0x53: {  	_ =	shalt  }
0x54: {  	_ =	shalt  }
0x55: {  	_ =	shalt  }
0x56: {  	_ =	shalt  }
0x57: {  	_ =	shalt  }
0x58: {  	_ =	shalt  }
0x59: {  	_ =	shalt  }
0x5a: {  	_ =	shalt  }
0x5b: {  	_ =	shalt  }
0x5c: {  	_ =	shalt  }
0x5d: {  	_ =	shalt  }
0x5e: {  	_ =	shalt  }
0x5f: {  	_ =	shalt  }
0x60: {  	_ =	shalt  }
0x61: {  	_ =	shalt  }
0x62: {  	_ =	shalt  }
0x63: {  	_ =	shalt  }
0x64: {  	_ =	shalt  }
0x65: {  	_ =	shalt  }
0x66: {  	_ =	shalt  }
0x67: {  	_ =	shalt  }
0x68: {  	_ =	shalt  }
0x69: {  	_ =	shalt  }
0x6a: {  	_ =	shalt  }
0x6b: {  	_ =	shalt  }
0x6c: {  	_ =	shalt  }
0x6d: {  	_ =	shalt  }
0x6e: {  	_ =	shalt  }
0x6f: {  	_ =	shalt  }
0x70: {  	_ =	shalt  }
0x71: {  	_ =	shalt  }
0x72: {  	_ =	shalt  }
0x73: {  	_ =	shalt  }
0x74: {  	_ =	shalt  }
0x75: {  	_ =	shalt  }
0x76: {  	_ =	shalt  }
0x77: {  	_ =	shalt  }
0x78: {  	_ =	shalt  }
0x79: {  	_ =	shalt  }
0x7a: {  	_ =	shalt  }
0x7b: {  	_ =	shalt  }
0x7c: {  	_ =	shalt  }
0x7d: {  	_ =	shalt  }
0x7e: {  	_ =	shalt  }
0x7f: {  	_ =	shalt  }
0x80: {  	_ =	shalt  }
0x81: {  	_ =	shalt  }
0x82: {  	_ =	shalt  }
0x83: {  	_ =	shalt  }
0x84: {  	_ =	shalt  }
0x85: {  	_ =	shalt  }
0x86: {  	_ =	shalt  }
0x87: {  	_ =	shalt  }
.Lfunc_end0:
.L_simem_size_0:
called_computation.3_lowered:
.L_overlay_start_0:
0x88: {  	s2 =	sld [smem:$0x3FD9]  }
0x89: {  	s3 =	sld [smem:$0x3FFE];
	_ =	sdelay $0x1  }
0x8a: {  	s1 =	srdreg.scid  }
0x8b: {  	s0 =	sand.u32 $0x1, s1  }
0x8c: {  	s16 =	sshll.u32 s0, $0xA;
	s2 =	sadd.s32 s3, s2  }
0x8d: {  	s2 =	sadd.s32 s2, s16  }
0x8e: {  	[smem:$0x3FB3] =	sst s2  }
0x8f: {  	_ = 	snop  }
0x90: {  	(tm) =	ssettm $0x1  }
0x91: {  	s17 =	sld [smem:$0x3FFB];
	_ =	sdelay $0x3  }
0x92: {  	_ =	strace s17  }
0x93: {  	s2 =	sld [smem:$0x3FFC];
	_ =	sdelay $0x3  }
0x94: {  	_ =	strace s2  }
0x95: {  	s2 =	sld [smem:$0x3FFD];
	_ =	sdelay $0x3  }
0x96: {  	_ =	strace s2  }
0x97: {  	_ =	strace $0x8FFFFFFF  }
0x98: {  	s18 =	sld [smem:$0x3FDB];
	_ =	sdelay $0x1  }
0x99: {  	s19 =	simm.s32 $_scs_section_size  }
0x9a: {  	s4 =	simm.s32 $_size__tile_overlayer_lowered;
	s5 =	simm.s32 $_tile_overlayer_lowered  }
0x9b: {  	s22 =	simm.s32 $0x1BFF;
	s21 =	sshll.u32 s5, $0x1;
	s2 =	sadd.s32 s19, s18  }
0x9c: {  	s6 =	simm.s32 $0x0;
	s20 =	sshll.u32 s4, $0x1;
	s4 =	sadd.s32 s21, s2  }
0x9d: {  	[timem:s6], [sflag:s22] =	dma.local [hbm:s4], s20  }
0x9e: {  	_ =	swait.ge [sflag:s22], s20  }
0x9f: {  	s3 =	ssub.s32 $0x0, s20;
	[sflag:s22] =	ssyncset.done $0x0  }
0xa0: {  	[sflag:s22] =	ssyncadd.s32 s3;
	_ =	sdelay $0x1  }
0xa1: {  	s23 =	simm.s32 $0x1B8B  }
0xa2: {  	_ =	swait.ge [sflag:s23], $0x1  }
0xa3: {  	[sflag:s23] =	ssyncset.done $0x0  }
0xa4: {  	s25 =	simm.s32 $0x1B8E;
	s24 =	sld [smem:$0x3FFE];
	[sflag:s23] =	ssyncadd.s32 $0xFFFFFFFF  }
0xa5: {  	s26 =	simm.s32 $execute0_lowered;
	[smem:$0x3FD2] =	sst s25  }
0xa6: {  	s4 =	sshll.u32 s26, $0x1;
	_ =	strace $0x8000004F;
	[dreg:$0x1] =	wrdreg $0xFFFFFFFF  }
0xa7: {  	s28 =	simm.s32 $_size_execute0_lowered;
	s2 =	sadd.s32 s2, s4;
	[dreg:$0x0] =	wrdreg $0x0  }
0xa8: {  	s4 =	sshll.u32 s28, $0x1;
	[dreg:$0x2] =	wrdreg s2  }
0xa9: {  	[dreg:$0x3] =	wrdreg s4  }
0xaa: {  	[dreg:$0x4] =	wrdreg $0xC0  }
0xab: {  	_ =	task [dreg:s6], $0x5FFFF  }
0xac: {  	[dreg:$0x1] =	wrdreg $0xFFFFFFFF  }
0xad: {  	[dreg:$0x0] =	wrdreg $0x60  }
0xae: {  	[dreg:$0x2] =	wrdreg s24  }
0xaf: {  	[dreg:$0x3] =	wrdreg $0x28000  }
0xb0: {  	[dreg:$0x4] =	wrdreg $0x9  }
0xb1: {  	_ =	task.clear_ibuf [dreg:s6], $0x5FFFF;
	_ =	strace $0x9000004F  }
0xb2: {  	s29 =	simm.s32 $0x9;
	_ =	strace $0x80000051  }
0xb3: {  	_ =	swait.ge [sflag:s29], $0x1  }
0xb4: {  	[sflag:s29] =	ssyncadd.s32 $0xFFFFFFFF  }
0xb5: {  	_ =	strace $0x90000051  }
0xb6: {  	_ =	sfence  }
0xb7: {  	s30 =	sld [smem:$0x0];
	_ =	sdelay $0x2  }
0xb8: {  	s31 =	sshll.u32 s1, $0xD;
	s1 =	sshrl.u32 s1, $0x2  }
0xb9: {  	s3 =	sand.u32 $0x4000, s31;
	s1 =	sadd.s32 s1, s30  }
0xba: {  	s0 =	sor.u32 s3, s0;
	s1 =	sshll.u32 s1, $0x11  }
0xbb: {  	s0 =	sor.u32 s1, s0  }
0xbc: {  	s0 =	sadd.s32 $0x8F2B, s0  }
0xbd: {  	[sflag:s0] =	ssyncadd.remote.s32 $0x1  }
0xbe: {  	_ =	sfence.sel $0xFFFF  }
0xbf: {  	[dreg:$0x0] =	wrdreg $0xFFFFFFFF;
	(pc) =	sbr.abs _section_cstart, $3  }
0xc0: {  	[dreg:$0x1] =	wrdreg $0xFFFFFFFF  }
0xc1: {  	_ =	task.clear_ibuf [dreg:s6], $0x2FFFF;
	_ =	strace $0x9FFFFFFF  }
0xc2: {  	(tm) =	ssettm $0x7FFFFFFF  }
0xc3: {  	_ =	shalt  }
tec
execute0_lowered:
.L_overlay_start_1:
0x0: {  	(tag) =	ssettag $0x1  }
0x1: {  	s6 =	rddreg [dreg:$0x0]  }
0x2: {  	s0 =	srdreg.scid;
	s2 =	rddreg [dreg:$0x1]  }
0x3: {  	s3 =	simm.s32 $0x0;
	s16 =	simm.s32 $0x16400;
	s17 =	simm.s32 $0x3  }
0x4: {  	s18 =	simm.s32 $0x1400;
	s19 =	simm.s32 $0x80;
	s20 =	simm.s32 $0x1  }
0x5: {  	s21 =	simm.s32 $0x1A400;
	s22 =	simm.s32 $0x2;
	s23 =	simm.s32 $0x1380  }
0x6: {  	s24 =	simm.s32 $0x2700;
	s5 =	sand.u32 $0x1, s0;
	s0 =	stileid.u32  }
0x7: {  	s25 =	simm.s32 $0x2780;
	[smem:$0x7FF] =	sst s3;
	s7 =	smul.u32 $0x2780, s0  }
0x8: {  	s1 =	sshll.u32 s5, $0x4;
	s8 =	smul.u32 $0x27800, s5;
	s29 =	ssub.s32 $0x2, s5  }
0x9: {  	s10 =	smul.u32 $0x4F000, s0;
	s1 =	sor.u32 s0, s1;
	s31 =	sshrl.u32 s29, $0x1  }
0xa: {  	s4 =	smul.u32 $0x2800, s1;
	s1 =	rddreg [dreg:$0x2];
	_ =	strace $0x80000050  }
0xb: {  	s7 =	sadd.s32 s7, s8;
	s30 =	sshrl.u32 s10, $0x2;
	s15 =	ssub.s32 s29, s31  }
0xc: {  	s14 =	sadd.s32 s7, s6;
	s5 =	sadd.s32 s30, s2;
	s15 =	smax.u32 s15, $0x1  }
0xd: {  	s9 =	sshrl.u32 s4, $0x3;
	s4 =	sadd.s32 $0x19400, s6;
	s7 =	sadd.s32 $0x8000, s5  }
0xe: {  	s8 =	sadd.s32 $0xC000, s5;
	s14 =	sadd.s32 $0x40600, s14;
	s13 =	sadd.s32 s9, s6  }
0xf: {  	s6 =	sadd.s32 $0x4000, s5;
	s9 =	sadd.s32 $0x10000, s5;
	s10 =	sadd.s32 $0x5400, s13  }
0x10: {  	v0 =	vimm.f32 $0.0e+00;
	s11 =	sadd.s32 $0xF400, s13;
	s12 =	sadd.s32 $0x5680, s13;
	s13 =	sadd.s32 $0xF680, s13  }
.LBB2_1:
0x11: {  	s26 =	simm.s32 $0x0;
	s28 =	simm.s32 $0x200  }
.LBB2_2:
0x12: {  	p0 =	sne.s32 s28, $0xFE00;
	[tilespmem:s26+$0x16470] =	vst v0  }
0x13: {  	[tilespmem:s26+$0x16400] =	vst v0  }
0x14: {  	[tilespmem:s26+$0x16410] =	vst v0  }
.Ltmp0:
0x15: {  	[tilespmem:s26+$0x16420] =	vst v0;
	(pc) =	sbr.rel @p0 .LBB2_2-.Ltmp0, $4  }
0x16: {  	[tilespmem:s26+$0x16430] =	vst v0  }
0x17: {  	[tilespmem:s26+$0x16440] =	vst v0  }
0x18: {  	[tilespmem:s26+$0x16450] =	vst v0  }
0x19: {  	[tilespmem:s26+$0x16460] =	vst v0;
	s26 =	sshra.s32 s28, $0x2;
	s28 =	sadd.s32 $0x200, s28  }
0x1a: {  	[tilespmem:s26+$0x16470] =	vst v0  }
0x1b: {  	[tilespmem:s26+$0x16400] =	vst v0  }
0x1c: {  	[tilespmem:s26+$0x16410] =	vst v0  }
0x1d: {  	[tilespmem:s26+$0x16420] =	vst v0  }
0x1e: {  	[tilespmem:s26+$0x16430] =	vst v0  }
0x1f: {  	[tilespmem:s26+$0x16440] =	vst v0  }
0x20: {  	[tilespmem:s26+$0x16450] =	vst v0  }
0x21: {  	[tilespmem:s26+$0x16460] =	vst v0  }
0x22: {  	[spmem:s5] =	stream.linear.scatter [tilespmem:s16], [sflag:$0x3], $0x4000, $0x38;
	[tilespmem:$0x1E400] =	vst v63  }
0x23: {  	_ =	swait.ge [sflag:s17], $0x4000  }
0x24: {  	[sflag:s17] =	ssyncset.done $0x0  }
0x25: {  	[sflag:s17] =	ssyncadd.s32 $0xFFFFC000  }
0x26: {  	[spmem:s6] =	stream.linear.scatter [tilespmem:s16], [sflag:$0x3], $0x4000, $0x38;
	[tilespmem:$0x1E400] =	vst v63  }
0x27: {  	_ =	swait.ge [sflag:s17], $0x4000  }
0x28: {  	[sflag:s17] =	ssyncset.done $0x0  }
0x29: {  	[sflag:s17] =	ssyncadd.s32 $0xFFFFC000  }
0x2a: {  	[spmem:s7] =	stream.linear.scatter [tilespmem:s16], [sflag:$0x3], $0x4000, $0x38;
	[tilespmem:$0x1E400] =	vst v63  }
0x2b: {  	_ =	swait.ge [sflag:s17], $0x4000  }
0x2c: {  	[sflag:s17] =	ssyncset.done $0x0  }
0x2d: {  	[sflag:s17] =	ssyncadd.s32 $0xFFFFC000  }
0x2e: {  	[spmem:s8] =	stream.linear.scatter [tilespmem:s16], [sflag:$0x3], $0x4000, $0x38;
	[tilespmem:$0x1E400] =	vst v63  }
0x2f: {  	_ =	swait.ge [sflag:s17], $0x4000  }
0x30: {  	[sflag:s17] =	ssyncset.done $0x0  }
0x31: {  	[sflag:s17] =	ssyncadd.s32 $0xFFFFC000  }
0x32: {  	[spmem:s9] =	stream.linear.scatter [tilespmem:s16], [sflag:$0x3], $0x3C00, $0x38;
	[tilespmem:$0x1E400] =	vst v63  }
0x33: {  	_ =	swait.ge [sflag:s17], $0x3C00  }
0x34: {  	[sflag:s17] =	ssyncset.done $0x0  }
0x35: {  	[sflag:s17] =	ssyncadd.s32 $0xFFFFC400  }
0x36: {  	s31 =	simm.s32 $0x0;
	[bflag:$0x0] =	sbarrier.arrive $0xFFFF  }
0x37: {  	[tilespmem:s31], [sflag:$0x3] =	stream.linear.gather [hbm4b:s10+s31], $0x1400, $0x38;
	[tilespmem:$0x1E400] =	vst v63  }
0x38: {  	_ =	swait.ge [sflag:s17], $0x1400  }
0x39: {  	[sflag:s17] =	ssyncset.done $0x0  }
0x3a: {  	[sflag:s17] =	ssyncadd.s32 $0xFFFFEC00  }
0x3b: {  	[tilespmem:s18], [sflag:$0x3] =	stream.linear.gather [hbm4b:s11+s31], $0x1400, $0x38;
	[tilespmem:$0x1E400] =	vst v63  }
0x3c: {  	_ =	swait.ge [sflag:s17], $0x1400  }
0x3d: {  	[sflag:s17] =	ssyncset.done $0x0  }
0x3e: {  	[sflag:s17] =	ssyncadd.s32 $0xFFFFEC00  }
0x3f: {  	[tilespmem:s16], [sflag:$0x1] =	stream.indirect.gather [hbm4b:s4+s19], $0x80, s31, s19, $0xb8;
	[tilespmem:$0x1E400] =	vst v63  }
0x40: {  	_ =	swait.ge [sflag:s20], $0x4000  }
0x41: {  	[sflag:s20] =	ssyncset.done $0x0  }
0x42: {  	s28 =	simm.s32 $0x80;
	[sflag:s20] =	ssyncadd.s32 $0xFFFFC000  }
0x43: {  	[tilespmem:s21], [sflag:$0x2] =	stream.indirect.gather [hbm4b:s4+s19], $0x80, s28, s19, $0xb8;
	[tilespmem:$0x1E400] =	vst v63  }
0x44: {  	s29 =	simm.s32 $0x1400  }
0x45: {  	[spmem:s2] =	stream.indirect.scatter.add.f32 [tilespmem:s16], [sflag:$0x3], $0x80, s29, s19, $0xb8;
	[tilespmem:$0x1E400] =	vst v63  }
0x46: {  	_ =	swait.ge [sflag:s17], $0x4000  }
0x47: {  	[sflag:s17] =	ssyncset.done $0x0  }
0x48: {  	[sflag:s17] =	ssyncadd.s32 $0xFFFFC000  }
0x49: {  	_ =	swait.ge [sflag:s22], $0x4000  }
0x4a: {  	[sflag:s22] =	ssyncset.done $0x0  }
0x4b: {  	s30 =	simm.s32 $0x100;
	[sflag:s22] =	ssyncadd.s32 $0xFFFFC000  }
0x4c: {  	[tilespmem:s16], [sflag:$0x1] =	stream.indirect.gather [hbm4b:s4+s19], $0x80, s30, s19, $0xb8;
	[tilespmem:$0x1E400] =	vst v63  }
0x4d: {  	s31 =	simm.s32 $0x1480  }
0x4e: {  	[spmem:s2] =	stream.indirect.scatter.add.f32 [tilespmem:s21], [sflag:$0x3], $0x80, s31, s19, $0xb8;
	[tilespmem:$0x1E400] =	vst v63  }
0x4f: {  	_ =	swait.ge [sflag:s17], $0x4000  }
0x50: {  	s26 =	simm.s32 $0x400;
	[sflag:s17] =	ssyncset.done $0x0  }
.LBB2_4:
0x51: {  	p0 =	sne.s32 s26, $0x4800  }
0x52: {  	[sflag:s17] =	ssyncadd.s32 $0xFFFFC000;
	s28 =	smov.u32 s26;
	s26 =	sadd.s32 $0x400, s26  }
0x53: {  	_ = 	snop  }
0x54: {  	_ =	swait.ge [sflag:s20], $0x4000  }
0x55: {  	s28 =	sshra.s32 s28, $0x2;
	[sflag:s20] =	ssyncset.done $0x0  }
0x56: {  	s29 =	sadd.s32 $0x80, s28;
	[sflag:s20] =	ssyncadd.s32 $0xFFFFC000  }
0x57: {  	[tilespmem:s21], [sflag:$0x2] =	stream.indirect.gather [hbm4b:s4+s19], $0x80, s29, s19, $0xb8;
	[tilespmem:$0x1E400] =	vst v63  }
0x58: {  	s29 =	sadd.s32 $0x1400, s28  }
0x59: {  	[spmem:s2] =	stream.indirect.scatter.add.f32 [tilespmem:s16], [sflag:$0x3], $0x80, s29, s19, $0xb8;
	[tilespmem:$0x1E400] =	vst v63  }
0x5a: {  	_ =	swait.ge [sflag:s17], $0x4000  }
0x5b: {  	[sflag:s17] =	ssyncset.done $0x0  }
0x5c: {  	[sflag:s17] =	ssyncadd.s32 $0xFFFFC000  }
0x5d: {  	_ =	swait.ge [sflag:s22], $0x4000  }
0x5e: {  	[sflag:s22] =	ssyncset.done $0x0  }
0x5f: {  	s29 =	sadd.s32 $0x100, s28;
	[sflag:s22] =	ssyncadd.s32 $0xFFFFC000  }
0x60: {  	[tilespmem:s16], [sflag:$0x1] =	stream.indirect.gather [hbm4b:s4+s19], $0x80, s29, s19, $0xb8;
	[tilespmem:$0x1E400] =	vst v63  }
.Ltmp1:
0x61: {  	_ = 	snop;
	(pc) =	sbr.rel @p0 .LBB2_4-.Ltmp1, $4  }
0x62: {  	s28 =	sadd.s32 $0x1480, s28  }
0x63: {  	[spmem:s2] =	stream.indirect.scatter.add.f32 [tilespmem:s21], [sflag:$0x3], $0x80, s28, s19, $0xb8;
	[tilespmem:$0x1E400] =	vst v63  }
0x64: {  	_ =	swait.ge [sflag:s17], $0x4000  }
0x65: {  	[sflag:s17] =	ssyncset.done $0x0  }
0x66: {  	[sflag:s17] =	ssyncadd.s32 $0xFFFFC000  }
0x67: {  	_ =	swait.ge [sflag:s20], $0x4000  }
0x68: {  	[sflag:s20] =	ssyncset.done $0x0  }
0x69: {  	[sflag:s20] =	ssyncadd.s32 $0xFFFFC000  }
0x6a: {  	[tilespmem:s21], [sflag:$0x2] =	stream.indirect.gather [hbm4b:s4+s19], $0x80, s23, s19, $0xb8;
	[tilespmem:$0x1E400] =	vst v63  }
0x6b: {  	_ = 	snop  }
0x6c: {  	[spmem:s2] =	stream.indirect.scatter.add.f32 [tilespmem:s16], [sflag:$0x3], $0x80, s24, s19, $0xb8;
	[tilespmem:$0x1E400] =	vst v63  }
0x6d: {  	_ =	swait.ge [sflag:s17], $0x4000  }
0x6e: {  	[sflag:s17] =	ssyncset.done $0x0  }
0x6f: {  	[sflag:s17] =	ssyncadd.s32 $0xFFFFC000  }
0x70: {  	_ =	swait.ge [sflag:s22], $0x4000  }
0x71: {  	[sflag:s22] =	ssyncset.done $0x0  }
0x72: {  	[sflag:s22] =	ssyncadd.s32 $0xFFFFC000  }
0x73: {  	[spmem:s2] =	stream.indirect.scatter.add.f32 [tilespmem:s21], [sflag:$0x3], $0x80, s25, s19, $0xb8;
	[tilespmem:$0x1E400] =	vst v63  }
0x74: {  	_ =	swait.ge [sflag:s17], $0x4000  }
0x75: {  	[sflag:s17] =	ssyncset.done $0x0  }
0x76: {  	s26 =	simm.s32 $0x0;
	[sflag:s17] =	ssyncadd.s32 $0xFFFFC000  }
0x77: {  	[tilespmem:s26], [sflag:$0x3] =	stream.linear.gather [hbm4b:s12+s26], $0x1400, $0x38;
	[tilespmem:$0x1E400] =	vst v63  }
0x78: {  	_ =	swait.ge [sflag:s17], $0x1400  }
0x79: {  	[sflag:s17] =	ssyncset.done $0x0  }
0x7a: {  	[sflag:s17] =	ssyncadd.s32 $0xFFFFEC00  }
0x7b: {  	[tilespmem:s18], [sflag:$0x3] =	stream.linear.gather [hbm4b:s13+s26], $0x1400, $0x38;
	[tilespmem:$0x1E400] =	vst v63  }
0x7c: {  	_ =	swait.ge [sflag:s17], $0x1400  }
0x7d: {  	[sflag:s17] =	ssyncset.done $0x0  }
0x7e: {  	[sflag:s17] =	ssyncadd.s32 $0xFFFFEC00  }
0x7f: {  	[tilespmem:s16], [sflag:$0x1] =	stream.indirect.gather [hbm4b:s4+s19], $0x80, s26, s19, $0xb8;
	[tilespmem:$0x1E400] =	vst v63  }
0x80: {  	_ =	swait.ge [sflag:s20], $0x4000  }
0x81: {  	[sflag:s20] =	ssyncset.done $0x0  }
0x82: {  	s28 =	simm.s32 $0x80;
	[sflag:s20] =	ssyncadd.s32 $0xFFFFC000  }
0x83: {  	[tilespmem:s21], [sflag:$0x2] =	stream.indirect.gather [hbm4b:s4+s19], $0x80, s28, s19, $0xb8;
	[tilespmem:$0x1E400] =	vst v63  }
0x84: {  	s29 =	simm.s32 $0x1400  }
0x85: {  	[spmem:s2] =	stream.indirect.scatter.add.f32 [tilespmem:s16], [sflag:$0x3], $0x80, s29, s19, $0xb8;
	[tilespmem:$0x1E400] =	vst v63  }
0x86: {  	_ =	swait.ge [sflag:s17], $0x4000  }
0x87: {  	[sflag:s17] =	ssyncset.done $0x0  }
0x88: {  	[sflag:s17] =	ssyncadd.s32 $0xFFFFC000  }
0x89: {  	_ =	swait.ge [sflag:s22], $0x4000  }
0x8a: {  	[sflag:s22] =	ssyncset.done $0x0  }
0x8b: {  	s30 =	simm.s32 $0x100;
	[sflag:s22] =	ssyncadd.s32 $0xFFFFC000  }
0x8c: {  	[tilespmem:s16], [sflag:$0x1] =	stream.indirect.gather [hbm4b:s4+s19], $0x80, s30, s19, $0xb8;
	[tilespmem:$0x1E400] =	vst v63  }
0x8d: {  	s31 =	simm.s32 $0x1480  }
0x8e: {  	[spmem:s2] =	stream.indirect.scatter.add.f32 [tilespmem:s21], [sflag:$0x3], $0x80, s31, s19, $0xb8;
	[tilespmem:$0x1E400] =	vst v63  }
0x8f: {  	_ =	swait.ge [sflag:s17], $0x4000  }
0x90: {  	s26 =	simm.s32 $0x400;
	[sflag:s17] =	ssyncset.done $0x0  }
.LBB2_6:
0x91: {  	p0 =	sne.s32 s26, $0x4800  }
0x92: {  	[sflag:s17] =	ssyncadd.s32 $0xFFFFC000;
	s28 =	smov.u32 s26;
	s26 =	sadd.s32 $0x400, s26  }
0x93: {  	_ = 	snop  }
0x94: {  	_ =	swait.ge [sflag:s20], $0x4000  }
0x95: {  	s28 =	sshra.s32 s28, $0x2;
	[sflag:s20] =	ssyncset.done $0x0  }
0x96: {  	s29 =	sadd.s32 $0x80, s28;
	[sflag:s20] =	ssyncadd.s32 $0xFFFFC000  }
0x97: {  	[tilespmem:s21], [sflag:$0x2] =	stream.indirect.gather [hbm4b:s4+s19], $0x80, s29, s19, $0xb8;
	[tilespmem:$0x1E400] =	vst v63  }
0x98: {  	s29 =	sadd.s32 $0x1400, s28  }
0x99: {  	[spmem:s2] =	stream.indirect.scatter.add.f32 [tilespmem:s16], [sflag:$0x3], $0x80, s29, s19, $0xb8;
	[tilespmem:$0x1E400] =	vst v63  }
0x9a: {  	_ =	swait.ge [sflag:s17], $0x4000  }
0x9b: {  	[sflag:s17] =	ssyncset.done $0x0  }
0x9c: {  	[sflag:s17] =	ssyncadd.s32 $0xFFFFC000  }
0x9d: {  	_ =	swait.ge [sflag:s22], $0x4000  }
0x9e: {  	[sflag:s22] =	ssyncset.done $0x0  }
0x9f: {  	s29 =	sadd.s32 $0x100, s28;
	[sflag:s22] =	ssyncadd.s32 $0xFFFFC000  }
0xa0: {  	[tilespmem:s16], [sflag:$0x1] =	stream.indirect.gather [hbm4b:s4+s19], $0x80, s29, s19, $0xb8;
	[tilespmem:$0x1E400] =	vst v63  }
.Ltmp2:
0xa1: {  	_ = 	snop;
	(pc) =	sbr.rel @p0 .LBB2_6-.Ltmp2, $4  }
0xa2: {  	s28 =	sadd.s32 $0x1480, s28  }
0xa3: {  	[spmem:s2] =	stream.indirect.scatter.add.f32 [tilespmem:s21], [sflag:$0x3], $0x80, s28, s19, $0xb8;
	[tilespmem:$0x1E400] =	vst v63  }
0xa4: {  	_ =	swait.ge [sflag:s17], $0x4000  }
0xa5: {  	[sflag:s17] =	ssyncset.done $0x0  }
0xa6: {  	[sflag:s17] =	ssyncadd.s32 $0xFFFFC000  }
0xa7: {  	_ =	swait.ge [sflag:s20], $0x4000  }
0xa8: {  	[sflag:s20] =	ssyncset.done $0x0  }
0xa9: {  	[sflag:s20] =	ssyncadd.s32 $0xFFFFC000  }
0xaa: {  	[tilespmem:s21], [sflag:$0x2] =	stream.indirect.gather [hbm4b:s4+s19], $0x80, s23, s19, $0xb8;
	[tilespmem:$0x1E400] =	vst v63  }
0xab: {  	_ = 	snop  }
0xac: {  	[spmem:s2] =	stream.indirect.scatter.add.f32 [tilespmem:s16], [sflag:$0x3], $0x80, s24, s19, $0xb8;
	[tilespmem:$0x1E400] =	vst v63  }
0xad: {  	_ =	swait.ge [sflag:s17], $0x4000  }
0xae: {  	[sflag:s17] =	ssyncset.done $0x0  }
0xaf: {  	[sflag:s17] =	ssyncadd.s32 $0xFFFFC000  }
0xb0: {  	_ =	swait.ge [sflag:s22], $0x4000  }
0xb1: {  	[sflag:s22] =	ssyncset.done $0x0  }
0xb2: {  	[sflag:s22] =	ssyncadd.s32 $0xFFFFC000  }
0xb3: {  	[spmem:s2] =	stream.indirect.scatter.add.f32 [tilespmem:s21], [sflag:$0x3], $0x80, s25, s19, $0xb8;
	[tilespmem:$0x1E400] =	vst v63  }
0xb4: {  	_ =	swait.ge [sflag:s17], $0x4000  }
0xb5: {  	s26 =	sshll.u32 s0, $0x6;
	s3 =	sadd.s32 $0x1, s3;
	[sflag:s17] =	ssyncset.done $0x0  }
0xb6: {  	s28 =	sshrl.u32 s5, $0x3;
	p0 =	sne.s32 s3, s15;
	[sflag:s17] =	ssyncadd.s32 $0xFFFFC000  }
.Ltmp3:
0xb7: {  	s26 =	sor.u32 $0x1C03, s26;
	[bflag:$0x0] =	sbarrier.arrive $0xFFFF;
	(pc) =	sbr.rel @p0 .LBB2_1-.Ltmp3, $4  }
0xb8: {  	[hbm:s14], [sflag:s26] =	dma.local [spmem:s28], $0x2780  }
0xb9: {  	_ =	swait.ge [sflag:s17], $0x2780  }
0xba: {  	[sflag:s17] =	ssyncset.done $0x0  }
0xbb: {  	[sflag:s17] =	ssyncadd.s32 $0xFFFFD880  }
0xbc: {  	_ =	sfence.sel $0x180000  }
0xbd: {  	[bflag:$0x0] =	sbarrier.arrive $0xFFFF  }
0xbe: {  	p0 =	sne.s32 s0, $0x0;
	_ =	strace $0x90000050  }
0xbf: {  	s0 =	sadd.s32 @!p0 $0x100000, s1;
	[bflag:$0x2] =	sbarrier.arrive $0xFFFF  }
0xc0: {  	[sflag:s0] =	ssyncadd.tile.s32 @!p0 $0x1;
	_ =	shalt  }
.Lfunc_end2:
_tile_overlayer_lowered:
.L_overlay_start_2:
0xc1: {  	(tag) =	ssettag $0x2  }
0xc2: {  	s0 =	rddreg [dreg:$0x0];
	s2 =	stileid.u32  }
0xc3: {  	s1 =	rddreg [dreg:$0x1];
	p0 =	sne.s32 s2, $0x0  }
0xc4: {  	s3 =	rddreg [dreg:$0x2];
	[bflag:$0x3] =	sbarrier.arrive $0xFFFF;
	s2 =	simm.s32 @!p0 $0x1C03  }
0xc5: {  	[timem:s3], [sflag:s2] =	dma.local @!p0 [hbm:s0], s1  }
0xc6: {  	s0 =	simm.s32 @!p0 $0x3  }
0xc7: {  	_ =	swait.ge @!p0 [sflag:s0], s1  }
0xc8: {  	s1 =	ssub.s32 @!p0 $0x0, s1;
	[sflag:s0] =	ssyncset.done @!p0 $0x0  }
0xc9: {  	[sflag:s0] =	ssyncadd.s32 @!p0 s1  }
0xca: {  	[bflag:$0x3] =	sbarrier.arrive $0xFFFF  }
0xcb: {  	_ =	shalt  }

// kernel: kernel.27.cloned.1.call-start
scs
__scs_entry_jumppad:
0x0: {  	(pc) =	sbr.rel $0x88, $3  }
0x1: {  	(tag) =	ssettag $0x0;
	lr =	simm.s32 $0x1  }
0x2: {  	[smem:$0x3F8C] =	sst lr;
	_ =	strace $0xD0000000  }
0x3: {  	_ = 	snop  }
0x4: {  	_ = 	snop  }
0x5: {  	_ = 	snop  }
0x6: {  	_ = 	snop  }
0x7: {  	_ = 	snop  }
__scs_overlays_trampoline_lowered:
0x8: {  	[smem:$0x3F9B] =	sst s0  }
0x9: {  	[smem:$0x3F9C] =	sst s1  }
0xa: {  	[smem:$0x3F9D] =	sst s2  }
0xb: {  	[smem:$0x3F9E] =	sst s3  }
0xc: {  	[smem:$0x3F9F] =	sst s4  }
0xd: {  	[smem:$0x3FA0] =	sst s5  }
0xe: {  	[smem:$0x3FA1] =	sst s6  }
0xf: {  	[smem:$0x3FA2] =	sst s7  }
0x10: {  	[smem:$0x3FA3] =	sst s8  }
0x11: {  	[smem:$0x3FA4] =	sst s9;
	s0 =	simm.s32 @!p0 $0x0  }
0x12: {  	s1 =	sld [smem:$0x3F8A];
	s0 =	simm.s32 @p0 $0x1  }
0x13: {  	[smem:$0x3FA5] =	sst s0;
	s0 =	simm.s32 @!p1 $0x0  }
0x14: {  	s2 =	sld [smem:$0x3F89];
	s0 =	simm.s32 @p1 $0x1  }
0x15: {  	[smem:$0x3FA6] =	sst s0;
	s0 =	simm.s32 @!p2 $0x0  }
0x16: {  	s3 =	sld [smem:$0x3FDB];
	s0 =	simm.s32 @p2 $0x1  }
0x17: {  	s4 =	simm.s32 $0x1BF5;
	[smem:$0x3FA8] =	sst s0  }
0x18: {  	s0 =	sld [smem:$0x3F8B];
	_ =	swait.ge [sflag:s4], $0x0  }
0x19: {  	s7 =	sld [smem:$0x3F8C]  }
0x1a: {  	s8 =	sadd.s32 $0xFFFFE003, lr  }
0x1b: {  	s9 =	sadd.s32 $0xFFFFFEF7, lr;
	s5 =	simm.s32 $0xFFFFFFFF;
	p2 =	slt.u32 s8, $0xFFFFF086  }
0x1c: {  	p1 =	slt.u32 s9, $0xF7A;
	s5 =	simm.s32 @!p2 $0x0  }
0x1d: {  	s5 =	simm.s32 @p1 $0x1;
	p0 =	seq.s32 s7, s2  }
0x1e: {  	s7 =	smul.u32 @!p0 $0xF7A, s2;
	p2 =	seq.s32 @!p0 s5, $0x0  }
0x1f: {  	s9 =	smul.u32 $0xF7A, s1;
	s8 =	simm.s32 @!p0 $0x1BF5;
	p2 =	por !p2, p0  }
0x20: {  	[sflag:s8] =	ssyncset.s32 @!p0 $0xFFFFF086;
	s6 =	sadd.s32 @!p0 s3, s7;
	s7 =	simm.s32 @!p0 $0x108  }
0x21: {  	s3 =	sadd.s32 s3, s9;
	s6 =	sadd.s32 @!p0 $0x88, s6;
	s7 =	simm.s32 @p2 $0x1082  }
0x22: {  	[simem:s7], [sflag:s8] =	dma.local @!p0 [hbm:s6], $0xF7A  }
0x23: {  	s9 =	sor.u32 $0xD0000000, s2;
	s6 =	simm.s32 $0x108;
	_ =	swait.ge @!p0 [sflag:s8], $0x0  }
0x24: {  	s3 =	sadd.s32 $0x88, s3;
	s6 =	simm.s32 @!p1 $0x1082;
	[sflag:s4] =	ssyncset.s32 $0xFFFFF086  }
0x25: {  	[simem:s6], [sflag:s4] =	dma.local [hbm:s3], $0xF7A  }
0x26: {  	[smem:$0x3F8C] =	sst s1;
	(tag) =	ssettag s2;
	_ =	strace s9  }
0x27: {  	s1 =	sld [smem:$0x3F9C]  }
0x28: {  	s2 =	sld [smem:$0x3F9D]  }
0x29: {  	s4 =	sld [smem:$0x3F9F]  }
0x2a: {  	p0 =	seq.s32 s5, $0x0;
	s5 =	sld [smem:$0x3FA0]  }
0x2b: {  	s6 =	sld [smem:$0x3FA1]  }
0x2c: {  	s7 =	sld [smem:$0x3FA2]  }
0x2d: {  	s3 =	simm.s32 $0x108;
	s8 =	sld [smem:$0x3FA3]  }
0x2e: {  	s3 =	simm.s32 @!p0 $0x1082;
	s9 =	sld [smem:$0x3FA4]  }
0x2f: {  	lr =	sadd.s32 s0, s3;
	s0 =	sld [smem:$0x3F9B]  }
0x30: {  	s3 =	sld [smem:$0x3F9E]  }
0x31: {  	[smem:$0x3FA7] =	sst s10  }
0x32: {  	s10 =	sld [smem:$0x3FA5];
	_ =	sdelay $0x3  }
0x33: {  	p0 =	seq.s32 s10, $0x1;
	s10 =	sld [smem:$0x3FA7];
	_ =	sdelay $0x3  }
0x34: {  	[smem:$0x3FA7] =	sst s10  }
0x35: {  	s10 =	sld [smem:$0x3FA6];
	_ =	sdelay $0x3  }
0x36: {  	p1 =	seq.s32 s10, $0x1;
	s10 =	sld [smem:$0x3FA7];
	_ =	sdelay $0x3  }
0x37: {  	[smem:$0x3FA7] =	sst s10  }
0x38: {  	s10 =	sld [smem:$0x3FA8]  }
0x39: {  	_ = 	snop;
	(pc) =	sbr.ind lr, $3  }
0x3a: {  	_ = 	snop  }
0x3b: {  	_ = 	snop  }
0x3c: {  	p2 =	seq.s32 s10, $0x1;
	s10 =	sld [smem:$0x3FA7]  }
0x3d: {  	_ =	shalt  }
0x3e: {  	_ =	shalt  }
0x3f: {  	_ =	shalt  }
0x40: {  	_ =	shalt  }
0x41: {  	_ =	shalt  }
0x42: {  	_ =	shalt  }
0x43: {  	_ =	shalt  }
0x44: {  	_ =	shalt  }
0x45: {  	_ =	shalt  }
0x46: {  	_ =	shalt  }
0x47: {  	_ =	shalt  }
0x48: {  	_ =	shalt  }
0x49: {  	_ =	shalt  }
0x4a: {  	_ =	shalt  }
0x4b: {  	_ =	shalt  }
0x4c: {  	_ =	shalt  }
0x4d: {  	_ =	shalt  }
0x4e: {  	_ =	shalt  }
0x4f: {  	_ =	shalt  }
0x50: {  	_ =	shalt  }
0x51: {  	_ =	shalt  }
0x52: {  	_ =	shalt  }
0x53: {  	_ =	shalt  }
0x54: {  	_ =	shalt  }
0x55: {  	_ =	shalt  }
0x56: {  	_ =	shalt  }
0x57: {  	_ =	shalt  }
0x58: {  	_ =	shalt  }
0x59: {  	_ =	shalt  }
0x5a: {  	_ =	shalt  }
0x5b: {  	_ =	shalt  }
0x5c: {  	_ =	shalt  }
0x5d: {  	_ =	shalt  }
0x5e: {  	_ =	shalt  }
0x5f: {  	_ =	shalt  }
0x60: {  	_ =	shalt  }
0x61: {  	_ =	shalt  }
0x62: {  	_ =	shalt  }
0x63: {  	_ =	shalt  }
0x64: {  	_ =	shalt  }
0x65: {  	_ =	shalt  }
0x66: {  	_ =	shalt  }
0x67: {  	_ =	shalt  }
0x68: {  	_ =	shalt  }
0x69: {  	_ =	shalt  }
0x6a: {  	_ =	shalt  }
0x6b: {  	_ =	shalt  }
0x6c: {  	_ =	shalt  }
0x6d: {  	_ =	shalt  }
0x6e: {  	_ =	shalt  }
0x6f: {  	_ =	shalt  }
0x70: {  	_ =	shalt  }
0x71: {  	_ =	shalt  }
0x72: {  	_ =	shalt  }
0x73: {  	_ =	shalt  }
0x74: {  	_ =	shalt  }
0x75: {  	_ =	shalt  }
0x76: {  	_ =	shalt  }
0x77: {  	_ =	shalt  }
0x78: {  	_ =	shalt  }
0x79: {  	_ =	shalt  }
0x7a: {  	_ =	shalt  }
0x7b: {  	_ =	shalt  }
0x7c: {  	_ =	shalt  }
0x7d: {  	_ =	shalt  }
0x7e: {  	_ =	shalt  }
0x7f: {  	_ =	shalt  }
0x80: {  	_ =	shalt  }
0x81: {  	_ =	shalt  }
0x82: {  	_ =	shalt  }
0x83: {  	_ =	shalt  }
0x84: {  	_ =	shalt  }
0x85: {  	_ =	shalt  }
0x86: {  	_ =	shalt  }
0x87: {  	_ =	shalt  }
.Lfunc_end0:
.L_simem_size_0:
called_computation.4_lowered:
.L_overlay_start_0:
0x88: {  	s2 =	sld [smem:$0x3FD9]  }
0x89: {  	s3 =	sld [smem:$0x3FFE];
	_ =	sdelay $0x1  }
0x8a: {  	s1 =	srdreg.scid  }
0x8b: {  	s0 =	sand.u32 $0x1, s1  }
0x8c: {  	s16 =	sshll.u32 s0, $0xA;
	s2 =	sadd.s32 s3, s2  }
0x8d: {  	s2 =	sadd.s32 s2, s16  }
0x8e: {  	[smem:$0x3FB3] =	sst s2  }
0x8f: {  	_ = 	snop  }
0x90: {  	(tm) =	ssettm $0x1  }
0x91: {  	s17 =	sld [smem:$0x3FFB];
	_ =	sdelay $0x3  }
0x92: {  	_ =	strace s17  }
0x93: {  	s2 =	sld [smem:$0x3FFC];
	_ =	sdelay $0x3  }
0x94: {  	_ =	strace s2  }
0x95: {  	s2 =	sld [smem:$0x3FFD];
	_ =	sdelay $0x3  }
0x96: {  	_ =	strace s2  }
0x97: {  	_ =	strace $0x8FFFFFFF  }
0x98: {  	s18 =	sld [smem:$0x3FDB];
	_ =	sdelay $0x1  }
0x99: {  	s19 =	simm.s32 $_scs_section_size  }
0x9a: {  	s4 =	simm.s32 $_size__tile_overlayer_lowered;
	s5 =	simm.s32 $_tile_overlayer_lowered  }
0x9b: {  	s22 =	simm.s32 $0x1BFF;
	s21 =	sshll.u32 s5, $0x1;
	s2 =	sadd.s32 s19, s18  }
0x9c: {  	s6 =	simm.s32 $0x0;
	s20 =	sshll.u32 s4, $0x1;
	s4 =	sadd.s32 s21, s2  }
0x9d: {  	[timem:s6], [sflag:s22] =	dma.local [hbm:s4], s20  }
0x9e: {  	_ =	swait.ge [sflag:s22], s20  }
0x9f: {  	s3 =	ssub.s32 $0x0, s20;
	[sflag:s22] =	ssyncset.done $0x0  }
0xa0: {  	[sflag:s22] =	ssyncadd.s32 s3;
	_ =	sdelay $0x1  }
0xa1: {  	s23 =	simm.s32 $0x1B8B  }
0xa2: {  	_ =	swait.ge [sflag:s23], $0x1  }
0xa3: {  	[sflag:s23] =	ssyncset.done $0x0  }
0xa4: {  	s25 =	simm.s32 $0x1B8E;
	s24 =	sld [smem:$0x3FFE];
	[sflag:s23] =	ssyncadd.s32 $0xFFFFFFFF  }
0xa5: {  	s26 =	simm.s32 $execute0_lowered;
	[smem:$0x3FD2] =	sst s25  }
0xa6: {  	s4 =	sshll.u32 s26, $0x1;
	_ =	strace $0x80000052;
	[dreg:$0x1] =	wrdreg $0xFFFFFFFF  }
0xa7: {  	s28 =	simm.s32 $_size_execute0_lowered;
	s2 =	sadd.s32 s2, s4;
	[dreg:$0x0] =	wrdreg $0x0  }
0xa8: {  	s4 =	sshll.u32 s28, $0x1;
	[dreg:$0x2] =	wrdreg s2  }
0xa9: {  	[dreg:$0x3] =	wrdreg s4  }
0xaa: {  	[dreg:$0x4] =	wrdreg $0xC0  }
0xab: {  	_ =	task [dreg:s6], $0x5FFFF  }
0xac: {  	[dreg:$0x1] =	wrdreg $0xFFFFFFFF  }
0xad: {  	[dreg:$0x0] =	wrdreg $0x60  }
0xae: {  	[dreg:$0x2] =	wrdreg s24  }
0xaf: {  	[dreg:$0x3] =	wrdreg $0x28000  }
0xb0: {  	[dreg:$0x4] =	wrdreg $0x9  }
0xb1: {  	_ =	task.clear_ibuf [dreg:s6], $0x5FFFF;
	_ =	strace $0x90000052  }
0xb2: {  	s29 =	simm.s32 $0x9;
	_ =	strace $0x80000054  }
0xb3: {  	_ =	swait.ge [sflag:s29], $0x1  }
0xb4: {  	[sflag:s29] =	ssyncadd.s32 $0xFFFFFFFF  }
0xb5: {  	_ =	strace $0x90000054  }
0xb6: {  	_ =	sfence  }
0xb7: {  	s30 =	sld [smem:$0x0];
	_ =	sdelay $0x2  }
0xb8: {  	s31 =	sshll.u32 s1, $0xD;
	s1 =	sshrl.u32 s1, $0x2  }
0xb9: {  	s3 =	sand.u32 $0x4000, s31;
	s1 =	sadd.s32 s1, s30  }
0xba: {  	s0 =	sor.u32 s3, s0;
	s1 =	sshll.u32 s1, $0x11  }
0xbb: {  	s0 =	sor.u32 s1, s0  }
0xbc: {  	s0 =	sadd.s32 $0x8F2B, s0  }
0xbd: {  	[sflag:s0] =	ssyncadd.remote.s32 $0x1  }
0xbe: {  	_ =	sfence.sel $0xFFFF  }
0xbf: {  	[dreg:$0x0] =	wrdreg $0xFFFFFFFF;
	(pc) =	sbr.abs _section_cstart, $3  }
0xc0: {  	[dreg:$0x1] =	wrdreg $0xFFFFFFFF  }
0xc1: {  	_ =	task.clear_ibuf [dreg:s6], $0x2FFFF;
	_ =	strace $0x9FFFFFFF  }
0xc2: {  	(tm) =	ssettm $0x7FFFFFFF  }
0xc3: {  	_ =	shalt  }
tec
execute0_lowered:
.L_overlay_start_1:
0x0: {  	(tag) =	ssettag $0x1  }
0x1: {  	s6 =	rddreg [dreg:$0x0]  }
0x2: {  	s0 =	srdreg.scid;
	s2 =	rddreg [dreg:$0x1]  }
0x3: {  	s3 =	simm.s32 $0x0;
	s16 =	simm.s32 $0x16400;
	s17 =	simm.s32 $0x3  }
0x4: {  	s18 =	simm.s32 $0x1400;
	s19 =	simm.s32 $0x80;
	s20 =	simm.s32 $0x1  }
0x5: {  	s21 =	simm.s32 $0x1A400;
	s22 =	simm.s32 $0x2;
	s23 =	simm.s32 $0x1380  }
0x6: {  	s24 =	simm.s32 $0x2700;
	s5 =	sand.u32 $0x1, s0;
	s0 =	stileid.u32  }
0x7: {  	s25 =	simm.s32 $0x2780;
	[smem:$0x7FF] =	sst s3;
	s7 =	smul.u32 $0x2780, s0  }
0x8: {  	s1 =	sshll.u32 s5, $0x4;
	s8 =	smul.u32 $0x27800, s5;
	s29 =	ssub.s32 $0x2, s5  }
0x9: {  	s10 =	smul.u32 $0x4F000, s0;
	s1 =	sor.u32 s0, s1;
	s31 =	sshrl.u32 s29, $0x1  }
0xa: {  	s4 =	smul.u32 $0x2800, s1;
	s1 =	rddreg [dreg:$0x2];
	_ =	strace $0x80000053  }
0xb: {  	s7 =	sadd.s32 s7, s8;
	s30 =	sshrl.u32 s10, $0x2;
	s15 =	ssub.s32 s29, s31  }
0xc: {  	s14 =	sadd.s32 s7, s6;
	s5 =	sadd.s32 s30, s2;
	s15 =	smax.u32 s15, $0x1  }
0xd: {  	s9 =	sshrl.u32 s4, $0x3;
	s4 =	sadd.s32 $0x19400, s6;
	s7 =	sadd.s32 $0x8000, s5  }
0xe: {  	s8 =	sadd.s32 $0xC000, s5;
	s14 =	sadd.s32 $0x40600, s14;
	s13 =	sadd.s32 s9, s6  }
0xf: {  	s6 =	sadd.s32 $0x4000, s5;
	s9 =	sadd.s32 $0x10000, s5;
	s10 =	sadd.s32 $0x5400, s13  }
0x10: {  	v0 =	vimm.f32 $0.0e+00;
	s11 =	sadd.s32 $0xF400, s13;
	s12 =	sadd.s32 $0x5680, s13;
	s13 =	sadd.s32 $0xF680, s13  }
.LBB2_1:
0x11: {  	s26 =	simm.s32 $0x0;
	s28 =	simm.s32 $0x200  }
.LBB2_2:
0x12: {  	p0 =	sne.s32 s28, $0xFE00;
	[tilespmem:s26+$0x16470] =	vst v0  }
0x13: {  	[tilespmem:s26+$0x16400] =	vst v0  }
0x14: {  	[tilespmem:s26+$0x16410] =	vst v0  }
.Ltmp0:
0x15: {  	[tilespmem:s26+$0x16420] =	vst v0;
	(pc) =	sbr.rel @p0 .LBB2_2-.Ltmp0, $4  }
0x16: {  	[tilespmem:s26+$0x16430] =	vst v0  }
0x17: {  	[tilespmem:s26+$0x16440] =	vst v0  }
0x18: {  	[tilespmem:s26+$0x16450] =	vst v0  }
0x19: {  	[tilespmem:s26+$0x16460] =	vst v0;
	s26 =	sshra.s32 s28, $0x2;
	s28 =	sadd.s32 $0x200, s28  }
0x1a: {  	[tilespmem:s26+$0x16470] =	vst v0  }
0x1b: {  	[tilespmem:s26+$0x16400] =	vst v0  }
0x1c: {  	[tilespmem:s26+$0x16410] =	vst v0  }
0x1d: {  	[tilespmem:s26+$0x16420] =	vst v0  }
0x1e: {  	[tilespmem:s26+$0x16430] =	vst v0  }
0x1f: {  	[tilespmem:s26+$0x16440] =	vst v0  }
0x20: {  	[tilespmem:s26+$0x16450] =	vst v0  }
0x21: {  	[tilespmem:s26+$0x16460] =	vst v0  }
0x22: {  	[spmem:s5] =	stream.linear.scatter [tilespmem:s16], [sflag:$0x3], $0x4000, $0x38;
	[tilespmem:$0x1E400] =	vst v63  }
0x23: {  	_ =	swait.ge [sflag:s17], $0x4000  }
0x24: {  	[sflag:s17] =	ssyncset.done $0x0  }
0x25: {  	[sflag:s17] =	ssyncadd.s32 $0xFFFFC000  }
0x26: {  	[spmem:s6] =	stream.linear.scatter [tilespmem:s16], [sflag:$0x3], $0x4000, $0x38;
	[tilespmem:$0x1E400] =	vst v63  }
0x27: {  	_ =	swait.ge [sflag:s17], $0x4000  }
0x28: {  	[sflag:s17] =	ssyncset.done $0x0  }
0x29: {  	[sflag:s17] =	ssyncadd.s32 $0xFFFFC000  }
0x2a: {  	[spmem:s7] =	stream.linear.scatter [tilespmem:s16], [sflag:$0x3], $0x4000, $0x38;
	[tilespmem:$0x1E400] =	vst v63  }
0x2b: {  	_ =	swait.ge [sflag:s17], $0x4000  }
0x2c: {  	[sflag:s17] =	ssyncset.done $0x0  }
0x2d: {  	[sflag:s17] =	ssyncadd.s32 $0xFFFFC000  }
0x2e: {  	[spmem:s8] =	stream.linear.scatter [tilespmem:s16], [sflag:$0x3], $0x4000, $0x38;
	[tilespmem:$0x1E400] =	vst v63  }
0x2f: {  	_ =	swait.ge [sflag:s17], $0x4000  }
0x30: {  	[sflag:s17] =	ssyncset.done $0x0  }
0x31: {  	[sflag:s17] =	ssyncadd.s32 $0xFFFFC000  }
0x32: {  	[spmem:s9] =	stream.linear.scatter [tilespmem:s16], [sflag:$0x3], $0x3C00, $0x38;
	[tilespmem:$0x1E400] =	vst v63  }
0x33: {  	_ =	swait.ge [sflag:s17], $0x3C00  }
0x34: {  	[sflag:s17] =	ssyncset.done $0x0  }
0x35: {  	[sflag:s17] =	ssyncadd.s32 $0xFFFFC400  }
0x36: {  	s31 =	simm.s32 $0x0;
	[bflag:$0x0] =	sbarrier.arrive $0xFFFF  }
0x37: {  	[tilespmem:s31], [sflag:$0x3] =	stream.linear.gather [hbm4b:s10+s31], $0x1400, $0x38;
	[tilespmem:$0x1E400] =	vst v63  }
0x38: {  	_ =	swait.ge [sflag:s17], $0x1400  }
0x39: {  	[sflag:s17] =	ssyncset.done $0x0  }
0x3a: {  	[sflag:s17] =	ssyncadd.s32 $0xFFFFEC00  }
0x3b: {  	[tilespmem:s18], [sflag:$0x3] =	stream.linear.gather [hbm4b:s11+s31], $0x1400, $0x38;
	[tilespmem:$0x1E400] =	vst v63  }
0x3c: {  	_ =	swait.ge [sflag:s17], $0x1400  }
0x3d: {  	[sflag:s17] =	ssyncset.done $0x0  }
0x3e: {  	[sflag:s17] =	ssyncadd.s32 $0xFFFFEC00  }
0x3f: {  	[tilespmem:s16], [sflag:$0x1] =	stream.indirect.gather [hbm4b:s4+s19], $0x80, s31, s19, $0xb8;
	[tilespmem:$0x1E400] =	vst v63  }
0x40: {  	_ =	swait.ge [sflag:s20], $0x4000  }
0x41: {  	[sflag:s20] =	ssyncset.done $0x0  }
0x42: {  	s28 =	simm.s32 $0x80;
	[sflag:s20] =	ssyncadd.s32 $0xFFFFC000  }
0x43: {  	[tilespmem:s21], [sflag:$0x2] =	stream.indirect.gather [hbm4b:s4+s19], $0x80, s28, s19, $0xb8;
	[tilespmem:$0x1E400] =	vst v63  }
0x44: {  	s29 =	simm.s32 $0x1400  }
0x45: {  	[spmem:s2] =	stream.indirect.scatter.add.f32 [tilespmem:s16], [sflag:$0x3], $0x80, s29, s19, $0xb8;
	[tilespmem:$0x1E400] =	vst v63  }
0x46: {  	_ =	swait.ge [sflag:s17], $0x4000  }
0x47: {  	[sflag:s17] =	ssyncset.done $0x0  }
0x48: {  	[sflag:s17] =	ssyncadd.s32 $0xFFFFC000  }
0x49: {  	_ =	swait.ge [sflag:s22], $0x4000  }
0x4a: {  	[sflag:s22] =	ssyncset.done $0x0  }
0x4b: {  	s30 =	simm.s32 $0x100;
	[sflag:s22] =	ssyncadd.s32 $0xFFFFC000  }
0x4c: {  	[tilespmem:s16], [sflag:$0x1] =	stream.indirect.gather [hbm4b:s4+s19], $0x80, s30, s19, $0xb8;
	[tilespmem:$0x1E400] =	vst v63  }
0x4d: {  	s31 =	simm.s32 $0x1480  }
0x4e: {  	[spmem:s2] =	stream.indirect.scatter.add.f32 [tilespmem:s21], [sflag:$0x3], $0x80, s31, s19, $0xb8;
	[tilespmem:$0x1E400] =	vst v63  }
0x4f: {  	_ =	swait.ge [sflag:s17], $0x4000  }
0x50: {  	s26 =	simm.s32 $0x400;
	[sflag:s17] =	ssyncset.done $0x0  }
.LBB2_4:
0x51: {  	p0 =	sne.s32 s26, $0x4800  }
0x52: {  	[sflag:s17] =	ssyncadd.s32 $0xFFFFC000;
	s28 =	smov.u32 s26;
	s26 =	sadd.s32 $0x400, s26  }
0x53: {  	_ = 	snop  }
0x54: {  	_ =	swait.ge [sflag:s20], $0x4000  }
0x55: {  	s28 =	sshra.s32 s28, $0x2;
	[sflag:s20] =	ssyncset.done $0x0  }
0x56: {  	s29 =	sadd.s32 $0x80, s28;
	[sflag:s20] =	ssyncadd.s32 $0xFFFFC000  }
0x57: {  	[tilespmem:s21], [sflag:$0x2] =	stream.indirect.gather [hbm4b:s4+s19], $0x80, s29, s19, $0xb8;
	[tilespmem:$0x1E400] =	vst v63  }
0x58: {  	s29 =	sadd.s32 $0x1400, s28  }
0x59: {  	[spmem:s2] =	stream.indirect.scatter.add.f32 [tilespmem:s16], [sflag:$0x3], $0x80, s29, s19, $0xb8;
	[tilespmem:$0x1E400] =	vst v63  }
0x5a: {  	_ =	swait.ge [sflag:s17], $0x4000  }
0x5b: {  	[sflag:s17] =	ssyncset.done $0x0  }
0x5c: {  	[sflag:s17] =	ssyncadd.s32 $0xFFFFC000  }
0x5d: {  	_ =	swait.ge [sflag:s22], $0x4000  }
0x5e: {  	[sflag:s22] =	ssyncset.done $0x0  }
0x5f: {  	s29 =	sadd.s32 $0x100, s28;
	[sflag:s22] =	ssyncadd.s32 $0xFFFFC000  }
0x60: {  	[tilespmem:s16], [sflag:$0x1] =	stream.indirect.gather [hbm4b:s4+s19], $0x80, s29, s19, $0xb8;
	[tilespmem:$0x1E400] =	vst v63  }
.Ltmp1:
0x61: {  	_ = 	snop;
	(pc) =	sbr.rel @p0 .LBB2_4-.Ltmp1, $4  }
0x62: {  	s28 =	sadd.s32 $0x1480, s28  }
0x63: {  	[spmem:s2] =	stream.indirect.scatter.add.f32 [tilespmem:s21], [sflag:$0x3], $0x80, s28, s19, $0xb8;
	[tilespmem:$0x1E400] =	vst v63  }
0x64: {  	_ =	swait.ge [sflag:s17], $0x4000  }
0x65: {  	[sflag:s17] =	ssyncset.done $0x0  }
0x66: {  	[sflag:s17] =	ssyncadd.s32 $0xFFFFC000  }
0x67: {  	_ =	swait.ge [sflag:s20], $0x4000  }
0x68: {  	[sflag:s20] =	ssyncset.done $0x0  }
0x69: {  	[sflag:s20] =	ssyncadd.s32 $0xFFFFC000  }
0x6a: {  	[tilespmem:s21], [sflag:$0x2] =	stream.indirect.gather [hbm4b:s4+s19], $0x80, s23, s19, $0xb8;
	[tilespmem:$0x1E400] =	vst v63  }
0x6b: {  	_ = 	snop  }
0x6c: {  	[spmem:s2] =	stream.indirect.scatter.add.f32 [tilespmem:s16], [sflag:$0x3], $0x80, s24, s19, $0xb8;
	[tilespmem:$0x1E400] =	vst v63  }
0x6d: {  	_ =	swait.ge [sflag:s17], $0x4000  }
0x6e: {  	[sflag:s17] =	ssyncset.done $0x0  }
0x6f: {  	[sflag:s17] =	ssyncadd.s32 $0xFFFFC000  }
0x70: {  	_ =	swait.ge [sflag:s22], $0x4000  }
0x71: {  	[sflag:s22] =	ssyncset.done $0x0  }
0x72: {  	[sflag:s22] =	ssyncadd.s32 $0xFFFFC000  }
0x73: {  	[spmem:s2] =	stream.indirect.scatter.add.f32 [tilespmem:s21], [sflag:$0x3], $0x80, s25, s19, $0xb8;
	[tilespmem:$0x1E400] =	vst v63  }
0x74: {  	_ =	swait.ge [sflag:s17], $0x4000  }
0x75: {  	[sflag:s17] =	ssyncset.done $0x0  }
0x76: {  	s26 =	simm.s32 $0x0;
	[sflag:s17] =	ssyncadd.s32 $0xFFFFC000  }
0x77: {  	[tilespmem:s26], [sflag:$0x3] =	stream.linear.gather [hbm4b:s12+s26], $0x1400, $0x38;
	[tilespmem:$0x1E400] =	vst v63  }
0x78: {  	_ =	swait.ge [sflag:s17], $0x1400  }
0x79: {  	[sflag:s17] =	ssyncset.done $0x0  }
0x7a: {  	[sflag:s17] =	ssyncadd.s32 $0xFFFFEC00  }
0x7b: {  	[tilespmem:s18], [sflag:$0x3] =	stream.linear.gather [hbm4b:s13+s26], $0x1400, $0x38;
	[tilespmem:$0x1E400] =	vst v63  }
0x7c: {  	_ =	swait.ge [sflag:s17], $0x1400  }
0x7d: {  	[sflag:s17] =	ssyncset.done $0x0  }
0x7e: {  	[sflag:s17] =	ssyncadd.s32 $0xFFFFEC00  }
0x7f: {  	[tilespmem:s16], [sflag:$0x1] =	stream.indirect.gather [hbm4b:s4+s19], $0x80, s26, s19, $0xb8;
	[tilespmem:$0x1E400] =	vst v63  }
0x80: {  	_ =	swait.ge [sflag:s20], $0x4000  }
0x81: {  	[sflag:s20] =	ssyncset.done $0x0  }
0x82: {  	s28 =	simm.s32 $0x80;
	[sflag:s20] =	ssyncadd.s32 $0xFFFFC000  }
0x83: {  	[tilespmem:s21], [sflag:$0x2] =	stream.indirect.gather [hbm4b:s4+s19], $0x80, s28, s19, $0xb8;
	[tilespmem:$0x1E400] =	vst v63  }
0x84: {  	s29 =	simm.s32 $0x1400  }
0x85: {  	[spmem:s2] =	stream.indirect.scatter.add.f32 [tilespmem:s16], [sflag:$0x3], $0x80, s29, s19, $0xb8;
	[tilespmem:$0x1E400] =	vst v63  }
0x86: {  	_ =	swait.ge [sflag:s17], $0x4000  }
0x87: {  	[sflag:s17] =	ssyncset.done $0x0  }
0x88: {  	[sflag:s17] =	ssyncadd.s32 $0xFFFFC000  }
0x89: {  	_ =	swait.ge [sflag:s22], $0x4000  }
0x8a: {  	[sflag:s22] =	ssyncset.done $0x0  }
0x8b: {  	s30 =	simm.s32 $0x100;
	[sflag:s22] =	ssyncadd.s32 $0xFFFFC000  }
0x8c: {  	[tilespmem:s16], [sflag:$0x1] =	stream.indirect.gather [hbm4b:s4+s19], $0x80, s30, s19, $0xb8;
	[tilespmem:$0x1E400] =	vst v63  }
0x8d: {  	s31 =	simm.s32 $0x1480  }
0x8e: {  	[spmem:s2] =	stream.indirect.scatter.add.f32 [tilespmem:s21], [sflag:$0x3], $0x80, s31, s19, $0xb8;
	[tilespmem:$0x1E400] =	vst v63  }
0x8f: {  	_ =	swait.ge [sflag:s17], $0x4000  }
0x90: {  	s26 =	simm.s32 $0x400;
	[sflag:s17] =	ssyncset.done $0x0  }
.LBB2_6:
0x91: {  	p0 =	sne.s32 s26, $0x4800  }
0x92: {  	[sflag:s17] =	ssyncadd.s32 $0xFFFFC000;
	s28 =	smov.u32 s26;
	s26 =	sadd.s32 $0x400, s26  }
0x93: {  	_ = 	snop  }
0x94: {  	_ =	swait.ge [sflag:s20], $0x4000  }
0x95: {  	s28 =	sshra.s32 s28, $0x2;
	[sflag:s20] =	ssyncset.done $0x0  }
0x96: {  	s29 =	sadd.s32 $0x80, s28;
	[sflag:s20] =	ssyncadd.s32 $0xFFFFC000  }
0x97: {  	[tilespmem:s21], [sflag:$0x2] =	stream.indirect.gather [hbm4b:s4+s19], $0x80, s29, s19, $0xb8;
	[tilespmem:$0x1E400] =	vst v63  }
0x98: {  	s29 =	sadd.s32 $0x1400, s28  }
0x99: {  	[spmem:s2] =	stream.indirect.scatter.add.f32 [tilespmem:s16], [sflag:$0x3], $0x80, s29, s19, $0xb8;
	[tilespmem:$0x1E400] =	vst v63  }
0x9a: {  	_ =	swait.ge [sflag:s17], $0x4000  }
0x9b: {  	[sflag:s17] =	ssyncset.done $0x0  }
0x9c: {  	[sflag:s17] =	ssyncadd.s32 $0xFFFFC000  }
0x9d: {  	_ =	swait.ge [sflag:s22], $0x4000  }
0x9e: {  	[sflag:s22] =	ssyncset.done $0x0  }
0x9f: {  	s29 =	sadd.s32 $0x100, s28;
	[sflag:s22] =	ssyncadd.s32 $0xFFFFC000  }
0xa0: {  	[tilespmem:s16], [sflag:$0x1] =	stream.indirect.gather [hbm4b:s4+s19], $0x80, s29, s19, $0xb8;
	[tilespmem:$0x1E400] =	vst v63  }
.Ltmp2:
0xa1: {  	_ = 	snop;
	(pc) =	sbr.rel @p0 .LBB2_6-.Ltmp2, $4  }
0xa2: {  	s28 =	sadd.s32 $0x1480, s28  }
0xa3: {  	[spmem:s2] =	stream.indirect.scatter.add.f32 [tilespmem:s21], [sflag:$0x3], $0x80, s28, s19, $0xb8;
	[tilespmem:$0x1E400] =	vst v63  }
0xa4: {  	_ =	swait.ge [sflag:s17], $0x4000  }
0xa5: {  	[sflag:s17] =	ssyncset.done $0x0  }
0xa6: {  	[sflag:s17] =	ssyncadd.s32 $0xFFFFC000  }
0xa7: {  	_ =	swait.ge [sflag:s20], $0x4000  }
0xa8: {  	[sflag:s20] =	ssyncset.done $0x0  }
0xa9: {  	[sflag:s20] =	ssyncadd.s32 $0xFFFFC000  }
0xaa: {  	[tilespmem:s21], [sflag:$0x2] =	stream.indirect.gather [hbm4b:s4+s19], $0x80, s23, s19, $0xb8;
	[tilespmem:$0x1E400] =	vst v63  }
0xab: {  	_ = 	snop  }
0xac: {  	[spmem:s2] =	stream.indirect.scatter.add.f32 [tilespmem:s16], [sflag:$0x3], $0x80, s24, s19, $0xb8;
	[tilespmem:$0x1E400] =	vst v63  }
0xad: {  	_ =	swait.ge [sflag:s17], $0x4000  }
0xae: {  	[sflag:s17] =	ssyncset.done $0x0  }
0xaf: {  	[sflag:s17] =	ssyncadd.s32 $0xFFFFC000  }
0xb0: {  	_ =	swait.ge [sflag:s22], $0x4000  }
0xb1: {  	[sflag:s22] =	ssyncset.done $0x0  }
0xb2: {  	[sflag:s22] =	ssyncadd.s32 $0xFFFFC000  }
0xb3: {  	[spmem:s2] =	stream.indirect.scatter.add.f32 [tilespmem:s21], [sflag:$0x3], $0x80, s25, s19, $0xb8;
	[tilespmem:$0x1E400] =	vst v63  }
0xb4: {  	_ =	swait.ge [sflag:s17], $0x4000  }
0xb5: {  	s26 =	sshll.u32 s0, $0x6;
	s3 =	sadd.s32 $0x1, s3;
	[sflag:s17] =	ssyncset.done $0x0  }
0xb6: {  	s28 =	sshrl.u32 s5, $0x3;
	p0 =	sne.s32 s3, s15;
	[sflag:s17] =	ssyncadd.s32 $0xFFFFC000  }
.Ltmp3:
0xb7: {  	s26 =	sor.u32 $0x1C03, s26;
	[bflag:$0x0] =	sbarrier.arrive $0xFFFF;
	(pc) =	sbr.rel @p0 .LBB2_1-.Ltmp3, $4  }
0xb8: {  	[hbm:s14], [sflag:s26] =	dma.local [spmem:s28], $0x2780  }
0xb9: {  	_ =	swait.ge [sflag:s17], $0x2780  }
0xba: {  	[sflag:s17] =	ssyncset.done $0x0  }
0xbb: {  	[sflag:s17] =	ssyncadd.s32 $0xFFFFD880  }
0xbc: {  	_ =	sfence.sel $0x180000  }
0xbd: {  	[bflag:$0x0] =	sbarrier.arrive $0xFFFF  }
0xbe: {  	p0 =	sne.s32 s0, $0x0;
	_ =	strace $0x90000053  }
0xbf: {  	s0 =	sadd.s32 @!p0 $0x100000, s1;
	[bflag:$0x2] =	sbarrier.arrive $0xFFFF  }
0xc0: {  	[sflag:s0] =	ssyncadd.tile.s32 @!p0 $0x1;
	_ =	shalt  }
.Lfunc_end2:
_tile_overlayer_lowered:
.L_overlay_start_2:
0xc1: {  	(tag) =	ssettag $0x2  }
0xc2: {  	s0 =	rddreg [dreg:$0x0];
	s2 =	stileid.u32  }
0xc3: {  	s1 =	rddreg [dreg:$0x1];
	p0 =	sne.s32 s2, $0x0  }
0xc4: {  	s3 =	rddreg [dreg:$0x2];
	[bflag:$0x3] =	sbarrier.arrive $0xFFFF;
	s2 =	simm.s32 @!p0 $0x1C03  }
0xc5: {  	[timem:s3], [sflag:s2] =	dma.local @!p0 [hbm:s0], s1  }
0xc6: {  	s0 =	simm.s32 @!p0 $0x3  }
0xc7: {  	_ =	swait.ge @!p0 [sflag:s0], s1  }
0xc8: {  	s1 =	ssub.s32 @!p0 $0x0, s1;
	[sflag:s0] =	ssyncset.done @!p0 $0x0  }
0xc9: {  	[sflag:s0] =	ssyncadd.s32 @!p0 s1  }
0xca: {  	[bflag:$0x3] =	sbarrier.arrive $0xFFFF  }
0xcb: {  	_ =	shalt  }

</sc_bundles>
